<compile_context>
chip_gen: v7x
topology: tpu7x:2x2x1
jax: 0.10.2.dev20260603
libtpu: 0.0.44.dev20260713+nightly
codegen_flags: <defaults>
</compile_context>

<pallas_src>
import functools

import jax
import jax.numpy as jnp
from jax import lax
from jax.experimental import pallas as pl
from jax.experimental.pallas import tpu as pltpu
from jax.experimental.pallas import tpu_sc as plsc

N_NODES = 10000
NUM_CORES = 2
NUM_SUBCORES = 16
NUM_TILES = NUM_CORES * NUM_SUBCORES
CHUNK = 128
ROWS_PER_TILE = 640
H_PAD = ROWS_PER_TILE * NUM_SUBCORES
BLK = 1024
_LN_EPS = 1e-5



NBUF = 2


def _sc_degree(srcs, ones128, zeros128):
    cpt = srcs.shape[1]
    mesh = plsc.VectorSubcoreMesh(core_axis_name="c", subcore_axis_name="s")

    @functools.partial(
        pl.kernel,
        out_type=jax.ShapeDtypeStruct((NUM_CORES, H_PAD, 128), jnp.float32),
        mesh=mesh,
        scratch_types=[
            pltpu.VMEM((CHUNK,), jnp.int32),
            pltpu.VMEM((CHUNK,), jnp.int32),
            pltpu.VMEM((CHUNK, 128), jnp.float32),
            pltpu.SemaphoreType.DMA,
            pltpu.SemaphoreType.DMA,
            pltpu.VMEM_SHARED((H_PAD, 128), jnp.float32),
        ],
    )
    def deg_kernel(src_hbm, ones_hbm, z_hbm, out_hbm,
                   sbuf0, sbuf1, ones_v, sem0, sem1, acc):
        cid = lax.axis_index("c")
        sid = lax.axis_index("s")
        wid = sid * NUM_CORES + cid
        pltpu.sync_copy(ones_hbm, ones_v)
        for k in range(ROWS_PER_TILE // CHUNK):
            pltpu.sync_copy(
                z_hbm, acc.at[pl.ds(sid * ROWS_PER_TILE + k * CHUNK, CHUNK)])
        plsc.subcore_barrier()

        @pl.loop(0, cpt, step=2)
        def _(j):
            pltpu.sync_copy(src_hbm.at[wid, j], sbuf0)
            s0 = pltpu.async_copy(ones_v, acc.at[sbuf0], sem0, add=True)
            pltpu.sync_copy(src_hbm.at[wid, j + 1], sbuf1)
            s1 = pltpu.async_copy(ones_v, acc.at[sbuf1], sem1, add=True)
            s0.wait()
            s1.wait()

        plsc.subcore_barrier()
        pltpu.sync_copy(
            acc.at[pl.ds(sid * ROWS_PER_TILE, ROWS_PER_TILE)],
            out_hbm.at[cid, pl.ds(sid * ROWS_PER_TILE, ROWS_PER_TILE)])

    return deg_kernel(srcs, ones128, zeros128)


def _sc_scatter(u, srcs, dsts, zeros128):
    cpt = srcs.shape[1]
    mesh = plsc.VectorSubcoreMesh(core_axis_name="c", subcore_axis_name="s")

    scratch = ([pltpu.VMEM((CHUNK,), jnp.int32)] * 4
               + [pltpu.VMEM((CHUNK, 128), jnp.float32)] * 2
               + [pltpu.SemaphoreType.DMA] * 2
               + [pltpu.VMEM_SHARED((H_PAD, 128), jnp.float32)])

    @functools.partial(
        pl.kernel,
        out_type=jax.ShapeDtypeStruct((NUM_CORES, H_PAD, 128), jnp.float32),
        mesh=mesh,
        scratch_types=scratch,
    )
    def scat_kernel(u_hbm, src_hbm, dst_hbm, z_hbm, out_hbm,
                    sbuf0, dbuf0, sbuf1, dbuf1, rows0, rows1,
                    gsem0, gsem1, acc):
        cid = lax.axis_index("c")
        sid = lax.axis_index("s")
        wid = sid * NUM_CORES + cid
        pltpu.sync_copy(z_hbm, rows0)
        for k in range(ROWS_PER_TILE // CHUNK):
            pltpu.sync_copy(
                rows0, acc.at[pl.ds(sid * ROWS_PER_TILE + k * CHUNK, CHUNK)])
        plsc.subcore_barrier()

        @pl.loop(0, cpt, step=2)
        def _(j):
            pltpu.sync_copy(src_hbm.at[wid, j], sbuf0)
            pltpu.sync_copy(dst_hbm.at[wid, j], dbuf0)
            g0 = pltpu.async_copy(u_hbm.at[sbuf0], rows0, gsem0)
            pltpu.sync_copy(src_hbm.at[wid, j + 1], sbuf1)
            pltpu.sync_copy(dst_hbm.at[wid, j + 1], dbuf1)
            g0.wait()
            g1 = pltpu.async_copy(u_hbm.at[sbuf1], rows1, gsem1)
            pltpu.sync_copy(rows0, acc.at[dbuf0], add=True)
            g1.wait()
            pltpu.sync_copy(rows1, acc.at[dbuf1], add=True)

        plsc.subcore_barrier()
        pltpu.sync_copy(
            acc.at[pl.ds(sid * ROWS_PER_TILE, ROWS_PER_TILE)],
            out_hbm.at[cid, pl.ds(sid * ROWS_PER_TILE, ROWS_PER_TILE)])

    return scat_kernel(u, srcs, dsts, zeros128)



def _tc_prep(deg_p, x_pad):
    def body(dp_ref, x_ref, dis_ref, u_ref):
        deg = dp_ref[0, :, 0:1] + dp_ref[1, :, 0:1]
        dis = jnp.where(deg > 0, lax.rsqrt(deg), 0.0)
        dis_ref[...] = dis
        u_ref[...] = dis * x_ref[...]

    return pl.pallas_call(
        body,
        grid=(H_PAD // BLK,),
        in_specs=[pl.BlockSpec((2, BLK, 128), lambda i: (0, i, 0)),
                  pl.BlockSpec((BLK, 128), lambda i: (i, 0))],
        out_specs=[pl.BlockSpec((BLK, 1), lambda i: (i, 0)),
                   pl.BlockSpec((BLK, 128), lambda i: (i, 0))],
        out_shape=[jax.ShapeDtypeStruct((H_PAD, 1), jnp.float32),
                   jax.ShapeDtypeStruct((H_PAD, 128), jnp.float32)],
    )(deg_p, x_pad)


def _tc_matmul(h, w, b=None, dis=None):
    din, dout = w.shape
    n_in = 2 + (b is not None) + (dis is not None)

    def body(*refs):
        h_ref, w_ref = refs[0], refs[1]
        rest = list(refs[2:-1])
        o_ref = refs[-1]
        m = jnp.dot(h_ref[...], w_ref[...], preferred_element_type=jnp.float32,
                    precision=lax.Precision.HIGHEST)
        if b is not None:
            m = m + rest.pop(0)[...]
        if dis is not None:
            m = rest.pop(0)[...] * m
        o_ref[...] = m

    in_specs = [pl.BlockSpec((BLK, din), lambda i: (i, 0)),
                pl.BlockSpec((din, dout), lambda i: (0, 0))]
    args = [h, w]
    if b is not None:
        in_specs.append(pl.BlockSpec((1, dout), lambda i: (0, 0)))
        args.append(b.reshape(1, dout))
    if dis is not None:
        in_specs.append(pl.BlockSpec((BLK, 1), lambda i: (i, 0)))
        args.append(dis)
    del n_in
    return pl.pallas_call(
        body,
        grid=(H_PAD // BLK,),
        in_specs=in_specs,
        out_specs=pl.BlockSpec((BLK, dout), lambda i: (i, 0)),
        out_shape=jax.ShapeDtypeStruct((H_PAD, dout), jnp.float32),
    )(*args)


def _tc_combine(m, parts, dis, wb, ln_g, ln_b, do_ln, split_u):
    dout = m.shape[1]
    nparts = len(parts)

    def body(*refs):
        i = 0
        m_ref = refs[i]; i += 1
        p_refs = refs[i:i + nparts]; i += nparts
        dis_ref = refs[i]; i += 1
        wb_refs = refs[i:i + (nparts if wb is not None else 0)]
        i += len(wb_refs)
        if do_ln:
            lg_ref = refs[i]; i += 1
            lb_ref = refs[i]; i += 1
        h_ref = refs[i]; i += 1
        u_refs = refs[i:]

        dis_v = dis_ref[...]
        p = m_ref[...]
        for k in range(nparts):
            g = -dis_v * (p_refs[k][0] + p_refs[k][1])
            if wb is not None:
                p = p + jnp.dot(g, wb_refs[k][...],
                                preferred_element_type=jnp.float32,
                                precision=lax.Precision.HIGHEST)
            else:
                p = p + g
        if do_ln:
            mu = jnp.mean(p, axis=-1, keepdims=True)
            d = p - mu
            var = jnp.mean(d * d, axis=-1, keepdims=True)
            p = d * lax.rsqrt(var + _LN_EPS) * lg_ref[...] + lb_ref[...]
        pos = p > 0
        h = jnp.where(pos, p, jnp.exp(jnp.where(pos, 0.0, p)) - 1.0)
        h_ref[...] = h
        if split_u:
            u = dis_v * h
            u_refs[0][...] = u[:, :128]
            u_refs[1][...] = u[:, 128:]

    in_specs = [pl.BlockSpec((BLK, dout), lambda i: (i, 0))]
    args = [m]
    for pt in parts:
        in_specs.append(pl.BlockSpec((2, BLK, 128), lambda i: (0, i, 0)))
        args.append(pt)
    in_specs.append(pl.BlockSpec((BLK, 1), lambda i: (i, 0)))
    args.append(dis)
    if wb is not None:
        for k in range(nparts):
            in_specs.append(pl.BlockSpec((128, dout), lambda i: (0, 0)))
            args.append(wb[k * 128:(k + 1) * 128])
    if do_ln:
        in_specs.append(pl.BlockSpec((1, dout), lambda i: (0, 0)))
        args.append(ln_g.reshape(1, dout))
        in_specs.append(pl.BlockSpec((1, dout), lambda i: (0, 0)))
        args.append(ln_b.reshape(1, dout))

    out_specs = [pl.BlockSpec((BLK, dout), lambda i: (i, 0))]
    out_shape = [jax.ShapeDtypeStruct((H_PAD, dout), jnp.float32)]
    if split_u:
        for _ in range(2):
            out_specs.append(pl.BlockSpec((BLK, 128), lambda i: (i, 0)))
            out_shape.append(jax.ShapeDtypeStruct((H_PAD, 128), jnp.float32))

    out = pl.pallas_call(
        body,
        grid=(H_PAD // BLK,),
        in_specs=in_specs,
        out_specs=out_specs,
        out_shape=out_shape,
    )(*args)
    return out if split_u else (out[0],)



def kernel(x, edge_index, params):
    x = x.astype(jnp.float32)
    src = edge_index[0].astype(jnp.int32)
    dst = edge_index[1].astype(jnp.int32)
    e = src.shape[0]
    cpt = -(-e // (NUM_TILES * CHUNK))
    cpt = -(-cpt // 2) * 2
    e_pad = NUM_TILES * CHUNK * cpt
    pad = e_pad - e
    pad_idx = (jnp.arange(pad, dtype=jnp.int32) % (H_PAD - N_NODES)) + N_NODES
    srcs = jnp.concatenate([src, pad_idx]).reshape(NUM_TILES, cpt, CHUNK)
    dsts = jnp.concatenate([dst, pad_idx]).reshape(NUM_TILES, cpt, CHUNK)
    x_pad = jnp.pad(x, ((0, H_PAD - x.shape[0]), (0, 0)))

    zeros128 = jnp.zeros((CHUNK, 128), jnp.float32)
    ones128 = jnp.ones((CHUNK, 128), jnp.float32)

    deg_p = _sc_degree(srcs, ones128, zeros128)
    dis, u0 = _tc_prep(deg_p, x_pad)

    layers = params["layers"]
    lns = params["ln"]
    num_layers = len(layers)

    h = x_pad
    u_halves = [u0]
    for li in range(num_layers):
        p0, p1 = layers[li][0], layers[li][1]
        s0 = jax.nn.sigmoid(p0["sw"])[0]
        s1 = jax.nn.sigmoid(p1["sw"])[0]
        wa = (p0["Ws"][0] * s0 + p1["Ws"][0] * s1) * 0.5
        wb = p1["Ws"][1] * (s1 * 0.5)
        bb = (p0["b"] * s0 + p1["b"] * s1) * 0.5
        last = li == num_layers - 1

        m = _tc_matmul(h, wa, b=bb)
        if last:
            u3 = _tc_matmul(h, wb, dis=dis)
            parts = [_sc_scatter(u3, srcs, dsts, zeros128)]
            (h,) = _tc_combine(m, parts, dis, None, None, None,
                               do_ln=False, split_u=False)
        else:
            parts = [_sc_scatter(u, srcs, dsts, zeros128) for u in u_halves]
            res = _tc_combine(m, parts, dis, wb, lns[li]["g"], lns[li]["b"],
                              do_ln=True, split_u=(li < num_layers - 2))
            if li < num_layers - 2:
                h, ua, ub = res
                u_halves = [ua, ub]
            else:
                (h,) = res
    return h[:N_NODES]

# --- scband reference (transcript-rebuilt; emitter-appended) ---
"""Pipeline reference for scband-multiscale-gnn-76175539962272 (READ-ONLY COPY).

The authoritative reference and input builder live on the scoring server;
editing this copy changes nothing except your own understanding.
"""

import jax, jax.numpy as jnp
import numpy as np

N = 10000
E = 320000
IN_DIM = 128
HID = 256
OUT_DIM = 128
NUM_LAYERS = 4
SCALES = [1, 2]


def _init_params(key):
    dims = [(IN_DIM, HID)] + [(HID, HID)] * (NUM_LAYERS - 2) + [(HID, OUT_DIM)]
    layers = []
    for (din, dout) in dims:
        layer = []
        for scale in SCALES:
            Ws = []
            for _ in range(scale):
                key, sub = jax.random.split(key)
                Ws.append(jax.random.normal(sub, (din, dout), jnp.float32) * (1.0 / np.sqrt(din)))
            layer.append({"Ws": Ws, "b": jnp.zeros((dout,), jnp.float32), "sw": jnp.ones((1,), jnp.float32)})
        layers.append(layer)
    ln = [{"g": jnp.ones((HID,), jnp.float32), "b": jnp.zeros((HID,), jnp.float32)} for _ in range(NUM_LAYERS - 1)]
    return {"layers": layers, "ln": ln}


def setup_inputs(seed: int = 0):
    key = jax.random.key(seed)
    k1, k2, k3 = jax.random.split(key, 3)
    x = jax.random.normal(k1, (N, IN_DIM), jnp.float32)
    edge_index = jax.random.randint(k2, (2, E), 0, N, dtype=jnp.int32)
    params = _init_params(k3)
    return {"x": x, "edge_index": edge_index, "params": params}


def _cheb_conv(x, src, dst, Ws, b, n):
    # PyG ChebConv, normalization='sym', lambda_max=2.0:
    # scaled Laplacian L_hat = -D^{-1/2} A D^{-1/2} (diagonal cancels to 0 after the -1 self-loops)
    ew = jnp.ones((src.shape[0],), x.dtype)
    deg = jax.ops.segment_sum(ew, src, num_segments=n)
    dis = jnp.where(deg > 0, 1.0 / jnp.sqrt(deg), 0.0)
    norm = -dis[src] * ew * dis[dst]

    def lap(v):
        return jax.ops.segment_sum(norm[:, None] * v[src], dst, num_segments=n)

    out = x @ Ws[0]
    if len(Ws) > 1:
        tx0 = x
        tx1 = lap(x)
        out = out + tx1 @ Ws[1]
        for k in range(2, len(Ws)):
            tx2 = 2.0 * lap(tx1) - tx0
            out = out + tx2 @ Ws[k]
            tx0, tx1 = tx1, tx2
    return out + b


def _layer_norm(x, g, b, eps=1e-5):
    mu = jnp.mean(x, axis=-1, keepdims=True)
    var = jnp.mean((x - mu) ** 2, axis=-1, keepdims=True)
    return (x - mu) / jnp.sqrt(var + eps) * g + b


def _forward(x, src, dst, params):
    n = x.shape[0]
    h = x
    for li in range(NUM_LAYERS):
        outs = []
        for si in range(len(SCALES)):
            p = params["layers"][li][si]
            co = _cheb_conv(h, src, dst, p["Ws"], p["b"], n)
            outs.append(co * jax.nn.sigmoid(p["sw"]))
        h = jnp.stack(outs, axis=0).mean(axis=0)
        if li < NUM_LAYERS - 1:
            lnp = params["ln"][li]
            h = _layer_norm(h, lnp["g"], lnp["b"])
        h = jax.nn.elu(h)
        # dropout is identity in eval mode
    return h


def reference(x, edge_index, params):
    src = edge_index[0]
    dst = edge_index[1]
    return _forward(x, src, dst, params)

if __name__ == "__main__":
    import jax
    _d = setup_inputs()
    print(jax.jit(kernel)(*tuple(_d.values())))

</pallas_src>

<mosaic_0001>
#map = affine_map<(d0, d1) -> (0, 0)>
#map1 = affine_map<(d0, d1) -> (0, 0, 0)>
module attributes {stable_mosaic.version = 14 : i64} {
  func.func @scat_kernel(%arg0: i32, %arg1: i32, %arg2: memref<10240x128xf32, #tpu.memory_space<hbm>>, %arg3: memref<32x80x128xi32, #tpu.memory_space<hbm>>, %arg4: memref<32x80x128xi32, #tpu.memory_space<hbm>>, %arg5: memref<128x128xf32, #tpu.memory_space<hbm>>, %arg6: memref<2x10240x128xf32, #tpu.memory_space<hbm>>, %arg7: memref<128xi32, #tpu.memory_space<vmem>>, %arg8: memref<128xi32, #tpu.memory_space<vmem>>, %arg9: memref<128xi32, #tpu.memory_space<vmem>>, %arg10: memref<128xi32, #tpu.memory_space<vmem>>, %arg11: memref<128x128xf32, #tpu.memory_space<vmem>>, %arg12: memref<128x128xf32, #tpu.memory_space<vmem>>, %arg13: memref<!tpu.dma_semaphore, #tpu.memory_space<semaphore_mem>>, %arg14: memref<!tpu.dma_semaphore, #tpu.memory_space<semaphore_mem>>, %arg15: memref<10240x128xf32, #tpu.memory_space<vmem_shared>>) attributes {dimension_semantics = [#tpu.dimension_semantics<core_parallel>, #tpu.dimension_semantics<subcore_parallel>], iteration_bounds = array<i64: 2, 16>, scalar_prefetch = 0 : i64, scratch_operands = 9 : i64, tpu.core_type = #tpu.core_type<sc_vector_subcore>, window_params = [{transform_indices = #map}, {transform_indices = #map1}, {transform_indices = #map1}, {transform_indices = #map}, {transform_indices = #map1}]} {
    %mul3A = arith.constant 2 : i32
    %mul3A_0 = arith.muli %arg1, %mul3A : i32
    %add3A = arith.addi %mul3A_0, %arg0 : i32
    "tpu.region"() ({
      %run_scoped3A = tpu.sem_alloc : memref<!tpu.dma_semaphore, #tpu.memory_space<semaphore_mem>>
      tpu.enqueue_dma source(%arg5 : memref<128x128xf32, #tpu.memory_space<hbm>>) target(%arg11 : memref<128x128xf32, #tpu.memory_space<vmem>>) target_semaphore(%run_scoped3A : memref<!tpu.dma_semaphore, #tpu.memory_space<semaphore_mem>>)
      tpu.wait_dma2 semaphore(%run_scoped3A : memref<!tpu.dma_semaphore, #tpu.memory_space<semaphore_mem>>) src(%arg5 : memref<128x128xf32, #tpu.memory_space<hbm>>) dst(%arg11 : memref<128x128xf32, #tpu.memory_space<vmem>>)
      tpu.yield
    }) : () -> ()
    %mul3A_1 = arith.constant 640 : i32
    %mul3A_2 = arith.muli %arg1, %mul3A_1 : i32
    %add3A_3 = arith.constant 0 : i32
    %add3A_4 = arith.addi %mul3A_2, %add3A_3 : i32
    "tpu.region"() ({
      %run_scoped3A = tpu.sem_alloc : memref<!tpu.dma_semaphore, #tpu.memory_space<semaphore_mem>>
      %dma_start3A = arith.constant 0 : i32
      %dma_start3A_30 = tpu.memref_slice %arg15[%add3A_4, %dma_start3A] : memref<10240x128xf32, #tpu.memory_space<vmem_shared>> -> memref<128x128xf32, #tpu.memory_space<vmem_shared>>
      %dma_start3A_31 = arith.constant 0 : i32
      %dma_start3A_32 = tpu.memref_slice %arg15[%add3A_4, %dma_start3A_31] : memref<10240x128xf32, #tpu.memory_space<vmem_shared>> -> memref<128x128xf32, #tpu.memory_space<vmem_shared>>
      tpu.enqueue_dma source(%arg11 : memref<128x128xf32, #tpu.memory_space<vmem>>) target(%dma_start3A_32 : memref<128x128xf32, #tpu.memory_space<vmem_shared>>) target_semaphore(%run_scoped3A : memref<!tpu.dma_semaphore, #tpu.memory_space<semaphore_mem>>)
      %dma_wait3A = arith.constant 0 : i32
      %dma_wait3A_33 = tpu.memref_slice %arg15[%add3A_4, %dma_wait3A] : memref<10240x128xf32, #tpu.memory_space<vmem_shared>> -> memref<128x128xf32, #tpu.memory_space<vmem_shared>>
      %dma_wait3A_34 = arith.constant 0 : i32
      %dma_wait3A_35 = tpu.memref_slice %arg15[%add3A_4, %dma_wait3A_34] : memref<10240x128xf32, #tpu.memory_space<vmem_shared>> -> memref<128x128xf32, #tpu.memory_space<vmem_shared>>
      tpu.wait_dma2 semaphore(%run_scoped3A : memref<!tpu.dma_semaphore, #tpu.memory_space<semaphore_mem>>) src(%arg11 : memref<128x128xf32, #tpu.memory_space<vmem>>) dst(%dma_wait3A_35 : memref<128x128xf32, #tpu.memory_space<vmem_shared>>)
      tpu.yield
    }) : () -> ()
    %mul3A_5 = arith.constant 640 : i32
    %mul3A_6 = arith.muli %arg1, %mul3A_5 : i32
    %add3A_7 = arith.constant 128 : i32
    %add3A_8 = arith.addi %mul3A_6, %add3A_7 : i32
    "tpu.region"() ({
      %run_scoped3A = tpu.sem_alloc : memref<!tpu.dma_semaphore, #tpu.memory_space<semaphore_mem>>
      %dma_start3A = arith.constant 0 : i32
      %dma_start3A_30 = tpu.memref_slice %arg15[%add3A_8, %dma_start3A] : memref<10240x128xf32, #tpu.memory_space<vmem_shared>> -> memref<128x128xf32, #tpu.memory_space<vmem_shared>>
      %dma_start3A_31 = arith.constant 0 : i32
      %dma_start3A_32 = tpu.memref_slice %arg15[%add3A_8, %dma_start3A_31] : memref<10240x128xf32, #tpu.memory_space<vmem_shared>> -> memref<128x128xf32, #tpu.memory_space<vmem_shared>>
      tpu.enqueue_dma source(%arg11 : memref<128x128xf32, #tpu.memory_space<vmem>>) target(%dma_start3A_32 : memref<128x128xf32, #tpu.memory_space<vmem_shared>>) target_semaphore(%run_scoped3A : memref<!tpu.dma_semaphore, #tpu.memory_space<semaphore_mem>>)
      %dma_wait3A = arith.constant 0 : i32
      %dma_wait3A_33 = tpu.memref_slice %arg15[%add3A_8, %dma_wait3A] : memref<10240x128xf32, #tpu.memory_space<vmem_shared>> -> memref<128x128xf32, #tpu.memory_space<vmem_shared>>
      %dma_wait3A_34 = arith.constant 0 : i32
      %dma_wait3A_35 = tpu.memref_slice %arg15[%add3A_8, %dma_wait3A_34] : memref<10240x128xf32, #tpu.memory_space<vmem_shared>> -> memref<128x128xf32, #tpu.memory_space<vmem_shared>>
      tpu.wait_dma2 semaphore(%run_scoped3A : memref<!tpu.dma_semaphore, #tpu.memory_space<semaphore_mem>>) src(%arg11 : memref<128x128xf32, #tpu.memory_space<vmem>>) dst(%dma_wait3A_35 : memref<128x128xf32, #tpu.memory_space<vmem_shared>>)
      tpu.yield
    }) : () -> ()
    %mul3A_9 = arith.constant 640 : i32
    %mul3A_10 = arith.muli %arg1, %mul3A_9 : i32
    %add3A_11 = arith.constant 256 : i32
    %add3A_12 = arith.addi %mul3A_10, %add3A_11 : i32
    "tpu.region"() ({
      %run_scoped3A = tpu.sem_alloc : memref<!tpu.dma_semaphore, #tpu.memory_space<semaphore_mem>>
      %dma_start3A = arith.constant 0 : i32
      %dma_start3A_30 = tpu.memref_slice %arg15[%add3A_12, %dma_start3A] : memref<10240x128xf32, #tpu.memory_space<vmem_shared>> -> memref<128x128xf32, #tpu.memory_space<vmem_shared>>
      %dma_start3A_31 = arith.constant 0 : i32
      %dma_start3A_32 = tpu.memref_slice %arg15[%add3A_12, %dma_start3A_31] : memref<10240x128xf32, #tpu.memory_space<vmem_shared>> -> memref<128x128xf32, #tpu.memory_space<vmem_shared>>
      tpu.enqueue_dma source(%arg11 : memref<128x128xf32, #tpu.memory_space<vmem>>) target(%dma_start3A_32 : memref<128x128xf32, #tpu.memory_space<vmem_shared>>) target_semaphore(%run_scoped3A : memref<!tpu.dma_semaphore, #tpu.memory_space<semaphore_mem>>)
      %dma_wait3A = arith.constant 0 : i32
      %dma_wait3A_33 = tpu.memref_slice %arg15[%add3A_12, %dma_wait3A] : memref<10240x128xf32, #tpu.memory_space<vmem_shared>> -> memref<128x128xf32, #tpu.memory_space<vmem_shared>>
      %dma_wait3A_34 = arith.constant 0 : i32
      %dma_wait3A_35 = tpu.memref_slice %arg15[%add3A_12, %dma_wait3A_34] : memref<10240x128xf32, #tpu.memory_space<vmem_shared>> -> memref<128x128xf32, #tpu.memory_space<vmem_shared>>
      tpu.wait_dma2 semaphore(%run_scoped3A : memref<!tpu.dma_semaphore, #tpu.memory_space<semaphore_mem>>) src(%arg11 : memref<128x128xf32, #tpu.memory_space<vmem>>) dst(%dma_wait3A_35 : memref<128x128xf32, #tpu.memory_space<vmem_shared>>)
      tpu.yield
    }) : () -> ()
    %mul3A_13 = arith.constant 640 : i32
    %mul3A_14 = arith.muli %arg1, %mul3A_13 : i32
    %add3A_15 = arith.constant 384 : i32
    %add3A_16 = arith.addi %mul3A_14, %add3A_15 : i32
    "tpu.region"() ({
      %run_scoped3A = tpu.sem_alloc : memref<!tpu.dma_semaphore, #tpu.memory_space<semaphore_mem>>
      %dma_start3A = arith.constant 0 : i32
      %dma_start3A_30 = tpu.memref_slice %arg15[%add3A_16, %dma_start3A] : memref<10240x128xf32, #tpu.memory_space<vmem_shared>> -> memref<128x128xf32, #tpu.memory_space<vmem_shared>>
      %dma_start3A_31 = arith.constant 0 : i32
      %dma_start3A_32 = tpu.memref_slice %arg15[%add3A_16, %dma_start3A_31] : memref<10240x128xf32, #tpu.memory_space<vmem_shared>> -> memref<128x128xf32, #tpu.memory_space<vmem_shared>>
      tpu.enqueue_dma source(%arg11 : memref<128x128xf32, #tpu.memory_space<vmem>>) target(%dma_start3A_32 : memref<128x128xf32, #tpu.memory_space<vmem_shared>>) target_semaphore(%run_scoped3A : memref<!tpu.dma_semaphore, #tpu.memory_space<semaphore_mem>>)
      %dma_wait3A = arith.constant 0 : i32
      %dma_wait3A_33 = tpu.memref_slice %arg15[%add3A_16, %dma_wait3A] : memref<10240x128xf32, #tpu.memory_space<vmem_shared>> -> memref<128x128xf32, #tpu.memory_space<vmem_shared>>
      %dma_wait3A_34 = arith.constant 0 : i32
      %dma_wait3A_35 = tpu.memref_slice %arg15[%add3A_16, %dma_wait3A_34] : memref<10240x128xf32, #tpu.memory_space<vmem_shared>> -> memref<128x128xf32, #tpu.memory_space<vmem_shared>>
      tpu.wait_dma2 semaphore(%run_scoped3A : memref<!tpu.dma_semaphore, #tpu.memory_space<semaphore_mem>>) src(%arg11 : memref<128x128xf32, #tpu.memory_space<vmem>>) dst(%dma_wait3A_35 : memref<128x128xf32, #tpu.memory_space<vmem_shared>>)
      tpu.yield
    }) : () -> ()
    %mul3A_17 = arith.constant 640 : i32
    %mul3A_18 = arith.muli %arg1, %mul3A_17 : i32
    %add3A_19 = arith.constant 512 : i32
    %add3A_20 = arith.addi %mul3A_18, %add3A_19 : i32
    "tpu.region"() ({
      %run_scoped3A = tpu.sem_alloc : memref<!tpu.dma_semaphore, #tpu.memory_space<semaphore_mem>>
      %dma_start3A = arith.constant 0 : i32
      %dma_start3A_30 = tpu.memref_slice %arg15[%add3A_20, %dma_start3A] : memref<10240x128xf32, #tpu.memory_space<vmem_shared>> -> memref<128x128xf32, #tpu.memory_space<vmem_shared>>
      %dma_start3A_31 = arith.constant 0 : i32
      %dma_start3A_32 = tpu.memref_slice %arg15[%add3A_20, %dma_start3A_31] : memref<10240x128xf32, #tpu.memory_space<vmem_shared>> -> memref<128x128xf32, #tpu.memory_space<vmem_shared>>
      tpu.enqueue_dma source(%arg11 : memref<128x128xf32, #tpu.memory_space<vmem>>) target(%dma_start3A_32 : memref<128x128xf32, #tpu.memory_space<vmem_shared>>) target_semaphore(%run_scoped3A : memref<!tpu.dma_semaphore, #tpu.memory_space<semaphore_mem>>)
      %dma_wait3A = arith.constant 0 : i32
      %dma_wait3A_33 = tpu.memref_slice %arg15[%add3A_20, %dma_wait3A] : memref<10240x128xf32, #tpu.memory_space<vmem_shared>> -> memref<128x128xf32, #tpu.memory_space<vmem_shared>>
      %dma_wait3A_34 = arith.constant 0 : i32
      %dma_wait3A_35 = tpu.memref_slice %arg15[%add3A_20, %dma_wait3A_34] : memref<10240x128xf32, #tpu.memory_space<vmem_shared>> -> memref<128x128xf32, #tpu.memory_space<vmem_shared>>
      tpu.wait_dma2 semaphore(%run_scoped3A : memref<!tpu.dma_semaphore, #tpu.memory_space<semaphore_mem>>) src(%arg11 : memref<128x128xf32, #tpu.memory_space<vmem>>) dst(%dma_wait3A_35 : memref<128x128xf32, #tpu.memory_space<vmem_shared>>)
      tpu.yield
    }) : () -> ()
    %barrier3A = arith.constant 0 : index
    tpu.barrier barrier_id(%barrier3A)
    %scan3A = arith.constant 0 : i32
    %scan3A_21 = arith.constant 40 : i32
    %scan3A_22 = arith.addi %scan3A, %scan3A_21 : i32
    %scan3A_23 = arith.constant 1 : i32
    scf.for %scan3A_30 = %scan3A to %scan3A_22 step %scan3A_23  : i32 {
      %mul3A_31 = arith.constant 2 : i32
      %mul3A_32 = arith.muli %scan3A_30, %mul3A_31 : i32
      %add3A_33 = arith.constant 0 : i32
      %add3A_34 = arith.addi %add3A_33, %mul3A_32 : i32
      "tpu.region"() ({
        %run_scoped3A = tpu.sem_alloc : memref<!tpu.dma_semaphore, #tpu.memory_space<semaphore_mem>>
        %dma_start3A_49 = arith.constant 0 : i32
        %dma_start3A_50 = tpu.memref_slice %arg3[%add3A, %add3A_34, %dma_start3A_49] : memref<32x80x128xi32, #tpu.memory_space<hbm>> -> memref<1x1x128xi32, #tpu.memory_space<hbm>>
        %dma_start3A_51 = tpu.memref_squeeze %dma_start3A_50 : memref<1x1x128xi32, #tpu.memory_space<hbm>> -> memref<128xi32, #tpu.memory_space<hbm>>
        %dma_start3A_52 = arith.constant 0 : i32
        %dma_start3A_53 = tpu.memref_slice %arg3[%add3A, %add3A_34, %dma_start3A_52] : memref<32x80x128xi32, #tpu.memory_space<hbm>> -> memref<1x1x128xi32, #tpu.memory_space<hbm>>
        %dma_start3A_54 = tpu.memref_squeeze %dma_start3A_53 : memref<1x1x128xi32, #tpu.memory_space<hbm>> -> memref<128xi32, #tpu.memory_space<hbm>>
        tpu.enqueue_dma source(%dma_start3A_54 : memref<128xi32, #tpu.memory_space<hbm>>) target(%arg7 : memref<128xi32, #tpu.memory_space<vmem>>) target_semaphore(%run_scoped3A : memref<!tpu.dma_semaphore, #tpu.memory_space<semaphore_mem>>)
        %dma_wait3A_55 = arith.constant 0 : i32
        %dma_wait3A_56 = tpu.memref_slice %arg3[%add3A, %add3A_34, %dma_wait3A_55] : memref<32x80x128xi32, #tpu.memory_space<hbm>> -> memref<1x1x128xi32, #tpu.memory_space<hbm>>
        %dma_wait3A_57 = tpu.memref_squeeze %dma_wait3A_56 : memref<1x1x128xi32, #tpu.memory_space<hbm>> -> memref<128xi32, #tpu.memory_space<hbm>>
        %dma_wait3A_58 = arith.constant 0 : i32
        %dma_wait3A_59 = tpu.memref_slice %arg3[%add3A, %add3A_34, %dma_wait3A_58] : memref<32x80x128xi32, #tpu.memory_space<hbm>> -> memref<1x1x128xi32, #tpu.memory_space<hbm>>
        %dma_wait3A_60 = tpu.memref_squeeze %dma_wait3A_59 : memref<1x1x128xi32, #tpu.memory_space<hbm>> -> memref<128xi32, #tpu.memory_space<hbm>>
        tpu.wait_dma2 semaphore(%run_scoped3A : memref<!tpu.dma_semaphore, #tpu.memory_space<semaphore_mem>>) src(%dma_wait3A_60 : memref<128xi32, #tpu.memory_space<hbm>>) dst(%arg7 : memref<128xi32, #tpu.memory_space<vmem>>)
        tpu.yield
      }) : () -> ()
      "tpu.region"() ({
        %run_scoped3A = tpu.sem_alloc : memref<!tpu.dma_semaphore, #tpu.memory_space<semaphore_mem>>
        %dma_start3A_49 = arith.constant 0 : i32
        %dma_start3A_50 = tpu.memref_slice %arg4[%add3A, %add3A_34, %dma_start3A_49] : memref<32x80x128xi32, #tpu.memory_space<hbm>> -> memref<1x1x128xi32, #tpu.memory_space<hbm>>
        %dma_start3A_51 = tpu.memref_squeeze %dma_start3A_50 : memref<1x1x128xi32, #tpu.memory_space<hbm>> -> memref<128xi32, #tpu.memory_space<hbm>>
        %dma_start3A_52 = arith.constant 0 : i32
        %dma_start3A_53 = tpu.memref_slice %arg4[%add3A, %add3A_34, %dma_start3A_52] : memref<32x80x128xi32, #tpu.memory_space<hbm>> -> memref<1x1x128xi32, #tpu.memory_space<hbm>>
        %dma_start3A_54 = tpu.memref_squeeze %dma_start3A_53 : memref<1x1x128xi32, #tpu.memory_space<hbm>> -> memref<128xi32, #tpu.memory_space<hbm>>
        tpu.enqueue_dma source(%dma_start3A_54 : memref<128xi32, #tpu.memory_space<hbm>>) target(%arg8 : memref<128xi32, #tpu.memory_space<vmem>>) target_semaphore(%run_scoped3A : memref<!tpu.dma_semaphore, #tpu.memory_space<semaphore_mem>>)
        %dma_wait3A_55 = arith.constant 0 : i32
        %dma_wait3A_56 = tpu.memref_slice %arg4[%add3A, %add3A_34, %dma_wait3A_55] : memref<32x80x128xi32, #tpu.memory_space<hbm>> -> memref<1x1x128xi32, #tpu.memory_space<hbm>>
        %dma_wait3A_57 = tpu.memref_squeeze %dma_wait3A_56 : memref<1x1x128xi32, #tpu.memory_space<hbm>> -> memref<128xi32, #tpu.memory_space<hbm>>
        %dma_wait3A_58 = arith.constant 0 : i32
        %dma_wait3A_59 = tpu.memref_slice %arg4[%add3A, %add3A_34, %dma_wait3A_58] : memref<32x80x128xi32, #tpu.memory_space<hbm>> -> memref<1x1x128xi32, #tpu.memory_space<hbm>>
        %dma_wait3A_60 = tpu.memref_squeeze %dma_wait3A_59 : memref<1x1x128xi32, #tpu.memory_space<hbm>> -> memref<128xi32, #tpu.memory_space<hbm>>
        tpu.wait_dma2 semaphore(%run_scoped3A : memref<!tpu.dma_semaphore, #tpu.memory_space<semaphore_mem>>) src(%dma_wait3A_60 : memref<128xi32, #tpu.memory_space<hbm>>) dst(%arg8 : memref<128xi32, #tpu.memory_space<vmem>>)
        tpu.yield
      }) : () -> ()
      %dma_start3A = arith.constant 0 : i32
      %dma_start3A_35 = arith.constant 0 : i32
      %dma_start3A_36 = tpu.memref_slice %arg2[%dma_start3A, %dma_start3A_35] : memref<10240x128xf32, #tpu.memory_space<hbm>> -> memref<10240x128xf32, #tpu.memory_space<hbm>>
      tpu.enqueue_indirect_dma source(%dma_start3A_36 : memref<10240x128xf32, #tpu.memory_space<hbm>>) target(%arg11 : memref<128x128xf32, #tpu.memory_space<vmem>>) offsets(%arg7 : memref<128xi32, #tpu.memory_space<vmem>>) semaphore(%arg13 : memref<!tpu.dma_semaphore, #tpu.memory_space<semaphore_mem>>)
      %add3A_37 = arith.constant 1 : i32
      %add3A_38 = arith.addi %add3A_34, %add3A_37 : i32
      "tpu.region"() ({
        %run_scoped3A = tpu.sem_alloc : memref<!tpu.dma_semaphore, #tpu.memory_space<semaphore_mem>>
        %dma_start3A_49 = arith.constant 0 : i32
        %dma_start3A_50 = tpu.memref_slice %arg3[%add3A, %add3A_38, %dma_start3A_49] : memref<32x80x128xi32, #tpu.memory_space<hbm>> -> memref<1x1x128xi32, #tpu.memory_space<hbm>>
        %dma_start3A_51 = tpu.memref_squeeze %dma_start3A_50 : memref<1x1x128xi32, #tpu.memory_space<hbm>> -> memref<128xi32, #tpu.memory_space<hbm>>
        %dma_start3A_52 = arith.constant 0 : i32
        %dma_start3A_53 = tpu.memref_slice %arg3[%add3A, %add3A_38, %dma_start3A_52] : memref<32x80x128xi32, #tpu.memory_space<hbm>> -> memref<1x1x128xi32, #tpu.memory_space<hbm>>
        %dma_start3A_54 = tpu.memref_squeeze %dma_start3A_53 : memref<1x1x128xi32, #tpu.memory_space<hbm>> -> memref<128xi32, #tpu.memory_space<hbm>>
        tpu.enqueue_dma source(%dma_start3A_54 : memref<128xi32, #tpu.memory_space<hbm>>) target(%arg9 : memref<128xi32, #tpu.memory_space<vmem>>) target_semaphore(%run_scoped3A : memref<!tpu.dma_semaphore, #tpu.memory_space<semaphore_mem>>)
        %dma_wait3A_55 = arith.constant 0 : i32
        %dma_wait3A_56 = tpu.memref_slice %arg3[%add3A, %add3A_38, %dma_wait3A_55] : memref<32x80x128xi32, #tpu.memory_space<hbm>> -> memref<1x1x128xi32, #tpu.memory_space<hbm>>
        %dma_wait3A_57 = tpu.memref_squeeze %dma_wait3A_56 : memref<1x1x128xi32, #tpu.memory_space<hbm>> -> memref<128xi32, #tpu.memory_space<hbm>>
        %dma_wait3A_58 = arith.constant 0 : i32
        %dma_wait3A_59 = tpu.memref_slice %arg3[%add3A, %add3A_38, %dma_wait3A_58] : memref<32x80x128xi32, #tpu.memory_space<hbm>> -> memref<1x1x128xi32, #tpu.memory_space<hbm>>
        %dma_wait3A_60 = tpu.memref_squeeze %dma_wait3A_59 : memref<1x1x128xi32, #tpu.memory_space<hbm>> -> memref<128xi32, #tpu.memory_space<hbm>>
        tpu.wait_dma2 semaphore(%run_scoped3A : memref<!tpu.dma_semaphore, #tpu.memory_space<semaphore_mem>>) src(%dma_wait3A_60 : memref<128xi32, #tpu.memory_space<hbm>>) dst(%arg9 : memref<128xi32, #tpu.memory_space<vmem>>)
        tpu.yield
      }) : () -> ()
      %add3A_39 = arith.constant 1 : i32
      %add3A_40 = arith.addi %add3A_34, %add3A_39 : i32
      "tpu.region"() ({
        %run_scoped3A = tpu.sem_alloc : memref<!tpu.dma_semaphore, #tpu.memory_space<semaphore_mem>>
        %dma_start3A_49 = arith.constant 0 : i32
        %dma_start3A_50 = tpu.memref_slice %arg4[%add3A, %add3A_40, %dma_start3A_49] : memref<32x80x128xi32, #tpu.memory_space<hbm>> -> memref<1x1x128xi32, #tpu.memory_space<hbm>>
        %dma_start3A_51 = tpu.memref_squeeze %dma_start3A_50 : memref<1x1x128xi32, #tpu.memory_space<hbm>> -> memref<128xi32, #tpu.memory_space<hbm>>
        %dma_start3A_52 = arith.constant 0 : i32
        %dma_start3A_53 = tpu.memref_slice %arg4[%add3A, %add3A_40, %dma_start3A_52] : memref<32x80x128xi32, #tpu.memory_space<hbm>> -> memref<1x1x128xi32, #tpu.memory_space<hbm>>
        %dma_start3A_54 = tpu.memref_squeeze %dma_start3A_53 : memref<1x1x128xi32, #tpu.memory_space<hbm>> -> memref<128xi32, #tpu.memory_space<hbm>>
        tpu.enqueue_dma source(%dma_start3A_54 : memref<128xi32, #tpu.memory_space<hbm>>) target(%arg10 : memref<128xi32, #tpu.memory_space<vmem>>) target_semaphore(%run_scoped3A : memref<!tpu.dma_semaphore, #tpu.memory_space<semaphore_mem>>)
        %dma_wait3A_55 = arith.constant 0 : i32
        %dma_wait3A_56 = tpu.memref_slice %arg4[%add3A, %add3A_40, %dma_wait3A_55] : memref<32x80x128xi32, #tpu.memory_space<hbm>> -> memref<1x1x128xi32, #tpu.memory_space<hbm>>
        %dma_wait3A_57 = tpu.memref_squeeze %dma_wait3A_56 : memref<1x1x128xi32, #tpu.memory_space<hbm>> -> memref<128xi32, #tpu.memory_space<hbm>>
        %dma_wait3A_58 = arith.constant 0 : i32
        %dma_wait3A_59 = tpu.memref_slice %arg4[%add3A, %add3A_40, %dma_wait3A_58] : memref<32x80x128xi32, #tpu.memory_space<hbm>> -> memref<1x1x128xi32, #tpu.memory_space<hbm>>
        %dma_wait3A_60 = tpu.memref_squeeze %dma_wait3A_59 : memref<1x1x128xi32, #tpu.memory_space<hbm>> -> memref<128xi32, #tpu.memory_space<hbm>>
        tpu.wait_dma2 semaphore(%run_scoped3A : memref<!tpu.dma_semaphore, #tpu.memory_space<semaphore_mem>>) src(%dma_wait3A_60 : memref<128xi32, #tpu.memory_space<hbm>>) dst(%arg10 : memref<128xi32, #tpu.memory_space<vmem>>)
        tpu.yield
      }) : () -> ()
      %dma_wait3A = arith.constant 0 : i32
      %dma_wait3A_41 = arith.constant 0 : i32
      %dma_wait3A_42 = tpu.memref_slice %arg2[%dma_wait3A, %dma_wait3A_41] : memref<10240x128xf32, #tpu.memory_space<hbm>> -> memref<10240x128xf32, #tpu.memory_space<hbm>>
      tpu.wait_indirect_dma semaphore(%arg13 : memref<!tpu.dma_semaphore, #tpu.memory_space<semaphore_mem>>) src(%dma_wait3A_42 : memref<10240x128xf32, #tpu.memory_space<hbm>>) dst(%arg11 : memref<128x128xf32, #tpu.memory_space<vmem>>)
      %dma_start3A_43 = arith.constant 0 : i32
      %dma_start3A_44 = arith.constant 0 : i32
      %dma_start3A_45 = tpu.memref_slice %arg2[%dma_start3A_43, %dma_start3A_44] : memref<10240x128xf32, #tpu.memory_space<hbm>> -> memref<10240x128xf32, #tpu.memory_space<hbm>>
      tpu.enqueue_indirect_dma source(%dma_start3A_45 : memref<10240x128xf32, #tpu.memory_space<hbm>>) target(%arg12 : memref<128x128xf32, #tpu.memory_space<vmem>>) offsets(%arg9 : memref<128xi32, #tpu.memory_space<vmem>>) semaphore(%arg14 : memref<!tpu.dma_semaphore, #tpu.memory_space<semaphore_mem>>)
      "tpu.region"() ({
        %run_scoped3A = tpu.sem_alloc : memref<!tpu.dma_semaphore, #tpu.memory_space<semaphore_mem>>
        %dma_start3A_49 = arith.constant 0 : i32
        %dma_start3A_50 = arith.constant 0 : i32
        %dma_start3A_51 = tpu.memref_slice %arg15[%dma_start3A_49, %dma_start3A_50] : memref<10240x128xf32, #tpu.memory_space<vmem_shared>> -> memref<10240x128xf32, #tpu.memory_space<vmem_shared>>
        tpu.enqueue_indirect_dma source(%arg11 : memref<128x128xf32, #tpu.memory_space<vmem>>) target(%dma_start3A_51 : memref<10240x128xf32, #tpu.memory_space<vmem_shared>>) offsets(%arg8 : memref<128xi32, #tpu.memory_space<vmem>>) semaphore(%run_scoped3A : memref<!tpu.dma_semaphore, #tpu.memory_space<semaphore_mem>>) {add = true}
        %dma_wait3A_52 = arith.constant 0 : i32
        %dma_wait3A_53 = arith.constant 0 : i32
        %dma_wait3A_54 = tpu.memref_slice %arg15[%dma_wait3A_52, %dma_wait3A_53] : memref<10240x128xf32, #tpu.memory_space<vmem_shared>> -> memref<10240x128xf32, #tpu.memory_space<vmem_shared>>
        tpu.wait_indirect_dma semaphore(%run_scoped3A : memref<!tpu.dma_semaphore, #tpu.memory_space<semaphore_mem>>) src(%arg11 : memref<128x128xf32, #tpu.memory_space<vmem>>) dst(%dma_wait3A_54 : memref<10240x128xf32, #tpu.memory_space<vmem_shared>>)
        tpu.yield
      }) : () -> ()
      %dma_wait3A_46 = arith.constant 0 : i32
      %dma_wait3A_47 = arith.constant 0 : i32
      %dma_wait3A_48 = tpu.memref_slice %arg2[%dma_wait3A_46, %dma_wait3A_47] : memref<10240x128xf32, #tpu.memory_space<hbm>> -> memref<10240x128xf32, #tpu.memory_space<hbm>>
      tpu.wait_indirect_dma semaphore(%arg14 : memref<!tpu.dma_semaphore, #tpu.memory_space<semaphore_mem>>) src(%dma_wait3A_48 : memref<10240x128xf32, #tpu.memory_space<hbm>>) dst(%arg12 : memref<128x128xf32, #tpu.memory_space<vmem>>)
      "tpu.region"() ({
        %run_scoped3A = tpu.sem_alloc : memref<!tpu.dma_semaphore, #tpu.memory_space<semaphore_mem>>
        %dma_start3A_49 = arith.constant 0 : i32
        %dma_start3A_50 = arith.constant 0 : i32
        %dma_start3A_51 = tpu.memref_slice %arg15[%dma_start3A_49, %dma_start3A_50] : memref<10240x128xf32, #tpu.memory_space<vmem_shared>> -> memref<10240x128xf32, #tpu.memory_space<vmem_shared>>
        tpu.enqueue_indirect_dma source(%arg12 : memref<128x128xf32, #tpu.memory_space<vmem>>) target(%dma_start3A_51 : memref<10240x128xf32, #tpu.memory_space<vmem_shared>>) offsets(%arg10 : memref<128xi32, #tpu.memory_space<vmem>>) semaphore(%run_scoped3A : memref<!tpu.dma_semaphore, #tpu.memory_space<semaphore_mem>>) {add = true}
        %dma_wait3A_52 = arith.constant 0 : i32
        %dma_wait3A_53 = arith.constant 0 : i32
        %dma_wait3A_54 = tpu.memref_slice %arg15[%dma_wait3A_52, %dma_wait3A_53] : memref<10240x128xf32, #tpu.memory_space<vmem_shared>> -> memref<10240x128xf32, #tpu.memory_space<vmem_shared>>
        tpu.wait_indirect_dma semaphore(%run_scoped3A : memref<!tpu.dma_semaphore, #tpu.memory_space<semaphore_mem>>) src(%arg12 : memref<128x128xf32, #tpu.memory_space<vmem>>) dst(%dma_wait3A_54 : memref<10240x128xf32, #tpu.memory_space<vmem_shared>>)
        tpu.yield
      }) : () -> ()
    }
    %scan3A_24 = arith.constant 40 : i32
    %barrier3A_25 = arith.constant 0 : index
    tpu.barrier barrier_id(%barrier3A_25)
    %mul3A_26 = arith.constant 640 : i32
    %mul3A_27 = arith.muli %arg1, %mul3A_26 : i32
    %mul3A_28 = arith.constant 640 : i32
    %mul3A_29 = arith.muli %arg1, %mul3A_28 : i32
    "tpu.region"() ({
      %run_scoped3A = tpu.sem_alloc : memref<!tpu.dma_semaphore, #tpu.memory_space<semaphore_mem>>
      %dma_start3A = arith.constant 0 : i32
      %dma_start3A_30 = tpu.memref_slice %arg6[%arg0, %mul3A_29, %dma_start3A] : memref<2x10240x128xf32, #tpu.memory_space<hbm>> -> memref<1x640x128xf32, #tpu.memory_space<hbm>>
      %dma_start3A_31 = tpu.memref_squeeze %dma_start3A_30 : memref<1x640x128xf32, #tpu.memory_space<hbm>> -> memref<640x128xf32, #tpu.memory_space<hbm>>
      %dma_start3A_32 = arith.constant 0 : i32
      %dma_start3A_33 = tpu.memref_slice %arg15[%mul3A_27, %dma_start3A_32] : memref<10240x128xf32, #tpu.memory_space<vmem_shared>> -> memref<640x128xf32, #tpu.memory_space<vmem_shared>>
      tpu.enqueue_dma source(%dma_start3A_33 : memref<640x128xf32, #tpu.memory_space<vmem_shared>>) target(%dma_start3A_31 : memref<640x128xf32, #tpu.memory_space<hbm>>) target_semaphore(%run_scoped3A : memref<!tpu.dma_semaphore, #tpu.memory_space<semaphore_mem>>)
      %dma_wait3A = arith.constant 0 : i32
      %dma_wait3A_34 = tpu.memref_slice %arg6[%arg0, %mul3A_29, %dma_wait3A] : memref<2x10240x128xf32, #tpu.memory_space<hbm>> -> memref<1x640x128xf32, #tpu.memory_space<hbm>>
      %dma_wait3A_35 = tpu.memref_squeeze %dma_wait3A_34 : memref<1x640x128xf32, #tpu.memory_space<hbm>> -> memref<640x128xf32, #tpu.memory_space<hbm>>
      %dma_wait3A_36 = arith.constant 0 : i32
      %dma_wait3A_37 = tpu.memref_slice %arg15[%mul3A_27, %dma_wait3A_36] : memref<10240x128xf32, #tpu.memory_space<vmem_shared>> -> memref<640x128xf32, #tpu.memory_space<vmem_shared>>
      tpu.wait_dma2 semaphore(%run_scoped3A : memref<!tpu.dma_semaphore, #tpu.memory_space<semaphore_mem>>) src(%dma_wait3A_37 : memref<640x128xf32, #tpu.memory_space<vmem_shared>>) dst(%dma_wait3A_35 : memref<640x128xf32, #tpu.memory_space<hbm>>)
      tpu.yield
    }) : () -> ()
    return
  }
}

#map = affine_map<(d0, d1) -> (0, 0, 0)>
#map1 = affine_map<(d0, d1) -> (0, 0)>
module attributes {stable_mosaic.version = 14 : i64} {
  func.func @deg_kernel(%arg0: i32, %arg1: i32, %arg2: memref<32x80x128xi32, #tpu.memory_space<hbm>>, %arg3: memref<128x128xf32, #tpu.memory_space<hbm>>, %arg4: memref<128x128xf32, #tpu.memory_space<hbm>>, %arg5: memref<2x10240x128xf32, #tpu.memory_space<hbm>>, %arg6: memref<128xi32, #tpu.memory_space<vmem>>, %arg7: memref<128xi32, #tpu.memory_space<vmem>>, %arg8: memref<128x128xf32, #tpu.memory_space<vmem>>, %arg9: memref<!tpu.dma_semaphore, #tpu.memory_space<semaphore_mem>>, %arg10: memref<!tpu.dma_semaphore, #tpu.memory_space<semaphore_mem>>, %arg11: memref<10240x128xf32, #tpu.memory_space<vmem_shared>>) attributes {dimension_semantics = [#tpu.dimension_semantics<core_parallel>, #tpu.dimension_semantics<subcore_parallel>], iteration_bounds = array<i64: 2, 16>, scalar_prefetch = 0 : i64, scratch_operands = 6 : i64, tpu.core_type = #tpu.core_type<sc_vector_subcore>, window_params = [{transform_indices = #map}, {transform_indices = #map1}, {transform_indices = #map1}, {transform_indices = #map}]} {
    %mul3A = arith.constant 2 : i32
    %mul3A_0 = arith.muli %arg1, %mul3A : i32
    %add3A = arith.addi %mul3A_0, %arg0 : i32
    "tpu.region"() ({
      %run_scoped3A = tpu.sem_alloc : memref<!tpu.dma_semaphore, #tpu.memory_space<semaphore_mem>>
      tpu.enqueue_dma source(%arg3 : memref<128x128xf32, #tpu.memory_space<hbm>>) target(%arg8 : memref<128x128xf32, #tpu.memory_space<vmem>>) target_semaphore(%run_scoped3A : memref<!tpu.dma_semaphore, #tpu.memory_space<semaphore_mem>>)
      tpu.wait_dma2 semaphore(%run_scoped3A : memref<!tpu.dma_semaphore, #tpu.memory_space<semaphore_mem>>) src(%arg3 : memref<128x128xf32, #tpu.memory_space<hbm>>) dst(%arg8 : memref<128x128xf32, #tpu.memory_space<vmem>>)
      tpu.yield
    }) : () -> ()
    %mul3A_1 = arith.constant 640 : i32
    %mul3A_2 = arith.muli %arg1, %mul3A_1 : i32
    %add3A_3 = arith.constant 0 : i32
    %add3A_4 = arith.addi %mul3A_2, %add3A_3 : i32
    "tpu.region"() ({
      %run_scoped3A = tpu.sem_alloc : memref<!tpu.dma_semaphore, #tpu.memory_space<semaphore_mem>>
      %dma_start3A = arith.constant 0 : i32
      %dma_start3A_30 = tpu.memref_slice %arg11[%add3A_4, %dma_start3A] : memref<10240x128xf32, #tpu.memory_space<vmem_shared>> -> memref<128x128xf32, #tpu.memory_space<vmem_shared>>
      tpu.enqueue_dma source(%arg4 : memref<128x128xf32, #tpu.memory_space<hbm>>) target(%dma_start3A_30 : memref<128x128xf32, #tpu.memory_space<vmem_shared>>) target_semaphore(%run_scoped3A : memref<!tpu.dma_semaphore, #tpu.memory_space<semaphore_mem>>)
      %dma_wait3A = arith.constant 0 : i32
      %dma_wait3A_31 = tpu.memref_slice %arg11[%add3A_4, %dma_wait3A] : memref<10240x128xf32, #tpu.memory_space<vmem_shared>> -> memref<128x128xf32, #tpu.memory_space<vmem_shared>>
      tpu.wait_dma2 semaphore(%run_scoped3A : memref<!tpu.dma_semaphore, #tpu.memory_space<semaphore_mem>>) src(%arg4 : memref<128x128xf32, #tpu.memory_space<hbm>>) dst(%dma_wait3A_31 : memref<128x128xf32, #tpu.memory_space<vmem_shared>>)
      tpu.yield
    }) : () -> ()
    %mul3A_5 = arith.constant 640 : i32
    %mul3A_6 = arith.muli %arg1, %mul3A_5 : i32
    %add3A_7 = arith.constant 128 : i32
    %add3A_8 = arith.addi %mul3A_6, %add3A_7 : i32
    "tpu.region"() ({
      %run_scoped3A = tpu.sem_alloc : memref<!tpu.dma_semaphore, #tpu.memory_space<semaphore_mem>>
      %dma_start3A = arith.constant 0 : i32
      %dma_start3A_30 = tpu.memref_slice %arg11[%add3A_8, %dma_start3A] : memref<10240x128xf32, #tpu.memory_space<vmem_shared>> -> memref<128x128xf32, #tpu.memory_space<vmem_shared>>
      tpu.enqueue_dma source(%arg4 : memref<128x128xf32, #tpu.memory_space<hbm>>) target(%dma_start3A_30 : memref<128x128xf32, #tpu.memory_space<vmem_shared>>) target_semaphore(%run_scoped3A : memref<!tpu.dma_semaphore, #tpu.memory_space<semaphore_mem>>)
      %dma_wait3A = arith.constant 0 : i32
      %dma_wait3A_31 = tpu.memref_slice %arg11[%add3A_8, %dma_wait3A] : memref<10240x128xf32, #tpu.memory_space<vmem_shared>> -> memref<128x128xf32, #tpu.memory_space<vmem_shared>>
      tpu.wait_dma2 semaphore(%run_scoped3A : memref<!tpu.dma_semaphore, #tpu.memory_space<semaphore_mem>>) src(%arg4 : memref<128x128xf32, #tpu.memory_space<hbm>>) dst(%dma_wait3A_31 : memref<128x128xf32, #tpu.memory_space<vmem_shared>>)
      tpu.yield
    }) : () -> ()
    %mul3A_9 = arith.constant 640 : i32
    %mul3A_10 = arith.muli %arg1, %mul3A_9 : i32
    %add3A_11 = arith.constant 256 : i32
    %add3A_12 = arith.addi %mul3A_10, %add3A_11 : i32
    "tpu.region"() ({
      %run_scoped3A = tpu.sem_alloc : memref<!tpu.dma_semaphore, #tpu.memory_space<semaphore_mem>>
      %dma_start3A = arith.constant 0 : i32
      %dma_start3A_30 = tpu.memref_slice %arg11[%add3A_12, %dma_start3A] : memref<10240x128xf32, #tpu.memory_space<vmem_shared>> -> memref<128x128xf32, #tpu.memory_space<vmem_shared>>
      tpu.enqueue_dma source(%arg4 : memref<128x128xf32, #tpu.memory_space<hbm>>) target(%dma_start3A_30 : memref<128x128xf32, #tpu.memory_space<vmem_shared>>) target_semaphore(%run_scoped3A : memref<!tpu.dma_semaphore, #tpu.memory_space<semaphore_mem>>)
      %dma_wait3A = arith.constant 0 : i32
      %dma_wait3A_31 = tpu.memref_slice %arg11[%add3A_12, %dma_wait3A] : memref<10240x128xf32, #tpu.memory_space<vmem_shared>> -> memref<128x128xf32, #tpu.memory_space<vmem_shared>>
      tpu.wait_dma2 semaphore(%run_scoped3A : memref<!tpu.dma_semaphore, #tpu.memory_space<semaphore_mem>>) src(%arg4 : memref<128x128xf32, #tpu.memory_space<hbm>>) dst(%dma_wait3A_31 : memref<128x128xf32, #tpu.memory_space<vmem_shared>>)
      tpu.yield
    }) : () -> ()
    %mul3A_13 = arith.constant 640 : i32
    %mul3A_14 = arith.muli %arg1, %mul3A_13 : i32
    %add3A_15 = arith.constant 384 : i32
    %add3A_16 = arith.addi %mul3A_14, %add3A_15 : i32
    "tpu.region"() ({
      %run_scoped3A = tpu.sem_alloc : memref<!tpu.dma_semaphore, #tpu.memory_space<semaphore_mem>>
      %dma_start3A = arith.constant 0 : i32
      %dma_start3A_30 = tpu.memref_slice %arg11[%add3A_16, %dma_start3A] : memref<10240x128xf32, #tpu.memory_space<vmem_shared>> -> memref<128x128xf32, #tpu.memory_space<vmem_shared>>
      tpu.enqueue_dma source(%arg4 : memref<128x128xf32, #tpu.memory_space<hbm>>) target(%dma_start3A_30 : memref<128x128xf32, #tpu.memory_space<vmem_shared>>) target_semaphore(%run_scoped3A : memref<!tpu.dma_semaphore, #tpu.memory_space<semaphore_mem>>)
      %dma_wait3A = arith.constant 0 : i32
      %dma_wait3A_31 = tpu.memref_slice %arg11[%add3A_16, %dma_wait3A] : memref<10240x128xf32, #tpu.memory_space<vmem_shared>> -> memref<128x128xf32, #tpu.memory_space<vmem_shared>>
      tpu.wait_dma2 semaphore(%run_scoped3A : memref<!tpu.dma_semaphore, #tpu.memory_space<semaphore_mem>>) src(%arg4 : memref<128x128xf32, #tpu.memory_space<hbm>>) dst(%dma_wait3A_31 : memref<128x128xf32, #tpu.memory_space<vmem_shared>>)
      tpu.yield
    }) : () -> ()
    %mul3A_17 = arith.constant 640 : i32
    %mul3A_18 = arith.muli %arg1, %mul3A_17 : i32
    %add3A_19 = arith.constant 512 : i32
    %add3A_20 = arith.addi %mul3A_18, %add3A_19 : i32
    "tpu.region"() ({
      %run_scoped3A = tpu.sem_alloc : memref<!tpu.dma_semaphore, #tpu.memory_space<semaphore_mem>>
      %dma_start3A = arith.constant 0 : i32
      %dma_start3A_30 = tpu.memref_slice %arg11[%add3A_20, %dma_start3A] : memref<10240x128xf32, #tpu.memory_space<vmem_shared>> -> memref<128x128xf32, #tpu.memory_space<vmem_shared>>
      tpu.enqueue_dma source(%arg4 : memref<128x128xf32, #tpu.memory_space<hbm>>) target(%dma_start3A_30 : memref<128x128xf32, #tpu.memory_space<vmem_shared>>) target_semaphore(%run_scoped3A : memref<!tpu.dma_semaphore, #tpu.memory_space<semaphore_mem>>)
      %dma_wait3A = arith.constant 0 : i32
      %dma_wait3A_31 = tpu.memref_slice %arg11[%add3A_20, %dma_wait3A] : memref<10240x128xf32, #tpu.memory_space<vmem_shared>> -> memref<128x128xf32, #tpu.memory_space<vmem_shared>>
      tpu.wait_dma2 semaphore(%run_scoped3A : memref<!tpu.dma_semaphore, #tpu.memory_space<semaphore_mem>>) src(%arg4 : memref<128x128xf32, #tpu.memory_space<hbm>>) dst(%dma_wait3A_31 : memref<128x128xf32, #tpu.memory_space<vmem_shared>>)
      tpu.yield
    }) : () -> ()
    %barrier3A = arith.constant 0 : index
    tpu.barrier barrier_id(%barrier3A)
    %scan3A = arith.constant 0 : i32
    %scan3A_21 = arith.constant 40 : i32
    %scan3A_22 = arith.addi %scan3A, %scan3A_21 : i32
    %scan3A_23 = arith.constant 1 : i32
    scf.for %scan3A_30 = %scan3A to %scan3A_22 step %scan3A_23  : i32 {
      %mul3A_31 = arith.constant 2 : i32
      %mul3A_32 = arith.muli %scan3A_30, %mul3A_31 : i32
      %add3A_33 = arith.constant 0 : i32
      %add3A_34 = arith.addi %add3A_33, %mul3A_32 : i32
      "tpu.region"() ({
        %run_scoped3A = tpu.sem_alloc : memref<!tpu.dma_semaphore, #tpu.memory_space<semaphore_mem>>
        %dma_start3A_47 = arith.constant 0 : i32
        %dma_start3A_48 = tpu.memref_slice %arg2[%add3A, %add3A_34, %dma_start3A_47] : memref<32x80x128xi32, #tpu.memory_space<hbm>> -> memref<1x1x128xi32, #tpu.memory_space<hbm>>
        %dma_start3A_49 = tpu.memref_squeeze %dma_start3A_48 : memref<1x1x128xi32, #tpu.memory_space<hbm>> -> memref<128xi32, #tpu.memory_space<hbm>>
        %dma_start3A_50 = arith.constant 0 : i32
        %dma_start3A_51 = tpu.memref_slice %arg2[%add3A, %add3A_34, %dma_start3A_50] : memref<32x80x128xi32, #tpu.memory_space<hbm>> -> memref<1x1x128xi32, #tpu.memory_space<hbm>>
        %dma_start3A_52 = tpu.memref_squeeze %dma_start3A_51 : memref<1x1x128xi32, #tpu.memory_space<hbm>> -> memref<128xi32, #tpu.memory_space<hbm>>
        tpu.enqueue_dma source(%dma_start3A_52 : memref<128xi32, #tpu.memory_space<hbm>>) target(%arg6 : memref<128xi32, #tpu.memory_space<vmem>>) target_semaphore(%run_scoped3A : memref<!tpu.dma_semaphore, #tpu.memory_space<semaphore_mem>>)
        %dma_wait3A_53 = arith.constant 0 : i32
        %dma_wait3A_54 = tpu.memref_slice %arg2[%add3A, %add3A_34, %dma_wait3A_53] : memref<32x80x128xi32, #tpu.memory_space<hbm>> -> memref<1x1x128xi32, #tpu.memory_space<hbm>>
        %dma_wait3A_55 = tpu.memref_squeeze %dma_wait3A_54 : memref<1x1x128xi32, #tpu.memory_space<hbm>> -> memref<128xi32, #tpu.memory_space<hbm>>
        %dma_wait3A_56 = arith.constant 0 : i32
        %dma_wait3A_57 = tpu.memref_slice %arg2[%add3A, %add3A_34, %dma_wait3A_56] : memref<32x80x128xi32, #tpu.memory_space<hbm>> -> memref<1x1x128xi32, #tpu.memory_space<hbm>>
        %dma_wait3A_58 = tpu.memref_squeeze %dma_wait3A_57 : memref<1x1x128xi32, #tpu.memory_space<hbm>> -> memref<128xi32, #tpu.memory_space<hbm>>
        tpu.wait_dma2 semaphore(%run_scoped3A : memref<!tpu.dma_semaphore, #tpu.memory_space<semaphore_mem>>) src(%dma_wait3A_58 : memref<128xi32, #tpu.memory_space<hbm>>) dst(%arg6 : memref<128xi32, #tpu.memory_space<vmem>>)
        tpu.yield
      }) : () -> ()
      %dma_start3A = arith.constant 0 : i32
      %dma_start3A_35 = arith.constant 0 : i32
      %dma_start3A_36 = tpu.memref_slice %arg11[%dma_start3A, %dma_start3A_35] : memref<10240x128xf32, #tpu.memory_space<vmem_shared>> -> memref<10240x128xf32, #tpu.memory_space<vmem_shared>>
      tpu.enqueue_indirect_dma source(%arg8 : memref<128x128xf32, #tpu.memory_space<vmem>>) target(%dma_start3A_36 : memref<10240x128xf32, #tpu.memory_space<vmem_shared>>) offsets(%arg6 : memref<128xi32, #tpu.memory_space<vmem>>) semaphore(%arg9 : memref<!tpu.dma_semaphore, #tpu.memory_space<semaphore_mem>>) {add = true}
      %add3A_37 = arith.constant 1 : i32
      %add3A_38 = arith.addi %add3A_34, %add3A_37 : i32
      "tpu.region"() ({
        %run_scoped3A = tpu.sem_alloc : memref<!tpu.dma_semaphore, #tpu.memory_space<semaphore_mem>>
        %dma_start3A_47 = arith.constant 0 : i32
        %dma_start3A_48 = tpu.memref_slice %arg2[%add3A, %add3A_38, %dma_start3A_47] : memref<32x80x128xi32, #tpu.memory_space<hbm>> -> memref<1x1x128xi32, #tpu.memory_space<hbm>>
        %dma_start3A_49 = tpu.memref_squeeze %dma_start3A_48 : memref<1x1x128xi32, #tpu.memory_space<hbm>> -> memref<128xi32, #tpu.memory_space<hbm>>
        %dma_start3A_50 = arith.constant 0 : i32
        %dma_start3A_51 = tpu.memref_slice %arg2[%add3A, %add3A_38, %dma_start3A_50] : memref<32x80x128xi32, #tpu.memory_space<hbm>> -> memref<1x1x128xi32, #tpu.memory_space<hbm>>
        %dma_start3A_52 = tpu.memref_squeeze %dma_start3A_51 : memref<1x1x128xi32, #tpu.memory_space<hbm>> -> memref<128xi32, #tpu.memory_space<hbm>>
        tpu.enqueue_dma source(%dma_start3A_52 : memref<128xi32, #tpu.memory_space<hbm>>) target(%arg7 : memref<128xi32, #tpu.memory_space<vmem>>) target_semaphore(%run_scoped3A : memref<!tpu.dma_semaphore, #tpu.memory_space<semaphore_mem>>)
        %dma_wait3A_53 = arith.constant 0 : i32
        %dma_wait3A_54 = tpu.memref_slice %arg2[%add3A, %add3A_38, %dma_wait3A_53] : memref<32x80x128xi32, #tpu.memory_space<hbm>> -> memref<1x1x128xi32, #tpu.memory_space<hbm>>
        %dma_wait3A_55 = tpu.memref_squeeze %dma_wait3A_54 : memref<1x1x128xi32, #tpu.memory_space<hbm>> -> memref<128xi32, #tpu.memory_space<hbm>>
        %dma_wait3A_56 = arith.constant 0 : i32
        %dma_wait3A_57 = tpu.memref_slice %arg2[%add3A, %add3A_38, %dma_wait3A_56] : memref<32x80x128xi32, #tpu.memory_space<hbm>> -> memref<1x1x128xi32, #tpu.memory_space<hbm>>
        %dma_wait3A_58 = tpu.memref_squeeze %dma_wait3A_57 : memref<1x1x128xi32, #tpu.memory_space<hbm>> -> memref<128xi32, #tpu.memory_space<hbm>>
        tpu.wait_dma2 semaphore(%run_scoped3A : memref<!tpu.dma_semaphore, #tpu.memory_space<semaphore_mem>>) src(%dma_wait3A_58 : memref<128xi32, #tpu.memory_space<hbm>>) dst(%arg7 : memref<128xi32, #tpu.memory_space<vmem>>)
        tpu.yield
      }) : () -> ()
      %dma_start3A_39 = arith.constant 0 : i32
      %dma_start3A_40 = arith.constant 0 : i32
      %dma_start3A_41 = tpu.memref_slice %arg11[%dma_start3A_39, %dma_start3A_40] : memref<10240x128xf32, #tpu.memory_space<vmem_shared>> -> memref<10240x128xf32, #tpu.memory_space<vmem_shared>>
      tpu.enqueue_indirect_dma source(%arg8 : memref<128x128xf32, #tpu.memory_space<vmem>>) target(%dma_start3A_41 : memref<10240x128xf32, #tpu.memory_space<vmem_shared>>) offsets(%arg7 : memref<128xi32, #tpu.memory_space<vmem>>) semaphore(%arg10 : memref<!tpu.dma_semaphore, #tpu.memory_space<semaphore_mem>>) {add = true}
      %dma_wait3A = arith.constant 0 : i32
      %dma_wait3A_42 = arith.constant 0 : i32
      %dma_wait3A_43 = tpu.memref_slice %arg11[%dma_wait3A, %dma_wait3A_42] : memref<10240x128xf32, #tpu.memory_space<vmem_shared>> -> memref<10240x128xf32, #tpu.memory_space<vmem_shared>>
      tpu.wait_indirect_dma semaphore(%arg9 : memref<!tpu.dma_semaphore, #tpu.memory_space<semaphore_mem>>) src(%arg8 : memref<128x128xf32, #tpu.memory_space<vmem>>) dst(%dma_wait3A_43 : memref<10240x128xf32, #tpu.memory_space<vmem_shared>>)
      %dma_wait3A_44 = arith.constant 0 : i32
      %dma_wait3A_45 = arith.constant 0 : i32
      %dma_wait3A_46 = tpu.memref_slice %arg11[%dma_wait3A_44, %dma_wait3A_45] : memref<10240x128xf32, #tpu.memory_space<vmem_shared>> -> memref<10240x128xf32, #tpu.memory_space<vmem_shared>>
      tpu.wait_indirect_dma semaphore(%arg10 : memref<!tpu.dma_semaphore, #tpu.memory_space<semaphore_mem>>) src(%arg8 : memref<128x128xf32, #tpu.memory_space<vmem>>) dst(%dma_wait3A_46 : memref<10240x128xf32, #tpu.memory_space<vmem_shared>>)
    }
    %scan3A_24 = arith.constant 40 : i32
    %barrier3A_25 = arith.constant 0 : index
    tpu.barrier barrier_id(%barrier3A_25)
    %mul3A_26 = arith.constant 640 : i32
    %mul3A_27 = arith.muli %arg1, %mul3A_26 : i32
    %mul3A_28 = arith.constant 640 : i32
    %mul3A_29 = arith.muli %arg1, %mul3A_28 : i32
    "tpu.region"() ({
      %run_scoped3A = tpu.sem_alloc : memref<!tpu.dma_semaphore, #tpu.memory_space<semaphore_mem>>
      %dma_start3A = arith.constant 0 : i32
      %dma_start3A_30 = tpu.memref_slice %arg5[%arg0, %mul3A_29, %dma_start3A] : memref<2x10240x128xf32, #tpu.memory_space<hbm>> -> memref<1x640x128xf32, #tpu.memory_space<hbm>>
      %dma_start3A_31 = tpu.memref_squeeze %dma_start3A_30 : memref<1x640x128xf32, #tpu.memory_space<hbm>> -> memref<640x128xf32, #tpu.memory_space<hbm>>
      %dma_start3A_32 = arith.constant 0 : i32
      %dma_start3A_33 = tpu.memref_slice %arg11[%mul3A_27, %dma_start3A_32] : memref<10240x128xf32, #tpu.memory_space<vmem_shared>> -> memref<640x128xf32, #tpu.memory_space<vmem_shared>>
      tpu.enqueue_dma source(%dma_start3A_33 : memref<640x128xf32, #tpu.memory_space<vmem_shared>>) target(%dma_start3A_31 : memref<640x128xf32, #tpu.memory_space<hbm>>) target_semaphore(%run_scoped3A : memref<!tpu.dma_semaphore, #tpu.memory_space<semaphore_mem>>)
      %dma_wait3A = arith.constant 0 : i32
      %dma_wait3A_34 = tpu.memref_slice %arg5[%arg0, %mul3A_29, %dma_wait3A] : memref<2x10240x128xf32, #tpu.memory_space<hbm>> -> memref<1x640x128xf32, #tpu.memory_space<hbm>>
      %dma_wait3A_35 = tpu.memref_squeeze %dma_wait3A_34 : memref<1x640x128xf32, #tpu.memory_space<hbm>> -> memref<640x128xf32, #tpu.memory_space<hbm>>
      %dma_wait3A_36 = arith.constant 0 : i32
      %dma_wait3A_37 = tpu.memref_slice %arg11[%mul3A_27, %dma_wait3A_36] : memref<10240x128xf32, #tpu.memory_space<vmem_shared>> -> memref<640x128xf32, #tpu.memory_space<vmem_shared>>
      tpu.wait_dma2 semaphore(%run_scoped3A : memref<!tpu.dma_semaphore, #tpu.memory_space<semaphore_mem>>) src(%dma_wait3A_37 : memref<640x128xf32, #tpu.memory_space<vmem_shared>>) dst(%dma_wait3A_35 : memref<640x128xf32, #tpu.memory_space<hbm>>)
      tpu.yield
    }) : () -> ()
    return
  }
}

#map = affine_map<(d0, d1) -> (0, 0)>
#map1 = affine_map<(d0, d1) -> (0, 0, 0)>
module attributes {stable_mosaic.version = 14 : i64} {
  func.func @scat_kernel(%arg0: i32, %arg1: i32, %arg2: memref<10240x128xf32, #tpu.memory_space<hbm>>, %arg3: memref<32x80x128xi32, #tpu.memory_space<hbm>>, %arg4: memref<32x80x128xi32, #tpu.memory_space<hbm>>, %arg5: memref<128x128xf32, #tpu.memory_space<hbm>>, %arg6: memref<2x10240x128xf32, #tpu.memory_space<hbm>>, %arg7: memref<128xi32, #tpu.memory_space<vmem>>, %arg8: memref<128xi32, #tpu.memory_space<vmem>>, %arg9: memref<128xi32, #tpu.memory_space<vmem>>, %arg10: memref<128xi32, #tpu.memory_space<vmem>>, %arg11: memref<128x128xf32, #tpu.memory_space<vmem>>, %arg12: memref<128x128xf32, #tpu.memory_space<vmem>>, %arg13: memref<!tpu.dma_semaphore, #tpu.memory_space<semaphore_mem>>, %arg14: memref<!tpu.dma_semaphore, #tpu.memory_space<semaphore_mem>>, %arg15: memref<10240x128xf32, #tpu.memory_space<vmem_shared>>) attributes {dimension_semantics = [#tpu.dimension_semantics<core_parallel>, #tpu.dimension_semantics<subcore_parallel>], iteration_bounds = array<i64: 2, 16>, scalar_prefetch = 0 : i64, scratch_operands = 9 : i64, tpu.core_type = #tpu.core_type<sc_vector_subcore>, window_params = [{transform_indices = #map}, {transform_indices = #map1}, {transform_indices = #map1}, {transform_indices = #map}, {transform_indices = #map1}]} {
    %mul3A = arith.constant 2 : i32
    %mul3A_0 = arith.muli %arg1, %mul3A : i32
    %add3A = arith.addi %mul3A_0, %arg0 : i32
    "tpu.region"() ({
      %run_scoped3A = tpu.sem_alloc : memref<!tpu.dma_semaphore, #tpu.memory_space<semaphore_mem>>
      tpu.enqueue_dma source(%arg5 : memref<128x128xf32, #tpu.memory_space<hbm>>) target(%arg11 : memref<128x128xf32, #tpu.memory_space<vmem>>) target_semaphore(%run_scoped3A : memref<!tpu.dma_semaphore, #tpu.memory_space<semaphore_mem>>)
      tpu.wait_dma2 semaphore(%run_scoped3A : memref<!tpu.dma_semaphore, #tpu.memory_space<semaphore_mem>>) src(%arg5 : memref<128x128xf32, #tpu.memory_space<hbm>>) dst(%arg11 : memref<128x128xf32, #tpu.memory_space<vmem>>)
      tpu.yield
    }) : () -> ()
    %mul3A_1 = arith.constant 640 : i32
    %mul3A_2 = arith.muli %arg1, %mul3A_1 : i32
    %add3A_3 = arith.constant 0 : i32
    %add3A_4 = arith.addi %mul3A_2, %add3A_3 : i32
    "tpu.region"() ({
      %run_scoped3A = tpu.sem_alloc : memref<!tpu.dma_semaphore, #tpu.memory_space<semaphore_mem>>
      %dma_start3A = arith.constant 0 : i32
      %dma_start3A_30 = tpu.memref_slice %arg15[%add3A_4, %dma_start3A] : memref<10240x128xf32, #tpu.memory_space<vmem_shared>> -> memref<128x128xf32, #tpu.memory_space<vmem_shared>>
      %dma_start3A_31 = arith.constant 0 : i32
      %dma_start3A_32 = tpu.memref_slice %arg15[%add3A_4, %dma_start3A_31] : memref<10240x128xf32, #tpu.memory_space<vmem_shared>> -> memref<128x128xf32, #tpu.memory_space<vmem_shared>>
      tpu.enqueue_dma source(%arg11 : memref<128x128xf32, #tpu.memory_space<vmem>>) target(%dma_start3A_32 : memref<128x128xf32, #tpu.memory_space<vmem_shared>>) target_semaphore(%run_scoped3A : memref<!tpu.dma_semaphore, #tpu.memory_space<semaphore_mem>>)
      %dma_wait3A = arith.constant 0 : i32
      %dma_wait3A_33 = tpu.memref_slice %arg15[%add3A_4, %dma_wait3A] : memref<10240x128xf32, #tpu.memory_space<vmem_shared>> -> memref<128x128xf32, #tpu.memory_space<vmem_shared>>
      %dma_wait3A_34 = arith.constant 0 : i32
      %dma_wait3A_35 = tpu.memref_slice %arg15[%add3A_4, %dma_wait3A_34] : memref<10240x128xf32, #tpu.memory_space<vmem_shared>> -> memref<128x128xf32, #tpu.memory_space<vmem_shared>>
      tpu.wait_dma2 semaphore(%run_scoped3A : memref<!tpu.dma_semaphore, #tpu.memory_space<semaphore_mem>>) src(%arg11 : memref<128x128xf32, #tpu.memory_space<vmem>>) dst(%dma_wait3A_35 : memref<128x128xf32, #tpu.memory_space<vmem_shared>>)
      tpu.yield
    }) : () -> ()
    %mul3A_5 = arith.constant 640 : i32
    %mul3A_6 = arith.muli %arg1, %mul3A_5 : i32
    %add3A_7 = arith.constant 128 : i32
    %add3A_8 = arith.addi %mul3A_6, %add3A_7 : i32
    "tpu.region"() ({
      %run_scoped3A = tpu.sem_alloc : memref<!tpu.dma_semaphore, #tpu.memory_space<semaphore_mem>>
      %dma_start3A = arith.constant 0 : i32
      %dma_start3A_30 = tpu.memref_slice %arg15[%add3A_8, %dma_start3A] : memref<10240x128xf32, #tpu.memory_space<vmem_shared>> -> memref<128x128xf32, #tpu.memory_space<vmem_shared>>
      %dma_start3A_31 = arith.constant 0 : i32
      %dma_start3A_32 = tpu.memref_slice %arg15[%add3A_8, %dma_start3A_31] : memref<10240x128xf32, #tpu.memory_space<vmem_shared>> -> memref<128x128xf32, #tpu.memory_space<vmem_shared>>
      tpu.enqueue_dma source(%arg11 : memref<128x128xf32, #tpu.memory_space<vmem>>) target(%dma_start3A_32 : memref<128x128xf32, #tpu.memory_space<vmem_shared>>) target_semaphore(%run_scoped3A : memref<!tpu.dma_semaphore, #tpu.memory_space<semaphore_mem>>)
      %dma_wait3A = arith.constant 0 : i32
      %dma_wait3A_33 = tpu.memref_slice %arg15[%add3A_8, %dma_wait3A] : memref<10240x128xf32, #tpu.memory_space<vmem_shared>> -> memref<128x128xf32, #tpu.memory_space<vmem_shared>>
      %dma_wait3A_34 = arith.constant 0 : i32
      %dma_wait3A_35 = tpu.memref_slice %arg15[%add3A_8, %dma_wait3A_34] : memref<10240x128xf32, #tpu.memory_space<vmem_shared>> -> memref<128x128xf32, #tpu.memory_space<vmem_shared>>
      tpu.wait_dma2 semaphore(%run_scoped3A : memref<!tpu.dma_semaphore, #tpu.memory_space<semaphore_mem>>) src(%arg11 : memref<128x128xf32, #tpu.memory_space<vmem>>) dst(%dma_wait3A_35 : memref<128x128xf32, #tpu.memory_space<vmem_shared>>)
      tpu.yield
    }) : () -> ()
    %mul3A_9 = arith.constant 640 : i32
    %mul3A_10 = arith.muli %arg1, %mul3A_9 : i32
    %add3A_11 = arith.constant 256 : i32
    %add3A_12 = arith.addi %mul3A_10, %add3A_11 : i32
    "tpu.region"() ({
      %run_scoped3A = tpu.sem_alloc : memref<!tpu.dma_semaphore, #tpu.memory_space<semaphore_mem>>
      %dma_start3A = arith.constant 0 : i32
      %dma_start3A_30 = tpu.memref_slice %arg15[%add3A_12, %dma_start3A] : memref<10240x128xf32, #tpu.memory_space<vmem_shared>> -> memref<128x128xf32, #tpu.memory_space<vmem_shared>>
      %dma_start3A_31 = arith.constant 0 : i32
      %dma_start3A_32 = tpu.memref_slice %arg15[%add3A_12, %dma_start3A_31] : memref<10240x128xf32, #tpu.memory_space<vmem_shared>> -> memref<128x128xf32, #tpu.memory_space<vmem_shared>>
      tpu.enqueue_dma source(%arg11 : memref<128x128xf32, #tpu.memory_space<vmem>>) target(%dma_start3A_32 : memref<128x128xf32, #tpu.memory_space<vmem_shared>>) target_semaphore(%run_scoped3A : memref<!tpu.dma_semaphore, #tpu.memory_space<semaphore_mem>>)
      %dma_wait3A = arith.constant 0 : i32
      %dma_wait3A_33 = tpu.memref_slice %arg15[%add3A_12, %dma_wait3A] : memref<10240x128xf32, #tpu.memory_space<vmem_shared>> -> memref<128x128xf32, #tpu.memory_space<vmem_shared>>
      %dma_wait3A_34 = arith.constant 0 : i32
      %dma_wait3A_35 = tpu.memref_slice %arg15[%add3A_12, %dma_wait3A_34] : memref<10240x128xf32, #tpu.memory_space<vmem_shared>> -> memref<128x128xf32, #tpu.memory_space<vmem_shared>>
      tpu.wait_dma2 semaphore(%run_scoped3A : memref<!tpu.dma_semaphore, #tpu.memory_space<semaphore_mem>>) src(%arg11 : memref<128x128xf32, #tpu.memory_space<vmem>>) dst(%dma_wait3A_35 : memref<128x128xf32, #tpu.memory_space<vmem_shared>>)
      tpu.yield
    }) : () -> ()
    %mul3A_13 = arith.constant 640 : i32
    %mul3A_14 = arith.muli %arg1, %mul3A_13 : i32
    %add3A_15 = arith.constant 384 : i32
    %add3A_16 = arith.addi %mul3A_14, %add3A_15 : i32
    "tpu.region"() ({
      %run_scoped3A = tpu.sem_alloc : memref<!tpu.dma_semaphore, #tpu.memory_space<semaphore_mem>>
      %dma_start3A = arith.constant 0 : i32
      %dma_start3A_30 = tpu.memref_slice %arg15[%add3A_16, %dma_start3A] : memref<10240x128xf32, #tpu.memory_space<vmem_shared>> -> memref<128x128xf32, #tpu.memory_space<vmem_shared>>
      %dma_start3A_31 = arith.constant 0 : i32
      %dma_start3A_32 = tpu.memref_slice %arg15[%add3A_16, %dma_start3A_31] : memref<10240x128xf32, #tpu.memory_space<vmem_shared>> -> memref<128x128xf32, #tpu.memory_space<vmem_shared>>
      tpu.enqueue_dma source(%arg11 : memref<128x128xf32, #tpu.memory_space<vmem>>) target(%dma_start3A_32 : memref<128x128xf32, #tpu.memory_space<vmem_shared>>) target_semaphore(%run_scoped3A : memref<!tpu.dma_semaphore, #tpu.memory_space<semaphore_mem>>)
      %dma_wait3A = arith.constant 0 : i32
      %dma_wait3A_33 = tpu.memref_slice %arg15[%add3A_16, %dma_wait3A] : memref<10240x128xf32, #tpu.memory_space<vmem_shared>> -> memref<128x128xf32, #tpu.memory_space<vmem_shared>>
      %dma_wait3A_34 = arith.constant 0 : i32
      %dma_wait3A_35 = tpu.memref_slice %arg15[%add3A_16, %dma_wait3A_34] : memref<10240x128xf32, #tpu.memory_space<vmem_shared>> -> memref<128x128xf32, #tpu.memory_space<vmem_shared>>
      tpu.wait_dma2 semaphore(%run_scoped3A : memref<!tpu.dma_semaphore, #tpu.memory_space<semaphore_mem>>) src(%arg11 : memref<128x128xf32, #tpu.memory_space<vmem>>) dst(%dma_wait3A_35 : memref<128x128xf32, #tpu.memory_space<vmem_shared>>)
      tpu.yield
    }) : () -> ()
    %mul3A_17 = arith.constant 640 : i32
    %mul3A_18 = arith.muli %arg1, %mul3A_17 : i32
    %add3A_19 = arith.constant 512 : i32
    %add3A_20 = arith.addi %mul3A_18, %add3A_19 : i32
    "tpu.region"() ({
      %run_scoped3A = tpu.sem_alloc : memref<!tpu.dma_semaphore, #tpu.memory_space<semaphore_mem>>
      %dma_start3A = arith.constant 0 : i32
      %dma_start3A_30 = tpu.memref_slice %arg15[%add3A_20, %dma_start3A] : memref<10240x128xf32, #tpu.memory_space<vmem_shared>> -> memref<128x128xf32, #tpu.memory_space<vmem_shared>>
      %dma_start3A_31 = arith.constant 0 : i32
      %dma_start3A_32 = tpu.memref_slice %arg15[%add3A_20, %dma_start3A_31] : memref<10240x128xf32, #tpu.memory_space<vmem_shared>> -> memref<128x128xf32, #tpu.memory_space<vmem_shared>>
      tpu.enqueue_dma source(%arg11 : memref<128x128xf32, #tpu.memory_space<vmem>>) target(%dma_start3A_32 : memref<128x128xf32, #tpu.memory_space<vmem_shared>>) target_semaphore(%run_scoped3A : memref<!tpu.dma_semaphore, #tpu.memory_space<semaphore_mem>>)
      %dma_wait3A = arith.constant 0 : i32
      %dma_wait3A_33 = tpu.memref_slice %arg15[%add3A_20, %dma_wait3A] : memref<10240x128xf32, #tpu.memory_space<vmem_shared>> -> memref<128x128xf32, #tpu.memory_space<vmem_shared>>
      %dma_wait3A_34 = arith.constant 0 : i32
      %dma_wait3A_35 = tpu.memref_slice %arg15[%add3A_20, %dma_wait3A_34] : memref<10240x128xf32, #tpu.memory_space<vmem_shared>> -> memref<128x128xf32, #tpu.memory_space<vmem_shared>>
      tpu.wait_dma2 semaphore(%run_scoped3A : memref<!tpu.dma_semaphore, #tpu.memory_space<semaphore_mem>>) src(%arg11 : memref<128x128xf32, #tpu.memory_space<vmem>>) dst(%dma_wait3A_35 : memref<128x128xf32, #tpu.memory_space<vmem_shared>>)
      tpu.yield
    }) : () -> ()
    %barrier3A = arith.constant 0 : index
    tpu.barrier barrier_id(%barrier3A)
    %scan3A = arith.constant 0 : i32
    %scan3A_21 = arith.constant 40 : i32
    %scan3A_22 = arith.addi %scan3A, %scan3A_21 : i32
    %scan3A_23 = arith.constant 1 : i32
    scf.for %scan3A_30 = %scan3A to %scan3A_22 step %scan3A_23  : i32 {
      %mul3A_31 = arith.constant 2 : i32
      %mul3A_32 = arith.muli %scan3A_30, %mul3A_31 : i32
      %add3A_33 = arith.constant 0 : i32
      %add3A_34 = arith.addi %add3A_33, %mul3A_32 : i32
      "tpu.region"() ({
        %run_scoped3A = tpu.sem_alloc : memref<!tpu.dma_semaphore, #tpu.memory_space<semaphore_mem>>
        %dma_start3A_49 = arith.constant 0 : i32
        %dma_start3A_50 = tpu.memref_slice %arg3[%add3A, %add3A_34, %dma_start3A_49] : memref<32x80x128xi32, #tpu.memory_space<hbm>> -> memref<1x1x128xi32, #tpu.memory_space<hbm>>
        %dma_start3A_51 = tpu.memref_squeeze %dma_start3A_50 : memref<1x1x128xi32, #tpu.memory_space<hbm>> -> memref<128xi32, #tpu.memory_space<hbm>>
        %dma_start3A_52 = arith.constant 0 : i32
        %dma_start3A_53 = tpu.memref_slice %arg3[%add3A, %add3A_34, %dma_start3A_52] : memref<32x80x128xi32, #tpu.memory_space<hbm>> -> memref<1x1x128xi32, #tpu.memory_space<hbm>>
        %dma_start3A_54 = tpu.memref_squeeze %dma_start3A_53 : memref<1x1x128xi32, #tpu.memory_space<hbm>> -> memref<128xi32, #tpu.memory_space<hbm>>
        tpu.enqueue_dma source(%dma_start3A_54 : memref<128xi32, #tpu.memory_space<hbm>>) target(%arg7 : memref<128xi32, #tpu.memory_space<vmem>>) target_semaphore(%run_scoped3A : memref<!tpu.dma_semaphore, #tpu.memory_space<semaphore_mem>>)
        %dma_wait3A_55 = arith.constant 0 : i32
        %dma_wait3A_56 = tpu.memref_slice %arg3[%add3A, %add3A_34, %dma_wait3A_55] : memref<32x80x128xi32, #tpu.memory_space<hbm>> -> memref<1x1x128xi32, #tpu.memory_space<hbm>>
        %dma_wait3A_57 = tpu.memref_squeeze %dma_wait3A_56 : memref<1x1x128xi32, #tpu.memory_space<hbm>> -> memref<128xi32, #tpu.memory_space<hbm>>
        %dma_wait3A_58 = arith.constant 0 : i32
        %dma_wait3A_59 = tpu.memref_slice %arg3[%add3A, %add3A_34, %dma_wait3A_58] : memref<32x80x128xi32, #tpu.memory_space<hbm>> -> memref<1x1x128xi32, #tpu.memory_space<hbm>>
        %dma_wait3A_60 = tpu.memref_squeeze %dma_wait3A_59 : memref<1x1x128xi32, #tpu.memory_space<hbm>> -> memref<128xi32, #tpu.memory_space<hbm>>
        tpu.wait_dma2 semaphore(%run_scoped3A : memref<!tpu.dma_semaphore, #tpu.memory_space<semaphore_mem>>) src(%dma_wait3A_60 : memref<128xi32, #tpu.memory_space<hbm>>) dst(%arg7 : memref<128xi32, #tpu.memory_space<vmem>>)
        tpu.yield
      }) : () -> ()
      "tpu.region"() ({
        %run_scoped3A = tpu.sem_alloc : memref<!tpu.dma_semaphore, #tpu.memory_space<semaphore_mem>>
        %dma_start3A_49 = arith.constant 0 : i32
        %dma_start3A_50 = tpu.memref_slice %arg4[%add3A, %add3A_34, %dma_start3A_49] : memref<32x80x128xi32, #tpu.memory_space<hbm>> -> memref<1x1x128xi32, #tpu.memory_space<hbm>>
        %dma_start3A_51 = tpu.memref_squeeze %dma_start3A_50 : memref<1x1x128xi32, #tpu.memory_space<hbm>> -> memref<128xi32, #tpu.memory_space<hbm>>
        %dma_start3A_52 = arith.constant 0 : i32
        %dma_start3A_53 = tpu.memref_slice %arg4[%add3A, %add3A_34, %dma_start3A_52] : memref<32x80x128xi32, #tpu.memory_space<hbm>> -> memref<1x1x128xi32, #tpu.memory_space<hbm>>
        %dma_start3A_54 = tpu.memref_squeeze %dma_start3A_53 : memref<1x1x128xi32, #tpu.memory_space<hbm>> -> memref<128xi32, #tpu.memory_space<hbm>>
        tpu.enqueue_dma source(%dma_start3A_54 : memref<128xi32, #tpu.memory_space<hbm>>) target(%arg8 : memref<128xi32, #tpu.memory_space<vmem>>) target_semaphore(%run_scoped3A : memref<!tpu.dma_semaphore, #tpu.memory_space<semaphore_mem>>)
        %dma_wait3A_55 = arith.constant 0 : i32
        %dma_wait3A_56 = tpu.memref_slice %arg4[%add3A, %add3A_34, %dma_wait3A_55] : memref<32x80x128xi32, #tpu.memory_space<hbm>> -> memref<1x1x128xi32, #tpu.memory_space<hbm>>
        %dma_wait3A_57 = tpu.memref_squeeze %dma_wait3A_56 : memref<1x1x128xi32, #tpu.memory_space<hbm>> -> memref<128xi32, #tpu.memory_space<hbm>>
        %dma_wait3A_58 = arith.constant 0 : i32
        %dma_wait3A_59 = tpu.memref_slice %arg4[%add3A, %add3A_34, %dma_wait3A_58] : memref<32x80x128xi32, #tpu.memory_space<hbm>> -> memref<1x1x128xi32, #tpu.memory_space<hbm>>
        %dma_wait3A_60 = tpu.memref_squeeze %dma_wait3A_59 : memref<1x1x128xi32, #tpu.memory_space<hbm>> -> memref<128xi32, #tpu.memory_space<hbm>>
        tpu.wait_dma2 semaphore(%run_scoped3A : memref<!tpu.dma_semaphore, #tpu.memory_space<semaphore_mem>>) src(%dma_wait3A_60 : memref<128xi32, #tpu.memory_space<hbm>>) dst(%arg8 : memref<128xi32, #tpu.memory_space<vmem>>)
        tpu.yield
      }) : () -> ()
      %dma_start3A = arith.constant 0 : i32
      %dma_start3A_35 = arith.constant 0 : i32
      %dma_start3A_36 = tpu.memref_slice %arg2[%dma_start3A, %dma_start3A_35] : memref<10240x128xf32, #tpu.memory_space<hbm>> -> memref<10240x128xf32, #tpu.memory_space<hbm>>
      tpu.enqueue_indirect_dma source(%dma_start3A_36 : memref<10240x128xf32, #tpu.memory_space<hbm>>) target(%arg11 : memref<128x128xf32, #tpu.memory_space<vmem>>) offsets(%arg7 : memref<128xi32, #tpu.memory_space<vmem>>) semaphore(%arg13 : memref<!tpu.dma_semaphore, #tpu.memory_space<semaphore_mem>>)
      %add3A_37 = arith.constant 1 : i32
      %add3A_38 = arith.addi %add3A_34, %add3A_37 : i32
      "tpu.region"() ({
        %run_scoped3A = tpu.sem_alloc : memref<!tpu.dma_semaphore, #tpu.memory_space<semaphore_mem>>
        %dma_start3A_49 = arith.constant 0 : i32
        %dma_start3A_50 = tpu.memref_slice %arg3[%add3A, %add3A_38, %dma_start3A_49] : memref<32x80x128xi32, #tpu.memory_space<hbm>> -> memref<1x1x128xi32, #tpu.memory_space<hbm>>
        %dma_start3A_51 = tpu.memref_squeeze %dma_start3A_50 : memref<1x1x128xi32, #tpu.memory_space<hbm>> -> memref<128xi32, #tpu.memory_space<hbm>>
        %dma_start3A_52 = arith.constant 0 : i32
        %dma_start3A_53 = tpu.memref_slice %arg3[%add3A, %add3A_38, %dma_start3A_52] : memref<32x80x128xi32, #tpu.memory_space<hbm>> -> memref<1x1x128xi32, #tpu.memory_space<hbm>>
        %dma_start3A_54 = tpu.memref_squeeze %dma_start3A_53 : memref<1x1x128xi32, #tpu.memory_space<hbm>> -> memref<128xi32, #tpu.memory_space<hbm>>
        tpu.enqueue_dma source(%dma_start3A_54 : memref<128xi32, #tpu.memory_space<hbm>>) target(%arg9 : memref<128xi32, #tpu.memory_space<vmem>>) target_semaphore(%run_scoped3A : memref<!tpu.dma_semaphore, #tpu.memory_space<semaphore_mem>>)
        %dma_wait3A_55 = arith.constant 0 : i32
        %dma_wait3A_56 = tpu.memref_slice %arg3[%add3A, %add3A_38, %dma_wait3A_55] : memref<32x80x128xi32, #tpu.memory_space<hbm>> -> memref<1x1x128xi32, #tpu.memory_space<hbm>>
        %dma_wait3A_57 = tpu.memref_squeeze %dma_wait3A_56 : memref<1x1x128xi32, #tpu.memory_space<hbm>> -> memref<128xi32, #tpu.memory_space<hbm>>
        %dma_wait3A_58 = arith.constant 0 : i32
        %dma_wait3A_59 = tpu.memref_slice %arg3[%add3A, %add3A_38, %dma_wait3A_58] : memref<32x80x128xi32, #tpu.memory_space<hbm>> -> memref<1x1x128xi32, #tpu.memory_space<hbm>>
        %dma_wait3A_60 = tpu.memref_squeeze %dma_wait3A_59 : memref<1x1x128xi32, #tpu.memory_space<hbm>> -> memref<128xi32, #tpu.memory_space<hbm>>
        tpu.wait_dma2 semaphore(%run_scoped3A : memref<!tpu.dma_semaphore, #tpu.memory_space<semaphore_mem>>) src(%dma_wait3A_60 : memref<128xi32, #tpu.memory_space<hbm>>) dst(%arg9 : memref<128xi32, #tpu.memory_space<vmem>>)
        tpu.yield
      }) : () -> ()
      %add3A_39 = arith.constant 1 : i32
      %add3A_40 = arith.addi %add3A_34, %add3A_39 : i32
      "tpu.region"() ({
        %run_scoped3A = tpu.sem_alloc : memref<!tpu.dma_semaphore, #tpu.memory_space<semaphore_mem>>
        %dma_start3A_49 = arith.constant 0 : i32
        %dma_start3A_50 = tpu.memref_slice %arg4[%add3A, %add3A_40, %dma_start3A_49] : memref<32x80x128xi32, #tpu.memory_space<hbm>> -> memref<1x1x128xi32, #tpu.memory_space<hbm>>
        %dma_start3A_51 = tpu.memref_squeeze %dma_start3A_50 : memref<1x1x128xi32, #tpu.memory_space<hbm>> -> memref<128xi32, #tpu.memory_space<hbm>>
        %dma_start3A_52 = arith.constant 0 : i32
        %dma_start3A_53 = tpu.memref_slice %arg4[%add3A, %add3A_40, %dma_start3A_52] : memref<32x80x128xi32, #tpu.memory_space<hbm>> -> memref<1x1x128xi32, #tpu.memory_space<hbm>>
        %dma_start3A_54 = tpu.memref_squeeze %dma_start3A_53 : memref<1x1x128xi32, #tpu.memory_space<hbm>> -> memref<128xi32, #tpu.memory_space<hbm>>
        tpu.enqueue_dma source(%dma_start3A_54 : memref<128xi32, #tpu.memory_space<hbm>>) target(%arg10 : memref<128xi32, #tpu.memory_space<vmem>>) target_semaphore(%run_scoped3A : memref<!tpu.dma_semaphore, #tpu.memory_space<semaphore_mem>>)
        %dma_wait3A_55 = arith.constant 0 : i32
        %dma_wait3A_56 = tpu.memref_slice %arg4[%add3A, %add3A_40, %dma_wait3A_55] : memref<32x80x128xi32, #tpu.memory_space<hbm>> -> memref<1x1x128xi32, #tpu.memory_space<hbm>>
        %dma_wait3A_57 = tpu.memref_squeeze %dma_wait3A_56 : memref<1x1x128xi32, #tpu.memory_space<hbm>> -> memref<128xi32, #tpu.memory_space<hbm>>
        %dma_wait3A_58 = arith.constant 0 : i32
        %dma_wait3A_59 = tpu.memref_slice %arg4[%add3A, %add3A_40, %dma_wait3A_58] : memref<32x80x128xi32, #tpu.memory_space<hbm>> -> memref<1x1x128xi32, #tpu.memory_space<hbm>>
        %dma_wait3A_60 = tpu.memref_squeeze %dma_wait3A_59 : memref<1x1x128xi32, #tpu.memory_space<hbm>> -> memref<128xi32, #tpu.memory_space<hbm>>
        tpu.wait_dma2 semaphore(%run_scoped3A : memref<!tpu.dma_semaphore, #tpu.memory_space<semaphore_mem>>) src(%dma_wait3A_60 : memref<128xi32, #tpu.memory_space<hbm>>) dst(%arg10 : memref<128xi32, #tpu.memory_space<vmem>>)
        tpu.yield
      }) : () -> ()
      %dma_wait3A = arith.constant 0 : i32
      %dma_wait3A_41 = arith.constant 0 : i32
      %dma_wait3A_42 = tpu.memref_slice %arg2[%dma_wait3A, %dma_wait3A_41] : memref<10240x128xf32, #tpu.memory_space<hbm>> -> memref<10240x128xf32, #tpu.memory_space<hbm>>
      tpu.wait_indirect_dma semaphore(%arg13 : memref<!tpu.dma_semaphore, #tpu.memory_space<semaphore_mem>>) src(%dma_wait3A_42 : memref<10240x128xf32, #tpu.memory_space<hbm>>) dst(%arg11 : memref<128x128xf32, #tpu.memory_space<vmem>>)
      %dma_start3A_43 = arith.constant 0 : i32
      %dma_start3A_44 = arith.constant 0 : i32
      %dma_start3A_45 = tpu.memref_slice %arg2[%dma_start3A_43, %dma_start3A_44] : memref<10240x128xf32, #tpu.memory_space<hbm>> -> memref<10240x128xf32, #tpu.memory_space<hbm>>
      tpu.enqueue_indirect_dma source(%dma_start3A_45 : memref<10240x128xf32, #tpu.memory_space<hbm>>) target(%arg12 : memref<128x128xf32, #tpu.memory_space<vmem>>) offsets(%arg9 : memref<128xi32, #tpu.memory_space<vmem>>) semaphore(%arg14 : memref<!tpu.dma_semaphore, #tpu.memory_space<semaphore_mem>>)
      "tpu.region"() ({
        %run_scoped3A = tpu.sem_alloc : memref<!tpu.dma_semaphore, #tpu.memory_space<semaphore_mem>>
        %dma_start3A_49 = arith.constant 0 : i32
        %dma_start3A_50 = arith.constant 0 : i32
        %dma_start3A_51 = tpu.memref_slice %arg15[%dma_start3A_49, %dma_start3A_50] : memref<10240x128xf32, #tpu.memory_space<vmem_shared>> -> memref<10240x128xf32, #tpu.memory_space<vmem_shared>>
        tpu.enqueue_indirect_dma source(%arg11 : memref<128x128xf32, #tpu.memory_space<vmem>>) target(%dma_start3A_51 : memref<10240x128xf32, #tpu.memory_space<vmem_shared>>) offsets(%arg8 : memref<128xi32, #tpu.memory_space<vmem>>) semaphore(%run_scoped3A : memref<!tpu.dma_semaphore, #tpu.memory_space<semaphore_mem>>) {add = true}
        %dma_wait3A_52 = arith.constant 0 : i32
        %dma_wait3A_53 = arith.constant 0 : i32
        %dma_wait3A_54 = tpu.memref_slice %arg15[%dma_wait3A_52, %dma_wait3A_53] : memref<10240x128xf32, #tpu.memory_space<vmem_shared>> -> memref<10240x128xf32, #tpu.memory_space<vmem_shared>>
        tpu.wait_indirect_dma semaphore(%run_scoped3A : memref<!tpu.dma_semaphore, #tpu.memory_space<semaphore_mem>>) src(%arg11 : memref<128x128xf32, #tpu.memory_space<vmem>>) dst(%dma_wait3A_54 : memref<10240x128xf32, #tpu.memory_space<vmem_shared>>)
        tpu.yield
      }) : () -> ()
      %dma_wait3A_46 = arith.constant 0 : i32
      %dma_wait3A_47 = arith.constant 0 : i32
      %dma_wait3A_48 = tpu.memref_slice %arg2[%dma_wait3A_46, %dma_wait3A_47] : memref<10240x128xf32, #tpu.memory_space<hbm>> -> memref<10240x128xf32, #tpu.memory_space<hbm>>
      tpu.wait_indirect_dma semaphore(%arg14 : memref<!tpu.dma_semaphore, #tpu.memory_space<semaphore_mem>>) src(%dma_wait3A_48 : memref<10240x128xf32, #tpu.memory_space<hbm>>) dst(%arg12 : memref<128x128xf32, #tpu.memory_space<vmem>>)
      "tpu.region"() ({
        %run_scoped3A = tpu.sem_alloc : memref<!tpu.dma_semaphore, #tpu.memory_space<semaphore_mem>>
        %dma_start3A_49 = arith.constant 0 : i32
        %dma_start3A_50 = arith.constant 0 : i32
        %dma_start3A_51 = tpu.memref_slice %arg15[%dma_start3A_49, %dma_start3A_50] : memref<10240x128xf32, #tpu.memory_space<vmem_shared>> -> memref<10240x128xf32, #tpu.memory_space<vmem_shared>>
        tpu.enqueue_indirect_dma source(%arg12 : memref<128x128xf32, #tpu.memory_space<vmem>>) target(%dma_start3A_51 : memref<10240x128xf32, #tpu.memory_space<vmem_shared>>) offsets(%arg10 : memref<128xi32, #tpu.memory_space<vmem>>) semaphore(%run_scoped3A : memref<!tpu.dma_semaphore, #tpu.memory_space<semaphore_mem>>) {add = true}
        %dma_wait3A_52 = arith.constant 0 : i32
        %dma_wait3A_53 = arith.constant 0 : i32
        %dma_wait3A_54 = tpu.memref_slice %arg15[%dma_wait3A_52, %dma_wait3A_53] : memref<10240x128xf32, #tpu.memory_space<vmem_shared>> -> memref<10240x128xf32, #tpu.memory_space<vmem_shared>>
        tpu.wait_indirect_dma semaphore(%run_scoped3A : memref<!tpu.dma_semaphore, #tpu.memory_space<semaphore_mem>>) src(%arg12 : memref<128x128xf32, #tpu.memory_space<vmem>>) dst(%dma_wait3A_54 : memref<10240x128xf32, #tpu.memory_space<vmem_shared>>)
        tpu.yield
      }) : () -> ()
    }
    %scan3A_24 = arith.constant 40 : i32
    %barrier3A_25 = arith.constant 0 : index
    tpu.barrier barrier_id(%barrier3A_25)
    %mul3A_26 = arith.constant 640 : i32
    %mul3A_27 = arith.muli %arg1, %mul3A_26 : i32
    %mul3A_28 = arith.constant 640 : i32
    %mul3A_29 = arith.muli %arg1, %mul3A_28 : i32
    "tpu.region"() ({
      %run_scoped3A = tpu.sem_alloc : memref<!tpu.dma_semaphore, #tpu.memory_space<semaphore_mem>>
      %dma_start3A = arith.constant 0 : i32
      %dma_start3A_30 = tpu.memref_slice %arg6[%arg0, %mul3A_29, %dma_start3A] : memref<2x10240x128xf32, #tpu.memory_space<hbm>> -> memref<1x640x128xf32, #tpu.memory_space<hbm>>
      %dma_start3A_31 = tpu.memref_squeeze %dma_start3A_30 : memref<1x640x128xf32, #tpu.memory_space<hbm>> -> memref<640x128xf32, #tpu.memory_space<hbm>>
      %dma_start3A_32 = arith.constant 0 : i32
      %dma_start3A_33 = tpu.memref_slice %arg15[%mul3A_27, %dma_start3A_32] : memref<10240x128xf32, #tpu.memory_space<vmem_shared>> -> memref<640x128xf32, #tpu.memory_space<vmem_shared>>
      tpu.enqueue_dma source(%dma_start3A_33 : memref<640x128xf32, #tpu.memory_space<vmem_shared>>) target(%dma_start3A_31 : memref<640x128xf32, #tpu.memory_space<hbm>>) target_semaphore(%run_scoped3A : memref<!tpu.dma_semaphore, #tpu.memory_space<semaphore_mem>>)
      %dma_wait3A = arith.constant 0 : i32
      %dma_wait3A_34 = tpu.memref_slice %arg6[%arg0, %mul3A_29, %dma_wait3A] : memref<2x10240x128xf32, #tpu.memory_space<hbm>> -> memref<1x640x128xf32, #tpu.memory_space<hbm>>
      %dma_wait3A_35 = tpu.memref_squeeze %dma_wait3A_34 : memref<1x640x128xf32, #tpu.memory_space<hbm>> -> memref<640x128xf32, #tpu.memory_space<hbm>>
      %dma_wait3A_36 = arith.constant 0 : i32
      %dma_wait3A_37 = tpu.memref_slice %arg15[%mul3A_27, %dma_wait3A_36] : memref<10240x128xf32, #tpu.memory_space<vmem_shared>> -> memref<640x128xf32, #tpu.memory_space<vmem_shared>>
      tpu.wait_dma2 semaphore(%run_scoped3A : memref<!tpu.dma_semaphore, #tpu.memory_space<semaphore_mem>>) src(%dma_wait3A_37 : memref<640x128xf32, #tpu.memory_space<vmem_shared>>) dst(%dma_wait3A_35 : memref<640x128xf32, #tpu.memory_space<hbm>>)
      tpu.yield
    }) : () -> ()
    return
  }
}

#map = affine_map<(d0, d1) -> (0, 0)>
#map1 = affine_map<(d0, d1) -> (0, 0, 0)>
module attributes {stable_mosaic.version = 14 : i64} {
  func.func @scat_kernel(%arg0: i32, %arg1: i32, %arg2: memref<10240x128xf32, #tpu.memory_space<hbm>>, %arg3: memref<32x80x128xi32, #tpu.memory_space<hbm>>, %arg4: memref<32x80x128xi32, #tpu.memory_space<hbm>>, %arg5: memref<128x128xf32, #tpu.memory_space<hbm>>, %arg6: memref<2x10240x128xf32, #tpu.memory_space<hbm>>, %arg7: memref<128xi32, #tpu.memory_space<vmem>>, %arg8: memref<128xi32, #tpu.memory_space<vmem>>, %arg9: memref<128xi32, #tpu.memory_space<vmem>>, %arg10: memref<128xi32, #tpu.memory_space<vmem>>, %arg11: memref<128x128xf32, #tpu.memory_space<vmem>>, %arg12: memref<128x128xf32, #tpu.memory_space<vmem>>, %arg13: memref<!tpu.dma_semaphore, #tpu.memory_space<semaphore_mem>>, %arg14: memref<!tpu.dma_semaphore, #tpu.memory_space<semaphore_mem>>, %arg15: memref<10240x128xf32, #tpu.memory_space<vmem_shared>>) attributes {dimension_semantics = [#tpu.dimension_semantics<core_parallel>, #tpu.dimension_semantics<subcore_parallel>], iteration_bounds = array<i64: 2, 16>, scalar_prefetch = 0 : i64, scratch_operands = 9 : i64, tpu.core_type = #tpu.core_type<sc_vector_subcore>, window_params = [{transform_indices = #map}, {transform_indices = #map1}, {transform_indices = #map1}, {transform_indices = #map}, {transform_indices = #map1}]} {
    %mul3A = arith.constant 2 : i32
    %mul3A_0 = arith.muli %arg1, %mul3A : i32
    %add3A = arith.addi %mul3A_0, %arg0 : i32
    "tpu.region"() ({
      %run_scoped3A = tpu.sem_alloc : memref<!tpu.dma_semaphore, #tpu.memory_space<semaphore_mem>>
      tpu.enqueue_dma source(%arg5 : memref<128x128xf32, #tpu.memory_space<hbm>>) target(%arg11 : memref<128x128xf32, #tpu.memory_space<vmem>>) target_semaphore(%run_scoped3A : memref<!tpu.dma_semaphore, #tpu.memory_space<semaphore_mem>>)
      tpu.wait_dma2 semaphore(%run_scoped3A : memref<!tpu.dma_semaphore, #tpu.memory_space<semaphore_mem>>) src(%arg5 : memref<128x128xf32, #tpu.memory_space<hbm>>) dst(%arg11 : memref<128x128xf32, #tpu.memory_space<vmem>>)
      tpu.yield
    }) : () -> ()
    %mul3A_1 = arith.constant 640 : i32
    %mul3A_2 = arith.muli %arg1, %mul3A_1 : i32
    %add3A_3 = arith.constant 0 : i32
    %add3A_4 = arith.addi %mul3A_2, %add3A_3 : i32
    "tpu.region"() ({
      %run_scoped3A = tpu.sem_alloc : memref<!tpu.dma_semaphore, #tpu.memory_space<semaphore_mem>>
      %dma_start3A = arith.constant 0 : i32
      %dma_start3A_30 = tpu.memref_slice %arg15[%add3A_4, %dma_start3A] : memref<10240x128xf32, #tpu.memory_space<vmem_shared>> -> memref<128x128xf32, #tpu.memory_space<vmem_shared>>
      %dma_start3A_31 = arith.constant 0 : i32
      %dma_start3A_32 = tpu.memref_slice %arg15[%add3A_4, %dma_start3A_31] : memref<10240x128xf32, #tpu.memory_space<vmem_shared>> -> memref<128x128xf32, #tpu.memory_space<vmem_shared>>
      tpu.enqueue_dma source(%arg11 : memref<128x128xf32, #tpu.memory_space<vmem>>) target(%dma_start3A_32 : memref<128x128xf32, #tpu.memory_space<vmem_shared>>) target_semaphore(%run_scoped3A : memref<!tpu.dma_semaphore, #tpu.memory_space<semaphore_mem>>)
      %dma_wait3A = arith.constant 0 : i32
      %dma_wait3A_33 = tpu.memref_slice %arg15[%add3A_4, %dma_wait3A] : memref<10240x128xf32, #tpu.memory_space<vmem_shared>> -> memref<128x128xf32, #tpu.memory_space<vmem_shared>>
      %dma_wait3A_34 = arith.constant 0 : i32
      %dma_wait3A_35 = tpu.memref_slice %arg15[%add3A_4, %dma_wait3A_34] : memref<10240x128xf32, #tpu.memory_space<vmem_shared>> -> memref<128x128xf32, #tpu.memory_space<vmem_shared>>
      tpu.wait_dma2 semaphore(%run_scoped3A : memref<!tpu.dma_semaphore, #tpu.memory_space<semaphore_mem>>) src(%arg11 : memref<128x128xf32, #tpu.memory_space<vmem>>) dst(%dma_wait3A_35 : memref<128x128xf32, #tpu.memory_space<vmem_shared>>)
      tpu.yield
    }) : () -> ()
    %mul3A_5 = arith.constant 640 : i32
    %mul3A_6 = arith.muli %arg1, %mul3A_5 : i32
    %add3A_7 = arith.constant 128 : i32
    %add3A_8 = arith.addi %mul3A_6, %add3A_7 : i32
    "tpu.region"() ({
      %run_scoped3A = tpu.sem_alloc : memref<!tpu.dma_semaphore, #tpu.memory_space<semaphore_mem>>
      %dma_start3A = arith.constant 0 : i32
      %dma_start3A_30 = tpu.memref_slice %arg15[%add3A_8, %dma_start3A] : memref<10240x128xf32, #tpu.memory_space<vmem_shared>> -> memref<128x128xf32, #tpu.memory_space<vmem_shared>>
      %dma_start3A_31 = arith.constant 0 : i32
      %dma_start3A_32 = tpu.memref_slice %arg15[%add3A_8, %dma_start3A_31] : memref<10240x128xf32, #tpu.memory_space<vmem_shared>> -> memref<128x128xf32, #tpu.memory_space<vmem_shared>>
      tpu.enqueue_dma source(%arg11 : memref<128x128xf32, #tpu.memory_space<vmem>>) target(%dma_start3A_32 : memref<128x128xf32, #tpu.memory_space<vmem_shared>>) target_semaphore(%run_scoped3A : memref<!tpu.dma_semaphore, #tpu.memory_space<semaphore_mem>>)
      %dma_wait3A = arith.constant 0 : i32
      %dma_wait3A_33 = tpu.memref_slice %arg15[%add3A_8, %dma_wait3A] : memref<10240x128xf32, #tpu.memory_space<vmem_shared>> -> memref<128x128xf32, #tpu.memory_space<vmem_shared>>
      %dma_wait3A_34 = arith.constant 0 : i32
      %dma_wait3A_35 = tpu.memref_slice %arg15[%add3A_8, %dma_wait3A_34] : memref<10240x128xf32, #tpu.memory_space<vmem_shared>> -> memref<128x128xf32, #tpu.memory_space<vmem_shared>>
      tpu.wait_dma2 semaphore(%run_scoped3A : memref<!tpu.dma_semaphore, #tpu.memory_space<semaphore_mem>>) src(%arg11 : memref<128x128xf32, #tpu.memory_space<vmem>>) dst(%dma_wait3A_35 : memref<128x128xf32, #tpu.memory_space<vmem_shared>>)
      tpu.yield
    }) : () -> ()
    %mul3A_9 = arith.constant 640 : i32
    %mul3A_10 = arith.muli %arg1, %mul3A_9 : i32
    %add3A_11 = arith.constant 256 : i32
    %add3A_12 = arith.addi %mul3A_10, %add3A_11 : i32
    "tpu.region"() ({
      %run_scoped3A = tpu.sem_alloc : memref<!tpu.dma_semaphore, #tpu.memory_space<semaphore_mem>>
      %dma_start3A = arith.constant 0 : i32
      %dma_start3A_30 = tpu.memref_slice %arg15[%add3A_12, %dma_start3A] : memref<10240x128xf32, #tpu.memory_space<vmem_shared>> -> memref<128x128xf32, #tpu.memory_space<vmem_shared>>
      %dma_start3A_31 = arith.constant 0 : i32
      %dma_start3A_32 = tpu.memref_slice %arg15[%add3A_12, %dma_start3A_31] : memref<10240x128xf32, #tpu.memory_space<vmem_shared>> -> memref<128x128xf32, #tpu.memory_space<vmem_shared>>
      tpu.enqueue_dma source(%arg11 : memref<128x128xf32, #tpu.memory_space<vmem>>) target(%dma_start3A_32 : memref<128x128xf32, #tpu.memory_space<vmem_shared>>) target_semaphore(%run_scoped3A : memref<!tpu.dma_semaphore, #tpu.memory_space<semaphore_mem>>)
      %dma_wait3A = arith.constant 0 : i32
      %dma_wait3A_33 = tpu.memref_slice %arg15[%add3A_12, %dma_wait3A] : memref<10240x128xf32, #tpu.memory_space<vmem_shared>> -> memref<128x128xf32, #tpu.memory_space<vmem_shared>>
      %dma_wait3A_34 = arith.constant 0 : i32
      %dma_wait3A_35 = tpu.memref_slice %arg15[%add3A_12, %dma_wait3A_34] : memref<10240x128xf32, #tpu.memory_space<vmem_shared>> -> memref<128x128xf32, #tpu.memory_space<vmem_shared>>
      tpu.wait_dma2 semaphore(%run_scoped3A : memref<!tpu.dma_semaphore, #tpu.memory_space<semaphore_mem>>) src(%arg11 : memref<128x128xf32, #tpu.memory_space<vmem>>) dst(%dma_wait3A_35 : memref<128x128xf32, #tpu.memory_space<vmem_shared>>)
      tpu.yield
    }) : () -> ()
    %mul3A_13 = arith.constant 640 : i32
    %mul3A_14 = arith.muli %arg1, %mul3A_13 : i32
    %add3A_15 = arith.constant 384 : i32
    %add3A_16 = arith.addi %mul3A_14, %add3A_15 : i32
    "tpu.region"() ({
      %run_scoped3A = tpu.sem_alloc : memref<!tpu.dma_semaphore, #tpu.memory_space<semaphore_mem>>
      %dma_start3A = arith.constant 0 : i32
      %dma_start3A_30 = tpu.memref_slice %arg15[%add3A_16, %dma_start3A] : memref<10240x128xf32, #tpu.memory_space<vmem_shared>> -> memref<128x128xf32, #tpu.memory_space<vmem_shared>>
      %dma_start3A_31 = arith.constant 0 : i32
      %dma_start3A_32 = tpu.memref_slice %arg15[%add3A_16, %dma_start3A_31] : memref<10240x128xf32, #tpu.memory_space<vmem_shared>> -> memref<128x128xf32, #tpu.memory_space<vmem_shared>>
      tpu.enqueue_dma source(%arg11 : memref<128x128xf32, #tpu.memory_space<vmem>>) target(%dma_start3A_32 : memref<128x128xf32, #tpu.memory_space<vmem_shared>>) target_semaphore(%run_scoped3A : memref<!tpu.dma_semaphore, #tpu.memory_space<semaphore_mem>>)
      %dma_wait3A = arith.constant 0 : i32
      %dma_wait3A_33 = tpu.memref_slice %arg15[%add3A_16, %dma_wait3A] : memref<10240x128xf32, #tpu.memory_space<vmem_shared>> -> memref<128x128xf32, #tpu.memory_space<vmem_shared>>
      %dma_wait3A_34 = arith.constant 0 : i32
      %dma_wait3A_35 = tpu.memref_slice %arg15[%add3A_16, %dma_wait3A_34] : memref<10240x128xf32, #tpu.memory_space<vmem_shared>> -> memref<128x128xf32, #tpu.memory_space<vmem_shared>>
      tpu.wait_dma2 semaphore(%run_scoped3A : memref<!tpu.dma_semaphore, #tpu.memory_space<semaphore_mem>>) src(%arg11 : memref<128x128xf32, #tpu.memory_space<vmem>>) dst(%dma_wait3A_35 : memref<128x128xf32, #tpu.memory_space<vmem_shared>>)
      tpu.yield
    }) : () -> ()
    %mul3A_17 = arith.constant 640 : i32
    %mul3A_18 = arith.muli %arg1, %mul3A_17 : i32
    %add3A_19 = arith.constant 512 : i32
    %add3A_20 = arith.addi %mul3A_18, %add3A_19 : i32
    "tpu.region"() ({
      %run_scoped3A = tpu.sem_alloc : memref<!tpu.dma_semaphore, #tpu.memory_space<semaphore_mem>>
      %dma_start3A = arith.constant 0 : i32
      %dma_start3A_30 = tpu.memref_slice %arg15[%add3A_20, %dma_start3A] : memref<10240x128xf32, #tpu.memory_space<vmem_shared>> -> memref<128x128xf32, #tpu.memory_space<vmem_shared>>
      %dma_start3A_31 = arith.constant 0 : i32
      %dma_start3A_32 = tpu.memref_slice %arg15[%add3A_20, %dma_start3A_31] : memref<10240x128xf32, #tpu.memory_space<vmem_shared>> -> memref<128x128xf32, #tpu.memory_space<vmem_shared>>
      tpu.enqueue_dma source(%arg11 : memref<128x128xf32, #tpu.memory_space<vmem>>) target(%dma_start3A_32 : memref<128x128xf32, #tpu.memory_space<vmem_shared>>) target_semaphore(%run_scoped3A : memref<!tpu.dma_semaphore, #tpu.memory_space<semaphore_mem>>)
      %dma_wait3A = arith.constant 0 : i32
      %dma_wait3A_33 = tpu.memref_slice %arg15[%add3A_20, %dma_wait3A] : memref<10240x128xf32, #tpu.memory_space<vmem_shared>> -> memref<128x128xf32, #tpu.memory_space<vmem_shared>>
      %dma_wait3A_34 = arith.constant 0 : i32
      %dma_wait3A_35 = tpu.memref_slice %arg15[%add3A_20, %dma_wait3A_34] : memref<10240x128xf32, #tpu.memory_space<vmem_shared>> -> memref<128x128xf32, #tpu.memory_space<vmem_shared>>
      tpu.wait_dma2 semaphore(%run_scoped3A : memref<!tpu.dma_semaphore, #tpu.memory_space<semaphore_mem>>) src(%arg11 : memref<128x128xf32, #tpu.memory_space<vmem>>) dst(%dma_wait3A_35 : memref<128x128xf32, #tpu.memory_space<vmem_shared>>)
      tpu.yield
    }) : () -> ()
    %barrier3A = arith.constant 0 : index
    tpu.barrier barrier_id(%barrier3A)
    %scan3A = arith.constant 0 : i32
    %scan3A_21 = arith.constant 40 : i32
    %scan3A_22 = arith.addi %scan3A, %scan3A_21 : i32
    %scan3A_23 = arith.constant 1 : i32
    scf.for %scan3A_30 = %scan3A to %scan3A_22 step %scan3A_23  : i32 {
      %mul3A_31 = arith.constant 2 : i32
      %mul3A_32 = arith.muli %scan3A_30, %mul3A_31 : i32
      %add3A_33 = arith.constant 0 : i32
      %add3A_34 = arith.addi %add3A_33, %mul3A_32 : i32
      "tpu.region"() ({
        %run_scoped3A = tpu.sem_alloc : memref<!tpu.dma_semaphore, #tpu.memory_space<semaphore_mem>>
        %dma_start3A_49 = arith.constant 0 : i32
        %dma_start3A_50 = tpu.memref_slice %arg3[%add3A, %add3A_34, %dma_start3A_49] : memref<32x80x128xi32, #tpu.memory_space<hbm>> -> memref<1x1x128xi32, #tpu.memory_space<hbm>>
        %dma_start3A_51 = tpu.memref_squeeze %dma_start3A_50 : memref<1x1x128xi32, #tpu.memory_space<hbm>> -> memref<128xi32, #tpu.memory_space<hbm>>
        %dma_start3A_52 = arith.constant 0 : i32
        %dma_start3A_53 = tpu.memref_slice %arg3[%add3A, %add3A_34, %dma_start3A_52] : memref<32x80x128xi32, #tpu.memory_space<hbm>> -> memref<1x1x128xi32, #tpu.memory_space<hbm>>
        %dma_start3A_54 = tpu.memref_squeeze %dma_start3A_53 : memref<1x1x128xi32, #tpu.memory_space<hbm>> -> memref<128xi32, #tpu.memory_space<hbm>>
        tpu.enqueue_dma source(%dma_start3A_54 : memref<128xi32, #tpu.memory_space<hbm>>) target(%arg7 : memref<128xi32, #tpu.memory_space<vmem>>) target_semaphore(%run_scoped3A : memref<!tpu.dma_semaphore, #tpu.memory_space<semaphore_mem>>)
        %dma_wait3A_55 = arith.constant 0 : i32
        %dma_wait3A_56 = tpu.memref_slice %arg3[%add3A, %add3A_34, %dma_wait3A_55] : memref<32x80x128xi32, #tpu.memory_space<hbm>> -> memref<1x1x128xi32, #tpu.memory_space<hbm>>
        %dma_wait3A_57 = tpu.memref_squeeze %dma_wait3A_56 : memref<1x1x128xi32, #tpu.memory_space<hbm>> -> memref<128xi32, #tpu.memory_space<hbm>>
        %dma_wait3A_58 = arith.constant 0 : i32
        %dma_wait3A_59 = tpu.memref_slice %arg3[%add3A, %add3A_34, %dma_wait3A_58] : memref<32x80x128xi32, #tpu.memory_space<hbm>> -> memref<1x1x128xi32, #tpu.memory_space<hbm>>
        %dma_wait3A_60 = tpu.memref_squeeze %dma_wait3A_59 : memref<1x1x128xi32, #tpu.memory_space<hbm>> -> memref<128xi32, #tpu.memory_space<hbm>>
        tpu.wait_dma2 semaphore(%run_scoped3A : memref<!tpu.dma_semaphore, #tpu.memory_space<semaphore_mem>>) src(%dma_wait3A_60 : memref<128xi32, #tpu.memory_space<hbm>>) dst(%arg7 : memref<128xi32, #tpu.memory_space<vmem>>)
        tpu.yield
      }) : () -> ()
      "tpu.region"() ({
        %run_scoped3A = tpu.sem_alloc : memref<!tpu.dma_semaphore, #tpu.memory_space<semaphore_mem>>
        %dma_start3A_49 = arith.constant 0 : i32
        %dma_start3A_50 = tpu.memref_slice %arg4[%add3A, %add3A_34, %dma_start3A_49] : memref<32x80x128xi32, #tpu.memory_space<hbm>> -> memref<1x1x128xi32, #tpu.memory_space<hbm>>
        %dma_start3A_51 = tpu.memref_squeeze %dma_start3A_50 : memref<1x1x128xi32, #tpu.memory_space<hbm>> -> memref<128xi32, #tpu.memory_space<hbm>>
        %dma_start3A_52 = arith.constant 0 : i32
        %dma_start3A_53 = tpu.memref_slice %arg4[%add3A, %add3A_34, %dma_start3A_52] : memref<32x80x128xi32, #tpu.memory_space<hbm>> -> memref<1x1x128xi32, #tpu.memory_space<hbm>>
        %dma_start3A_54 = tpu.memref_squeeze %dma_start3A_53 : memref<1x1x128xi32, #tpu.memory_space<hbm>> -> memref<128xi32, #tpu.memory_space<hbm>>
        tpu.enqueue_dma source(%dma_start3A_54 : memref<128xi32, #tpu.memory_space<hbm>>) target(%arg8 : memref<128xi32, #tpu.memory_space<vmem>>) target_semaphore(%run_scoped3A : memref<!tpu.dma_semaphore, #tpu.memory_space<semaphore_mem>>)
        %dma_wait3A_55 = arith.constant 0 : i32
        %dma_wait3A_56 = tpu.memref_slice %arg4[%add3A, %add3A_34, %dma_wait3A_55] : memref<32x80x128xi32, #tpu.memory_space<hbm>> -> memref<1x1x128xi32, #tpu.memory_space<hbm>>
        %dma_wait3A_57 = tpu.memref_squeeze %dma_wait3A_56 : memref<1x1x128xi32, #tpu.memory_space<hbm>> -> memref<128xi32, #tpu.memory_space<hbm>>
        %dma_wait3A_58 = arith.constant 0 : i32
        %dma_wait3A_59 = tpu.memref_slice %arg4[%add3A, %add3A_34, %dma_wait3A_58] : memref<32x80x128xi32, #tpu.memory_space<hbm>> -> memref<1x1x128xi32, #tpu.memory_space<hbm>>
        %dma_wait3A_60 = tpu.memref_squeeze %dma_wait3A_59 : memref<1x1x128xi32, #tpu.memory_space<hbm>> -> memref<128xi32, #tpu.memory_space<hbm>>
        tpu.wait_dma2 semaphore(%run_scoped3A : memref<!tpu.dma_semaphore, #tpu.memory_space<semaphore_mem>>) src(%dma_wait3A_60 : memref<128xi32, #tpu.memory_space<hbm>>) dst(%arg8 : memref<128xi32, #tpu.memory_space<vmem>>)
        tpu.yield
      }) : () -> ()
      %dma_start3A = arith.constant 0 : i32
      %dma_start3A_35 = arith.constant 0 : i32
      %dma_start3A_36 = tpu.memref_slice %arg2[%dma_start3A, %dma_start3A_35] : memref<10240x128xf32, #tpu.memory_space<hbm>> -> memref<10240x128xf32, #tpu.memory_space<hbm>>
      tpu.enqueue_indirect_dma source(%dma_start3A_36 : memref<10240x128xf32, #tpu.memory_space<hbm>>) target(%arg11 : memref<128x128xf32, #tpu.memory_space<vmem>>) offsets(%arg7 : memref<128xi32, #tpu.memory_space<vmem>>) semaphore(%arg13 : memref<!tpu.dma_semaphore, #tpu.memory_space<semaphore_mem>>)
      %add3A_37 = arith.constant 1 : i32
      %add3A_38 = arith.addi %add3A_34, %add3A_37 : i32
      "tpu.region"() ({
        %run_scoped3A = tpu.sem_alloc : memref<!tpu.dma_semaphore, #tpu.memory_space<semaphore_mem>>
        %dma_start3A_49 = arith.constant 0 : i32
        %dma_start3A_50 = tpu.memref_slice %arg3[%add3A, %add3A_38, %dma_start3A_49] : memref<32x80x128xi32, #tpu.memory_space<hbm>> -> memref<1x1x128xi32, #tpu.memory_space<hbm>>
        %dma_start3A_51 = tpu.memref_squeeze %dma_start3A_50 : memref<1x1x128xi32, #tpu.memory_space<hbm>> -> memref<128xi32, #tpu.memory_space<hbm>>
        %dma_start3A_52 = arith.constant 0 : i32
        %dma_start3A_53 = tpu.memref_slice %arg3[%add3A, %add3A_38, %dma_start3A_52] : memref<32x80x128xi32, #tpu.memory_space<hbm>> -> memref<1x1x128xi32, #tpu.memory_space<hbm>>
        %dma_start3A_54 = tpu.memref_squeeze %dma_start3A_53 : memref<1x1x128xi32, #tpu.memory_space<hbm>> -> memref<128xi32, #tpu.memory_space<hbm>>
        tpu.enqueue_dma source(%dma_start3A_54 : memref<128xi32, #tpu.memory_space<hbm>>) target(%arg9 : memref<128xi32, #tpu.memory_space<vmem>>) target_semaphore(%run_scoped3A : memref<!tpu.dma_semaphore, #tpu.memory_space<semaphore_mem>>)
        %dma_wait3A_55 = arith.constant 0 : i32
        %dma_wait3A_56 = tpu.memref_slice %arg3[%add3A, %add3A_38, %dma_wait3A_55] : memref<32x80x128xi32, #tpu.memory_space<hbm>> -> memref<1x1x128xi32, #tpu.memory_space<hbm>>
        %dma_wait3A_57 = tpu.memref_squeeze %dma_wait3A_56 : memref<1x1x128xi32, #tpu.memory_space<hbm>> -> memref<128xi32, #tpu.memory_space<hbm>>
        %dma_wait3A_58 = arith.constant 0 : i32
        %dma_wait3A_59 = tpu.memref_slice %arg3[%add3A, %add3A_38, %dma_wait3A_58] : memref<32x80x128xi32, #tpu.memory_space<hbm>> -> memref<1x1x128xi32, #tpu.memory_space<hbm>>
        %dma_wait3A_60 = tpu.memref_squeeze %dma_wait3A_59 : memref<1x1x128xi32, #tpu.memory_space<hbm>> -> memref<128xi32, #tpu.memory_space<hbm>>
        tpu.wait_dma2 semaphore(%run_scoped3A : memref<!tpu.dma_semaphore, #tpu.memory_space<semaphore_mem>>) src(%dma_wait3A_60 : memref<128xi32, #tpu.memory_space<hbm>>) dst(%arg9 : memref<128xi32, #tpu.memory_space<vmem>>)
        tpu.yield
      }) : () -> ()
      %add3A_39 = arith.constant 1 : i32
      %add3A_40 = arith.addi %add3A_34, %add3A_39 : i32
      "tpu.region"() ({
        %run_scoped3A = tpu.sem_alloc : memref<!tpu.dma_semaphore, #tpu.memory_space<semaphore_mem>>
        %dma_start3A_49 = arith.constant 0 : i32
        %dma_start3A_50 = tpu.memref_slice %arg4[%add3A, %add3A_40, %dma_start3A_49] : memref<32x80x128xi32, #tpu.memory_space<hbm>> -> memref<1x1x128xi32, #tpu.memory_space<hbm>>
        %dma_start3A_51 = tpu.memref_squeeze %dma_start3A_50 : memref<1x1x128xi32, #tpu.memory_space<hbm>> -> memref<128xi32, #tpu.memory_space<hbm>>
        %dma_start3A_52 = arith.constant 0 : i32
        %dma_start3A_53 = tpu.memref_slice %arg4[%add3A, %add3A_40, %dma_start3A_52] : memref<32x80x128xi32, #tpu.memory_space<hbm>> -> memref<1x1x128xi32, #tpu.memory_space<hbm>>
        %dma_start3A_54 = tpu.memref_squeeze %dma_start3A_53 : memref<1x1x128xi32, #tpu.memory_space<hbm>> -> memref<128xi32, #tpu.memory_space<hbm>>
        tpu.enqueue_dma source(%dma_start3A_54 : memref<128xi32, #tpu.memory_space<hbm>>) target(%arg10 : memref<128xi32, #tpu.memory_space<vmem>>) target_semaphore(%run_scoped3A : memref<!tpu.dma_semaphore, #tpu.memory_space<semaphore_mem>>)
        %dma_wait3A_55 = arith.constant 0 : i32
        %dma_wait3A_56 = tpu.memref_slice %arg4[%add3A, %add3A_40, %dma_wait3A_55] : memref<32x80x128xi32, #tpu.memory_space<hbm>> -> memref<1x1x128xi32, #tpu.memory_space<hbm>>
        %dma_wait3A_57 = tpu.memref_squeeze %dma_wait3A_56 : memref<1x1x128xi32, #tpu.memory_space<hbm>> -> memref<128xi32, #tpu.memory_space<hbm>>
        %dma_wait3A_58 = arith.constant 0 : i32
        %dma_wait3A_59 = tpu.memref_slice %arg4[%add3A, %add3A_40, %dma_wait3A_58] : memref<32x80x128xi32, #tpu.memory_space<hbm>> -> memref<1x1x128xi32, #tpu.memory_space<hbm>>
        %dma_wait3A_60 = tpu.memref_squeeze %dma_wait3A_59 : memref<1x1x128xi32, #tpu.memory_space<hbm>> -> memref<128xi32, #tpu.memory_space<hbm>>
        tpu.wait_dma2 semaphore(%run_scoped3A : memref<!tpu.dma_semaphore, #tpu.memory_space<semaphore_mem>>) src(%dma_wait3A_60 : memref<128xi32, #tpu.memory_space<hbm>>) dst(%arg10 : memref<128xi32, #tpu.memory_space<vmem>>)
        tpu.yield
      }) : () -> ()
      %dma_wait3A = arith.constant 0 : i32
      %dma_wait3A_41 = arith.constant 0 : i32
      %dma_wait3A_42 = tpu.memref_slice %arg2[%dma_wait3A, %dma_wait3A_41] : memref<10240x128xf32, #tpu.memory_space<hbm>> -> memref<10240x128xf32, #tpu.memory_space<hbm>>
      tpu.wait_indirect_dma semaphore(%arg13 : memref<!tpu.dma_semaphore, #tpu.memory_space<semaphore_mem>>) src(%dma_wait3A_42 : memref<10240x128xf32, #tpu.memory_space<hbm>>) dst(%arg11 : memref<128x128xf32, #tpu.memory_space<vmem>>)
      %dma_start3A_43 = arith.constant 0 : i32
      %dma_start3A_44 = arith.constant 0 : i32
      %dma_start3A_45 = tpu.memref_slice %arg2[%dma_start3A_43, %dma_start3A_44] : memref<10240x128xf32, #tpu.memory_space<hbm>> -> memref<10240x128xf32, #tpu.memory_space<hbm>>
      tpu.enqueue_indirect_dma source(%dma_start3A_45 : memref<10240x128xf32, #tpu.memory_space<hbm>>) target(%arg12 : memref<128x128xf32, #tpu.memory_space<vmem>>) offsets(%arg9 : memref<128xi32, #tpu.memory_space<vmem>>) semaphore(%arg14 : memref<!tpu.dma_semaphore, #tpu.memory_space<semaphore_mem>>)
      "tpu.region"() ({
        %run_scoped3A = tpu.sem_alloc : memref<!tpu.dma_semaphore, #tpu.memory_space<semaphore_mem>>
        %dma_start3A_49 = arith.constant 0 : i32
        %dma_start3A_50 = arith.constant 0 : i32
        %dma_start3A_51 = tpu.memref_slice %arg15[%dma_start3A_49, %dma_start3A_50] : memref<10240x128xf32, #tpu.memory_space<vmem_shared>> -> memref<10240x128xf32, #tpu.memory_space<vmem_shared>>
        tpu.enqueue_indirect_dma source(%arg11 : memref<128x128xf32, #tpu.memory_space<vmem>>) target(%dma_start3A_51 : memref<10240x128xf32, #tpu.memory_space<vmem_shared>>) offsets(%arg8 : memref<128xi32, #tpu.memory_space<vmem>>) semaphore(%run_scoped3A : memref<!tpu.dma_semaphore, #tpu.memory_space<semaphore_mem>>) {add = true}
        %dma_wait3A_52 = arith.constant 0 : i32
        %dma_wait3A_53 = arith.constant 0 : i32
        %dma_wait3A_54 = tpu.memref_slice %arg15[%dma_wait3A_52, %dma_wait3A_53] : memref<10240x128xf32, #tpu.memory_space<vmem_shared>> -> memref<10240x128xf32, #tpu.memory_space<vmem_shared>>
        tpu.wait_indirect_dma semaphore(%run_scoped3A : memref<!tpu.dma_semaphore, #tpu.memory_space<semaphore_mem>>) src(%arg11 : memref<128x128xf32, #tpu.memory_space<vmem>>) dst(%dma_wait3A_54 : memref<10240x128xf32, #tpu.memory_space<vmem_shared>>)
        tpu.yield
      }) : () -> ()
      %dma_wait3A_46 = arith.constant 0 : i32
      %dma_wait3A_47 = arith.constant 0 : i32
      %dma_wait3A_48 = tpu.memref_slice %arg2[%dma_wait3A_46, %dma_wait3A_47] : memref<10240x128xf32, #tpu.memory_space<hbm>> -> memref<10240x128xf32, #tpu.memory_space<hbm>>
      tpu.wait_indirect_dma semaphore(%arg14 : memref<!tpu.dma_semaphore, #tpu.memory_space<semaphore_mem>>) src(%dma_wait3A_48 : memref<10240x128xf32, #tpu.memory_space<hbm>>) dst(%arg12 : memref<128x128xf32, #tpu.memory_space<vmem>>)
      "tpu.region"() ({
        %run_scoped3A = tpu.sem_alloc : memref<!tpu.dma_semaphore, #tpu.memory_space<semaphore_mem>>
        %dma_start3A_49 = arith.constant 0 : i32
        %dma_start3A_50 = arith.constant 0 : i32
        %dma_start3A_51 = tpu.memref_slice %arg15[%dma_start3A_49, %dma_start3A_50] : memref<10240x128xf32, #tpu.memory_space<vmem_shared>> -> memref<10240x128xf32, #tpu.memory_space<vmem_shared>>
        tpu.enqueue_indirect_dma source(%arg12 : memref<128x128xf32, #tpu.memory_space<vmem>>) target(%dma_start3A_51 : memref<10240x128xf32, #tpu.memory_space<vmem_shared>>) offsets(%arg10 : memref<128xi32, #tpu.memory_space<vmem>>) semaphore(%run_scoped3A : memref<!tpu.dma_semaphore, #tpu.memory_space<semaphore_mem>>) {add = true}
        %dma_wait3A_52 = arith.constant 0 : i32
        %dma_wait3A_53 = arith.constant 0 : i32
        %dma_wait3A_54 = tpu.memref_slice %arg15[%dma_wait3A_52, %dma_wait3A_53] : memref<10240x128xf32, #tpu.memory_space<vmem_shared>> -> memref<10240x128xf32, #tpu.memory_space<vmem_shared>>
        tpu.wait_indirect_dma semaphore(%run_scoped3A : memref<!tpu.dma_semaphore, #tpu.memory_space<semaphore_mem>>) src(%arg12 : memref<128x128xf32, #tpu.memory_space<vmem>>) dst(%dma_wait3A_54 : memref<10240x128xf32, #tpu.memory_space<vmem_shared>>)
        tpu.yield
      }) : () -> ()
    }
    %scan3A_24 = arith.constant 40 : i32
    %barrier3A_25 = arith.constant 0 : index
    tpu.barrier barrier_id(%barrier3A_25)
    %mul3A_26 = arith.constant 640 : i32
    %mul3A_27 = arith.muli %arg1, %mul3A_26 : i32
    %mul3A_28 = arith.constant 640 : i32
    %mul3A_29 = arith.muli %arg1, %mul3A_28 : i32
    "tpu.region"() ({
      %run_scoped3A = tpu.sem_alloc : memref<!tpu.dma_semaphore, #tpu.memory_space<semaphore_mem>>
      %dma_start3A = arith.constant 0 : i32
      %dma_start3A_30 = tpu.memref_slice %arg6[%arg0, %mul3A_29, %dma_start3A] : memref<2x10240x128xf32, #tpu.memory_space<hbm>> -> memref<1x640x128xf32, #tpu.memory_space<hbm>>
      %dma_start3A_31 = tpu.memref_squeeze %dma_start3A_30 : memref<1x640x128xf32, #tpu.memory_space<hbm>> -> memref<640x128xf32, #tpu.memory_space<hbm>>
      %dma_start3A_32 = arith.constant 0 : i32
      %dma_start3A_33 = tpu.memref_slice %arg15[%mul3A_27, %dma_start3A_32] : memref<10240x128xf32, #tpu.memory_space<vmem_shared>> -> memref<640x128xf32, #tpu.memory_space<vmem_shared>>
      tpu.enqueue_dma source(%dma_start3A_33 : memref<640x128xf32, #tpu.memory_space<vmem_shared>>) target(%dma_start3A_31 : memref<640x128xf32, #tpu.memory_space<hbm>>) target_semaphore(%run_scoped3A : memref<!tpu.dma_semaphore, #tpu.memory_space<semaphore_mem>>)
      %dma_wait3A = arith.constant 0 : i32
      %dma_wait3A_34 = tpu.memref_slice %arg6[%arg0, %mul3A_29, %dma_wait3A] : memref<2x10240x128xf32, #tpu.memory_space<hbm>> -> memref<1x640x128xf32, #tpu.memory_space<hbm>>
      %dma_wait3A_35 = tpu.memref_squeeze %dma_wait3A_34 : memref<1x640x128xf32, #tpu.memory_space<hbm>> -> memref<640x128xf32, #tpu.memory_space<hbm>>
      %dma_wait3A_36 = arith.constant 0 : i32
      %dma_wait3A_37 = tpu.memref_slice %arg15[%mul3A_27, %dma_wait3A_36] : memref<10240x128xf32, #tpu.memory_space<vmem_shared>> -> memref<640x128xf32, #tpu.memory_space<vmem_shared>>
      tpu.wait_dma2 semaphore(%run_scoped3A : memref<!tpu.dma_semaphore, #tpu.memory_space<semaphore_mem>>) src(%dma_wait3A_37 : memref<640x128xf32, #tpu.memory_space<vmem_shared>>) dst(%dma_wait3A_35 : memref<640x128xf32, #tpu.memory_space<hbm>>)
      tpu.yield
    }) : () -> ()
    return
  }
}

#map = affine_map<(d0, d1) -> (0, 0)>
#map1 = affine_map<(d0, d1) -> (0, 0, 0)>
module attributes {stable_mosaic.version = 14 : i64} {
  func.func @scat_kernel(%arg0: i32, %arg1: i32, %arg2: memref<10240x128xf32, #tpu.memory_space<hbm>>, %arg3: memref<32x80x128xi32, #tpu.memory_space<hbm>>, %arg4: memref<32x80x128xi32, #tpu.memory_space<hbm>>, %arg5: memref<128x128xf32, #tpu.memory_space<hbm>>, %arg6: memref<2x10240x128xf32, #tpu.memory_space<hbm>>, %arg7: memref<128xi32, #tpu.memory_space<vmem>>, %arg8: memref<128xi32, #tpu.memory_space<vmem>>, %arg9: memref<128xi32, #tpu.memory_space<vmem>>, %arg10: memref<128xi32, #tpu.memory_space<vmem>>, %arg11: memref<128x128xf32, #tpu.memory_space<vmem>>, %arg12: memref<128x128xf32, #tpu.memory_space<vmem>>, %arg13: memref<!tpu.dma_semaphore, #tpu.memory_space<semaphore_mem>>, %arg14: memref<!tpu.dma_semaphore, #tpu.memory_space<semaphore_mem>>, %arg15: memref<10240x128xf32, #tpu.memory_space<vmem_shared>>) attributes {dimension_semantics = [#tpu.dimension_semantics<core_parallel>, #tpu.dimension_semantics<subcore_parallel>], iteration_bounds = array<i64: 2, 16>, scalar_prefetch = 0 : i64, scratch_operands = 9 : i64, tpu.core_type = #tpu.core_type<sc_vector_subcore>, window_params = [{transform_indices = #map}, {transform_indices = #map1}, {transform_indices = #map1}, {transform_indices = #map}, {transform_indices = #map1}]} {
    %mul3A = arith.constant 2 : i32
    %mul3A_0 = arith.muli %arg1, %mul3A : i32
    %add3A = arith.addi %mul3A_0, %arg0 : i32
    "tpu.region"() ({
      %run_scoped3A = tpu.sem_alloc : memref<!tpu.dma_semaphore, #tpu.memory_space<semaphore_mem>>
      tpu.enqueue_dma source(%arg5 : memref<128x128xf32, #tpu.memory_space<hbm>>) target(%arg11 : memref<128x128xf32, #tpu.memory_space<vmem>>) target_semaphore(%run_scoped3A : memref<!tpu.dma_semaphore, #tpu.memory_space<semaphore_mem>>)
      tpu.wait_dma2 semaphore(%run_scoped3A : memref<!tpu.dma_semaphore, #tpu.memory_space<semaphore_mem>>) src(%arg5 : memref<128x128xf32, #tpu.memory_space<hbm>>) dst(%arg11 : memref<128x128xf32, #tpu.memory_space<vmem>>)
      tpu.yield
    }) : () -> ()
    %mul3A_1 = arith.constant 640 : i32
    %mul3A_2 = arith.muli %arg1, %mul3A_1 : i32
    %add3A_3 = arith.constant 0 : i32
    %add3A_4 = arith.addi %mul3A_2, %add3A_3 : i32
    "tpu.region"() ({
      %run_scoped3A = tpu.sem_alloc : memref<!tpu.dma_semaphore, #tpu.memory_space<semaphore_mem>>
      %dma_start3A = arith.constant 0 : i32
      %dma_start3A_30 = tpu.memref_slice %arg15[%add3A_4, %dma_start3A] : memref<10240x128xf32, #tpu.memory_space<vmem_shared>> -> memref<128x128xf32, #tpu.memory_space<vmem_shared>>
      %dma_start3A_31 = arith.constant 0 : i32
      %dma_start3A_32 = tpu.memref_slice %arg15[%add3A_4, %dma_start3A_31] : memref<10240x128xf32, #tpu.memory_space<vmem_shared>> -> memref<128x128xf32, #tpu.memory_space<vmem_shared>>
      tpu.enqueue_dma source(%arg11 : memref<128x128xf32, #tpu.memory_space<vmem>>) target(%dma_start3A_32 : memref<128x128xf32, #tpu.memory_space<vmem_shared>>) target_semaphore(%run_scoped3A : memref<!tpu.dma_semaphore, #tpu.memory_space<semaphore_mem>>)
      %dma_wait3A = arith.constant 0 : i32
      %dma_wait3A_33 = tpu.memref_slice %arg15[%add3A_4, %dma_wait3A] : memref<10240x128xf32, #tpu.memory_space<vmem_shared>> -> memref<128x128xf32, #tpu.memory_space<vmem_shared>>
      %dma_wait3A_34 = arith.constant 0 : i32
      %dma_wait3A_35 = tpu.memref_slice %arg15[%add3A_4, %dma_wait3A_34] : memref<10240x128xf32, #tpu.memory_space<vmem_shared>> -> memref<128x128xf32, #tpu.memory_space<vmem_shared>>
      tpu.wait_dma2 semaphore(%run_scoped3A : memref<!tpu.dma_semaphore, #tpu.memory_space<semaphore_mem>>) src(%arg11 : memref<128x128xf32, #tpu.memory_space<vmem>>) dst(%dma_wait3A_35 : memref<128x128xf32, #tpu.memory_space<vmem_shared>>)
      tpu.yield
    }) : () -> ()
    %mul3A_5 = arith.constant 640 : i32
    %mul3A_6 = arith.muli %arg1, %mul3A_5 : i32
    %add3A_7 = arith.constant 128 : i32
    %add3A_8 = arith.addi %mul3A_6, %add3A_7 : i32
    "tpu.region"() ({
      %run_scoped3A = tpu.sem_alloc : memref<!tpu.dma_semaphore, #tpu.memory_space<semaphore_mem>>
      %dma_start3A = arith.constant 0 : i32
      %dma_start3A_30 = tpu.memref_slice %arg15[%add3A_8, %dma_start3A] : memref<10240x128xf32, #tpu.memory_space<vmem_shared>> -> memref<128x128xf32, #tpu.memory_space<vmem_shared>>
      %dma_start3A_31 = arith.constant 0 : i32
      %dma_start3A_32 = tpu.memref_slice %arg15[%add3A_8, %dma_start3A_31] : memref<10240x128xf32, #tpu.memory_space<vmem_shared>> -> memref<128x128xf32, #tpu.memory_space<vmem_shared>>
      tpu.enqueue_dma source(%arg11 : memref<128x128xf32, #tpu.memory_space<vmem>>) target(%dma_start3A_32 : memref<128x128xf32, #tpu.memory_space<vmem_shared>>) target_semaphore(%run_scoped3A : memref<!tpu.dma_semaphore, #tpu.memory_space<semaphore_mem>>)
      %dma_wait3A = arith.constant 0 : i32
      %dma_wait3A_33 = tpu.memref_slice %arg15[%add3A_8, %dma_wait3A] : memref<10240x128xf32, #tpu.memory_space<vmem_shared>> -> memref<128x128xf32, #tpu.memory_space<vmem_shared>>
      %dma_wait3A_34 = arith.constant 0 : i32
      %dma_wait3A_35 = tpu.memref_slice %arg15[%add3A_8, %dma_wait3A_34] : memref<10240x128xf32, #tpu.memory_space<vmem_shared>> -> memref<128x128xf32, #tpu.memory_space<vmem_shared>>
      tpu.wait_dma2 semaphore(%run_scoped3A : memref<!tpu.dma_semaphore, #tpu.memory_space<semaphore_mem>>) src(%arg11 : memref<128x128xf32, #tpu.memory_space<vmem>>) dst(%dma_wait3A_35 : memref<128x128xf32, #tpu.memory_space<vmem_shared>>)
      tpu.yield
    }) : () -> ()
    %mul3A_9 = arith.constant 640 : i32
    %mul3A_10 = arith.muli %arg1, %mul3A_9 : i32
    %add3A_11 = arith.constant 256 : i32
    %add3A_12 = arith.addi %mul3A_10, %add3A_11 : i32
    "tpu.region"() ({
      %run_scoped3A = tpu.sem_alloc : memref<!tpu.dma_semaphore, #tpu.memory_space<semaphore_mem>>
      %dma_start3A = arith.constant 0 : i32
      %dma_start3A_30 = tpu.memref_slice %arg15[%add3A_12, %dma_start3A] : memref<10240x128xf32, #tpu.memory_space<vmem_shared>> -> memref<128x128xf32, #tpu.memory_space<vmem_shared>>
      %dma_start3A_31 = arith.constant 0 : i32
      %dma_start3A_32 = tpu.memref_slice %arg15[%add3A_12, %dma_start3A_31] : memref<10240x128xf32, #tpu.memory_space<vmem_shared>> -> memref<128x128xf32, #tpu.memory_space<vmem_shared>>
      tpu.enqueue_dma source(%arg11 : memref<128x128xf32, #tpu.memory_space<vmem>>) target(%dma_start3A_32 : memref<128x128xf32, #tpu.memory_space<vmem_shared>>) target_semaphore(%run_scoped3A : memref<!tpu.dma_semaphore, #tpu.memory_space<semaphore_mem>>)
      %dma_wait3A = arith.constant 0 : i32
      %dma_wait3A_33 = tpu.memref_slice %arg15[%add3A_12, %dma_wait3A] : memref<10240x128xf32, #tpu.memory_space<vmem_shared>> -> memref<128x128xf32, #tpu.memory_space<vmem_shared>>
      %dma_wait3A_34 = arith.constant 0 : i32
      %dma_wait3A_35 = tpu.memref_slice %arg15[%add3A_12, %dma_wait3A_34] : memref<10240x128xf32, #tpu.memory_space<vmem_shared>> -> memref<128x128xf32, #tpu.memory_space<vmem_shared>>
      tpu.wait_dma2 semaphore(%run_scoped3A : memref<!tpu.dma_semaphore, #tpu.memory_space<semaphore_mem>>) src(%arg11 : memref<128x128xf32, #tpu.memory_space<vmem>>) dst(%dma_wait3A_35 : memref<128x128xf32, #tpu.memory_space<vmem_shared>>)
      tpu.yield
    }) : () -> ()
    %mul3A_13 = arith.constant 640 : i32
    %mul3A_14 = arith.muli %arg1, %mul3A_13 : i32
    %add3A_15 = arith.constant 384 : i32
    %add3A_16 = arith.addi %mul3A_14, %add3A_15 : i32
    "tpu.region"() ({
      %run_scoped3A = tpu.sem_alloc : memref<!tpu.dma_semaphore, #tpu.memory_space<semaphore_mem>>
      %dma_start3A = arith.constant 0 : i32
      %dma_start3A_30 = tpu.memref_slice %arg15[%add3A_16, %dma_start3A] : memref<10240x128xf32, #tpu.memory_space<vmem_shared>> -> memref<128x128xf32, #tpu.memory_space<vmem_shared>>
      %dma_start3A_31 = arith.constant 0 : i32
      %dma_start3A_32 = tpu.memref_slice %arg15[%add3A_16, %dma_start3A_31] : memref<10240x128xf32, #tpu.memory_space<vmem_shared>> -> memref<128x128xf32, #tpu.memory_space<vmem_shared>>
      tpu.enqueue_dma source(%arg11 : memref<128x128xf32, #tpu.memory_space<vmem>>) target(%dma_start3A_32 : memref<128x128xf32, #tpu.memory_space<vmem_shared>>) target_semaphore(%run_scoped3A : memref<!tpu.dma_semaphore, #tpu.memory_space<semaphore_mem>>)
      %dma_wait3A = arith.constant 0 : i32
      %dma_wait3A_33 = tpu.memref_slice %arg15[%add3A_16, %dma_wait3A] : memref<10240x128xf32, #tpu.memory_space<vmem_shared>> -> memref<128x128xf32, #tpu.memory_space<vmem_shared>>
      %dma_wait3A_34 = arith.constant 0 : i32
      %dma_wait3A_35 = tpu.memref_slice %arg15[%add3A_16, %dma_wait3A_34] : memref<10240x128xf32, #tpu.memory_space<vmem_shared>> -> memref<128x128xf32, #tpu.memory_space<vmem_shared>>
      tpu.wait_dma2 semaphore(%run_scoped3A : memref<!tpu.dma_semaphore, #tpu.memory_space<semaphore_mem>>) src(%arg11 : memref<128x128xf32, #tpu.memory_space<vmem>>) dst(%dma_wait3A_35 : memref<128x128xf32, #tpu.memory_space<vmem_shared>>)
      tpu.yield
    }) : () -> ()
    %mul3A_17 = arith.constant 640 : i32
    %mul3A_18 = arith.muli %arg1, %mul3A_17 : i32
    %add3A_19 = arith.constant 512 : i32
    %add3A_20 = arith.addi %mul3A_18, %add3A_19 : i32
    "tpu.region"() ({
      %run_scoped3A = tpu.sem_alloc : memref<!tpu.dma_semaphore, #tpu.memory_space<semaphore_mem>>
      %dma_start3A = arith.constant 0 : i32
      %dma_start3A_30 = tpu.memref_slice %arg15[%add3A_20, %dma_start3A] : memref<10240x128xf32, #tpu.memory_space<vmem_shared>> -> memref<128x128xf32, #tpu.memory_space<vmem_shared>>
      %dma_start3A_31 = arith.constant 0 : i32
      %dma_start3A_32 = tpu.memref_slice %arg15[%add3A_20, %dma_start3A_31] : memref<10240x128xf32, #tpu.memory_space<vmem_shared>> -> memref<128x128xf32, #tpu.memory_space<vmem_shared>>
      tpu.enqueue_dma source(%arg11 : memref<128x128xf32, #tpu.memory_space<vmem>>) target(%dma_start3A_32 : memref<128x128xf32, #tpu.memory_space<vmem_shared>>) target_semaphore(%run_scoped3A : memref<!tpu.dma_semaphore, #tpu.memory_space<semaphore_mem>>)
      %dma_wait3A = arith.constant 0 : i32
      %dma_wait3A_33 = tpu.memref_slice %arg15[%add3A_20, %dma_wait3A] : memref<10240x128xf32, #tpu.memory_space<vmem_shared>> -> memref<128x128xf32, #tpu.memory_space<vmem_shared>>
      %dma_wait3A_34 = arith.constant 0 : i32
      %dma_wait3A_35 = tpu.memref_slice %arg15[%add3A_20, %dma_wait3A_34] : memref<10240x128xf32, #tpu.memory_space<vmem_shared>> -> memref<128x128xf32, #tpu.memory_space<vmem_shared>>
      tpu.wait_dma2 semaphore(%run_scoped3A : memref<!tpu.dma_semaphore, #tpu.memory_space<semaphore_mem>>) src(%arg11 : memref<128x128xf32, #tpu.memory_space<vmem>>) dst(%dma_wait3A_35 : memref<128x128xf32, #tpu.memory_space<vmem_shared>>)
      tpu.yield
    }) : () -> ()
    %barrier3A = arith.constant 0 : index
    tpu.barrier barrier_id(%barrier3A)
    %scan3A = arith.constant 0 : i32
    %scan3A_21 = arith.constant 40 : i32
    %scan3A_22 = arith.addi %scan3A, %scan3A_21 : i32
    %scan3A_23 = arith.constant 1 : i32
    scf.for %scan3A_30 = %scan3A to %scan3A_22 step %scan3A_23  : i32 {
      %mul3A_31 = arith.constant 2 : i32
      %mul3A_32 = arith.muli %scan3A_30, %mul3A_31 : i32
      %add3A_33 = arith.constant 0 : i32
      %add3A_34 = arith.addi %add3A_33, %mul3A_32 : i32
      "tpu.region"() ({
        %run_scoped3A = tpu.sem_alloc : memref<!tpu.dma_semaphore, #tpu.memory_space<semaphore_mem>>
        %dma_start3A_49 = arith.constant 0 : i32
        %dma_start3A_50 = tpu.memref_slice %arg3[%add3A, %add3A_34, %dma_start3A_49] : memref<32x80x128xi32, #tpu.memory_space<hbm>> -> memref<1x1x128xi32, #tpu.memory_space<hbm>>
        %dma_start3A_51 = tpu.memref_squeeze %dma_start3A_50 : memref<1x1x128xi32, #tpu.memory_space<hbm>> -> memref<128xi32, #tpu.memory_space<hbm>>
        %dma_start3A_52 = arith.constant 0 : i32
        %dma_start3A_53 = tpu.memref_slice %arg3[%add3A, %add3A_34, %dma_start3A_52] : memref<32x80x128xi32, #tpu.memory_space<hbm>> -> memref<1x1x128xi32, #tpu.memory_space<hbm>>
        %dma_start3A_54 = tpu.memref_squeeze %dma_start3A_53 : memref<1x1x128xi32, #tpu.memory_space<hbm>> -> memref<128xi32, #tpu.memory_space<hbm>>
        tpu.enqueue_dma source(%dma_start3A_54 : memref<128xi32, #tpu.memory_space<hbm>>) target(%arg7 : memref<128xi32, #tpu.memory_space<vmem>>) target_semaphore(%run_scoped3A : memref<!tpu.dma_semaphore, #tpu.memory_space<semaphore_mem>>)
        %dma_wait3A_55 = arith.constant 0 : i32
        %dma_wait3A_56 = tpu.memref_slice %arg3[%add3A, %add3A_34, %dma_wait3A_55] : memref<32x80x128xi32, #tpu.memory_space<hbm>> -> memref<1x1x128xi32, #tpu.memory_space<hbm>>
        %dma_wait3A_57 = tpu.memref_squeeze %dma_wait3A_56 : memref<1x1x128xi32, #tpu.memory_space<hbm>> -> memref<128xi32, #tpu.memory_space<hbm>>
        %dma_wait3A_58 = arith.constant 0 : i32
        %dma_wait3A_59 = tpu.memref_slice %arg3[%add3A, %add3A_34, %dma_wait3A_58] : memref<32x80x128xi32, #tpu.memory_space<hbm>> -> memref<1x1x128xi32, #tpu.memory_space<hbm>>
        %dma_wait3A_60 = tpu.memref_squeeze %dma_wait3A_59 : memref<1x1x128xi32, #tpu.memory_space<hbm>> -> memref<128xi32, #tpu.memory_space<hbm>>
        tpu.wait_dma2 semaphore(%run_scoped3A : memref<!tpu.dma_semaphore, #tpu.memory_space<semaphore_mem>>) src(%dma_wait3A_60 : memref<128xi32, #tpu.memory_space<hbm>>) dst(%arg7 : memref<128xi32, #tpu.memory_space<vmem>>)
        tpu.yield
      }) : () -> ()
      "tpu.region"() ({
        %run_scoped3A = tpu.sem_alloc : memref<!tpu.dma_semaphore, #tpu.memory_space<semaphore_mem>>
        %dma_start3A_49 = arith.constant 0 : i32
        %dma_start3A_50 = tpu.memref_slice %arg4[%add3A, %add3A_34, %dma_start3A_49] : memref<32x80x128xi32, #tpu.memory_space<hbm>> -> memref<1x1x128xi32, #tpu.memory_space<hbm>>
        %dma_start3A_51 = tpu.memref_squeeze %dma_start3A_50 : memref<1x1x128xi32, #tpu.memory_space<hbm>> -> memref<128xi32, #tpu.memory_space<hbm>>
        %dma_start3A_52 = arith.constant 0 : i32
        %dma_start3A_53 = tpu.memref_slice %arg4[%add3A, %add3A_34, %dma_start3A_52] : memref<32x80x128xi32, #tpu.memory_space<hbm>> -> memref<1x1x128xi32, #tpu.memory_space<hbm>>
        %dma_start3A_54 = tpu.memref_squeeze %dma_start3A_53 : memref<1x1x128xi32, #tpu.memory_space<hbm>> -> memref<128xi32, #tpu.memory_space<hbm>>
        tpu.enqueue_dma source(%dma_start3A_54 : memref<128xi32, #tpu.memory_space<hbm>>) target(%arg8 : memref<128xi32, #tpu.memory_space<vmem>>) target_semaphore(%run_scoped3A : memref<!tpu.dma_semaphore, #tpu.memory_space<semaphore_mem>>)
        %dma_wait3A_55 = arith.constant 0 : i32
        %dma_wait3A_56 = tpu.memref_slice %arg4[%add3A, %add3A_34, %dma_wait3A_55] : memref<32x80x128xi32, #tpu.memory_space<hbm>> -> memref<1x1x128xi32, #tpu.memory_space<hbm>>
        %dma_wait3A_57 = tpu.memref_squeeze %dma_wait3A_56 : memref<1x1x128xi32, #tpu.memory_space<hbm>> -> memref<128xi32, #tpu.memory_space<hbm>>
        %dma_wait3A_58 = arith.constant 0 : i32
        %dma_wait3A_59 = tpu.memref_slice %arg4[%add3A, %add3A_34, %dma_wait3A_58] : memref<32x80x128xi32, #tpu.memory_space<hbm>> -> memref<1x1x128xi32, #tpu.memory_space<hbm>>
        %dma_wait3A_60 = tpu.memref_squeeze %dma_wait3A_59 : memref<1x1x128xi32, #tpu.memory_space<hbm>> -> memref<128xi32, #tpu.memory_space<hbm>>
        tpu.wait_dma2 semaphore(%run_scoped3A : memref<!tpu.dma_semaphore, #tpu.memory_space<semaphore_mem>>) src(%dma_wait3A_60 : memref<128xi32, #tpu.memory_space<hbm>>) dst(%arg8 : memref<128xi32, #tpu.memory_space<vmem>>)
        tpu.yield
      }) : () -> ()
      %dma_start3A = arith.constant 0 : i32
      %dma_start3A_35 = arith.constant 0 : i32
      %dma_start3A_36 = tpu.memref_slice %arg2[%dma_start3A, %dma_start3A_35] : memref<10240x128xf32, #tpu.memory_space<hbm>> -> memref<10240x128xf32, #tpu.memory_space<hbm>>
      tpu.enqueue_indirect_dma source(%dma_start3A_36 : memref<10240x128xf32, #tpu.memory_space<hbm>>) target(%arg11 : memref<128x128xf32, #tpu.memory_space<vmem>>) offsets(%arg7 : memref<128xi32, #tpu.memory_space<vmem>>) semaphore(%arg13 : memref<!tpu.dma_semaphore, #tpu.memory_space<semaphore_mem>>)
      %add3A_37 = arith.constant 1 : i32
      %add3A_38 = arith.addi %add3A_34, %add3A_37 : i32
      "tpu.region"() ({
        %run_scoped3A = tpu.sem_alloc : memref<!tpu.dma_semaphore, #tpu.memory_space<semaphore_mem>>
        %dma_start3A_49 = arith.constant 0 : i32
        %dma_start3A_50 = tpu.memref_slice %arg3[%add3A, %add3A_38, %dma_start3A_49] : memref<32x80x128xi32, #tpu.memory_space<hbm>> -> memref<1x1x128xi32, #tpu.memory_space<hbm>>
        %dma_start3A_51 = tpu.memref_squeeze %dma_start3A_50 : memref<1x1x128xi32, #tpu.memory_space<hbm>> -> memref<128xi32, #tpu.memory_space<hbm>>
        %dma_start3A_52 = arith.constant 0 : i32
        %dma_start3A_53 = tpu.memref_slice %arg3[%add3A, %add3A_38, %dma_start3A_52] : memref<32x80x128xi32, #tpu.memory_space<hbm>> -> memref<1x1x128xi32, #tpu.memory_space<hbm>>
        %dma_start3A_54 = tpu.memref_squeeze %dma_start3A_53 : memref<1x1x128xi32, #tpu.memory_space<hbm>> -> memref<128xi32, #tpu.memory_space<hbm>>
        tpu.enqueue_dma source(%dma_start3A_54 : memref<128xi32, #tpu.memory_space<hbm>>) target(%arg9 : memref<128xi32, #tpu.memory_space<vmem>>) target_semaphore(%run_scoped3A : memref<!tpu.dma_semaphore, #tpu.memory_space<semaphore_mem>>)
        %dma_wait3A_55 = arith.constant 0 : i32
        %dma_wait3A_56 = tpu.memref_slice %arg3[%add3A, %add3A_38, %dma_wait3A_55] : memref<32x80x128xi32, #tpu.memory_space<hbm>> -> memref<1x1x128xi32, #tpu.memory_space<hbm>>
        %dma_wait3A_57 = tpu.memref_squeeze %dma_wait3A_56 : memref<1x1x128xi32, #tpu.memory_space<hbm>> -> memref<128xi32, #tpu.memory_space<hbm>>
        %dma_wait3A_58 = arith.constant 0 : i32
        %dma_wait3A_59 = tpu.memref_slice %arg3[%add3A, %add3A_38, %dma_wait3A_58] : memref<32x80x128xi32, #tpu.memory_space<hbm>> -> memref<1x1x128xi32, #tpu.memory_space<hbm>>
        %dma_wait3A_60 = tpu.memref_squeeze %dma_wait3A_59 : memref<1x1x128xi32, #tpu.memory_space<hbm>> -> memref<128xi32, #tpu.memory_space<hbm>>
        tpu.wait_dma2 semaphore(%run_scoped3A : memref<!tpu.dma_semaphore, #tpu.memory_space<semaphore_mem>>) src(%dma_wait3A_60 : memref<128xi32, #tpu.memory_space<hbm>>) dst(%arg9 : memref<128xi32, #tpu.memory_space<vmem>>)
        tpu.yield
      }) : () -> ()
      %add3A_39 = arith.constant 1 : i32
      %add3A_40 = arith.addi %add3A_34, %add3A_39 : i32
      "tpu.region"() ({
        %run_scoped3A = tpu.sem_alloc : memref<!tpu.dma_semaphore, #tpu.memory_space<semaphore_mem>>
        %dma_start3A_49 = arith.constant 0 : i32
        %dma_start3A_50 = tpu.memref_slice %arg4[%add3A, %add3A_40, %dma_start3A_49] : memref<32x80x128xi32, #tpu.memory_space<hbm>> -> memref<1x1x128xi32, #tpu.memory_space<hbm>>
        %dma_start3A_51 = tpu.memref_squeeze %dma_start3A_50 : memref<1x1x128xi32, #tpu.memory_space<hbm>> -> memref<128xi32, #tpu.memory_space<hbm>>
        %dma_start3A_52 = arith.constant 0 : i32
        %dma_start3A_53 = tpu.memref_slice %arg4[%add3A, %add3A_40, %dma_start3A_52] : memref<32x80x128xi32, #tpu.memory_space<hbm>> -> memref<1x1x128xi32, #tpu.memory_space<hbm>>
        %dma_start3A_54 = tpu.memref_squeeze %dma_start3A_53 : memref<1x1x128xi32, #tpu.memory_space<hbm>> -> memref<128xi32, #tpu.memory_space<hbm>>
        tpu.enqueue_dma source(%dma_start3A_54 : memref<128xi32, #tpu.memory_space<hbm>>) target(%arg10 : memref<128xi32, #tpu.memory_space<vmem>>) target_semaphore(%run_scoped3A : memref<!tpu.dma_semaphore, #tpu.memory_space<semaphore_mem>>)
        %dma_wait3A_55 = arith.constant 0 : i32
        %dma_wait3A_56 = tpu.memref_slice %arg4[%add3A, %add3A_40, %dma_wait3A_55] : memref<32x80x128xi32, #tpu.memory_space<hbm>> -> memref<1x1x128xi32, #tpu.memory_space<hbm>>
        %dma_wait3A_57 = tpu.memref_squeeze %dma_wait3A_56 : memref<1x1x128xi32, #tpu.memory_space<hbm>> -> memref<128xi32, #tpu.memory_space<hbm>>
        %dma_wait3A_58 = arith.constant 0 : i32
        %dma_wait3A_59 = tpu.memref_slice %arg4[%add3A, %add3A_40, %dma_wait3A_58] : memref<32x80x128xi32, #tpu.memory_space<hbm>> -> memref<1x1x128xi32, #tpu.memory_space<hbm>>
        %dma_wait3A_60 = tpu.memref_squeeze %dma_wait3A_59 : memref<1x1x128xi32, #tpu.memory_space<hbm>> -> memref<128xi32, #tpu.memory_space<hbm>>
        tpu.wait_dma2 semaphore(%run_scoped3A : memref<!tpu.dma_semaphore, #tpu.memory_space<semaphore_mem>>) src(%dma_wait3A_60 : memref<128xi32, #tpu.memory_space<hbm>>) dst(%arg10 : memref<128xi32, #tpu.memory_space<vmem>>)
        tpu.yield
      }) : () -> ()
      %dma_wait3A = arith.constant 0 : i32
      %dma_wait3A_41 = arith.constant 0 : i32
      %dma_wait3A_42 = tpu.memref_slice %arg2[%dma_wait3A, %dma_wait3A_41] : memref<10240x128xf32, #tpu.memory_space<hbm>> -> memref<10240x128xf32, #tpu.memory_space<hbm>>
      tpu.wait_indirect_dma semaphore(%arg13 : memref<!tpu.dma_semaphore, #tpu.memory_space<semaphore_mem>>) src(%dma_wait3A_42 : memref<10240x128xf32, #tpu.memory_space<hbm>>) dst(%arg11 : memref<128x128xf32, #tpu.memory_space<vmem>>)
      %dma_start3A_43 = arith.constant 0 : i32
      %dma_start3A_44 = arith.constant 0 : i32
      %dma_start3A_45 = tpu.memref_slice %arg2[%dma_start3A_43, %dma_start3A_44] : memref<10240x128xf32, #tpu.memory_space<hbm>> -> memref<10240x128xf32, #tpu.memory_space<hbm>>
      tpu.enqueue_indirect_dma source(%dma_start3A_45 : memref<10240x128xf32, #tpu.memory_space<hbm>>) target(%arg12 : memref<128x128xf32, #tpu.memory_space<vmem>>) offsets(%arg9 : memref<128xi32, #tpu.memory_space<vmem>>) semaphore(%arg14 : memref<!tpu.dma_semaphore, #tpu.memory_space<semaphore_mem>>)
      "tpu.region"() ({
        %run_scoped3A = tpu.sem_alloc : memref<!tpu.dma_semaphore, #tpu.memory_space<semaphore_mem>>
        %dma_start3A_49 = arith.constant 0 : i32
        %dma_start3A_50 = arith.constant 0 : i32
        %dma_start3A_51 = tpu.memref_slice %arg15[%dma_start3A_49, %dma_start3A_50] : memref<10240x128xf32, #tpu.memory_space<vmem_shared>> -> memref<10240x128xf32, #tpu.memory_space<vmem_shared>>
        tpu.enqueue_indirect_dma source(%arg11 : memref<128x128xf32, #tpu.memory_space<vmem>>) target(%dma_start3A_51 : memref<10240x128xf32, #tpu.memory_space<vmem_shared>>) offsets(%arg8 : memref<128xi32, #tpu.memory_space<vmem>>) semaphore(%run_scoped3A : memref<!tpu.dma_semaphore, #tpu.memory_space<semaphore_mem>>) {add = true}
        %dma_wait3A_52 = arith.constant 0 : i32
        %dma_wait3A_53 = arith.constant 0 : i32
        %dma_wait3A_54 = tpu.memref_slice %arg15[%dma_wait3A_52, %dma_wait3A_53] : memref<10240x128xf32, #tpu.memory_space<vmem_shared>> -> memref<10240x128xf32, #tpu.memory_space<vmem_shared>>
        tpu.wait_indirect_dma semaphore(%run_scoped3A : memref<!tpu.dma_semaphore, #tpu.memory_space<semaphore_mem>>) src(%arg11 : memref<128x128xf32, #tpu.memory_space<vmem>>) dst(%dma_wait3A_54 : memref<10240x128xf32, #tpu.memory_space<vmem_shared>>)
        tpu.yield
      }) : () -> ()
      %dma_wait3A_46 = arith.constant 0 : i32
      %dma_wait3A_47 = arith.constant 0 : i32
      %dma_wait3A_48 = tpu.memref_slice %arg2[%dma_wait3A_46, %dma_wait3A_47] : memref<10240x128xf32, #tpu.memory_space<hbm>> -> memref<10240x128xf32, #tpu.memory_space<hbm>>
      tpu.wait_indirect_dma semaphore(%arg14 : memref<!tpu.dma_semaphore, #tpu.memory_space<semaphore_mem>>) src(%dma_wait3A_48 : memref<10240x128xf32, #tpu.memory_space<hbm>>) dst(%arg12 : memref<128x128xf32, #tpu.memory_space<vmem>>)
      "tpu.region"() ({
        %run_scoped3A = tpu.sem_alloc : memref<!tpu.dma_semaphore, #tpu.memory_space<semaphore_mem>>
        %dma_start3A_49 = arith.constant 0 : i32
        %dma_start3A_50 = arith.constant 0 : i32
        %dma_start3A_51 = tpu.memref_slice %arg15[%dma_start3A_49, %dma_start3A_50] : memref<10240x128xf32, #tpu.memory_space<vmem_shared>> -> memref<10240x128xf32, #tpu.memory_space<vmem_shared>>
        tpu.enqueue_indirect_dma source(%arg12 : memref<128x128xf32, #tpu.memory_space<vmem>>) target(%dma_start3A_51 : memref<10240x128xf32, #tpu.memory_space<vmem_shared>>) offsets(%arg10 : memref<128xi32, #tpu.memory_space<vmem>>) semaphore(%run_scoped3A : memref<!tpu.dma_semaphore, #tpu.memory_space<semaphore_mem>>) {add = true}
        %dma_wait3A_52 = arith.constant 0 : i32
        %dma_wait3A_53 = arith.constant 0 : i32
        %dma_wait3A_54 = tpu.memref_slice %arg15[%dma_wait3A_52, %dma_wait3A_53] : memref<10240x128xf32, #tpu.memory_space<vmem_shared>> -> memref<10240x128xf32, #tpu.memory_space<vmem_shared>>
        tpu.wait_indirect_dma semaphore(%run_scoped3A : memref<!tpu.dma_semaphore, #tpu.memory_space<semaphore_mem>>) src(%arg12 : memref<128x128xf32, #tpu.memory_space<vmem>>) dst(%dma_wait3A_54 : memref<10240x128xf32, #tpu.memory_space<vmem_shared>>)
        tpu.yield
      }) : () -> ()
    }
    %scan3A_24 = arith.constant 40 : i32
    %barrier3A_25 = arith.constant 0 : index
    tpu.barrier barrier_id(%barrier3A_25)
    %mul3A_26 = arith.constant 640 : i32
    %mul3A_27 = arith.muli %arg1, %mul3A_26 : i32
    %mul3A_28 = arith.constant 640 : i32
    %mul3A_29 = arith.muli %arg1, %mul3A_28 : i32
    "tpu.region"() ({
      %run_scoped3A = tpu.sem_alloc : memref<!tpu.dma_semaphore, #tpu.memory_space<semaphore_mem>>
      %dma_start3A = arith.constant 0 : i32
      %dma_start3A_30 = tpu.memref_slice %arg6[%arg0, %mul3A_29, %dma_start3A] : memref<2x10240x128xf32, #tpu.memory_space<hbm>> -> memref<1x640x128xf32, #tpu.memory_space<hbm>>
      %dma_start3A_31 = tpu.memref_squeeze %dma_start3A_30 : memref<1x640x128xf32, #tpu.memory_space<hbm>> -> memref<640x128xf32, #tpu.memory_space<hbm>>
      %dma_start3A_32 = arith.constant 0 : i32
      %dma_start3A_33 = tpu.memref_slice %arg15[%mul3A_27, %dma_start3A_32] : memref<10240x128xf32, #tpu.memory_space<vmem_shared>> -> memref<640x128xf32, #tpu.memory_space<vmem_shared>>
      tpu.enqueue_dma source(%dma_start3A_33 : memref<640x128xf32, #tpu.memory_space<vmem_shared>>) target(%dma_start3A_31 : memref<640x128xf32, #tpu.memory_space<hbm>>) target_semaphore(%run_scoped3A : memref<!tpu.dma_semaphore, #tpu.memory_space<semaphore_mem>>)
      %dma_wait3A = arith.constant 0 : i32
      %dma_wait3A_34 = tpu.memref_slice %arg6[%arg0, %mul3A_29, %dma_wait3A] : memref<2x10240x128xf32, #tpu.memory_space<hbm>> -> memref<1x640x128xf32, #tpu.memory_space<hbm>>
      %dma_wait3A_35 = tpu.memref_squeeze %dma_wait3A_34 : memref<1x640x128xf32, #tpu.memory_space<hbm>> -> memref<640x128xf32, #tpu.memory_space<hbm>>
      %dma_wait3A_36 = arith.constant 0 : i32
      %dma_wait3A_37 = tpu.memref_slice %arg15[%mul3A_27, %dma_wait3A_36] : memref<10240x128xf32, #tpu.memory_space<vmem_shared>> -> memref<640x128xf32, #tpu.memory_space<vmem_shared>>
      tpu.wait_dma2 semaphore(%run_scoped3A : memref<!tpu.dma_semaphore, #tpu.memory_space<semaphore_mem>>) src(%dma_wait3A_37 : memref<640x128xf32, #tpu.memory_space<vmem_shared>>) dst(%dma_wait3A_35 : memref<640x128xf32, #tpu.memory_space<hbm>>)
      tpu.yield
    }) : () -> ()
    return
  }
}

#map = affine_map<(d0, d1) -> (0, 0)>
#map1 = affine_map<(d0, d1) -> (0, 0, 0)>
module attributes {stable_mosaic.version = 14 : i64} {
  func.func @scat_kernel(%arg0: i32, %arg1: i32, %arg2: memref<10240x128xf32, #tpu.memory_space<hbm>>, %arg3: memref<32x80x128xi32, #tpu.memory_space<hbm>>, %arg4: memref<32x80x128xi32, #tpu.memory_space<hbm>>, %arg5: memref<128x128xf32, #tpu.memory_space<hbm>>, %arg6: memref<2x10240x128xf32, #tpu.memory_space<hbm>>, %arg7: memref<128xi32, #tpu.memory_space<vmem>>, %arg8: memref<128xi32, #tpu.memory_space<vmem>>, %arg9: memref<128xi32, #tpu.memory_space<vmem>>, %arg10: memref<128xi32, #tpu.memory_space<vmem>>, %arg11: memref<128x128xf32, #tpu.memory_space<vmem>>, %arg12: memref<128x128xf32, #tpu.memory_space<vmem>>, %arg13: memref<!tpu.dma_semaphore, #tpu.memory_space<semaphore_mem>>, %arg14: memref<!tpu.dma_semaphore, #tpu.memory_space<semaphore_mem>>, %arg15: memref<10240x128xf32, #tpu.memory_space<vmem_shared>>) attributes {dimension_semantics = [#tpu.dimension_semantics<core_parallel>, #tpu.dimension_semantics<subcore_parallel>], iteration_bounds = array<i64: 2, 16>, scalar_prefetch = 0 : i64, scratch_operands = 9 : i64, tpu.core_type = #tpu.core_type<sc_vector_subcore>, window_params = [{transform_indices = #map}, {transform_indices = #map1}, {transform_indices = #map1}, {transform_indices = #map}, {transform_indices = #map1}]} {
    %mul3A = arith.constant 2 : i32
    %mul3A_0 = arith.muli %arg1, %mul3A : i32
    %add3A = arith.addi %mul3A_0, %arg0 : i32
    "tpu.region"() ({
      %run_scoped3A = tpu.sem_alloc : memref<!tpu.dma_semaphore, #tpu.memory_space<semaphore_mem>>
      tpu.enqueue_dma source(%arg5 : memref<128x128xf32, #tpu.memory_space<hbm>>) target(%arg11 : memref<128x128xf32, #tpu.memory_space<vmem>>) target_semaphore(%run_scoped3A : memref<!tpu.dma_semaphore, #tpu.memory_space<semaphore_mem>>)
      tpu.wait_dma2 semaphore(%run_scoped3A : memref<!tpu.dma_semaphore, #tpu.memory_space<semaphore_mem>>) src(%arg5 : memref<128x128xf32, #tpu.memory_space<hbm>>) dst(%arg11 : memref<128x128xf32, #tpu.memory_space<vmem>>)
      tpu.yield
    }) : () -> ()
    %mul3A_1 = arith.constant 640 : i32
    %mul3A_2 = arith.muli %arg1, %mul3A_1 : i32
    %add3A_3 = arith.constant 0 : i32
    %add3A_4 = arith.addi %mul3A_2, %add3A_3 : i32
    "tpu.region"() ({
      %run_scoped3A = tpu.sem_alloc : memref<!tpu.dma_semaphore, #tpu.memory_space<semaphore_mem>>
      %dma_start3A = arith.constant 0 : i32
      %dma_start3A_30 = tpu.memref_slice %arg15[%add3A_4, %dma_start3A] : memref<10240x128xf32, #tpu.memory_space<vmem_shared>> -> memref<128x128xf32, #tpu.memory_space<vmem_shared>>
      %dma_start3A_31 = arith.constant 0 : i32
      %dma_start3A_32 = tpu.memref_slice %arg15[%add3A_4, %dma_start3A_31] : memref<10240x128xf32, #tpu.memory_space<vmem_shared>> -> memref<128x128xf32, #tpu.memory_space<vmem_shared>>
      tpu.enqueue_dma source(%arg11 : memref<128x128xf32, #tpu.memory_space<vmem>>) target(%dma_start3A_32 : memref<128x128xf32, #tpu.memory_space<vmem_shared>>) target_semaphore(%run_scoped3A : memref<!tpu.dma_semaphore, #tpu.memory_space<semaphore_mem>>)
      %dma_wait3A = arith.constant 0 : i32
      %dma_wait3A_33 = tpu.memref_slice %arg15[%add3A_4, %dma_wait3A] : memref<10240x128xf32, #tpu.memory_space<vmem_shared>> -> memref<128x128xf32, #tpu.memory_space<vmem_shared>>
      %dma_wait3A_34 = arith.constant 0 : i32
      %dma_wait3A_35 = tpu.memref_slice %arg15[%add3A_4, %dma_wait3A_34] : memref<10240x128xf32, #tpu.memory_space<vmem_shared>> -> memref<128x128xf32, #tpu.memory_space<vmem_shared>>
      tpu.wait_dma2 semaphore(%run_scoped3A : memref<!tpu.dma_semaphore, #tpu.memory_space<semaphore_mem>>) src(%arg11 : memref<128x128xf32, #tpu.memory_space<vmem>>) dst(%dma_wait3A_35 : memref<128x128xf32, #tpu.memory_space<vmem_shared>>)
      tpu.yield
    }) : () -> ()
    %mul3A_5 = arith.constant 640 : i32
    %mul3A_6 = arith.muli %arg1, %mul3A_5 : i32
    %add3A_7 = arith.constant 128 : i32
    %add3A_8 = arith.addi %mul3A_6, %add3A_7 : i32
    "tpu.region"() ({
      %run_scoped3A = tpu.sem_alloc : memref<!tpu.dma_semaphore, #tpu.memory_space<semaphore_mem>>
      %dma_start3A = arith.constant 0 : i32
      %dma_start3A_30 = tpu.memref_slice %arg15[%add3A_8, %dma_start3A] : memref<10240x128xf32, #tpu.memory_space<vmem_shared>> -> memref<128x128xf32, #tpu.memory_space<vmem_shared>>
      %dma_start3A_31 = arith.constant 0 : i32
      %dma_start3A_32 = tpu.memref_slice %arg15[%add3A_8, %dma_start3A_31] : memref<10240x128xf32, #tpu.memory_space<vmem_shared>> -> memref<128x128xf32, #tpu.memory_space<vmem_shared>>
      tpu.enqueue_dma source(%arg11 : memref<128x128xf32, #tpu.memory_space<vmem>>) target(%dma_start3A_32 : memref<128x128xf32, #tpu.memory_space<vmem_shared>>) target_semaphore(%run_scoped3A : memref<!tpu.dma_semaphore, #tpu.memory_space<semaphore_mem>>)
      %dma_wait3A = arith.constant 0 : i32
      %dma_wait3A_33 = tpu.memref_slice %arg15[%add3A_8, %dma_wait3A] : memref<10240x128xf32, #tpu.memory_space<vmem_shared>> -> memref<128x128xf32, #tpu.memory_space<vmem_shared>>
      %dma_wait3A_34 = arith.constant 0 : i32
      %dma_wait3A_35 = tpu.memref_slice %arg15[%add3A_8, %dma_wait3A_34] : memref<10240x128xf32, #tpu.memory_space<vmem_shared>> -> memref<128x128xf32, #tpu.memory_space<vmem_shared>>
      tpu.wait_dma2 semaphore(%run_scoped3A : memref<!tpu.dma_semaphore, #tpu.memory_space<semaphore_mem>>) src(%arg11 : memref<128x128xf32, #tpu.memory_space<vmem>>) dst(%dma_wait3A_35 : memref<128x128xf32, #tpu.memory_space<vmem_shared>>)
      tpu.yield
    }) : () -> ()
    %mul3A_9 = arith.constant 640 : i32
    %mul3A_10 = arith.muli %arg1, %mul3A_9 : i32
    %add3A_11 = arith.constant 256 : i32
    %add3A_12 = arith.addi %mul3A_10, %add3A_11 : i32
    "tpu.region"() ({
      %run_scoped3A = tpu.sem_alloc : memref<!tpu.dma_semaphore, #tpu.memory_space<semaphore_mem>>
      %dma_start3A = arith.constant 0 : i32
      %dma_start3A_30 = tpu.memref_slice %arg15[%add3A_12, %dma_start3A] : memref<10240x128xf32, #tpu.memory_space<vmem_shared>> -> memref<128x128xf32, #tpu.memory_space<vmem_shared>>
      %dma_start3A_31 = arith.constant 0 : i32
      %dma_start3A_32 = tpu.memref_slice %arg15[%add3A_12, %dma_start3A_31] : memref<10240x128xf32, #tpu.memory_space<vmem_shared>> -> memref<128x128xf32, #tpu.memory_space<vmem_shared>>
      tpu.enqueue_dma source(%arg11 : memref<128x128xf32, #tpu.memory_space<vmem>>) target(%dma_start3A_32 : memref<128x128xf32, #tpu.memory_space<vmem_shared>>) target_semaphore(%run_scoped3A : memref<!tpu.dma_semaphore, #tpu.memory_space<semaphore_mem>>)
      %dma_wait3A = arith.constant 0 : i32
      %dma_wait3A_33 = tpu.memref_slice %arg15[%add3A_12, %dma_wait3A] : memref<10240x128xf32, #tpu.memory_space<vmem_shared>> -> memref<128x128xf32, #tpu.memory_space<vmem_shared>>
      %dma_wait3A_34 = arith.constant 0 : i32
      %dma_wait3A_35 = tpu.memref_slice %arg15[%add3A_12, %dma_wait3A_34] : memref<10240x128xf32, #tpu.memory_space<vmem_shared>> -> memref<128x128xf32, #tpu.memory_space<vmem_shared>>
      tpu.wait_dma2 semaphore(%run_scoped3A : memref<!tpu.dma_semaphore, #tpu.memory_space<semaphore_mem>>) src(%arg11 : memref<128x128xf32, #tpu.memory_space<vmem>>) dst(%dma_wait3A_35 : memref<128x128xf32, #tpu.memory_space<vmem_shared>>)
      tpu.yield
    }) : () -> ()
    %mul3A_13 = arith.constant 640 : i32
    %mul3A_14 = arith.muli %arg1, %mul3A_13 : i32
    %add3A_15 = arith.constant 384 : i32
    %add3A_16 = arith.addi %mul3A_14, %add3A_15 : i32
    "tpu.region"() ({
      %run_scoped3A = tpu.sem_alloc : memref<!tpu.dma_semaphore, #tpu.memory_space<semaphore_mem>>
      %dma_start3A = arith.constant 0 : i32
      %dma_start3A_30 = tpu.memref_slice %arg15[%add3A_16, %dma_start3A] : memref<10240x128xf32, #tpu.memory_space<vmem_shared>> -> memref<128x128xf32, #tpu.memory_space<vmem_shared>>
      %dma_start3A_31 = arith.constant 0 : i32
      %dma_start3A_32 = tpu.memref_slice %arg15[%add3A_16, %dma_start3A_31] : memref<10240x128xf32, #tpu.memory_space<vmem_shared>> -> memref<128x128xf32, #tpu.memory_space<vmem_shared>>
      tpu.enqueue_dma source(%arg11 : memref<128x128xf32, #tpu.memory_space<vmem>>) target(%dma_start3A_32 : memref<128x128xf32, #tpu.memory_space<vmem_shared>>) target_semaphore(%run_scoped3A : memref<!tpu.dma_semaphore, #tpu.memory_space<semaphore_mem>>)
      %dma_wait3A = arith.constant 0 : i32
      %dma_wait3A_33 = tpu.memref_slice %arg15[%add3A_16, %dma_wait3A] : memref<10240x128xf32, #tpu.memory_space<vmem_shared>> -> memref<128x128xf32, #tpu.memory_space<vmem_shared>>
      %dma_wait3A_34 = arith.constant 0 : i32
      %dma_wait3A_35 = tpu.memref_slice %arg15[%add3A_16, %dma_wait3A_34] : memref<10240x128xf32, #tpu.memory_space<vmem_shared>> -> memref<128x128xf32, #tpu.memory_space<vmem_shared>>
      tpu.wait_dma2 semaphore(%run_scoped3A : memref<!tpu.dma_semaphore, #tpu.memory_space<semaphore_mem>>) src(%arg11 : memref<128x128xf32, #tpu.memory_space<vmem>>) dst(%dma_wait3A_35 : memref<128x128xf32, #tpu.memory_space<vmem_shared>>)
      tpu.yield
    }) : () -> ()
    %mul3A_17 = arith.constant 640 : i32
    %mul3A_18 = arith.muli %arg1, %mul3A_17 : i32
    %add3A_19 = arith.constant 512 : i32
    %add3A_20 = arith.addi %mul3A_18, %add3A_19 : i32
    "tpu.region"() ({
      %run_scoped3A = tpu.sem_alloc : memref<!tpu.dma_semaphore, #tpu.memory_space<semaphore_mem>>
      %dma_start3A = arith.constant 0 : i32
      %dma_start3A_30 = tpu.memref_slice %arg15[%add3A_20, %dma_start3A] : memref<10240x128xf32, #tpu.memory_space<vmem_shared>> -> memref<128x128xf32, #tpu.memory_space<vmem_shared>>
      %dma_start3A_31 = arith.constant 0 : i32
      %dma_start3A_32 = tpu.memref_slice %arg15[%add3A_20, %dma_start3A_31] : memref<10240x128xf32, #tpu.memory_space<vmem_shared>> -> memref<128x128xf32, #tpu.memory_space<vmem_shared>>
      tpu.enqueue_dma source(%arg11 : memref<128x128xf32, #tpu.memory_space<vmem>>) target(%dma_start3A_32 : memref<128x128xf32, #tpu.memory_space<vmem_shared>>) target_semaphore(%run_scoped3A : memref<!tpu.dma_semaphore, #tpu.memory_space<semaphore_mem>>)
      %dma_wait3A = arith.constant 0 : i32
      %dma_wait3A_33 = tpu.memref_slice %arg15[%add3A_20, %dma_wait3A] : memref<10240x128xf32, #tpu.memory_space<vmem_shared>> -> memref<128x128xf32, #tpu.memory_space<vmem_shared>>
      %dma_wait3A_34 = arith.constant 0 : i32
      %dma_wait3A_35 = tpu.memref_slice %arg15[%add3A_20, %dma_wait3A_34] : memref<10240x128xf32, #tpu.memory_space<vmem_shared>> -> memref<128x128xf32, #tpu.memory_space<vmem_shared>>
      tpu.wait_dma2 semaphore(%run_scoped3A : memref<!tpu.dma_semaphore, #tpu.memory_space<semaphore_mem>>) src(%arg11 : memref<128x128xf32, #tpu.memory_space<vmem>>) dst(%dma_wait3A_35 : memref<128x128xf32, #tpu.memory_space<vmem_shared>>)
      tpu.yield
    }) : () -> ()
    %barrier3A = arith.constant 0 : index
    tpu.barrier barrier_id(%barrier3A)
    %scan3A = arith.constant 0 : i32
    %scan3A_21 = arith.constant 40 : i32
    %scan3A_22 = arith.addi %scan3A, %scan3A_21 : i32
    %scan3A_23 = arith.constant 1 : i32
    scf.for %scan3A_30 = %scan3A to %scan3A_22 step %scan3A_23  : i32 {
      %mul3A_31 = arith.constant 2 : i32
      %mul3A_32 = arith.muli %scan3A_30, %mul3A_31 : i32
      %add3A_33 = arith.constant 0 : i32
      %add3A_34 = arith.addi %add3A_33, %mul3A_32 : i32
      "tpu.region"() ({
        %run_scoped3A = tpu.sem_alloc : memref<!tpu.dma_semaphore, #tpu.memory_space<semaphore_mem>>
        %dma_start3A_49 = arith.constant 0 : i32
        %dma_start3A_50 = tpu.memref_slice %arg3[%add3A, %add3A_34, %dma_start3A_49] : memref<32x80x128xi32, #tpu.memory_space<hbm>> -> memref<1x1x128xi32, #tpu.memory_space<hbm>>
        %dma_start3A_51 = tpu.memref_squeeze %dma_start3A_50 : memref<1x1x128xi32, #tpu.memory_space<hbm>> -> memref<128xi32, #tpu.memory_space<hbm>>
        %dma_start3A_52 = arith.constant 0 : i32
        %dma_start3A_53 = tpu.memref_slice %arg3[%add3A, %add3A_34, %dma_start3A_52] : memref<32x80x128xi32, #tpu.memory_space<hbm>> -> memref<1x1x128xi32, #tpu.memory_space<hbm>>
        %dma_start3A_54 = tpu.memref_squeeze %dma_start3A_53 : memref<1x1x128xi32, #tpu.memory_space<hbm>> -> memref<128xi32, #tpu.memory_space<hbm>>
        tpu.enqueue_dma source(%dma_start3A_54 : memref<128xi32, #tpu.memory_space<hbm>>) target(%arg7 : memref<128xi32, #tpu.memory_space<vmem>>) target_semaphore(%run_scoped3A : memref<!tpu.dma_semaphore, #tpu.memory_space<semaphore_mem>>)
        %dma_wait3A_55 = arith.constant 0 : i32
        %dma_wait3A_56 = tpu.memref_slice %arg3[%add3A, %add3A_34, %dma_wait3A_55] : memref<32x80x128xi32, #tpu.memory_space<hbm>> -> memref<1x1x128xi32, #tpu.memory_space<hbm>>
        %dma_wait3A_57 = tpu.memref_squeeze %dma_wait3A_56 : memref<1x1x128xi32, #tpu.memory_space<hbm>> -> memref<128xi32, #tpu.memory_space<hbm>>
        %dma_wait3A_58 = arith.constant 0 : i32
        %dma_wait3A_59 = tpu.memref_slice %arg3[%add3A, %add3A_34, %dma_wait3A_58] : memref<32x80x128xi32, #tpu.memory_space<hbm>> -> memref<1x1x128xi32, #tpu.memory_space<hbm>>
        %dma_wait3A_60 = tpu.memref_squeeze %dma_wait3A_59 : memref<1x1x128xi32, #tpu.memory_space<hbm>> -> memref<128xi32, #tpu.memory_space<hbm>>
        tpu.wait_dma2 semaphore(%run_scoped3A : memref<!tpu.dma_semaphore, #tpu.memory_space<semaphore_mem>>) src(%dma_wait3A_60 : memref<128xi32, #tpu.memory_space<hbm>>) dst(%arg7 : memref<128xi32, #tpu.memory_space<vmem>>)
        tpu.yield
      }) : () -> ()
      "tpu.region"() ({
        %run_scoped3A = tpu.sem_alloc : memref<!tpu.dma_semaphore, #tpu.memory_space<semaphore_mem>>
        %dma_start3A_49 = arith.constant 0 : i32
        %dma_start3A_50 = tpu.memref_slice %arg4[%add3A, %add3A_34, %dma_start3A_49] : memref<32x80x128xi32, #tpu.memory_space<hbm>> -> memref<1x1x128xi32, #tpu.memory_space<hbm>>
        %dma_start3A_51 = tpu.memref_squeeze %dma_start3A_50 : memref<1x1x128xi32, #tpu.memory_space<hbm>> -> memref<128xi32, #tpu.memory_space<hbm>>
        %dma_start3A_52 = arith.constant 0 : i32
        %dma_start3A_53 = tpu.memref_slice %arg4[%add3A, %add3A_34, %dma_start3A_52] : memref<32x80x128xi32, #tpu.memory_space<hbm>> -> memref<1x1x128xi32, #tpu.memory_space<hbm>>
        %dma_start3A_54 = tpu.memref_squeeze %dma_start3A_53 : memref<1x1x128xi32, #tpu.memory_space<hbm>> -> memref<128xi32, #tpu.memory_space<hbm>>
        tpu.enqueue_dma source(%dma_start3A_54 : memref<128xi32, #tpu.memory_space<hbm>>) target(%arg8 : memref<128xi32, #tpu.memory_space<vmem>>) target_semaphore(%run_scoped3A : memref<!tpu.dma_semaphore, #tpu.memory_space<semaphore_mem>>)
        %dma_wait3A_55 = arith.constant 0 : i32
        %dma_wait3A_56 = tpu.memref_slice %arg4[%add3A, %add3A_34, %dma_wait3A_55] : memref<32x80x128xi32, #tpu.memory_space<hbm>> -> memref<1x1x128xi32, #tpu.memory_space<hbm>>
        %dma_wait3A_57 = tpu.memref_squeeze %dma_wait3A_56 : memref<1x1x128xi32, #tpu.memory_space<hbm>> -> memref<128xi32, #tpu.memory_space<hbm>>
        %dma_wait3A_58 = arith.constant 0 : i32
        %dma_wait3A_59 = tpu.memref_slice %arg4[%add3A, %add3A_34, %dma_wait3A_58] : memref<32x80x128xi32, #tpu.memory_space<hbm>> -> memref<1x1x128xi32, #tpu.memory_space<hbm>>
        %dma_wait3A_60 = tpu.memref_squeeze %dma_wait3A_59 : memref<1x1x128xi32, #tpu.memory_space<hbm>> -> memref<128xi32, #tpu.memory_space<hbm>>
        tpu.wait_dma2 semaphore(%run_scoped3A : memref<!tpu.dma_semaphore, #tpu.memory_space<semaphore_mem>>) src(%dma_wait3A_60 : memref<128xi32, #tpu.memory_space<hbm>>) dst(%arg8 : memref<128xi32, #tpu.memory_space<vmem>>)
        tpu.yield
      }) : () -> ()
      %dma_start3A = arith.constant 0 : i32
      %dma_start3A_35 = arith.constant 0 : i32
      %dma_start3A_36 = tpu.memref_slice %arg2[%dma_start3A, %dma_start3A_35] : memref<10240x128xf32, #tpu.memory_space<hbm>> -> memref<10240x128xf32, #tpu.memory_space<hbm>>
      tpu.enqueue_indirect_dma source(%dma_start3A_36 : memref<10240x128xf32, #tpu.memory_space<hbm>>) target(%arg11 : memref<128x128xf32, #tpu.memory_space<vmem>>) offsets(%arg7 : memref<128xi32, #tpu.memory_space<vmem>>) semaphore(%arg13 : memref<!tpu.dma_semaphore, #tpu.memory_space<semaphore_mem>>)
      %add3A_37 = arith.constant 1 : i32
      %add3A_38 = arith.addi %add3A_34, %add3A_37 : i32
      "tpu.region"() ({
        %run_scoped3A = tpu.sem_alloc : memref<!tpu.dma_semaphore, #tpu.memory_space<semaphore_mem>>
        %dma_start3A_49 = arith.constant 0 : i32
        %dma_start3A_50 = tpu.memref_slice %arg3[%add3A, %add3A_38, %dma_start3A_49] : memref<32x80x128xi32, #tpu.memory_space<hbm>> -> memref<1x1x128xi32, #tpu.memory_space<hbm>>
        %dma_start3A_51 = tpu.memref_squeeze %dma_start3A_50 : memref<1x1x128xi32, #tpu.memory_space<hbm>> -> memref<128xi32, #tpu.memory_space<hbm>>
        %dma_start3A_52 = arith.constant 0 : i32
        %dma_start3A_53 = tpu.memref_slice %arg3[%add3A, %add3A_38, %dma_start3A_52] : memref<32x80x128xi32, #tpu.memory_space<hbm>> -> memref<1x1x128xi32, #tpu.memory_space<hbm>>
        %dma_start3A_54 = tpu.memref_squeeze %dma_start3A_53 : memref<1x1x128xi32, #tpu.memory_space<hbm>> -> memref<128xi32, #tpu.memory_space<hbm>>
        tpu.enqueue_dma source(%dma_start3A_54 : memref<128xi32, #tpu.memory_space<hbm>>) target(%arg9 : memref<128xi32, #tpu.memory_space<vmem>>) target_semaphore(%run_scoped3A : memref<!tpu.dma_semaphore, #tpu.memory_space<semaphore_mem>>)
        %dma_wait3A_55 = arith.constant 0 : i32
        %dma_wait3A_56 = tpu.memref_slice %arg3[%add3A, %add3A_38, %dma_wait3A_55] : memref<32x80x128xi32, #tpu.memory_space<hbm>> -> memref<1x1x128xi32, #tpu.memory_space<hbm>>
        %dma_wait3A_57 = tpu.memref_squeeze %dma_wait3A_56 : memref<1x1x128xi32, #tpu.memory_space<hbm>> -> memref<128xi32, #tpu.memory_space<hbm>>
        %dma_wait3A_58 = arith.constant 0 : i32
        %dma_wait3A_59 = tpu.memref_slice %arg3[%add3A, %add3A_38, %dma_wait3A_58] : memref<32x80x128xi32, #tpu.memory_space<hbm>> -> memref<1x1x128xi32, #tpu.memory_space<hbm>>
        %dma_wait3A_60 = tpu.memref_squeeze %dma_wait3A_59 : memref<1x1x128xi32, #tpu.memory_space<hbm>> -> memref<128xi32, #tpu.memory_space<hbm>>
        tpu.wait_dma2 semaphore(%run_scoped3A : memref<!tpu.dma_semaphore, #tpu.memory_space<semaphore_mem>>) src(%dma_wait3A_60 : memref<128xi32, #tpu.memory_space<hbm>>) dst(%arg9 : memref<128xi32, #tpu.memory_space<vmem>>)
        tpu.yield
      }) : () -> ()
      %add3A_39 = arith.constant 1 : i32
      %add3A_40 = arith.addi %add3A_34, %add3A_39 : i32
      "tpu.region"() ({
        %run_scoped3A = tpu.sem_alloc : memref<!tpu.dma_semaphore, #tpu.memory_space<semaphore_mem>>
        %dma_start3A_49 = arith.constant 0 : i32
        %dma_start3A_50 = tpu.memref_slice %arg4[%add3A, %add3A_40, %dma_start3A_49] : memref<32x80x128xi32, #tpu.memory_space<hbm>> -> memref<1x1x128xi32, #tpu.memory_space<hbm>>
        %dma_start3A_51 = tpu.memref_squeeze %dma_start3A_50 : memref<1x1x128xi32, #tpu.memory_space<hbm>> -> memref<128xi32, #tpu.memory_space<hbm>>
        %dma_start3A_52 = arith.constant 0 : i32
        %dma_start3A_53 = tpu.memref_slice %arg4[%add3A, %add3A_40, %dma_start3A_52] : memref<32x80x128xi32, #tpu.memory_space<hbm>> -> memref<1x1x128xi32, #tpu.memory_space<hbm>>
        %dma_start3A_54 = tpu.memref_squeeze %dma_start3A_53 : memref<1x1x128xi32, #tpu.memory_space<hbm>> -> memref<128xi32, #tpu.memory_space<hbm>>
        tpu.enqueue_dma source(%dma_start3A_54 : memref<128xi32, #tpu.memory_space<hbm>>) target(%arg10 : memref<128xi32, #tpu.memory_space<vmem>>) target_semaphore(%run_scoped3A : memref<!tpu.dma_semaphore, #tpu.memory_space<semaphore_mem>>)
        %dma_wait3A_55 = arith.constant 0 : i32
        %dma_wait3A_56 = tpu.memref_slice %arg4[%add3A, %add3A_40, %dma_wait3A_55] : memref<32x80x128xi32, #tpu.memory_space<hbm>> -> memref<1x1x128xi32, #tpu.memory_space<hbm>>
        %dma_wait3A_57 = tpu.memref_squeeze %dma_wait3A_56 : memref<1x1x128xi32, #tpu.memory_space<hbm>> -> memref<128xi32, #tpu.memory_space<hbm>>
        %dma_wait3A_58 = arith.constant 0 : i32
        %dma_wait3A_59 = tpu.memref_slice %arg4[%add3A, %add3A_40, %dma_wait3A_58] : memref<32x80x128xi32, #tpu.memory_space<hbm>> -> memref<1x1x128xi32, #tpu.memory_space<hbm>>
        %dma_wait3A_60 = tpu.memref_squeeze %dma_wait3A_59 : memref<1x1x128xi32, #tpu.memory_space<hbm>> -> memref<128xi32, #tpu.memory_space<hbm>>
        tpu.wait_dma2 semaphore(%run_scoped3A : memref<!tpu.dma_semaphore, #tpu.memory_space<semaphore_mem>>) src(%dma_wait3A_60 : memref<128xi32, #tpu.memory_space<hbm>>) dst(%arg10 : memref<128xi32, #tpu.memory_space<vmem>>)
        tpu.yield
      }) : () -> ()
      %dma_wait3A = arith.constant 0 : i32
      %dma_wait3A_41 = arith.constant 0 : i32
      %dma_wait3A_42 = tpu.memref_slice %arg2[%dma_wait3A, %dma_wait3A_41] : memref<10240x128xf32, #tpu.memory_space<hbm>> -> memref<10240x128xf32, #tpu.memory_space<hbm>>
      tpu.wait_indirect_dma semaphore(%arg13 : memref<!tpu.dma_semaphore, #tpu.memory_space<semaphore_mem>>) src(%dma_wait3A_42 : memref<10240x128xf32, #tpu.memory_space<hbm>>) dst(%arg11 : memref<128x128xf32, #tpu.memory_space<vmem>>)
      %dma_start3A_43 = arith.constant 0 : i32
      %dma_start3A_44 = arith.constant 0 : i32
      %dma_start3A_45 = tpu.memref_slice %arg2[%dma_start3A_43, %dma_start3A_44] : memref<10240x128xf32, #tpu.memory_space<hbm>> -> memref<10240x128xf32, #tpu.memory_space<hbm>>
      tpu.enqueue_indirect_dma source(%dma_start3A_45 : memref<10240x128xf32, #tpu.memory_space<hbm>>) target(%arg12 : memref<128x128xf32, #tpu.memory_space<vmem>>) offsets(%arg9 : memref<128xi32, #tpu.memory_space<vmem>>) semaphore(%arg14 : memref<!tpu.dma_semaphore, #tpu.memory_space<semaphore_mem>>)
      "tpu.region"() ({
        %run_scoped3A = tpu.sem_alloc : memref<!tpu.dma_semaphore, #tpu.memory_space<semaphore_mem>>
        %dma_start3A_49 = arith.constant 0 : i32
        %dma_start3A_50 = arith.constant 0 : i32
        %dma_start3A_51 = tpu.memref_slice %arg15[%dma_start3A_49, %dma_start3A_50] : memref<10240x128xf32, #tpu.memory_space<vmem_shared>> -> memref<10240x128xf32, #tpu.memory_space<vmem_shared>>
        tpu.enqueue_indirect_dma source(%arg11 : memref<128x128xf32, #tpu.memory_space<vmem>>) target(%dma_start3A_51 : memref<10240x128xf32, #tpu.memory_space<vmem_shared>>) offsets(%arg8 : memref<128xi32, #tpu.memory_space<vmem>>) semaphore(%run_scoped3A : memref<!tpu.dma_semaphore, #tpu.memory_space<semaphore_mem>>) {add = true}
        %dma_wait3A_52 = arith.constant 0 : i32
        %dma_wait3A_53 = arith.constant 0 : i32
        %dma_wait3A_54 = tpu.memref_slice %arg15[%dma_wait3A_52, %dma_wait3A_53] : memref<10240x128xf32, #tpu.memory_space<vmem_shared>> -> memref<10240x128xf32, #tpu.memory_space<vmem_shared>>
        tpu.wait_indirect_dma semaphore(%run_scoped3A : memref<!tpu.dma_semaphore, #tpu.memory_space<semaphore_mem>>) src(%arg11 : memref<128x128xf32, #tpu.memory_space<vmem>>) dst(%dma_wait3A_54 : memref<10240x128xf32, #tpu.memory_space<vmem_shared>>)
        tpu.yield
      }) : () -> ()
      %dma_wait3A_46 = arith.constant 0 : i32
      %dma_wait3A_47 = arith.constant 0 : i32
      %dma_wait3A_48 = tpu.memref_slice %arg2[%dma_wait3A_46, %dma_wait3A_47] : memref<10240x128xf32, #tpu.memory_space<hbm>> -> memref<10240x128xf32, #tpu.memory_space<hbm>>
      tpu.wait_indirect_dma semaphore(%arg14 : memref<!tpu.dma_semaphore, #tpu.memory_space<semaphore_mem>>) src(%dma_wait3A_48 : memref<10240x128xf32, #tpu.memory_space<hbm>>) dst(%arg12 : memref<128x128xf32, #tpu.memory_space<vmem>>)
      "tpu.region"() ({
        %run_scoped3A = tpu.sem_alloc : memref<!tpu.dma_semaphore, #tpu.memory_space<semaphore_mem>>
        %dma_start3A_49 = arith.constant 0 : i32
        %dma_start3A_50 = arith.constant 0 : i32
        %dma_start3A_51 = tpu.memref_slice %arg15[%dma_start3A_49, %dma_start3A_50] : memref<10240x128xf32, #tpu.memory_space<vmem_shared>> -> memref<10240x128xf32, #tpu.memory_space<vmem_shared>>
        tpu.enqueue_indirect_dma source(%arg12 : memref<128x128xf32, #tpu.memory_space<vmem>>) target(%dma_start3A_51 : memref<10240x128xf32, #tpu.memory_space<vmem_shared>>) offsets(%arg10 : memref<128xi32, #tpu.memory_space<vmem>>) semaphore(%run_scoped3A : memref<!tpu.dma_semaphore, #tpu.memory_space<semaphore_mem>>) {add = true}
        %dma_wait3A_52 = arith.constant 0 : i32
        %dma_wait3A_53 = arith.constant 0 : i32
        %dma_wait3A_54 = tpu.memref_slice %arg15[%dma_wait3A_52, %dma_wait3A_53] : memref<10240x128xf32, #tpu.memory_space<vmem_shared>> -> memref<10240x128xf32, #tpu.memory_space<vmem_shared>>
        tpu.wait_indirect_dma semaphore(%run_scoped3A : memref<!tpu.dma_semaphore, #tpu.memory_space<semaphore_mem>>) src(%arg12 : memref<128x128xf32, #tpu.memory_space<vmem>>) dst(%dma_wait3A_54 : memref<10240x128xf32, #tpu.memory_space<vmem_shared>>)
        tpu.yield
      }) : () -> ()
    }
    %scan3A_24 = arith.constant 40 : i32
    %barrier3A_25 = arith.constant 0 : index
    tpu.barrier barrier_id(%barrier3A_25)
    %mul3A_26 = arith.constant 640 : i32
    %mul3A_27 = arith.muli %arg1, %mul3A_26 : i32
    %mul3A_28 = arith.constant 640 : i32
    %mul3A_29 = arith.muli %arg1, %mul3A_28 : i32
    "tpu.region"() ({
      %run_scoped3A = tpu.sem_alloc : memref<!tpu.dma_semaphore, #tpu.memory_space<semaphore_mem>>
      %dma_start3A = arith.constant 0 : i32
      %dma_start3A_30 = tpu.memref_slice %arg6[%arg0, %mul3A_29, %dma_start3A] : memref<2x10240x128xf32, #tpu.memory_space<hbm>> -> memref<1x640x128xf32, #tpu.memory_space<hbm>>
      %dma_start3A_31 = tpu.memref_squeeze %dma_start3A_30 : memref<1x640x128xf32, #tpu.memory_space<hbm>> -> memref<640x128xf32, #tpu.memory_space<hbm>>
      %dma_start3A_32 = arith.constant 0 : i32
      %dma_start3A_33 = tpu.memref_slice %arg15[%mul3A_27, %dma_start3A_32] : memref<10240x128xf32, #tpu.memory_space<vmem_shared>> -> memref<640x128xf32, #tpu.memory_space<vmem_shared>>
      tpu.enqueue_dma source(%dma_start3A_33 : memref<640x128xf32, #tpu.memory_space<vmem_shared>>) target(%dma_start3A_31 : memref<640x128xf32, #tpu.memory_space<hbm>>) target_semaphore(%run_scoped3A : memref<!tpu.dma_semaphore, #tpu.memory_space<semaphore_mem>>)
      %dma_wait3A = arith.constant 0 : i32
      %dma_wait3A_34 = tpu.memref_slice %arg6[%arg0, %mul3A_29, %dma_wait3A] : memref<2x10240x128xf32, #tpu.memory_space<hbm>> -> memref<1x640x128xf32, #tpu.memory_space<hbm>>
      %dma_wait3A_35 = tpu.memref_squeeze %dma_wait3A_34 : memref<1x640x128xf32, #tpu.memory_space<hbm>> -> memref<640x128xf32, #tpu.memory_space<hbm>>
      %dma_wait3A_36 = arith.constant 0 : i32
      %dma_wait3A_37 = tpu.memref_slice %arg15[%mul3A_27, %dma_wait3A_36] : memref<10240x128xf32, #tpu.memory_space<vmem_shared>> -> memref<640x128xf32, #tpu.memory_space<vmem_shared>>
      tpu.wait_dma2 semaphore(%run_scoped3A : memref<!tpu.dma_semaphore, #tpu.memory_space<semaphore_mem>>) src(%dma_wait3A_37 : memref<640x128xf32, #tpu.memory_space<vmem_shared>>) dst(%dma_wait3A_35 : memref<640x128xf32, #tpu.memory_space<hbm>>)
      tpu.yield
    }) : () -> ()
    return
  }
}

#map = affine_map<(d0, d1) -> (0, 0)>
#map1 = affine_map<(d0, d1) -> (0, 0, 0)>
module attributes {stable_mosaic.version = 14 : i64} {
  func.func @scat_kernel(%arg0: i32, %arg1: i32, %arg2: memref<10240x128xf32, #tpu.memory_space<hbm>>, %arg3: memref<32x80x128xi32, #tpu.memory_space<hbm>>, %arg4: memref<32x80x128xi32, #tpu.memory_space<hbm>>, %arg5: memref<128x128xf32, #tpu.memory_space<hbm>>, %arg6: memref<2x10240x128xf32, #tpu.memory_space<hbm>>, %arg7: memref<128xi32, #tpu.memory_space<vmem>>, %arg8: memref<128xi32, #tpu.memory_space<vmem>>, %arg9: memref<128xi32, #tpu.memory_space<vmem>>, %arg10: memref<128xi32, #tpu.memory_space<vmem>>, %arg11: memref<128x128xf32, #tpu.memory_space<vmem>>, %arg12: memref<128x128xf32, #tpu.memory_space<vmem>>, %arg13: memref<!tpu.dma_semaphore, #tpu.memory_space<semaphore_mem>>, %arg14: memref<!tpu.dma_semaphore, #tpu.memory_space<semaphore_mem>>, %arg15: memref<10240x128xf32, #tpu.memory_space<vmem_shared>>) attributes {dimension_semantics = [#tpu.dimension_semantics<core_parallel>, #tpu.dimension_semantics<subcore_parallel>], iteration_bounds = array<i64: 2, 16>, scalar_prefetch = 0 : i64, scratch_operands = 9 : i64, tpu.core_type = #tpu.core_type<sc_vector_subcore>, window_params = [{transform_indices = #map}, {transform_indices = #map1}, {transform_indices = #map1}, {transform_indices = #map}, {transform_indices = #map1}]} {
    %mul3A = arith.constant 2 : i32
    %mul3A_0 = arith.muli %arg1, %mul3A : i32
    %add3A = arith.addi %mul3A_0, %arg0 : i32
    "tpu.region"() ({
      %run_scoped3A = tpu.sem_alloc : memref<!tpu.dma_semaphore, #tpu.memory_space<semaphore_mem>>
      tpu.enqueue_dma source(%arg5 : memref<128x128xf32, #tpu.memory_space<hbm>>) target(%arg11 : memref<128x128xf32, #tpu.memory_space<vmem>>) target_semaphore(%run_scoped3A : memref<!tpu.dma_semaphore, #tpu.memory_space<semaphore_mem>>)
      tpu.wait_dma2 semaphore(%run_scoped3A : memref<!tpu.dma_semaphore, #tpu.memory_space<semaphore_mem>>) src(%arg5 : memref<128x128xf32, #tpu.memory_space<hbm>>) dst(%arg11 : memref<128x128xf32, #tpu.memory_space<vmem>>)
      tpu.yield
    }) : () -> ()
    %mul3A_1 = arith.constant 640 : i32
    %mul3A_2 = arith.muli %arg1, %mul3A_1 : i32
    %add3A_3 = arith.constant 0 : i32
    %add3A_4 = arith.addi %mul3A_2, %add3A_3 : i32
    "tpu.region"() ({
      %run_scoped3A = tpu.sem_alloc : memref<!tpu.dma_semaphore, #tpu.memory_space<semaphore_mem>>
      %dma_start3A = arith.constant 0 : i32
      %dma_start3A_30 = tpu.memref_slice %arg15[%add3A_4, %dma_start3A] : memref<10240x128xf32, #tpu.memory_space<vmem_shared>> -> memref<128x128xf32, #tpu.memory_space<vmem_shared>>
      %dma_start3A_31 = arith.constant 0 : i32
      %dma_start3A_32 = tpu.memref_slice %arg15[%add3A_4, %dma_start3A_31] : memref<10240x128xf32, #tpu.memory_space<vmem_shared>> -> memref<128x128xf32, #tpu.memory_space<vmem_shared>>
      tpu.enqueue_dma source(%arg11 : memref<128x128xf32, #tpu.memory_space<vmem>>) target(%dma_start3A_32 : memref<128x128xf32, #tpu.memory_space<vmem_shared>>) target_semaphore(%run_scoped3A : memref<!tpu.dma_semaphore, #tpu.memory_space<semaphore_mem>>)
      %dma_wait3A = arith.constant 0 : i32
      %dma_wait3A_33 = tpu.memref_slice %arg15[%add3A_4, %dma_wait3A] : memref<10240x128xf32, #tpu.memory_space<vmem_shared>> -> memref<128x128xf32, #tpu.memory_space<vmem_shared>>
      %dma_wait3A_34 = arith.constant 0 : i32
      %dma_wait3A_35 = tpu.memref_slice %arg15[%add3A_4, %dma_wait3A_34] : memref<10240x128xf32, #tpu.memory_space<vmem_shared>> -> memref<128x128xf32, #tpu.memory_space<vmem_shared>>
      tpu.wait_dma2 semaphore(%run_scoped3A : memref<!tpu.dma_semaphore, #tpu.memory_space<semaphore_mem>>) src(%arg11 : memref<128x128xf32, #tpu.memory_space<vmem>>) dst(%dma_wait3A_35 : memref<128x128xf32, #tpu.memory_space<vmem_shared>>)
      tpu.yield
    }) : () -> ()
    %mul3A_5 = arith.constant 640 : i32
    %mul3A_6 = arith.muli %arg1, %mul3A_5 : i32
    %add3A_7 = arith.constant 128 : i32
    %add3A_8 = arith.addi %mul3A_6, %add3A_7 : i32
    "tpu.region"() ({
      %run_scoped3A = tpu.sem_alloc : memref<!tpu.dma_semaphore, #tpu.memory_space<semaphore_mem>>
      %dma_start3A = arith.constant 0 : i32
      %dma_start3A_30 = tpu.memref_slice %arg15[%add3A_8, %dma_start3A] : memref<10240x128xf32, #tpu.memory_space<vmem_shared>> -> memref<128x128xf32, #tpu.memory_space<vmem_shared>>
      %dma_start3A_31 = arith.constant 0 : i32
      %dma_start3A_32 = tpu.memref_slice %arg15[%add3A_8, %dma_start3A_31] : memref<10240x128xf32, #tpu.memory_space<vmem_shared>> -> memref<128x128xf32, #tpu.memory_space<vmem_shared>>
      tpu.enqueue_dma source(%arg11 : memref<128x128xf32, #tpu.memory_space<vmem>>) target(%dma_start3A_32 : memref<128x128xf32, #tpu.memory_space<vmem_shared>>) target_semaphore(%run_scoped3A : memref<!tpu.dma_semaphore, #tpu.memory_space<semaphore_mem>>)
      %dma_wait3A = arith.constant 0 : i32
      %dma_wait3A_33 = tpu.memref_slice %arg15[%add3A_8, %dma_wait3A] : memref<10240x128xf32, #tpu.memory_space<vmem_shared>> -> memref<128x128xf32, #tpu.memory_space<vmem_shared>>
      %dma_wait3A_34 = arith.constant 0 : i32
      %dma_wait3A_35 = tpu.memref_slice %arg15[%add3A_8, %dma_wait3A_34] : memref<10240x128xf32, #tpu.memory_space<vmem_shared>> -> memref<128x128xf32, #tpu.memory_space<vmem_shared>>
      tpu.wait_dma2 semaphore(%run_scoped3A : memref<!tpu.dma_semaphore, #tpu.memory_space<semaphore_mem>>) src(%arg11 : memref<128x128xf32, #tpu.memory_space<vmem>>) dst(%dma_wait3A_35 : memref<128x128xf32, #tpu.memory_space<vmem_shared>>)
      tpu.yield
    }) : () -> ()
    %mul3A_9 = arith.constant 640 : i32
    %mul3A_10 = arith.muli %arg1, %mul3A_9 : i32
    %add3A_11 = arith.constant 256 : i32
    %add3A_12 = arith.addi %mul3A_10, %add3A_11 : i32
    "tpu.region"() ({
      %run_scoped3A = tpu.sem_alloc : memref<!tpu.dma_semaphore, #tpu.memory_space<semaphore_mem>>
      %dma_start3A = arith.constant 0 : i32
      %dma_start3A_30 = tpu.memref_slice %arg15[%add3A_12, %dma_start3A] : memref<10240x128xf32, #tpu.memory_space<vmem_shared>> -> memref<128x128xf32, #tpu.memory_space<vmem_shared>>
      %dma_start3A_31 = arith.constant 0 : i32
      %dma_start3A_32 = tpu.memref_slice %arg15[%add3A_12, %dma_start3A_31] : memref<10240x128xf32, #tpu.memory_space<vmem_shared>> -> memref<128x128xf32, #tpu.memory_space<vmem_shared>>
      tpu.enqueue_dma source(%arg11 : memref<128x128xf32, #tpu.memory_space<vmem>>) target(%dma_start3A_32 : memref<128x128xf32, #tpu.memory_space<vmem_shared>>) target_semaphore(%run_scoped3A : memref<!tpu.dma_semaphore, #tpu.memory_space<semaphore_mem>>)
      %dma_wait3A = arith.constant 0 : i32
      %dma_wait3A_33 = tpu.memref_slice %arg15[%add3A_12, %dma_wait3A] : memref<10240x128xf32, #tpu.memory_space<vmem_shared>> -> memref<128x128xf32, #tpu.memory_space<vmem_shared>>
      %dma_wait3A_34 = arith.constant 0 : i32
      %dma_wait3A_35 = tpu.memref_slice %arg15[%add3A_12, %dma_wait3A_34] : memref<10240x128xf32, #tpu.memory_space<vmem_shared>> -> memref<128x128xf32, #tpu.memory_space<vmem_shared>>
      tpu.wait_dma2 semaphore(%run_scoped3A : memref<!tpu.dma_semaphore, #tpu.memory_space<semaphore_mem>>) src(%arg11 : memref<128x128xf32, #tpu.memory_space<vmem>>) dst(%dma_wait3A_35 : memref<128x128xf32, #tpu.memory_space<vmem_shared>>)
      tpu.yield
    }) : () -> ()
    %mul3A_13 = arith.constant 640 : i32
    %mul3A_14 = arith.muli %arg1, %mul3A_13 : i32
    %add3A_15 = arith.constant 384 : i32
    %add3A_16 = arith.addi %mul3A_14, %add3A_15 : i32
    "tpu.region"() ({
      %run_scoped3A = tpu.sem_alloc : memref<!tpu.dma_semaphore, #tpu.memory_space<semaphore_mem>>
      %dma_start3A = arith.constant 0 : i32
      %dma_start3A_30 = tpu.memref_slice %arg15[%add3A_16, %dma_start3A] : memref<10240x128xf32, #tpu.memory_space<vmem_shared>> -> memref<128x128xf32, #tpu.memory_space<vmem_shared>>
      %dma_start3A_31 = arith.constant 0 : i32
      %dma_start3A_32 = tpu.memref_slice %arg15[%add3A_16, %dma_start3A_31] : memref<10240x128xf32, #tpu.memory_space<vmem_shared>> -> memref<128x128xf32, #tpu.memory_space<vmem_shared>>
      tpu.enqueue_dma source(%arg11 : memref<128x128xf32, #tpu.memory_space<vmem>>) target(%dma_start3A_32 : memref<128x128xf32, #tpu.memory_space<vmem_shared>>) target_semaphore(%run_scoped3A : memref<!tpu.dma_semaphore, #tpu.memory_space<semaphore_mem>>)
      %dma_wait3A = arith.constant 0 : i32
      %dma_wait3A_33 = tpu.memref_slice %arg15[%add3A_16, %dma_wait3A] : memref<10240x128xf32, #tpu.memory_space<vmem_shared>> -> memref<128x128xf32, #tpu.memory_space<vmem_shared>>
      %dma_wait3A_34 = arith.constant 0 : i32
      %dma_wait3A_35 = tpu.memref_slice %arg15[%add3A_16, %dma_wait3A_34] : memref<10240x128xf32, #tpu.memory_space<vmem_shared>> -> memref<128x128xf32, #tpu.memory_space<vmem_shared>>
      tpu.wait_dma2 semaphore(%run_scoped3A : memref<!tpu.dma_semaphore, #tpu.memory_space<semaphore_mem>>) src(%arg11 : memref<128x128xf32, #tpu.memory_space<vmem>>) dst(%dma_wait3A_35 : memref<128x128xf32, #tpu.memory_space<vmem_shared>>)
      tpu.yield
    }) : () -> ()
    %mul3A_17 = arith.constant 640 : i32
    %mul3A_18 = arith.muli %arg1, %mul3A_17 : i32
    %add3A_19 = arith.constant 512 : i32
    %add3A_20 = arith.addi %mul3A_18, %add3A_19 : i32
    "tpu.region"() ({
      %run_scoped3A = tpu.sem_alloc : memref<!tpu.dma_semaphore, #tpu.memory_space<semaphore_mem>>
      %dma_start3A = arith.constant 0 : i32
      %dma_start3A_30 = tpu.memref_slice %arg15[%add3A_20, %dma_start3A] : memref<10240x128xf32, #tpu.memory_space<vmem_shared>> -> memref<128x128xf32, #tpu.memory_space<vmem_shared>>
      %dma_start3A_31 = arith.constant 0 : i32
      %dma_start3A_32 = tpu.memref_slice %arg15[%add3A_20, %dma_start3A_31] : memref<10240x128xf32, #tpu.memory_space<vmem_shared>> -> memref<128x128xf32, #tpu.memory_space<vmem_shared>>
      tpu.enqueue_dma source(%arg11 : memref<128x128xf32, #tpu.memory_space<vmem>>) target(%dma_start3A_32 : memref<128x128xf32, #tpu.memory_space<vmem_shared>>) target_semaphore(%run_scoped3A : memref<!tpu.dma_semaphore, #tpu.memory_space<semaphore_mem>>)
      %dma_wait3A = arith.constant 0 : i32
      %dma_wait3A_33 = tpu.memref_slice %arg15[%add3A_20, %dma_wait3A] : memref<10240x128xf32, #tpu.memory_space<vmem_shared>> -> memref<128x128xf32, #tpu.memory_space<vmem_shared>>
      %dma_wait3A_34 = arith.constant 0 : i32
      %dma_wait3A_35 = tpu.memref_slice %arg15[%add3A_20, %dma_wait3A_34] : memref<10240x128xf32, #tpu.memory_space<vmem_shared>> -> memref<128x128xf32, #tpu.memory_space<vmem_shared>>
      tpu.wait_dma2 semaphore(%run_scoped3A : memref<!tpu.dma_semaphore, #tpu.memory_space<semaphore_mem>>) src(%arg11 : memref<128x128xf32, #tpu.memory_space<vmem>>) dst(%dma_wait3A_35 : memref<128x128xf32, #tpu.memory_space<vmem_shared>>)
      tpu.yield
    }) : () -> ()
    %barrier3A = arith.constant 0 : index
    tpu.barrier barrier_id(%barrier3A)
    %scan3A = arith.constant 0 : i32
    %scan3A_21 = arith.constant 40 : i32
    %scan3A_22 = arith.addi %scan3A, %scan3A_21 : i32
    %scan3A_23 = arith.constant 1 : i32
    scf.for %scan3A_30 = %scan3A to %scan3A_22 step %scan3A_23  : i32 {
      %mul3A_31 = arith.constant 2 : i32
      %mul3A_32 = arith.muli %scan3A_30, %mul3A_31 : i32
      %add3A_33 = arith.constant 0 : i32
      %add3A_34 = arith.addi %add3A_33, %mul3A_32 : i32
      "tpu.region"() ({
        %run_scoped3A = tpu.sem_alloc : memref<!tpu.dma_semaphore, #tpu.memory_space<semaphore_mem>>
        %dma_start3A_49 = arith.constant 0 : i32
        %dma_start3A_50 = tpu.memref_slice %arg3[%add3A, %add3A_34, %dma_start3A_49] : memref<32x80x128xi32, #tpu.memory_space<hbm>> -> memref<1x1x128xi32, #tpu.memory_space<hbm>>
        %dma_start3A_51 = tpu.memref_squeeze %dma_start3A_50 : memref<1x1x128xi32, #tpu.memory_space<hbm>> -> memref<128xi32, #tpu.memory_space<hbm>>
        %dma_start3A_52 = arith.constant 0 : i32
        %dma_start3A_53 = tpu.memref_slice %arg3[%add3A, %add3A_34, %dma_start3A_52] : memref<32x80x128xi32, #tpu.memory_space<hbm>> -> memref<1x1x128xi32, #tpu.memory_space<hbm>>
        %dma_start3A_54 = tpu.memref_squeeze %dma_start3A_53 : memref<1x1x128xi32, #tpu.memory_space<hbm>> -> memref<128xi32, #tpu.memory_space<hbm>>
        tpu.enqueue_dma source(%dma_start3A_54 : memref<128xi32, #tpu.memory_space<hbm>>) target(%arg7 : memref<128xi32, #tpu.memory_space<vmem>>) target_semaphore(%run_scoped3A : memref<!tpu.dma_semaphore, #tpu.memory_space<semaphore_mem>>)
        %dma_wait3A_55 = arith.constant 0 : i32
        %dma_wait3A_56 = tpu.memref_slice %arg3[%add3A, %add3A_34, %dma_wait3A_55] : memref<32x80x128xi32, #tpu.memory_space<hbm>> -> memref<1x1x128xi32, #tpu.memory_space<hbm>>
        %dma_wait3A_57 = tpu.memref_squeeze %dma_wait3A_56 : memref<1x1x128xi32, #tpu.memory_space<hbm>> -> memref<128xi32, #tpu.memory_space<hbm>>
        %dma_wait3A_58 = arith.constant 0 : i32
        %dma_wait3A_59 = tpu.memref_slice %arg3[%add3A, %add3A_34, %dma_wait3A_58] : memref<32x80x128xi32, #tpu.memory_space<hbm>> -> memref<1x1x128xi32, #tpu.memory_space<hbm>>
        %dma_wait3A_60 = tpu.memref_squeeze %dma_wait3A_59 : memref<1x1x128xi32, #tpu.memory_space<hbm>> -> memref<128xi32, #tpu.memory_space<hbm>>
        tpu.wait_dma2 semaphore(%run_scoped3A : memref<!tpu.dma_semaphore, #tpu.memory_space<semaphore_mem>>) src(%dma_wait3A_60 : memref<128xi32, #tpu.memory_space<hbm>>) dst(%arg7 : memref<128xi32, #tpu.memory_space<vmem>>)
        tpu.yield
      }) : () -> ()
      "tpu.region"() ({
        %run_scoped3A = tpu.sem_alloc : memref<!tpu.dma_semaphore, #tpu.memory_space<semaphore_mem>>
        %dma_start3A_49 = arith.constant 0 : i32
        %dma_start3A_50 = tpu.memref_slice %arg4[%add3A, %add3A_34, %dma_start3A_49] : memref<32x80x128xi32, #tpu.memory_space<hbm>> -> memref<1x1x128xi32, #tpu.memory_space<hbm>>
        %dma_start3A_51 = tpu.memref_squeeze %dma_start3A_50 : memref<1x1x128xi32, #tpu.memory_space<hbm>> -> memref<128xi32, #tpu.memory_space<hbm>>
        %dma_start3A_52 = arith.constant 0 : i32
        %dma_start3A_53 = tpu.memref_slice %arg4[%add3A, %add3A_34, %dma_start3A_52] : memref<32x80x128xi32, #tpu.memory_space<hbm>> -> memref<1x1x128xi32, #tpu.memory_space<hbm>>
        %dma_start3A_54 = tpu.memref_squeeze %dma_start3A_53 : memref<1x1x128xi32, #tpu.memory_space<hbm>> -> memref<128xi32, #tpu.memory_space<hbm>>
        tpu.enqueue_dma source(%dma_start3A_54 : memref<128xi32, #tpu.memory_space<hbm>>) target(%arg8 : memref<128xi32, #tpu.memory_space<vmem>>) target_semaphore(%run_scoped3A : memref<!tpu.dma_semaphore, #tpu.memory_space<semaphore_mem>>)
        %dma_wait3A_55 = arith.constant 0 : i32
        %dma_wait3A_56 = tpu.memref_slice %arg4[%add3A, %add3A_34, %dma_wait3A_55] : memref<32x80x128xi32, #tpu.memory_space<hbm>> -> memref<1x1x128xi32, #tpu.memory_space<hbm>>
        %dma_wait3A_57 = tpu.memref_squeeze %dma_wait3A_56 : memref<1x1x128xi32, #tpu.memory_space<hbm>> -> memref<128xi32, #tpu.memory_space<hbm>>
        %dma_wait3A_58 = arith.constant 0 : i32
        %dma_wait3A_59 = tpu.memref_slice %arg4[%add3A, %add3A_34, %dma_wait3A_58] : memref<32x80x128xi32, #tpu.memory_space<hbm>> -> memref<1x1x128xi32, #tpu.memory_space<hbm>>
        %dma_wait3A_60 = tpu.memref_squeeze %dma_wait3A_59 : memref<1x1x128xi32, #tpu.memory_space<hbm>> -> memref<128xi32, #tpu.memory_space<hbm>>
        tpu.wait_dma2 semaphore(%run_scoped3A : memref<!tpu.dma_semaphore, #tpu.memory_space<semaphore_mem>>) src(%dma_wait3A_60 : memref<128xi32, #tpu.memory_space<hbm>>) dst(%arg8 : memref<128xi32, #tpu.memory_space<vmem>>)
        tpu.yield
      }) : () -> ()
      %dma_start3A = arith.constant 0 : i32
      %dma_start3A_35 = arith.constant 0 : i32
      %dma_start3A_36 = tpu.memref_slice %arg2[%dma_start3A, %dma_start3A_35] : memref<10240x128xf32, #tpu.memory_space<hbm>> -> memref<10240x128xf32, #tpu.memory_space<hbm>>
      tpu.enqueue_indirect_dma source(%dma_start3A_36 : memref<10240x128xf32, #tpu.memory_space<hbm>>) target(%arg11 : memref<128x128xf32, #tpu.memory_space<vmem>>) offsets(%arg7 : memref<128xi32, #tpu.memory_space<vmem>>) semaphore(%arg13 : memref<!tpu.dma_semaphore, #tpu.memory_space<semaphore_mem>>)
      %add3A_37 = arith.constant 1 : i32
      %add3A_38 = arith.addi %add3A_34, %add3A_37 : i32
      "tpu.region"() ({
        %run_scoped3A = tpu.sem_alloc : memref<!tpu.dma_semaphore, #tpu.memory_space<semaphore_mem>>
        %dma_start3A_49 = arith.constant 0 : i32
        %dma_start3A_50 = tpu.memref_slice %arg3[%add3A, %add3A_38, %dma_start3A_49] : memref<32x80x128xi32, #tpu.memory_space<hbm>> -> memref<1x1x128xi32, #tpu.memory_space<hbm>>
        %dma_start3A_51 = tpu.memref_squeeze %dma_start3A_50 : memref<1x1x128xi32, #tpu.memory_space<hbm>> -> memref<128xi32, #tpu.memory_space<hbm>>
        %dma_start3A_52 = arith.constant 0 : i32
        %dma_start3A_53 = tpu.memref_slice %arg3[%add3A, %add3A_38, %dma_start3A_52] : memref<32x80x128xi32, #tpu.memory_space<hbm>> -> memref<1x1x128xi32, #tpu.memory_space<hbm>>
        %dma_start3A_54 = tpu.memref_squeeze %dma_start3A_53 : memref<1x1x128xi32, #tpu.memory_space<hbm>> -> memref<128xi32, #tpu.memory_space<hbm>>
        tpu.enqueue_dma source(%dma_start3A_54 : memref<128xi32, #tpu.memory_space<hbm>>) target(%arg9 : memref<128xi32, #tpu.memory_space<vmem>>) target_semaphore(%run_scoped3A : memref<!tpu.dma_semaphore, #tpu.memory_space<semaphore_mem>>)
        %dma_wait3A_55 = arith.constant 0 : i32
        %dma_wait3A_56 = tpu.memref_slice %arg3[%add3A, %add3A_38, %dma_wait3A_55] : memref<32x80x128xi32, #tpu.memory_space<hbm>> -> memref<1x1x128xi32, #tpu.memory_space<hbm>>
        %dma_wait3A_57 = tpu.memref_squeeze %dma_wait3A_56 : memref<1x1x128xi32, #tpu.memory_space<hbm>> -> memref<128xi32, #tpu.memory_space<hbm>>
        %dma_wait3A_58 = arith.constant 0 : i32
        %dma_wait3A_59 = tpu.memref_slice %arg3[%add3A, %add3A_38, %dma_wait3A_58] : memref<32x80x128xi32, #tpu.memory_space<hbm>> -> memref<1x1x128xi32, #tpu.memory_space<hbm>>
        %dma_wait3A_60 = tpu.memref_squeeze %dma_wait3A_59 : memref<1x1x128xi32, #tpu.memory_space<hbm>> -> memref<128xi32, #tpu.memory_space<hbm>>
        tpu.wait_dma2 semaphore(%run_scoped3A : memref<!tpu.dma_semaphore, #tpu.memory_space<semaphore_mem>>) src(%dma_wait3A_60 : memref<128xi32, #tpu.memory_space<hbm>>) dst(%arg9 : memref<128xi32, #tpu.memory_space<vmem>>)
        tpu.yield
      }) : () -> ()
      %add3A_39 = arith.constant 1 : i32
      %add3A_40 = arith.addi %add3A_34, %add3A_39 : i32
      "tpu.region"() ({
        %run_scoped3A = tpu.sem_alloc : memref<!tpu.dma_semaphore, #tpu.memory_space<semaphore_mem>>
        %dma_start3A_49 = arith.constant 0 : i32
        %dma_start3A_50 = tpu.memref_slice %arg4[%add3A, %add3A_40, %dma_start3A_49] : memref<32x80x128xi32, #tpu.memory_space<hbm>> -> memref<1x1x128xi32, #tpu.memory_space<hbm>>
        %dma_start3A_51 = tpu.memref_squeeze %dma_start3A_50 : memref<1x1x128xi32, #tpu.memory_space<hbm>> -> memref<128xi32, #tpu.memory_space<hbm>>
        %dma_start3A_52 = arith.constant 0 : i32
        %dma_start3A_53 = tpu.memref_slice %arg4[%add3A, %add3A_40, %dma_start3A_52] : memref<32x80x128xi32, #tpu.memory_space<hbm>> -> memref<1x1x128xi32, #tpu.memory_space<hbm>>
        %dma_start3A_54 = tpu.memref_squeeze %dma_start3A_53 : memref<1x1x128xi32, #tpu.memory_space<hbm>> -> memref<128xi32, #tpu.memory_space<hbm>>
        tpu.enqueue_dma source(%dma_start3A_54 : memref<128xi32, #tpu.memory_space<hbm>>) target(%arg10 : memref<128xi32, #tpu.memory_space<vmem>>) target_semaphore(%run_scoped3A : memref<!tpu.dma_semaphore, #tpu.memory_space<semaphore_mem>>)
        %dma_wait3A_55 = arith.constant 0 : i32
        %dma_wait3A_56 = tpu.memref_slice %arg4[%add3A, %add3A_40, %dma_wait3A_55] : memref<32x80x128xi32, #tpu.memory_space<hbm>> -> memref<1x1x128xi32, #tpu.memory_space<hbm>>
        %dma_wait3A_57 = tpu.memref_squeeze %dma_wait3A_56 : memref<1x1x128xi32, #tpu.memory_space<hbm>> -> memref<128xi32, #tpu.memory_space<hbm>>
        %dma_wait3A_58 = arith.constant 0 : i32
        %dma_wait3A_59 = tpu.memref_slice %arg4[%add3A, %add3A_40, %dma_wait3A_58] : memref<32x80x128xi32, #tpu.memory_space<hbm>> -> memref<1x1x128xi32, #tpu.memory_space<hbm>>
        %dma_wait3A_60 = tpu.memref_squeeze %dma_wait3A_59 : memref<1x1x128xi32, #tpu.memory_space<hbm>> -> memref<128xi32, #tpu.memory_space<hbm>>
        tpu.wait_dma2 semaphore(%run_scoped3A : memref<!tpu.dma_semaphore, #tpu.memory_space<semaphore_mem>>) src(%dma_wait3A_60 : memref<128xi32, #tpu.memory_space<hbm>>) dst(%arg10 : memref<128xi32, #tpu.memory_space<vmem>>)
        tpu.yield
      }) : () -> ()
      %dma_wait3A = arith.constant 0 : i32
      %dma_wait3A_41 = arith.constant 0 : i32
      %dma_wait3A_42 = tpu.memref_slice %arg2[%dma_wait3A, %dma_wait3A_41] : memref<10240x128xf32, #tpu.memory_space<hbm>> -> memref<10240x128xf32, #tpu.memory_space<hbm>>
      tpu.wait_indirect_dma semaphore(%arg13 : memref<!tpu.dma_semaphore, #tpu.memory_space<semaphore_mem>>) src(%dma_wait3A_42 : memref<10240x128xf32, #tpu.memory_space<hbm>>) dst(%arg11 : memref<128x128xf32, #tpu.memory_space<vmem>>)
      %dma_start3A_43 = arith.constant 0 : i32
      %dma_start3A_44 = arith.constant 0 : i32
      %dma_start3A_45 = tpu.memref_slice %arg2[%dma_start3A_43, %dma_start3A_44] : memref<10240x128xf32, #tpu.memory_space<hbm>> -> memref<10240x128xf32, #tpu.memory_space<hbm>>
      tpu.enqueue_indirect_dma source(%dma_start3A_45 : memref<10240x128xf32, #tpu.memory_space<hbm>>) target(%arg12 : memref<128x128xf32, #tpu.memory_space<vmem>>) offsets(%arg9 : memref<128xi32, #tpu.memory_space<vmem>>) semaphore(%arg14 : memref<!tpu.dma_semaphore, #tpu.memory_space<semaphore_mem>>)
      "tpu.region"() ({
        %run_scoped3A = tpu.sem_alloc : memref<!tpu.dma_semaphore, #tpu.memory_space<semaphore_mem>>
        %dma_start3A_49 = arith.constant 0 : i32
        %dma_start3A_50 = arith.constant 0 : i32
        %dma_start3A_51 = tpu.memref_slice %arg15[%dma_start3A_49, %dma_start3A_50] : memref<10240x128xf32, #tpu.memory_space<vmem_shared>> -> memref<10240x128xf32, #tpu.memory_space<vmem_shared>>
        tpu.enqueue_indirect_dma source(%arg11 : memref<128x128xf32, #tpu.memory_space<vmem>>) target(%dma_start3A_51 : memref<10240x128xf32, #tpu.memory_space<vmem_shared>>) offsets(%arg8 : memref<128xi32, #tpu.memory_space<vmem>>) semaphore(%run_scoped3A : memref<!tpu.dma_semaphore, #tpu.memory_space<semaphore_mem>>) {add = true}
        %dma_wait3A_52 = arith.constant 0 : i32
        %dma_wait3A_53 = arith.constant 0 : i32
        %dma_wait3A_54 = tpu.memref_slice %arg15[%dma_wait3A_52, %dma_wait3A_53] : memref<10240x128xf32, #tpu.memory_space<vmem_shared>> -> memref<10240x128xf32, #tpu.memory_space<vmem_shared>>
        tpu.wait_indirect_dma semaphore(%run_scoped3A : memref<!tpu.dma_semaphore, #tpu.memory_space<semaphore_mem>>) src(%arg11 : memref<128x128xf32, #tpu.memory_space<vmem>>) dst(%dma_wait3A_54 : memref<10240x128xf32, #tpu.memory_space<vmem_shared>>)
        tpu.yield
      }) : () -> ()
      %dma_wait3A_46 = arith.constant 0 : i32
      %dma_wait3A_47 = arith.constant 0 : i32
      %dma_wait3A_48 = tpu.memref_slice %arg2[%dma_wait3A_46, %dma_wait3A_47] : memref<10240x128xf32, #tpu.memory_space<hbm>> -> memref<10240x128xf32, #tpu.memory_space<hbm>>
      tpu.wait_indirect_dma semaphore(%arg14 : memref<!tpu.dma_semaphore, #tpu.memory_space<semaphore_mem>>) src(%dma_wait3A_48 : memref<10240x128xf32, #tpu.memory_space<hbm>>) dst(%arg12 : memref<128x128xf32, #tpu.memory_space<vmem>>)
      "tpu.region"() ({
        %run_scoped3A = tpu.sem_alloc : memref<!tpu.dma_semaphore, #tpu.memory_space<semaphore_mem>>
        %dma_start3A_49 = arith.constant 0 : i32
        %dma_start3A_50 = arith.constant 0 : i32
        %dma_start3A_51 = tpu.memref_slice %arg15[%dma_start3A_49, %dma_start3A_50] : memref<10240x128xf32, #tpu.memory_space<vmem_shared>> -> memref<10240x128xf32, #tpu.memory_space<vmem_shared>>
        tpu.enqueue_indirect_dma source(%arg12 : memref<128x128xf32, #tpu.memory_space<vmem>>) target(%dma_start3A_51 : memref<10240x128xf32, #tpu.memory_space<vmem_shared>>) offsets(%arg10 : memref<128xi32, #tpu.memory_space<vmem>>) semaphore(%run_scoped3A : memref<!tpu.dma_semaphore, #tpu.memory_space<semaphore_mem>>) {add = true}
        %dma_wait3A_52 = arith.constant 0 : i32
        %dma_wait3A_53 = arith.constant 0 : i32
        %dma_wait3A_54 = tpu.memref_slice %arg15[%dma_wait3A_52, %dma_wait3A_53] : memref<10240x128xf32, #tpu.memory_space<vmem_shared>> -> memref<10240x128xf32, #tpu.memory_space<vmem_shared>>
        tpu.wait_indirect_dma semaphore(%run_scoped3A : memref<!tpu.dma_semaphore, #tpu.memory_space<semaphore_mem>>) src(%arg12 : memref<128x128xf32, #tpu.memory_space<vmem>>) dst(%dma_wait3A_54 : memref<10240x128xf32, #tpu.memory_space<vmem_shared>>)
        tpu.yield
      }) : () -> ()
    }
    %scan3A_24 = arith.constant 40 : i32
    %barrier3A_25 = arith.constant 0 : index
    tpu.barrier barrier_id(%barrier3A_25)
    %mul3A_26 = arith.constant 640 : i32
    %mul3A_27 = arith.muli %arg1, %mul3A_26 : i32
    %mul3A_28 = arith.constant 640 : i32
    %mul3A_29 = arith.muli %arg1, %mul3A_28 : i32
    "tpu.region"() ({
      %run_scoped3A = tpu.sem_alloc : memref<!tpu.dma_semaphore, #tpu.memory_space<semaphore_mem>>
      %dma_start3A = arith.constant 0 : i32
      %dma_start3A_30 = tpu.memref_slice %arg6[%arg0, %mul3A_29, %dma_start3A] : memref<2x10240x128xf32, #tpu.memory_space<hbm>> -> memref<1x640x128xf32, #tpu.memory_space<hbm>>
      %dma_start3A_31 = tpu.memref_squeeze %dma_start3A_30 : memref<1x640x128xf32, #tpu.memory_space<hbm>> -> memref<640x128xf32, #tpu.memory_space<hbm>>
      %dma_start3A_32 = arith.constant 0 : i32
      %dma_start3A_33 = tpu.memref_slice %arg15[%mul3A_27, %dma_start3A_32] : memref<10240x128xf32, #tpu.memory_space<vmem_shared>> -> memref<640x128xf32, #tpu.memory_space<vmem_shared>>
      tpu.enqueue_dma source(%dma_start3A_33 : memref<640x128xf32, #tpu.memory_space<vmem_shared>>) target(%dma_start3A_31 : memref<640x128xf32, #tpu.memory_space<hbm>>) target_semaphore(%run_scoped3A : memref<!tpu.dma_semaphore, #tpu.memory_space<semaphore_mem>>)
      %dma_wait3A = arith.constant 0 : i32
      %dma_wait3A_34 = tpu.memref_slice %arg6[%arg0, %mul3A_29, %dma_wait3A] : memref<2x10240x128xf32, #tpu.memory_space<hbm>> -> memref<1x640x128xf32, #tpu.memory_space<hbm>>
      %dma_wait3A_35 = tpu.memref_squeeze %dma_wait3A_34 : memref<1x640x128xf32, #tpu.memory_space<hbm>> -> memref<640x128xf32, #tpu.memory_space<hbm>>
      %dma_wait3A_36 = arith.constant 0 : i32
      %dma_wait3A_37 = tpu.memref_slice %arg15[%mul3A_27, %dma_wait3A_36] : memref<10240x128xf32, #tpu.memory_space<vmem_shared>> -> memref<640x128xf32, #tpu.memory_space<vmem_shared>>
      tpu.wait_dma2 semaphore(%run_scoped3A : memref<!tpu.dma_semaphore, #tpu.memory_space<semaphore_mem>>) src(%dma_wait3A_37 : memref<640x128xf32, #tpu.memory_space<vmem_shared>>) dst(%dma_wait3A_35 : memref<640x128xf32, #tpu.memory_space<hbm>>)
      tpu.yield
    }) : () -> ()
    return
  }
}

module attributes {stable_mosaic.version = 14 : i64} {
  func.func @body(%arg0: i32, %arg1: memref<2x1024x128xf32, #tpu.memory_space<vmem>>, %arg2: memref<1024x128xf32, #tpu.memory_space<vmem>>, %arg3: memref<1024x1xf32, #tpu.memory_space<vmem>>, %arg4: memref<1024x128xf32, #tpu.memory_space<vmem>>) attributes {dimension_semantics = [#tpu.dimension_semantics<arbitrary>], iteration_bounds = array<i64: 10>, scalar_prefetch = 0 : i64, scratch_operands = 0 : i64, tpu.core_type = #tpu.core_type<tc>, window_params = [{transform_indices = @transform_0, window_bounds = array<i64: 2, 1024, 128>}, {transform_indices = @transform_1, window_bounds = array<i64: 1024, 128>}, {transform_indices = @transform_2, window_bounds = array<i64: 1024, 1>}, {transform_indices = @transform_3, window_bounds = array<i64: 1024, 128>}]} {
    %get3A = arith.constant 0 : index
    %get3A_0 = arith.constant 0 : index
    %get3A_1 = arith.constant 0 : index
    %get3A_2 = vector.load %arg1[%get3A, %get3A_0, %get3A_1] : memref<2x1024x128xf32, #tpu.memory_space<vmem>>, vector<1x1024x1xf32>
    %get3A_3 = vector.shape_cast %get3A_2 : vector<1x1024x1xf32> to vector<1024x1xf32>
    %get3A_4 = arith.constant 1 : index
    %get3A_5 = arith.constant 0 : index
    %get3A_6 = arith.constant 0 : index
    %get3A_7 = vector.load %arg1[%get3A_4, %get3A_5, %get3A_6] : memref<2x1024x128xf32, #tpu.memory_space<vmem>>, vector<1x1024x1xf32>
    %get3A_8 = vector.shape_cast %get3A_7 : vector<1x1024x1xf32> to vector<1024x1xf32>
    %add3A = arith.addf %get3A_3, %get3A_8 : vector<1024x1xf32>
    %gt3A = arith.constant 0.000000e+00 : f32
    %gt3A_9 = vector.broadcast %gt3A : f32 to vector<1024x1xf32>
    %gt3A_10 = arith.cmpf ogt, %add3A, %gt3A_9 : vector<1024x1xf32>
    %rsqrt3A = math.rsqrt %add3A : vector<1024x1xf32>
    %jit3A = arith.constant 0.000000e+00 : f32
    %broadcast_in_dim3A = vector.broadcast %jit3A : f32 to vector<1024x1xf32>
    %select_n3A = arith.select %gt3A_10, %rsqrt3A, %broadcast_in_dim3A : vector<1024x1xi1>, vector<1024x1xf32>
    %swap3A = arith.constant 0 : index
    %swap3A_11 = arith.constant 0 : index
    %swap3A_12 = vector.load %arg3[%swap3A, %swap3A_11] : memref<1024x1xf32, #tpu.memory_space<vmem>>, vector<1024x1xf32>
    tpu.vector_store %arg3[%swap3A, %swap3A_11], %select_n3A {strides = array<i32>} : memref<1024x1xf32, #tpu.memory_space<vmem>>, vector<1024x1xf32>,
    %get3A_13 = arith.constant 0 : index
    %get3A_14 = arith.constant 0 : index
    %get3A_15 = vector.load %arg2[%get3A_13, %get3A_14] : memref<1024x128xf32, #tpu.memory_space<vmem>>, vector<1024x128xf32>
    %mul3A = vector.broadcast %select_n3A : vector<1024x1xf32> to vector<1024x128xf32>
    %mul3A_16 = arith.mulf %mul3A, %get3A_15 : vector<1024x128xf32>
    %swap3A_17 = arith.constant 0 : index
    %swap3A_18 = arith.constant 0 : index
    %swap3A_19 = vector.load %arg4[%swap3A_17, %swap3A_18] : memref<1024x128xf32, #tpu.memory_space<vmem>>, vector<1024x128xf32>
    tpu.vector_store %arg4[%swap3A_17, %swap3A_18], %mul3A_16 {strides = array<i32>} : memref<1024x128xf32, #tpu.memory_space<vmem>>, vector<1024x128xf32>,
    return
  }
  func.func @transform_0(%arg0: i32) -> (i32, i32, i32) {
    %c0_i32 = arith.constant 0 : i32
    %c0_i32_0 = arith.constant 0 : i32
    %c0_i32_1 = arith.constant 0 : i32
    return %c0_i32, %arg0, %c0_i32_0 : i32, i32, i32
  }
  func.func @transform_1(%arg0: i32) -> (i32, i32) {
    %c0_i32 = arith.constant 0 : i32
    %c0_i32_0 = arith.constant 0 : i32
    return %arg0, %c0_i32 : i32, i32
  }
  func.func @transform_2(%arg0: i32) -> (i32, i32) {
    %c0_i32 = arith.constant 0 : i32
    %c0_i32_0 = arith.constant 0 : i32
    return %arg0, %c0_i32 : i32, i32
  }
  func.func @transform_3(%arg0: i32) -> (i32, i32) {
    %c0_i32 = arith.constant 0 : i32
    %c0_i32_0 = arith.constant 0 : i32
    return %arg0, %c0_i32 : i32, i32
  }
}

module attributes {stable_mosaic.version = 14 : i64} {
  func.func @body(%arg0: i32, %arg1: memref<1024x128xf32, #tpu.memory_space<vmem>>, %arg2: memref<128x256xf32, #tpu.memory_space<vmem>>, %arg3: memref<1x256xf32, #tpu.memory_space<vmem>>, %arg4: memref<1024x256xf32, #tpu.memory_space<vmem>>) attributes {dimension_semantics = [#tpu.dimension_semantics<arbitrary>], iteration_bounds = array<i64: 10>, scalar_prefetch = 0 : i64, scratch_operands = 0 : i64, tpu.core_type = #tpu.core_type<tc>, window_params = [{transform_indices = @transform_0, window_bounds = array<i64: 1024, 128>}, {pipeline_mode = #tpu.pipeline_mode<synchronous>, transform_indices = @transform_1, window_bounds = array<i64: 128, 256>}, {pipeline_mode = #tpu.pipeline_mode<synchronous>, transform_indices = @transform_2, window_bounds = array<i64: 1, 256>}, {transform_indices = @transform_3, window_bounds = array<i64: 1024, 256>}]} {
    %get3A = arith.constant 0 : index
    %get3A_0 = arith.constant 0 : index
    %get3A_1 = vector.load %arg1[%get3A, %get3A_0] : memref<1024x128xf32, #tpu.memory_space<vmem>>, vector<1024x128xf32>
    %get3A_2 = arith.constant 0 : index
    %get3A_3 = arith.constant 0 : index
    %get3A_4 = vector.load %arg2[%get3A_2, %get3A_3] : memref<128x256xf32, #tpu.memory_space<vmem>>, vector<128x256xf32>
    %dot_general3A = arith.constant dense<0.000000e+00> : vector<1024x256xf32>
    %dot_general3A_5 = tpu.matmul %get3A_1, %get3A_4, %dot_general3A {dimension_numbers = #tpu.dot_dimension_numbers<[1], [0], [0], [1], [0, 0, 1, 1], [], []>, precision = #tpu.contract_precision<fp32>, transpose_lhs_hint = false} : vector<1024x128xf32>, vector<128x256xf32>, vector<1024x256xf32> -> vector<1024x256xf32>
    %get3A_6 = arith.constant 0 : index
    %get3A_7 = arith.constant 0 : index
    %get3A_8 = vector.load %arg3[%get3A_6, %get3A_7] : memref<1x256xf32, #tpu.memory_space<vmem>>, vector<1x256xf32>
    %add3A = vector.broadcast %get3A_8 : vector<1x256xf32> to vector<1024x256xf32>
    %add3A_9 = arith.addf %dot_general3A_5, %add3A : vector<1024x256xf32>
    %swap3A = arith.constant 0 : index
    %swap3A_10 = arith.constant 0 : index
    %swap3A_11 = vector.load %arg4[%swap3A, %swap3A_10] : memref<1024x256xf32, #tpu.memory_space<vmem>>, vector<1024x256xf32>
    tpu.vector_store %arg4[%swap3A, %swap3A_10], %add3A_9 {strides = array<i32>} : memref<1024x256xf32, #tpu.memory_space<vmem>>, vector<1024x256xf32>,
    return
  }
  func.func @transform_0(%arg0: i32) -> (i32, i32) {
    %c0_i32 = arith.constant 0 : i32
    %c0_i32_0 = arith.constant 0 : i32
    return %arg0, %c0_i32 : i32, i32
  }
  func.func @transform_1(%arg0: i32) -> (i32, i32) {
    %c0_i32 = arith.constant 0 : i32
    %c0_i32_0 = arith.constant 0 : i32
    %c0_i32_1 = arith.constant 0 : i32
    return %c0_i32, %c0_i32_0 : i32, i32
  }
  func.func @transform_2(%arg0: i32) -> (i32, i32) {
    %c0_i32 = arith.constant 0 : i32
    %c0_i32_0 = arith.constant 0 : i32
    %c0_i32_1 = arith.constant 0 : i32
    return %c0_i32, %c0_i32_0 : i32, i32
  }
  func.func @transform_3(%arg0: i32) -> (i32, i32) {
    %c0_i32 = arith.constant 0 : i32
    %c0_i32_0 = arith.constant 0 : i32
    return %arg0, %c0_i32 : i32, i32
  }
}

module attributes {stable_mosaic.version = 14 : i64} {
  func.func @body(%arg0: i32, %arg1: memref<1024x256xf32, #tpu.memory_space<vmem>>, %arg2: memref<2x1024x128xf32, #tpu.memory_space<vmem>>, %arg3: memref<1024x1xf32, #tpu.memory_space<vmem>>, %arg4: memref<128x256xf32, #tpu.memory_space<vmem>>, %arg5: memref<1x256xf32, #tpu.memory_space<vmem>>, %arg6: memref<1x256xf32, #tpu.memory_space<vmem>>, %arg7: memref<1024x256xf32, #tpu.memory_space<vmem>>, %arg8: memref<1024x128xf32, #tpu.memory_space<vmem>>, %arg9: memref<1024x128xf32, #tpu.memory_space<vmem>>) attributes {dimension_semantics = [#tpu.dimension_semantics<arbitrary>], iteration_bounds = array<i64: 10>, scalar_prefetch = 0 : i64, scratch_operands = 0 : i64, tpu.core_type = #tpu.core_type<tc>, window_params = [{transform_indices = @transform_0, window_bounds = array<i64: 1024, 256>}, {transform_indices = @transform_1, window_bounds = array<i64: 2, 1024, 128>}, {transform_indices = @transform_2, window_bounds = array<i64: 1024, 1>}, {pipeline_mode = #tpu.pipeline_mode<synchronous>, transform_indices = @transform_3, window_bounds = array<i64: 128, 256>}, {pipeline_mode = #tpu.pipeline_mode<synchronous>, transform_indices = @transform_4, window_bounds = array<i64: 1, 256>}, {pipeline_mode = #tpu.pipeline_mode<synchronous>, transform_indices = @transform_5, window_bounds = array<i64: 1, 256>}, {transform_indices = @transform_6, window_bounds = array<i64: 1024, 256>}, {transform_indices = @transform_7, window_bounds = array<i64: 1024, 128>}, {transform_indices = @transform_8, window_bounds = array<i64: 1024, 128>}]} {
    %get3A = arith.constant 0 : index
    %get3A_0 = arith.constant 0 : index
    %get3A_1 = vector.load %arg3[%get3A, %get3A_0] : memref<1024x1xf32, #tpu.memory_space<vmem>>, vector<1024x1xf32>
    %get3A_2 = arith.constant 0 : index
    %get3A_3 = arith.constant 0 : index
    %get3A_4 = vector.load %arg1[%get3A_2, %get3A_3] : memref<1024x256xf32, #tpu.memory_space<vmem>>, vector<1024x256xf32>
    %neg3A = arith.constant 0.000000e+00 : f32
    %neg3A_5 = vector.broadcast %neg3A : f32 to vector<1024x1xf32>
    %neg3A_6 = arith.subf %neg3A_5, %get3A_1 : vector<1024x1xf32>
    %get3A_7 = arith.constant 0 : index
    %get3A_8 = arith.constant 0 : index
    %get3A_9 = arith.constant 0 : index
    %get3A_10 = vector.load %arg2[%get3A_7, %get3A_8, %get3A_9] : memref<2x1024x128xf32, #tpu.memory_space<vmem>>, vector<1x1024x128xf32>
    %get3A_11 = vector.shape_cast %get3A_10 : vector<1x1024x128xf32> to vector<1024x128xf32>
    %get3A_12 = arith.constant 1 : index
    %get3A_13 = arith.constant 0 : index
    %get3A_14 = arith.constant 0 : index
    %get3A_15 = vector.load %arg2[%get3A_12, %get3A_13, %get3A_14] : memref<2x1024x128xf32, #tpu.memory_space<vmem>>, vector<1x1024x128xf32>
    %get3A_16 = vector.shape_cast %get3A_15 : vector<1x1024x128xf32> to vector<1024x128xf32>
    %add3A = arith.addf %get3A_11, %get3A_16 : vector<1024x128xf32>
    %mul3A = vector.broadcast %neg3A_6 : vector<1024x1xf32> to vector<1024x128xf32>
    %mul3A_17 = arith.mulf %mul3A, %add3A : vector<1024x128xf32>
    %get3A_18 = arith.constant 0 : index
    %get3A_19 = arith.constant 0 : index
    %get3A_20 = vector.load %arg4[%get3A_18, %get3A_19] : memref<128x256xf32, #tpu.memory_space<vmem>>, vector<128x256xf32>
    %dot_general3A = arith.constant dense<0.000000e+00> : vector<1024x256xf32>
    %dot_general3A_21 = tpu.matmul %mul3A_17, %get3A_20, %dot_general3A {dimension_numbers = #tpu.dot_dimension_numbers<[1], [0], [0], [1], [0, 0, 1, 1], [], []>, precision = #tpu.contract_precision<fp32>, transpose_lhs_hint = false} : vector<1024x128xf32>, vector<128x256xf32>, vector<1024x256xf32> -> vector<1024x256xf32>
    %add3A_22 = arith.addf %get3A_4, %dot_general3A_21 : vector<1024x256xf32>
    %reduce_sum3A = arith.constant dense<0.000000e+00> : vector<1024xf32>
    %reduce_sum3A_23 = vector.multi_reduction <add>, %add3A_22, %reduce_sum3A [1] : vector<1024x256xf32> to vector<1024xf32>
    %broadcast_in_dim3A = vector.shape_cast %reduce_sum3A_23 : vector<1024xf32> to vector<1024x1xf32>
    %div3A = arith.constant 2.560000e+02 : f32
    %div3A_24 = vector.broadcast %div3A : f32 to vector<1024x1xf32>
    %div3A_25 = arith.divf %broadcast_in_dim3A, %div3A_24 : vector<1024x1xf32>
    %sub3A = vector.broadcast %div3A_25 : vector<1024x1xf32> to vector<1024x256xf32>
    %sub3A_26 = arith.subf %add3A_22, %sub3A : vector<1024x256xf32>
    %mul3A_27 = arith.mulf %sub3A_26, %sub3A_26 : vector<1024x256xf32>
    %reduce_sum3A_28 = arith.constant dense<0.000000e+00> : vector<1024xf32>
    %reduce_sum3A_29 = vector.multi_reduction <add>, %mul3A_27, %reduce_sum3A_28 [1] : vector<1024x256xf32> to vector<1024xf32>
    %broadcast_in_dim3A_30 = vector.shape_cast %reduce_sum3A_29 : vector<1024xf32> to vector<1024x1xf32>
    %div3A_31 = arith.constant 2.560000e+02 : f32
    %div3A_32 = vector.broadcast %div3A_31 : f32 to vector<1024x1xf32>
    %div3A_33 = arith.divf %broadcast_in_dim3A_30, %div3A_32 : vector<1024x1xf32>
    %add3A_34 = arith.constant 9.99999974E-6 : f32
    %add3A_35 = vector.broadcast %add3A_34 : f32 to vector<1024x1xf32>
    %add3A_36 = arith.addf %div3A_33, %add3A_35 : vector<1024x1xf32>
    %rsqrt3A = math.rsqrt %add3A_36 : vector<1024x1xf32>
    %mul3A_37 = vector.broadcast %rsqrt3A : vector<1024x1xf32> to vector<1024x256xf32>
    %mul3A_38 = arith.mulf %sub3A_26, %mul3A_37 : vector<1024x256xf32>
    %get3A_39 = arith.constant 0 : index
    %get3A_40 = arith.constant 0 : index
    %get3A_41 = vector.load %arg5[%get3A_39, %get3A_40] : memref<1x256xf32, #tpu.memory_space<vmem>>, vector<1x256xf32>
    %mul3A_42 = vector.broadcast %get3A_41 : vector<1x256xf32> to vector<1024x256xf32>
    %mul3A_43 = arith.mulf %mul3A_38, %mul3A_42 : vector<1024x256xf32>
    %get3A_44 = arith.constant 0 : index
    %get3A_45 = arith.constant 0 : index
    %get3A_46 = vector.load %arg6[%get3A_44, %get3A_45] : memref<1x256xf32, #tpu.memory_space<vmem>>, vector<1x256xf32>
    %add3A_47 = vector.broadcast %get3A_46 : vector<1x256xf32> to vector<1024x256xf32>
    %add3A_48 = arith.addf %mul3A_43, %add3A_47 : vector<1024x256xf32>
    %gt3A = arith.constant 0.000000e+00 : f32
    %gt3A_49 = vector.broadcast %gt3A : f32 to vector<1024x256xf32>
    %gt3A_50 = arith.cmpf ogt, %add3A_48, %gt3A_49 : vector<1024x256xf32>
    %jit3A = arith.constant 0.000000e+00 : f32
    %broadcast_in_dim3A_51 = vector.broadcast %jit3A : f32 to vector<1024x256xf32>
    %select_n3A = arith.select %gt3A_50, %broadcast_in_dim3A_51, %add3A_48 : vector<1024x256xi1>, vector<1024x256xf32>
    %exp3A = math.exp %select_n3A : vector<1024x256xf32>
    %sub3A_52 = arith.constant 1.000000e+00 : f32
    %sub3A_53 = vector.broadcast %sub3A_52 : f32 to vector<1024x256xf32>
    %sub3A_54 = arith.subf %exp3A, %sub3A_53 : vector<1024x256xf32>
    %select_n3A_55 = arith.select %gt3A_50, %add3A_48, %sub3A_54 : vector<1024x256xi1>, vector<1024x256xf32>
    %swap3A = arith.constant 0 : index
    %swap3A_56 = arith.constant 0 : index
    %swap3A_57 = vector.load %arg7[%swap3A, %swap3A_56] : memref<1024x256xf32, #tpu.memory_space<vmem>>, vector<1024x256xf32>
    tpu.vector_store %arg7[%swap3A, %swap3A_56], %select_n3A_55 {strides = array<i32>} : memref<1024x256xf32, #tpu.memory_space<vmem>>, vector<1024x256xf32>,
    %mul3A_58 = vector.broadcast %get3A_1 : vector<1024x1xf32> to vector<1024x256xf32>
    %mul3A_59 = arith.mulf %mul3A_58, %select_n3A_55 : vector<1024x256xf32>
    %slice3A = vector.extract_strided_slice %mul3A_59 {offsets = [0, 0], sizes = [1024, 128], strides = [1, 1]} : vector<1024x256xf32> to vector<1024x128xf32>
    %swap3A_60 = arith.constant 0 : index
    %swap3A_61 = arith.constant 0 : index
    %swap3A_62 = vector.load %arg8[%swap3A_60, %swap3A_61] : memref<1024x128xf32, #tpu.memory_space<vmem>>, vector<1024x128xf32>
    tpu.vector_store %arg8[%swap3A_60, %swap3A_61], %slice3A {strides = array<i32>} : memref<1024x128xf32, #tpu.memory_space<vmem>>, vector<1024x128xf32>,
    %slice3A_63 = vector.extract_strided_slice %mul3A_59 {offsets = [0, 128], sizes = [1024, 128], strides = [1, 1]} : vector<1024x256xf32> to vector<1024x128xf32>
    %swap3A_64 = arith.constant 0 : index
    %swap3A_65 = arith.constant 0 : index
    %swap3A_66 = vector.load %arg9[%swap3A_64, %swap3A_65] : memref<1024x128xf32, #tpu.memory_space<vmem>>, vector<1024x128xf32>
    tpu.vector_store %arg9[%swap3A_64, %swap3A_65], %slice3A_63 {strides = array<i32>} : memref<1024x128xf32, #tpu.memory_space<vmem>>, vector<1024x128xf32>,
    return
  }
  func.func @transform_0(%arg0: i32) -> (i32, i32) {
    %c0_i32 = arith.constant 0 : i32
    %c0_i32_0 = arith.constant 0 : i32
    return %arg0, %c0_i32 : i32, i32
  }
  func.func @transform_1(%arg0: i32) -> (i32, i32, i32) {
    %c0_i32 = arith.constant 0 : i32
    %c0_i32_0 = arith.constant 0 : i32
    %c0_i32_1 = arith.constant 0 : i32
    return %c0_i32, %arg0, %c0_i32_0 : i32, i32, i32
  }
  func.func @transform_2(%arg0: i32) -> (i32, i32) {
    %c0_i32 = arith.constant 0 : i32
    %c0_i32_0 = arith.constant 0 : i32
    return %arg0, %c0_i32 : i32, i32
  }
  func.func @transform_3(%arg0: i32) -> (i32, i32) {
    %c0_i32 = arith.constant 0 : i32
    %c0_i32_0 = arith.constant 0 : i32
    %c0_i32_1 = arith.constant 0 : i32
    return %c0_i32, %c0_i32_0 : i32, i32
  }
  func.func @transform_4(%arg0: i32) -> (i32, i32) {
    %c0_i32 = arith.constant 0 : i32
    %c0_i32_0 = arith.constant 0 : i32
    %c0_i32_1 = arith.constant 0 : i32
    return %c0_i32, %c0_i32_0 : i32, i32
  }
  func.func @transform_5(%arg0: i32) -> (i32, i32) {
    %c0_i32 = arith.constant 0 : i32
    %c0_i32_0 = arith.constant 0 : i32
    %c0_i32_1 = arith.constant 0 : i32
    return %c0_i32, %c0_i32_0 : i32, i32
  }
  func.func @transform_6(%arg0: i32) -> (i32, i32) {
    %c0_i32 = arith.constant 0 : i32
    %c0_i32_0 = arith.constant 0 : i32
    return %arg0, %c0_i32 : i32, i32
  }
  func.func @transform_7(%arg0: i32) -> (i32, i32) {
    %c0_i32 = arith.constant 0 : i32
    %c0_i32_0 = arith.constant 0 : i32
    return %arg0, %c0_i32 : i32, i32
  }
  func.func @transform_8(%arg0: i32) -> (i32, i32) {
    %c0_i32 = arith.constant 0 : i32
    %c0_i32_0 = arith.constant 0 : i32
    return %arg0, %c0_i32 : i32, i32
  }
}

module attributes {stable_mosaic.version = 14 : i64} {
  func.func @body(%arg0: i32, %arg1: memref<1024x256xf32, #tpu.memory_space<vmem>>, %arg2: memref<256x256xf32, #tpu.memory_space<vmem>>, %arg3: memref<1x256xf32, #tpu.memory_space<vmem>>, %arg4: memref<1024x256xf32, #tpu.memory_space<vmem>>) attributes {dimension_semantics = [#tpu.dimension_semantics<arbitrary>], iteration_bounds = array<i64: 10>, scalar_prefetch = 0 : i64, scratch_operands = 0 : i64, tpu.core_type = #tpu.core_type<tc>, window_params = [{transform_indices = @transform_0, window_bounds = array<i64: 1024, 256>}, {pipeline_mode = #tpu.pipeline_mode<synchronous>, transform_indices = @transform_1, window_bounds = array<i64: 256, 256>}, {pipeline_mode = #tpu.pipeline_mode<synchronous>, transform_indices = @transform_2, window_bounds = array<i64: 1, 256>}, {transform_indices = @transform_3, window_bounds = array<i64: 1024, 256>}]} {
    %get3A = arith.constant 0 : index
    %get3A_0 = arith.constant 0 : index
    %get3A_1 = vector.load %arg1[%get3A, %get3A_0] : memref<1024x256xf32, #tpu.memory_space<vmem>>, vector<1024x256xf32>
    %get3A_2 = arith.constant 0 : index
    %get3A_3 = arith.constant 0 : index
    %get3A_4 = vector.load %arg2[%get3A_2, %get3A_3] : memref<256x256xf32, #tpu.memory_space<vmem>>, vector<256x256xf32>
    %dot_general3A = arith.constant dense<0.000000e+00> : vector<1024x256xf32>
    %dot_general3A_5 = tpu.matmul %get3A_1, %get3A_4, %dot_general3A {dimension_numbers = #tpu.dot_dimension_numbers<[1], [0], [0], [1], [0, 0, 1, 1], [], []>, precision = #tpu.contract_precision<fp32>, transpose_lhs_hint = false} : vector<1024x256xf32>, vector<256x256xf32>, vector<1024x256xf32> -> vector<1024x256xf32>
    %get3A_6 = arith.constant 0 : index
    %get3A_7 = arith.constant 0 : index
    %get3A_8 = vector.load %arg3[%get3A_6, %get3A_7] : memref<1x256xf32, #tpu.memory_space<vmem>>, vector<1x256xf32>
    %add3A = vector.broadcast %get3A_8 : vector<1x256xf32> to vector<1024x256xf32>
    %add3A_9 = arith.addf %dot_general3A_5, %add3A : vector<1024x256xf32>
    %swap3A = arith.constant 0 : index
    %swap3A_10 = arith.constant 0 : index
    %swap3A_11 = vector.load %arg4[%swap3A, %swap3A_10] : memref<1024x256xf32, #tpu.memory_space<vmem>>, vector<1024x256xf32>
    tpu.vector_store %arg4[%swap3A, %swap3A_10], %add3A_9 {strides = array<i32>} : memref<1024x256xf32, #tpu.memory_space<vmem>>, vector<1024x256xf32>,
    return
  }
  func.func @transform_0(%arg0: i32) -> (i32, i32) {
    %c0_i32 = arith.constant 0 : i32
    %c0_i32_0 = arith.constant 0 : i32
    return %arg0, %c0_i32 : i32, i32
  }
  func.func @transform_1(%arg0: i32) -> (i32, i32) {
    %c0_i32 = arith.constant 0 : i32
    %c0_i32_0 = arith.constant 0 : i32
    %c0_i32_1 = arith.constant 0 : i32
    return %c0_i32, %c0_i32_0 : i32, i32
  }
  func.func @transform_2(%arg0: i32) -> (i32, i32) {
    %c0_i32 = arith.constant 0 : i32
    %c0_i32_0 = arith.constant 0 : i32
    %c0_i32_1 = arith.constant 0 : i32
    return %c0_i32, %c0_i32_0 : i32, i32
  }
  func.func @transform_3(%arg0: i32) -> (i32, i32) {
    %c0_i32 = arith.constant 0 : i32
    %c0_i32_0 = arith.constant 0 : i32
    return %arg0, %c0_i32 : i32, i32
  }
}

module attributes {stable_mosaic.version = 14 : i64} {
  func.func @body(%arg0: i32, %arg1: memref<1024x256xf32, #tpu.memory_space<vmem>>, %arg2: memref<2x1024x128xf32, #tpu.memory_space<vmem>>, %arg3: memref<2x1024x128xf32, #tpu.memory_space<vmem>>, %arg4: memref<1024x1xf32, #tpu.memory_space<vmem>>, %arg5: memref<128x256xf32, #tpu.memory_space<vmem>>, %arg6: memref<128x256xf32, #tpu.memory_space<vmem>>, %arg7: memref<1x256xf32, #tpu.memory_space<vmem>>, %arg8: memref<1x256xf32, #tpu.memory_space<vmem>>, %arg9: memref<1024x256xf32, #tpu.memory_space<vmem>>, %arg10: memref<1024x128xf32, #tpu.memory_space<vmem>>, %arg11: memref<1024x128xf32, #tpu.memory_space<vmem>>) attributes {dimension_semantics = [#tpu.dimension_semantics<arbitrary>], iteration_bounds = array<i64: 10>, scalar_prefetch = 0 : i64, scratch_operands = 0 : i64, tpu.core_type = #tpu.core_type<tc>, window_params = [{transform_indices = @transform_0, window_bounds = array<i64: 1024, 256>}, {transform_indices = @transform_1, window_bounds = array<i64: 2, 1024, 128>}, {transform_indices = @transform_2, window_bounds = array<i64: 2, 1024, 128>}, {transform_indices = @transform_3, window_bounds = array<i64: 1024, 1>}, {pipeline_mode = #tpu.pipeline_mode<synchronous>, transform_indices = @transform_4, window_bounds = array<i64: 128, 256>}, {pipeline_mode = #tpu.pipeline_mode<synchronous>, transform_indices = @transform_5, window_bounds = array<i64: 128, 256>}, {pipeline_mode = #tpu.pipeline_mode<synchronous>, transform_indices = @transform_6, window_bounds = array<i64: 1, 256>}, {pipeline_mode = #tpu.pipeline_mode<synchronous>, transform_indices = @transform_7, window_bounds = array<i64: 1, 256>}, {transform_indices = @transform_8, window_bounds = array<i64: 1024, 256>}, {transform_indices = @transform_9, window_bounds = array<i64: 1024, 128>}, {transform_indices = @transform_10, window_bounds = array<i64: 1024, 128>}]} {
    %get3A = arith.constant 0 : index
    %get3A_0 = arith.constant 0 : index
    %get3A_1 = vector.load %arg4[%get3A, %get3A_0] : memref<1024x1xf32, #tpu.memory_space<vmem>>, vector<1024x1xf32>
    %get3A_2 = arith.constant 0 : index
    %get3A_3 = arith.constant 0 : index
    %get3A_4 = vector.load %arg1[%get3A_2, %get3A_3] : memref<1024x256xf32, #tpu.memory_space<vmem>>, vector<1024x256xf32>
    %neg3A = arith.constant 0.000000e+00 : f32
    %neg3A_5 = vector.broadcast %neg3A : f32 to vector<1024x1xf32>
    %neg3A_6 = arith.subf %neg3A_5, %get3A_1 : vector<1024x1xf32>
    %get3A_7 = arith.constant 0 : index
    %get3A_8 = arith.constant 0 : index
    %get3A_9 = arith.constant 0 : index
    %get3A_10 = vector.load %arg2[%get3A_7, %get3A_8, %get3A_9] : memref<2x1024x128xf32, #tpu.memory_space<vmem>>, vector<1x1024x128xf32>
    %get3A_11 = vector.shape_cast %get3A_10 : vector<1x1024x128xf32> to vector<1024x128xf32>
    %get3A_12 = arith.constant 1 : index
    %get3A_13 = arith.constant 0 : index
    %get3A_14 = arith.constant 0 : index
    %get3A_15 = vector.load %arg2[%get3A_12, %get3A_13, %get3A_14] : memref<2x1024x128xf32, #tpu.memory_space<vmem>>, vector<1x1024x128xf32>
    %get3A_16 = vector.shape_cast %get3A_15 : vector<1x1024x128xf32> to vector<1024x128xf32>
    %add3A = arith.addf %get3A_11, %get3A_16 : vector<1024x128xf32>
    %mul3A = vector.broadcast %neg3A_6 : vector<1024x1xf32> to vector<1024x128xf32>
    %mul3A_17 = arith.mulf %mul3A, %add3A : vector<1024x128xf32>
    %get3A_18 = arith.constant 0 : index
    %get3A_19 = arith.constant 0 : index
    %get3A_20 = vector.load %arg5[%get3A_18, %get3A_19] : memref<128x256xf32, #tpu.memory_space<vmem>>, vector<128x256xf32>
    %dot_general3A = arith.constant dense<0.000000e+00> : vector<1024x256xf32>
    %dot_general3A_21 = tpu.matmul %mul3A_17, %get3A_20, %dot_general3A {dimension_numbers = #tpu.dot_dimension_numbers<[1], [0], [0], [1], [0, 0, 1, 1], [], []>, precision = #tpu.contract_precision<fp32>, transpose_lhs_hint = false} : vector<1024x128xf32>, vector<128x256xf32>, vector<1024x256xf32> -> vector<1024x256xf32>
    %add3A_22 = arith.addf %get3A_4, %dot_general3A_21 : vector<1024x256xf32>
    %neg3A_23 = arith.constant 0.000000e+00 : f32
    %neg3A_24 = vector.broadcast %neg3A_23 : f32 to vector<1024x1xf32>
    %neg3A_25 = arith.subf %neg3A_24, %get3A_1 : vector<1024x1xf32>
    %get3A_26 = arith.constant 0 : index
    %get3A_27 = arith.constant 0 : index
    %get3A_28 = arith.constant 0 : index
    %get3A_29 = vector.load %arg3[%get3A_26, %get3A_27, %get3A_28] : memref<2x1024x128xf32, #tpu.memory_space<vmem>>, vector<1x1024x128xf32>
    %get3A_30 = vector.shape_cast %get3A_29 : vector<1x1024x128xf32> to vector<1024x128xf32>
    %get3A_31 = arith.constant 1 : index
    %get3A_32 = arith.constant 0 : index
    %get3A_33 = arith.constant 0 : index
    %get3A_34 = vector.load %arg3[%get3A_31, %get3A_32, %get3A_33] : memref<2x1024x128xf32, #tpu.memory_space<vmem>>, vector<1x1024x128xf32>
    %get3A_35 = vector.shape_cast %get3A_34 : vector<1x1024x128xf32> to vector<1024x128xf32>
    %add3A_36 = arith.addf %get3A_30, %get3A_35 : vector<1024x128xf32>
    %mul3A_37 = vector.broadcast %neg3A_25 : vector<1024x1xf32> to vector<1024x128xf32>
    %mul3A_38 = arith.mulf %mul3A_37, %add3A_36 : vector<1024x128xf32>
    %get3A_39 = arith.constant 0 : index
    %get3A_40 = arith.constant 0 : index
    %get3A_41 = vector.load %arg6[%get3A_39, %get3A_40] : memref<128x256xf32, #tpu.memory_space<vmem>>, vector<128x256xf32>
    %dot_general3A_42 = arith.constant dense<0.000000e+00> : vector<1024x256xf32>
    %dot_general3A_43 = tpu.matmul %mul3A_38, %get3A_41, %dot_general3A_42 {dimension_numbers = #tpu.dot_dimension_numbers<[1], [0], [0], [1], [0, 0, 1, 1], [], []>, precision = #tpu.contract_precision<fp32>, transpose_lhs_hint = false} : vector<1024x128xf32>, vector<128x256xf32>, vector<1024x256xf32> -> vector<1024x256xf32>
    %add3A_44 = arith.addf %add3A_22, %dot_general3A_43 : vector<1024x256xf32>
    %reduce_sum3A = arith.constant dense<0.000000e+00> : vector<1024xf32>
    %reduce_sum3A_45 = vector.multi_reduction <add>, %add3A_44, %reduce_sum3A [1] : vector<1024x256xf32> to vector<1024xf32>
    %broadcast_in_dim3A = vector.shape_cast %reduce_sum3A_45 : vector<1024xf32> to vector<1024x1xf32>
    %div3A = arith.constant 2.560000e+02 : f32
    %div3A_46 = vector.broadcast %div3A : f32 to vector<1024x1xf32>
    %div3A_47 = arith.divf %broadcast_in_dim3A, %div3A_46 : vector<1024x1xf32>
    %sub3A = vector.broadcast %div3A_47 : vector<1024x1xf32> to vector<1024x256xf32>
    %sub3A_48 = arith.subf %add3A_44, %sub3A : vector<1024x256xf32>
    %mul3A_49 = arith.mulf %sub3A_48, %sub3A_48 : vector<1024x256xf32>
    %reduce_sum3A_50 = arith.constant dense<0.000000e+00> : vector<1024xf32>
    %reduce_sum3A_51 = vector.multi_reduction <add>, %mul3A_49, %reduce_sum3A_50 [1] : vector<1024x256xf32> to vector<1024xf32>
    %broadcast_in_dim3A_52 = vector.shape_cast %reduce_sum3A_51 : vector<1024xf32> to vector<1024x1xf32>
    %div3A_53 = arith.constant 2.560000e+02 : f32
    %div3A_54 = vector.broadcast %div3A_53 : f32 to vector<1024x1xf32>
    %div3A_55 = arith.divf %broadcast_in_dim3A_52, %div3A_54 : vector<1024x1xf32>
    %add3A_56 = arith.constant 9.99999974E-6 : f32
    %add3A_57 = vector.broadcast %add3A_56 : f32 to vector<1024x1xf32>
    %add3A_58 = arith.addf %div3A_55, %add3A_57 : vector<1024x1xf32>
    %rsqrt3A = math.rsqrt %add3A_58 : vector<1024x1xf32>
    %mul3A_59 = vector.broadcast %rsqrt3A : vector<1024x1xf32> to vector<1024x256xf32>
    %mul3A_60 = arith.mulf %sub3A_48, %mul3A_59 : vector<1024x256xf32>
    %get3A_61 = arith.constant 0 : index
    %get3A_62 = arith.constant 0 : index
    %get3A_63 = vector.load %arg7[%get3A_61, %get3A_62] : memref<1x256xf32, #tpu.memory_space<vmem>>, vector<1x256xf32>
    %mul3A_64 = vector.broadcast %get3A_63 : vector<1x256xf32> to vector<1024x256xf32>
    %mul3A_65 = arith.mulf %mul3A_60, %mul3A_64 : vector<1024x256xf32>
    %get3A_66 = arith.constant 0 : index
    %get3A_67 = arith.constant 0 : index
    %get3A_68 = vector.load %arg8[%get3A_66, %get3A_67] : memref<1x256xf32, #tpu.memory_space<vmem>>, vector<1x256xf32>
    %add3A_69 = vector.broadcast %get3A_68 : vector<1x256xf32> to vector<1024x256xf32>
    %add3A_70 = arith.addf %mul3A_65, %add3A_69 : vector<1024x256xf32>
    %gt3A = arith.constant 0.000000e+00 : f32
    %gt3A_71 = vector.broadcast %gt3A : f32 to vector<1024x256xf32>
    %gt3A_72 = arith.cmpf ogt, %add3A_70, %gt3A_71 : vector<1024x256xf32>
    %jit3A = arith.constant 0.000000e+00 : f32
    %broadcast_in_dim3A_73 = vector.broadcast %jit3A : f32 to vector<1024x256xf32>
    %select_n3A = arith.select %gt3A_72, %broadcast_in_dim3A_73, %add3A_70 : vector<1024x256xi1>, vector<1024x256xf32>
    %exp3A = math.exp %select_n3A : vector<1024x256xf32>
    %sub3A_74 = arith.constant 1.000000e+00 : f32
    %sub3A_75 = vector.broadcast %sub3A_74 : f32 to vector<1024x256xf32>
    %sub3A_76 = arith.subf %exp3A, %sub3A_75 : vector<1024x256xf32>
    %select_n3A_77 = arith.select %gt3A_72, %add3A_70, %sub3A_76 : vector<1024x256xi1>, vector<1024x256xf32>
    %swap3A = arith.constant 0 : index
    %swap3A_78 = arith.constant 0 : index
    %swap3A_79 = vector.load %arg9[%swap3A, %swap3A_78] : memref<1024x256xf32, #tpu.memory_space<vmem>>, vector<1024x256xf32>
    tpu.vector_store %arg9[%swap3A, %swap3A_78], %select_n3A_77 {strides = array<i32>} : memref<1024x256xf32, #tpu.memory_space<vmem>>, vector<1024x256xf32>,
    %mul3A_80 = vector.broadcast %get3A_1 : vector<1024x1xf32> to vector<1024x256xf32>
    %mul3A_81 = arith.mulf %mul3A_80, %select_n3A_77 : vector<1024x256xf32>
    %slice3A = vector.extract_strided_slice %mul3A_81 {offsets = [0, 0], sizes = [1024, 128], strides = [1, 1]} : vector<1024x256xf32> to vector<1024x128xf32>
    %swap3A_82 = arith.constant 0 : index
    %swap3A_83 = arith.constant 0 : index
    %swap3A_84 = vector.load %arg10[%swap3A_82, %swap3A_83] : memref<1024x128xf32, #tpu.memory_space<vmem>>, vector<1024x128xf32>
    tpu.vector_store %arg10[%swap3A_82, %swap3A_83], %slice3A {strides = array<i32>} : memref<1024x128xf32, #tpu.memory_space<vmem>>, vector<1024x128xf32>,
    %slice3A_85 = vector.extract_strided_slice %mul3A_81 {offsets = [0, 128], sizes = [1024, 128], strides = [1, 1]} : vector<1024x256xf32> to vector<1024x128xf32>
    %swap3A_86 = arith.constant 0 : index
    %swap3A_87 = arith.constant 0 : index
    %swap3A_88 = vector.load %arg11[%swap3A_86, %swap3A_87] : memref<1024x128xf32, #tpu.memory_space<vmem>>, vector<1024x128xf32>
    tpu.vector_store %arg11[%swap3A_86, %swap3A_87], %slice3A_85 {strides = array<i32>} : memref<1024x128xf32, #tpu.memory_space<vmem>>, vector<1024x128xf32>,
    return
  }
  func.func @transform_0(%arg0: i32) -> (i32, i32) {
    %c0_i32 = arith.constant 0 : i32
    %c0_i32_0 = arith.constant 0 : i32
    return %arg0, %c0_i32 : i32, i32
  }
  func.func @transform_1(%arg0: i32) -> (i32, i32, i32) {
    %c0_i32 = arith.constant 0 : i32
    %c0_i32_0 = arith.constant 0 : i32
    %c0_i32_1 = arith.constant 0 : i32
    return %c0_i32, %arg0, %c0_i32_0 : i32, i32, i32
  }
  func.func @transform_2(%arg0: i32) -> (i32, i32, i32) {
    %c0_i32 = arith.constant 0 : i32
    %c0_i32_0 = arith.constant 0 : i32
    %c0_i32_1 = arith.constant 0 : i32
    return %c0_i32, %arg0, %c0_i32_0 : i32, i32, i32
  }
  func.func @transform_3(%arg0: i32) -> (i32, i32) {
    %c0_i32 = arith.constant 0 : i32
    %c0_i32_0 = arith.constant 0 : i32
    return %arg0, %c0_i32 : i32, i32
  }
  func.func @transform_4(%arg0: i32) -> (i32, i32) {
    %c0_i32 = arith.constant 0 : i32
    %c0_i32_0 = arith.constant 0 : i32
    %c0_i32_1 = arith.constant 0 : i32
    return %c0_i32, %c0_i32_0 : i32, i32
  }
  func.func @transform_5(%arg0: i32) -> (i32, i32) {
    %c0_i32 = arith.constant 0 : i32
    %c0_i32_0 = arith.constant 0 : i32
    %c0_i32_1 = arith.constant 0 : i32
    return %c0_i32, %c0_i32_0 : i32, i32
  }
  func.func @transform_6(%arg0: i32) -> (i32, i32) {
    %c0_i32 = arith.constant 0 : i32
    %c0_i32_0 = arith.constant 0 : i32
    %c0_i32_1 = arith.constant 0 : i32
    return %c0_i32, %c0_i32_0 : i32, i32
  }
  func.func @transform_7(%arg0: i32) -> (i32, i32) {
    %c0_i32 = arith.constant 0 : i32
    %c0_i32_0 = arith.constant 0 : i32
    %c0_i32_1 = arith.constant 0 : i32
    return %c0_i32, %c0_i32_0 : i32, i32
  }
  func.func @transform_8(%arg0: i32) -> (i32, i32) {
    %c0_i32 = arith.constant 0 : i32
    %c0_i32_0 = arith.constant 0 : i32
    return %arg0, %c0_i32 : i32, i32
  }
  func.func @transform_9(%arg0: i32) -> (i32, i32) {
    %c0_i32 = arith.constant 0 : i32
    %c0_i32_0 = arith.constant 0 : i32
    return %arg0, %c0_i32 : i32, i32
  }
  func.func @transform_10(%arg0: i32) -> (i32, i32) {
    %c0_i32 = arith.constant 0 : i32
    %c0_i32_0 = arith.constant 0 : i32
    return %arg0, %c0_i32 : i32, i32
  }
}

module attributes {stable_mosaic.version = 14 : i64} {
  func.func @body(%arg0: i32, %arg1: memref<1024x256xf32, #tpu.memory_space<vmem>>, %arg2: memref<2x1024x128xf32, #tpu.memory_space<vmem>>, %arg3: memref<2x1024x128xf32, #tpu.memory_space<vmem>>, %arg4: memref<1024x1xf32, #tpu.memory_space<vmem>>, %arg5: memref<128x256xf32, #tpu.memory_space<vmem>>, %arg6: memref<128x256xf32, #tpu.memory_space<vmem>>, %arg7: memref<1x256xf32, #tpu.memory_space<vmem>>, %arg8: memref<1x256xf32, #tpu.memory_space<vmem>>, %arg9: memref<1024x256xf32, #tpu.memory_space<vmem>>) attributes {dimension_semantics = [#tpu.dimension_semantics<arbitrary>], iteration_bounds = array<i64: 10>, scalar_prefetch = 0 : i64, scratch_operands = 0 : i64, tpu.core_type = #tpu.core_type<tc>, window_params = [{transform_indices = @transform_0, window_bounds = array<i64: 1024, 256>}, {transform_indices = @transform_1, window_bounds = array<i64: 2, 1024, 128>}, {transform_indices = @transform_2, window_bounds = array<i64: 2, 1024, 128>}, {transform_indices = @transform_3, window_bounds = array<i64: 1024, 1>}, {pipeline_mode = #tpu.pipeline_mode<synchronous>, transform_indices = @transform_4, window_bounds = array<i64: 128, 256>}, {pipeline_mode = #tpu.pipeline_mode<synchronous>, transform_indices = @transform_5, window_bounds = array<i64: 128, 256>}, {pipeline_mode = #tpu.pipeline_mode<synchronous>, transform_indices = @transform_6, window_bounds = array<i64: 1, 256>}, {pipeline_mode = #tpu.pipeline_mode<synchronous>, transform_indices = @transform_7, window_bounds = array<i64: 1, 256>}, {transform_indices = @transform_8, window_bounds = array<i64: 1024, 256>}]} {
    %get3A = arith.constant 0 : index
    %get3A_0 = arith.constant 0 : index
    %get3A_1 = vector.load %arg4[%get3A, %get3A_0] : memref<1024x1xf32, #tpu.memory_space<vmem>>, vector<1024x1xf32>
    %get3A_2 = arith.constant 0 : index
    %get3A_3 = arith.constant 0 : index
    %get3A_4 = vector.load %arg1[%get3A_2, %get3A_3] : memref<1024x256xf32, #tpu.memory_space<vmem>>, vector<1024x256xf32>
    %neg3A = arith.constant 0.000000e+00 : f32
    %neg3A_5 = vector.broadcast %neg3A : f32 to vector<1024x1xf32>
    %neg3A_6 = arith.subf %neg3A_5, %get3A_1 : vector<1024x1xf32>
    %get3A_7 = arith.constant 0 : index
    %get3A_8 = arith.constant 0 : index
    %get3A_9 = arith.constant 0 : index
    %get3A_10 = vector.load %arg2[%get3A_7, %get3A_8, %get3A_9] : memref<2x1024x128xf32, #tpu.memory_space<vmem>>, vector<1x1024x128xf32>
    %get3A_11 = vector.shape_cast %get3A_10 : vector<1x1024x128xf32> to vector<1024x128xf32>
    %get3A_12 = arith.constant 1 : index
    %get3A_13 = arith.constant 0 : index
    %get3A_14 = arith.constant 0 : index
    %get3A_15 = vector.load %arg2[%get3A_12, %get3A_13, %get3A_14] : memref<2x1024x128xf32, #tpu.memory_space<vmem>>, vector<1x1024x128xf32>
    %get3A_16 = vector.shape_cast %get3A_15 : vector<1x1024x128xf32> to vector<1024x128xf32>
    %add3A = arith.addf %get3A_11, %get3A_16 : vector<1024x128xf32>
    %mul3A = vector.broadcast %neg3A_6 : vector<1024x1xf32> to vector<1024x128xf32>
    %mul3A_17 = arith.mulf %mul3A, %add3A : vector<1024x128xf32>
    %get3A_18 = arith.constant 0 : index
    %get3A_19 = arith.constant 0 : index
    %get3A_20 = vector.load %arg5[%get3A_18, %get3A_19] : memref<128x256xf32, #tpu.memory_space<vmem>>, vector<128x256xf32>
    %dot_general3A = arith.constant dense<0.000000e+00> : vector<1024x256xf32>
    %dot_general3A_21 = tpu.matmul %mul3A_17, %get3A_20, %dot_general3A {dimension_numbers = #tpu.dot_dimension_numbers<[1], [0], [0], [1], [0, 0, 1, 1], [], []>, precision = #tpu.contract_precision<fp32>, transpose_lhs_hint = false} : vector<1024x128xf32>, vector<128x256xf32>, vector<1024x256xf32> -> vector<1024x256xf32>
    %add3A_22 = arith.addf %get3A_4, %dot_general3A_21 : vector<1024x256xf32>
    %neg3A_23 = arith.constant 0.000000e+00 : f32
    %neg3A_24 = vector.broadcast %neg3A_23 : f32 to vector<1024x1xf32>
    %neg3A_25 = arith.subf %neg3A_24, %get3A_1 : vector<1024x1xf32>
    %get3A_26 = arith.constant 0 : index
    %get3A_27 = arith.constant 0 : index
    %get3A_28 = arith.constant 0 : index
    %get3A_29 = vector.load %arg3[%get3A_26, %get3A_27, %get3A_28] : memref<2x1024x128xf32, #tpu.memory_space<vmem>>, vector<1x1024x128xf32>
    %get3A_30 = vector.shape_cast %get3A_29 : vector<1x1024x128xf32> to vector<1024x128xf32>
    %get3A_31 = arith.constant 1 : index
    %get3A_32 = arith.constant 0 : index
    %get3A_33 = arith.constant 0 : index
    %get3A_34 = vector.load %arg3[%get3A_31, %get3A_32, %get3A_33] : memref<2x1024x128xf32, #tpu.memory_space<vmem>>, vector<1x1024x128xf32>
    %get3A_35 = vector.shape_cast %get3A_34 : vector<1x1024x128xf32> to vector<1024x128xf32>
    %add3A_36 = arith.addf %get3A_30, %get3A_35 : vector<1024x128xf32>
    %mul3A_37 = vector.broadcast %neg3A_25 : vector<1024x1xf32> to vector<1024x128xf32>
    %mul3A_38 = arith.mulf %mul3A_37, %add3A_36 : vector<1024x128xf32>
    %get3A_39 = arith.constant 0 : index
    %get3A_40 = arith.constant 0 : index
    %get3A_41 = vector.load %arg6[%get3A_39, %get3A_40] : memref<128x256xf32, #tpu.memory_space<vmem>>, vector<128x256xf32>
    %dot_general3A_42 = arith.constant dense<0.000000e+00> : vector<1024x256xf32>
    %dot_general3A_43 = tpu.matmul %mul3A_38, %get3A_41, %dot_general3A_42 {dimension_numbers = #tpu.dot_dimension_numbers<[1], [0], [0], [1], [0, 0, 1, 1], [], []>, precision = #tpu.contract_precision<fp32>, transpose_lhs_hint = false} : vector<1024x128xf32>, vector<128x256xf32>, vector<1024x256xf32> -> vector<1024x256xf32>
    %add3A_44 = arith.addf %add3A_22, %dot_general3A_43 : vector<1024x256xf32>
    %reduce_sum3A = arith.constant dense<0.000000e+00> : vector<1024xf32>
    %reduce_sum3A_45 = vector.multi_reduction <add>, %add3A_44, %reduce_sum3A [1] : vector<1024x256xf32> to vector<1024xf32>
    %broadcast_in_dim3A = vector.shape_cast %reduce_sum3A_45 : vector<1024xf32> to vector<1024x1xf32>
    %div3A = arith.constant 2.560000e+02 : f32
    %div3A_46 = vector.broadcast %div3A : f32 to vector<1024x1xf32>
    %div3A_47 = arith.divf %broadcast_in_dim3A, %div3A_46 : vector<1024x1xf32>
    %sub3A = vector.broadcast %div3A_47 : vector<1024x1xf32> to vector<1024x256xf32>
    %sub3A_48 = arith.subf %add3A_44, %sub3A : vector<1024x256xf32>
    %mul3A_49 = arith.mulf %sub3A_48, %sub3A_48 : vector<1024x256xf32>
    %reduce_sum3A_50 = arith.constant dense<0.000000e+00> : vector<1024xf32>
    %reduce_sum3A_51 = vector.multi_reduction <add>, %mul3A_49, %reduce_sum3A_50 [1] : vector<1024x256xf32> to vector<1024xf32>
    %broadcast_in_dim3A_52 = vector.shape_cast %reduce_sum3A_51 : vector<1024xf32> to vector<1024x1xf32>
    %div3A_53 = arith.constant 2.560000e+02 : f32
    %div3A_54 = vector.broadcast %div3A_53 : f32 to vector<1024x1xf32>
    %div3A_55 = arith.divf %broadcast_in_dim3A_52, %div3A_54 : vector<1024x1xf32>
    %add3A_56 = arith.constant 9.99999974E-6 : f32
    %add3A_57 = vector.broadcast %add3A_56 : f32 to vector<1024x1xf32>
    %add3A_58 = arith.addf %div3A_55, %add3A_57 : vector<1024x1xf32>
    %rsqrt3A = math.rsqrt %add3A_58 : vector<1024x1xf32>
    %mul3A_59 = vector.broadcast %rsqrt3A : vector<1024x1xf32> to vector<1024x256xf32>
    %mul3A_60 = arith.mulf %sub3A_48, %mul3A_59 : vector<1024x256xf32>
    %get3A_61 = arith.constant 0 : index
    %get3A_62 = arith.constant 0 : index
    %get3A_63 = vector.load %arg7[%get3A_61, %get3A_62] : memref<1x256xf32, #tpu.memory_space<vmem>>, vector<1x256xf32>
    %mul3A_64 = vector.broadcast %get3A_63 : vector<1x256xf32> to vector<1024x256xf32>
    %mul3A_65 = arith.mulf %mul3A_60, %mul3A_64 : vector<1024x256xf32>
    %get3A_66 = arith.constant 0 : index
    %get3A_67 = arith.constant 0 : index
    %get3A_68 = vector.load %arg8[%get3A_66, %get3A_67] : memref<1x256xf32, #tpu.memory_space<vmem>>, vector<1x256xf32>
    %add3A_69 = vector.broadcast %get3A_68 : vector<1x256xf32> to vector<1024x256xf32>
    %add3A_70 = arith.addf %mul3A_65, %add3A_69 : vector<1024x256xf32>
    %gt3A = arith.constant 0.000000e+00 : f32
    %gt3A_71 = vector.broadcast %gt3A : f32 to vector<1024x256xf32>
    %gt3A_72 = arith.cmpf ogt, %add3A_70, %gt3A_71 : vector<1024x256xf32>
    %jit3A = arith.constant 0.000000e+00 : f32
    %broadcast_in_dim3A_73 = vector.broadcast %jit3A : f32 to vector<1024x256xf32>
    %select_n3A = arith.select %gt3A_72, %broadcast_in_dim3A_73, %add3A_70 : vector<1024x256xi1>, vector<1024x256xf32>
    %exp3A = math.exp %select_n3A : vector<1024x256xf32>
    %sub3A_74 = arith.constant 1.000000e+00 : f32
    %sub3A_75 = vector.broadcast %sub3A_74 : f32 to vector<1024x256xf32>
    %sub3A_76 = arith.subf %exp3A, %sub3A_75 : vector<1024x256xf32>
    %select_n3A_77 = arith.select %gt3A_72, %add3A_70, %sub3A_76 : vector<1024x256xi1>, vector<1024x256xf32>
    %swap3A = arith.constant 0 : index
    %swap3A_78 = arith.constant 0 : index
    %swap3A_79 = vector.load %arg9[%swap3A, %swap3A_78] : memref<1024x256xf32, #tpu.memory_space<vmem>>, vector<1024x256xf32>
    tpu.vector_store %arg9[%swap3A, %swap3A_78], %select_n3A_77 {strides = array<i32>} : memref<1024x256xf32, #tpu.memory_space<vmem>>, vector<1024x256xf32>,
    return
  }
  func.func @transform_0(%arg0: i32) -> (i32, i32) {
    %c0_i32 = arith.constant 0 : i32
    %c0_i32_0 = arith.constant 0 : i32
    return %arg0, %c0_i32 : i32, i32
  }
  func.func @transform_1(%arg0: i32) -> (i32, i32, i32) {
    %c0_i32 = arith.constant 0 : i32
    %c0_i32_0 = arith.constant 0 : i32
    %c0_i32_1 = arith.constant 0 : i32
    return %c0_i32, %arg0, %c0_i32_0 : i32, i32, i32
  }
  func.func @transform_2(%arg0: i32) -> (i32, i32, i32) {
    %c0_i32 = arith.constant 0 : i32
    %c0_i32_0 = arith.constant 0 : i32
    %c0_i32_1 = arith.constant 0 : i32
    return %c0_i32, %arg0, %c0_i32_0 : i32, i32, i32
  }
  func.func @transform_3(%arg0: i32) -> (i32, i32) {
    %c0_i32 = arith.constant 0 : i32
    %c0_i32_0 = arith.constant 0 : i32
    return %arg0, %c0_i32 : i32, i32
  }
  func.func @transform_4(%arg0: i32) -> (i32, i32) {
    %c0_i32 = arith.constant 0 : i32
    %c0_i32_0 = arith.constant 0 : i32
    %c0_i32_1 = arith.constant 0 : i32
    return %c0_i32, %c0_i32_0 : i32, i32
  }
  func.func @transform_5(%arg0: i32) -> (i32, i32) {
    %c0_i32 = arith.constant 0 : i32
    %c0_i32_0 = arith.constant 0 : i32
    %c0_i32_1 = arith.constant 0 : i32
    return %c0_i32, %c0_i32_0 : i32, i32
  }
  func.func @transform_6(%arg0: i32) -> (i32, i32) {
    %c0_i32 = arith.constant 0 : i32
    %c0_i32_0 = arith.constant 0 : i32
    %c0_i32_1 = arith.constant 0 : i32
    return %c0_i32, %c0_i32_0 : i32, i32
  }
  func.func @transform_7(%arg0: i32) -> (i32, i32) {
    %c0_i32 = arith.constant 0 : i32
    %c0_i32_0 = arith.constant 0 : i32
    %c0_i32_1 = arith.constant 0 : i32
    return %c0_i32, %c0_i32_0 : i32, i32
  }
  func.func @transform_8(%arg0: i32) -> (i32, i32) {
    %c0_i32 = arith.constant 0 : i32
    %c0_i32_0 = arith.constant 0 : i32
    return %arg0, %c0_i32 : i32, i32
  }
}

module attributes {stable_mosaic.version = 14 : i64} {
  func.func @body(%arg0: i32, %arg1: memref<1024x256xf32, #tpu.memory_space<vmem>>, %arg2: memref<256x128xf32, #tpu.memory_space<vmem>>, %arg3: memref<1024x1xf32, #tpu.memory_space<vmem>>, %arg4: memref<1024x128xf32, #tpu.memory_space<vmem>>) attributes {dimension_semantics = [#tpu.dimension_semantics<arbitrary>], iteration_bounds = array<i64: 10>, scalar_prefetch = 0 : i64, scratch_operands = 0 : i64, tpu.core_type = #tpu.core_type<tc>, window_params = [{transform_indices = @transform_0, window_bounds = array<i64: 1024, 256>}, {pipeline_mode = #tpu.pipeline_mode<synchronous>, transform_indices = @transform_1, window_bounds = array<i64: 256, 128>}, {transform_indices = @transform_2, window_bounds = array<i64: 1024, 1>}, {transform_indices = @transform_3, window_bounds = array<i64: 1024, 128>}]} {
    %get3A = arith.constant 0 : index
    %get3A_0 = arith.constant 0 : index
    %get3A_1 = vector.load %arg1[%get3A, %get3A_0] : memref<1024x256xf32, #tpu.memory_space<vmem>>, vector<1024x256xf32>
    %get3A_2 = arith.constant 0 : index
    %get3A_3 = arith.constant 0 : index
    %get3A_4 = vector.load %arg2[%get3A_2, %get3A_3] : memref<256x128xf32, #tpu.memory_space<vmem>>, vector<256x128xf32>
    %dot_general3A = arith.constant dense<0.000000e+00> : vector<1024x128xf32>
    %dot_general3A_5 = tpu.matmul %get3A_1, %get3A_4, %dot_general3A {dimension_numbers = #tpu.dot_dimension_numbers<[1], [0], [0], [1], [0, 0, 1, 1], [], []>, precision = #tpu.contract_precision<fp32>, transpose_lhs_hint = false} : vector<1024x256xf32>, vector<256x128xf32>, vector<1024x128xf32> -> vector<1024x128xf32>
    %get3A_6 = arith.constant 0 : index
    %get3A_7 = arith.constant 0 : index
    %get3A_8 = vector.load %arg3[%get3A_6, %get3A_7] : memref<1024x1xf32, #tpu.memory_space<vmem>>, vector<1024x1xf32>
    %mul3A = vector.broadcast %get3A_8 : vector<1024x1xf32> to vector<1024x128xf32>
    %mul3A_9 = arith.mulf %mul3A, %dot_general3A_5 : vector<1024x128xf32>
    %swap3A = arith.constant 0 : index
    %swap3A_10 = arith.constant 0 : index
    %swap3A_11 = vector.load %arg4[%swap3A, %swap3A_10] : memref<1024x128xf32, #tpu.memory_space<vmem>>, vector<1024x128xf32>
    tpu.vector_store %arg4[%swap3A, %swap3A_10], %mul3A_9 {strides = array<i32>} : memref<1024x128xf32, #tpu.memory_space<vmem>>, vector<1024x128xf32>,
    return
  }
  func.func @transform_0(%arg0: i32) -> (i32, i32) {
    %c0_i32 = arith.constant 0 : i32
    %c0_i32_0 = arith.constant 0 : i32
    return %arg0, %c0_i32 : i32, i32
  }
  func.func @transform_1(%arg0: i32) -> (i32, i32) {
    %c0_i32 = arith.constant 0 : i32
    %c0_i32_0 = arith.constant 0 : i32
    %c0_i32_1 = arith.constant 0 : i32
    return %c0_i32, %c0_i32_0 : i32, i32
  }
  func.func @transform_2(%arg0: i32) -> (i32, i32) {
    %c0_i32 = arith.constant 0 : i32
    %c0_i32_0 = arith.constant 0 : i32
    return %arg0, %c0_i32 : i32, i32
  }
  func.func @transform_3(%arg0: i32) -> (i32, i32) {
    %c0_i32 = arith.constant 0 : i32
    %c0_i32_0 = arith.constant 0 : i32
    return %arg0, %c0_i32 : i32, i32
  }
}

module attributes {stable_mosaic.version = 14 : i64} {
  func.func @body(%arg0: i32, %arg1: memref<1024x256xf32, #tpu.memory_space<vmem>>, %arg2: memref<256x128xf32, #tpu.memory_space<vmem>>, %arg3: memref<1x128xf32, #tpu.memory_space<vmem>>, %arg4: memref<1024x128xf32, #tpu.memory_space<vmem>>) attributes {dimension_semantics = [#tpu.dimension_semantics<arbitrary>], iteration_bounds = array<i64: 10>, scalar_prefetch = 0 : i64, scratch_operands = 0 : i64, tpu.core_type = #tpu.core_type<tc>, window_params = [{transform_indices = @transform_0, window_bounds = array<i64: 1024, 256>}, {pipeline_mode = #tpu.pipeline_mode<synchronous>, transform_indices = @transform_1, window_bounds = array<i64: 256, 128>}, {pipeline_mode = #tpu.pipeline_mode<synchronous>, transform_indices = @transform_2, window_bounds = array<i64: 1, 128>}, {transform_indices = @transform_3, window_bounds = array<i64: 1024, 128>}]} {
    %get3A = arith.constant 0 : index
    %get3A_0 = arith.constant 0 : index
    %get3A_1 = vector.load %arg1[%get3A, %get3A_0] : memref<1024x256xf32, #tpu.memory_space<vmem>>, vector<1024x256xf32>
    %get3A_2 = arith.constant 0 : index
    %get3A_3 = arith.constant 0 : index
    %get3A_4 = vector.load %arg2[%get3A_2, %get3A_3] : memref<256x128xf32, #tpu.memory_space<vmem>>, vector<256x128xf32>
    %dot_general3A = arith.constant dense<0.000000e+00> : vector<1024x128xf32>
    %dot_general3A_5 = tpu.matmul %get3A_1, %get3A_4, %dot_general3A {dimension_numbers = #tpu.dot_dimension_numbers<[1], [0], [0], [1], [0, 0, 1, 1], [], []>, precision = #tpu.contract_precision<fp32>, transpose_lhs_hint = false} : vector<1024x256xf32>, vector<256x128xf32>, vector<1024x128xf32> -> vector<1024x128xf32>
    %get3A_6 = arith.constant 0 : index
    %get3A_7 = arith.constant 0 : index
    %get3A_8 = vector.load %arg3[%get3A_6, %get3A_7] : memref<1x128xf32, #tpu.memory_space<vmem>>, vector<1x128xf32>
    %add3A = vector.broadcast %get3A_8 : vector<1x128xf32> to vector<1024x128xf32>
    %add3A_9 = arith.addf %dot_general3A_5, %add3A : vector<1024x128xf32>
    %swap3A = arith.constant 0 : index
    %swap3A_10 = arith.constant 0 : index
    %swap3A_11 = vector.load %arg4[%swap3A, %swap3A_10] : memref<1024x128xf32, #tpu.memory_space<vmem>>, vector<1024x128xf32>
    tpu.vector_store %arg4[%swap3A, %swap3A_10], %add3A_9 {strides = array<i32>} : memref<1024x128xf32, #tpu.memory_space<vmem>>, vector<1024x128xf32>,
    return
  }
  func.func @transform_0(%arg0: i32) -> (i32, i32) {
    %c0_i32 = arith.constant 0 : i32
    %c0_i32_0 = arith.constant 0 : i32
    return %arg0, %c0_i32 : i32, i32
  }
  func.func @transform_1(%arg0: i32) -> (i32, i32) {
    %c0_i32 = arith.constant 0 : i32
    %c0_i32_0 = arith.constant 0 : i32
    %c0_i32_1 = arith.constant 0 : i32
    return %c0_i32, %c0_i32_0 : i32, i32
  }
  func.func @transform_2(%arg0: i32) -> (i32, i32) {
    %c0_i32 = arith.constant 0 : i32
    %c0_i32_0 = arith.constant 0 : i32
    %c0_i32_1 = arith.constant 0 : i32
    return %c0_i32, %c0_i32_0 : i32, i32
  }
  func.func @transform_3(%arg0: i32) -> (i32, i32) {
    %c0_i32 = arith.constant 0 : i32
    %c0_i32_0 = arith.constant 0 : i32
    return %arg0, %c0_i32 : i32, i32
  }
}

module attributes {stable_mosaic.version = 14 : i64} {
  func.func @body(%arg0: i32, %arg1: memref<1024x128xf32, #tpu.memory_space<vmem>>, %arg2: memref<2x1024x128xf32, #tpu.memory_space<vmem>>, %arg3: memref<1024x1xf32, #tpu.memory_space<vmem>>, %arg4: memref<1024x128xf32, #tpu.memory_space<vmem>>) attributes {dimension_semantics = [#tpu.dimension_semantics<arbitrary>], iteration_bounds = array<i64: 10>, scalar_prefetch = 0 : i64, scratch_operands = 0 : i64, tpu.core_type = #tpu.core_type<tc>, window_params = [{transform_indices = @transform_0, window_bounds = array<i64: 1024, 128>}, {transform_indices = @transform_1, window_bounds = array<i64: 2, 1024, 128>}, {transform_indices = @transform_2, window_bounds = array<i64: 1024, 1>}, {transform_indices = @transform_3, window_bounds = array<i64: 1024, 128>}]} {
    %get3A = arith.constant 0 : index
    %get3A_0 = arith.constant 0 : index
    %get3A_1 = vector.load %arg3[%get3A, %get3A_0] : memref<1024x1xf32, #tpu.memory_space<vmem>>, vector<1024x1xf32>
    %get3A_2 = arith.constant 0 : index
    %get3A_3 = arith.constant 0 : index
    %get3A_4 = vector.load %arg1[%get3A_2, %get3A_3] : memref<1024x128xf32, #tpu.memory_space<vmem>>, vector<1024x128xf32>
    %neg3A = arith.constant 0.000000e+00 : f32
    %neg3A_5 = vector.broadcast %neg3A : f32 to vector<1024x1xf32>
    %neg3A_6 = arith.subf %neg3A_5, %get3A_1 : vector<1024x1xf32>
    %get3A_7 = arith.constant 0 : index
    %get3A_8 = arith.constant 0 : index
    %get3A_9 = arith.constant 0 : index
    %get3A_10 = vector.load %arg2[%get3A_7, %get3A_8, %get3A_9] : memref<2x1024x128xf32, #tpu.memory_space<vmem>>, vector<1x1024x128xf32>
    %get3A_11 = vector.shape_cast %get3A_10 : vector<1x1024x128xf32> to vector<1024x128xf32>
    %get3A_12 = arith.constant 1 : index
    %get3A_13 = arith.constant 0 : index
    %get3A_14 = arith.constant 0 : index
    %get3A_15 = vector.load %arg2[%get3A_12, %get3A_13, %get3A_14] : memref<2x1024x128xf32, #tpu.memory_space<vmem>>, vector<1x1024x128xf32>
    %get3A_16 = vector.shape_cast %get3A_15 : vector<1x1024x128xf32> to vector<1024x128xf32>
    %add3A = arith.addf %get3A_11, %get3A_16 : vector<1024x128xf32>
    %mul3A = vector.broadcast %neg3A_6 : vector<1024x1xf32> to vector<1024x128xf32>
    %mul3A_17 = arith.mulf %mul3A, %add3A : vector<1024x128xf32>
    %add3A_18 = arith.addf %get3A_4, %mul3A_17 : vector<1024x128xf32>
    %gt3A = arith.constant 0.000000e+00 : f32
    %gt3A_19 = vector.broadcast %gt3A : f32 to vector<1024x128xf32>
    %gt3A_20 = arith.cmpf ogt, %add3A_18, %gt3A_19 : vector<1024x128xf32>
    %jit3A = arith.constant 0.000000e+00 : f32
    %broadcast_in_dim3A = vector.broadcast %jit3A : f32 to vector<1024x128xf32>
    %select_n3A = arith.select %gt3A_20, %broadcast_in_dim3A, %add3A_18 : vector<1024x128xi1>, vector<1024x128xf32>
    %exp3A = math.exp %select_n3A : vector<1024x128xf32>
    %sub3A = arith.constant 1.000000e+00 : f32
    %sub3A_21 = vector.broadcast %sub3A : f32 to vector<1024x128xf32>
    %sub3A_22 = arith.subf %exp3A, %sub3A_21 : vector<1024x128xf32>
    %select_n3A_23 = arith.select %gt3A_20, %add3A_18, %sub3A_22 : vector<1024x128xi1>, vector<1024x128xf32>
    %swap3A = arith.constant 0 : index
    %swap3A_24 = arith.constant 0 : index
    %swap3A_25 = vector.load %arg4[%swap3A, %swap3A_24] : memref<1024x128xf32, #tpu.memory_space<vmem>>, vector<1024x128xf32>
    tpu.vector_store %arg4[%swap3A, %swap3A_24], %select_n3A_23 {strides = array<i32>} : memref<1024x128xf32, #tpu.memory_space<vmem>>, vector<1024x128xf32>,
    return
  }
  func.func @transform_0(%arg0: i32) -> (i32, i32) {
    %c0_i32 = arith.constant 0 : i32
    %c0_i32_0 = arith.constant 0 : i32
    return %arg0, %c0_i32 : i32, i32
  }
  func.func @transform_1(%arg0: i32) -> (i32, i32, i32) {
    %c0_i32 = arith.constant 0 : i32
    %c0_i32_0 = arith.constant 0 : i32
    %c0_i32_1 = arith.constant 0 : i32
    return %c0_i32, %arg0, %c0_i32_0 : i32, i32, i32
  }
  func.func @transform_2(%arg0: i32) -> (i32, i32) {
    %c0_i32 = arith.constant 0 : i32
    %c0_i32_0 = arith.constant 0 : i32
    return %arg0, %c0_i32 : i32, i32
  }
  func.func @transform_3(%arg0: i32) -> (i32, i32) {
    %c0_i32 = arith.constant 0 : i32
    %c0_i32_0 = arith.constant 0 : i32
    return %arg0, %c0_i32 : i32, i32
  }
}

</mosaic_0001>

<sc_bundles>
// kernel: kernel.19.cloned.1.call-start
scs
__scs_entry_jumppad:
0x0: {  	(pc) =	sbr.rel $0x88, $3  }
0x1: {  	(tag) =	ssettag $0x0;
	lr =	simm.s32 $0x1  }
0x2: {  	[smem:$0x3F7D] =	sst lr;
	_ =	strace $0xD0000000  }
0x3: {  	_ = 	snop  }
0x4: {  	_ = 	snop  }
0x5: {  	_ = 	snop  }
0x6: {  	_ = 	snop  }
0x7: {  	_ = 	snop  }
__scs_overlays_trampoline_lowered:
0x8: {  	[smem:$0x3F8C] =	sst s0  }
0x9: {  	[smem:$0x3F8D] =	sst s1  }
0xa: {  	[smem:$0x3F8E] =	sst s2  }
0xb: {  	[smem:$0x3F8F] =	sst s3  }
0xc: {  	[smem:$0x3F90] =	sst s4  }
0xd: {  	[smem:$0x3F91] =	sst s5  }
0xe: {  	[smem:$0x3F92] =	sst s6  }
0xf: {  	[smem:$0x3F93] =	sst s7  }
0x10: {  	[smem:$0x3F94] =	sst s8  }
0x11: {  	[smem:$0x3F95] =	sst s9;
	s0 =	simm.s32 @!p0 $0x0  }
0x12: {  	s1 =	sld [smem:$0x3F7B];
	s0 =	simm.s32 @p0 $0x1  }
0x13: {  	[smem:$0x3F96] =	sst s0;
	s0 =	simm.s32 @!p1 $0x0  }
0x14: {  	s2 =	sld [smem:$0x3F7A];
	s0 =	simm.s32 @p1 $0x1  }
0x15: {  	[smem:$0x3F97] =	sst s0;
	s0 =	simm.s32 @!p2 $0x0  }
0x16: {  	s3 =	sld [smem:$0x3FDB];
	s0 =	simm.s32 @p2 $0x1  }
0x17: {  	s4 =	simm.s32 $0x1BF5;
	[smem:$0x3F99] =	sst s0  }
0x18: {  	s0 =	sld [smem:$0x3F7C];
	_ =	swait.ge [sflag:s4], $0x0  }
0x19: {  	s7 =	sld [smem:$0x3F7D]  }
0x1a: {  	s8 =	sadd.s32 $0xFFFFE003, lr  }
0x1b: {  	s9 =	sadd.s32 $0xFFFFFEF7, lr;
	s5 =	simm.s32 $0xFFFFFFFF;
	p2 =	slt.u32 s8, $0xFFFFF086  }
0x1c: {  	p1 =	slt.u32 s9, $0xF7A;
	s5 =	simm.s32 @!p2 $0x0  }
0x1d: {  	s5 =	simm.s32 @p1 $0x1;
	p0 =	seq.s32 s7, s2  }
0x1e: {  	s7 =	smul.u32 @!p0 $0xF7A, s2;
	p2 =	seq.s32 @!p0 s5, $0x0  }
0x1f: {  	s9 =	smul.u32 $0xF7A, s1;
	s8 =	simm.s32 @!p0 $0x1BF5;
	p2 =	por !p2, p0  }
0x20: {  	[sflag:s8] =	ssyncset.s32 @!p0 $0xFFFFF086;
	s6 =	sadd.s32 @!p0 s3, s7;
	s7 =	simm.s32 @!p0 $0x108  }
0x21: {  	s3 =	sadd.s32 s3, s9;
	s6 =	sadd.s32 @!p0 $0x88, s6;
	s7 =	simm.s32 @p2 $0x1082  }
0x22: {  	[simem:s7], [sflag:s8] =	dma.local @!p0 [hbm:s6], $0xF7A  }
0x23: {  	s9 =	sor.u32 $0xD0000000, s2;
	s6 =	simm.s32 $0x108;
	_ =	swait.ge @!p0 [sflag:s8], $0x0  }
0x24: {  	s3 =	sadd.s32 $0x88, s3;
	s6 =	simm.s32 @!p1 $0x1082;
	[sflag:s4] =	ssyncset.s32 $0xFFFFF086  }
0x25: {  	[simem:s6], [sflag:s4] =	dma.local [hbm:s3], $0xF7A  }
0x26: {  	[smem:$0x3F7D] =	sst s1;
	(tag) =	ssettag s2;
	_ =	strace s9  }
0x27: {  	s1 =	sld [smem:$0x3F8D]  }
0x28: {  	s2 =	sld [smem:$0x3F8E]  }
0x29: {  	s4 =	sld [smem:$0x3F90]  }
0x2a: {  	p0 =	seq.s32 s5, $0x0;
	s5 =	sld [smem:$0x3F91]  }
0x2b: {  	s6 =	sld [smem:$0x3F92]  }
0x2c: {  	s7 =	sld [smem:$0x3F93]  }
0x2d: {  	s3 =	simm.s32 $0x108;
	s8 =	sld [smem:$0x3F94]  }
0x2e: {  	s3 =	simm.s32 @!p0 $0x1082;
	s9 =	sld [smem:$0x3F95]  }
0x2f: {  	lr =	sadd.s32 s0, s3;
	s0 =	sld [smem:$0x3F8C]  }
0x30: {  	s3 =	sld [smem:$0x3F8F]  }
0x31: {  	[smem:$0x3F98] =	sst s10  }
0x32: {  	s10 =	sld [smem:$0x3F96];
	_ =	sdelay $0x3  }
0x33: {  	p0 =	seq.s32 s10, $0x1;
	s10 =	sld [smem:$0x3F98];
	_ =	sdelay $0x3  }
0x34: {  	[smem:$0x3F98] =	sst s10  }
0x35: {  	s10 =	sld [smem:$0x3F97];
	_ =	sdelay $0x3  }
0x36: {  	p1 =	seq.s32 s10, $0x1;
	s10 =	sld [smem:$0x3F98];
	_ =	sdelay $0x3  }
0x37: {  	[smem:$0x3F98] =	sst s10  }
0x38: {  	s10 =	sld [smem:$0x3F99]  }
0x39: {  	_ = 	snop;
	(pc) =	sbr.ind lr, $3  }
0x3a: {  	_ = 	snop  }
0x3b: {  	_ = 	snop  }
0x3c: {  	p2 =	seq.s32 s10, $0x1;
	s10 =	sld [smem:$0x3F98]  }
0x3d: {  	_ =	shalt  }
0x3e: {  	_ =	shalt  }
0x3f: {  	_ =	shalt  }
0x40: {  	_ =	shalt  }
0x41: {  	_ =	shalt  }
0x42: {  	_ =	shalt  }
0x43: {  	_ =	shalt  }
0x44: {  	_ =	shalt  }
0x45: {  	_ =	shalt  }
0x46: {  	_ =	shalt  }
0x47: {  	_ =	shalt  }
0x48: {  	_ =	shalt  }
0x49: {  	_ =	shalt  }
0x4a: {  	_ =	shalt  }
0x4b: {  	_ =	shalt  }
0x4c: {  	_ =	shalt  }
0x4d: {  	_ =	shalt  }
0x4e: {  	_ =	shalt  }
0x4f: {  	_ =	shalt  }
0x50: {  	_ =	shalt  }
0x51: {  	_ =	shalt  }
0x52: {  	_ =	shalt  }
0x53: {  	_ =	shalt  }
0x54: {  	_ =	shalt  }
0x55: {  	_ =	shalt  }
0x56: {  	_ =	shalt  }
0x57: {  	_ =	shalt  }
0x58: {  	_ =	shalt  }
0x59: {  	_ =	shalt  }
0x5a: {  	_ =	shalt  }
0x5b: {  	_ =	shalt  }
0x5c: {  	_ =	shalt  }
0x5d: {  	_ =	shalt  }
0x5e: {  	_ =	shalt  }
0x5f: {  	_ =	shalt  }
0x60: {  	_ =	shalt  }
0x61: {  	_ =	shalt  }
0x62: {  	_ =	shalt  }
0x63: {  	_ =	shalt  }
0x64: {  	_ =	shalt  }
0x65: {  	_ =	shalt  }
0x66: {  	_ =	shalt  }
0x67: {  	_ =	shalt  }
0x68: {  	_ =	shalt  }
0x69: {  	_ =	shalt  }
0x6a: {  	_ =	shalt  }
0x6b: {  	_ =	shalt  }
0x6c: {  	_ =	shalt  }
0x6d: {  	_ =	shalt  }
0x6e: {  	_ =	shalt  }
0x6f: {  	_ =	shalt  }
0x70: {  	_ =	shalt  }
0x71: {  	_ =	shalt  }
0x72: {  	_ =	shalt  }
0x73: {  	_ =	shalt  }
0x74: {  	_ =	shalt  }
0x75: {  	_ =	shalt  }
0x76: {  	_ =	shalt  }
0x77: {  	_ =	shalt  }
0x78: {  	_ =	shalt  }
0x79: {  	_ =	shalt  }
0x7a: {  	_ =	shalt  }
0x7b: {  	_ =	shalt  }
0x7c: {  	_ =	shalt  }
0x7d: {  	_ =	shalt  }
0x7e: {  	_ =	shalt  }
0x7f: {  	_ =	shalt  }
0x80: {  	_ =	shalt  }
0x81: {  	_ =	shalt  }
0x82: {  	_ =	shalt  }
0x83: {  	_ =	shalt  }
0x84: {  	_ =	shalt  }
0x85: {  	_ =	shalt  }
0x86: {  	_ =	shalt  }
0x87: {  	_ =	shalt  }
.Lfunc_end0:
.L_simem_size_0:
called_computation_lowered:
.L_overlay_start_0:
0x88: {  	s2 =	sld [smem:$0x3FD9]  }
0x89: {  	s3 =	sld [smem:$0x3FFE];
	_ =	sdelay $0x1  }
0x8a: {  	s1 =	srdreg.scid  }
0x8b: {  	s0 =	sand.u32 $0x1, s1  }
0x8c: {  	s16 =	sshll.u32 s0, $0xA;
	s2 =	sadd.s32 s3, s2  }
0x8d: {  	s2 =	sadd.s32 s2, s16  }
0x8e: {  	[smem:$0x3FA4] =	sst s2  }
0x8f: {  	_ = 	snop  }
0x90: {  	(tm) =	ssettm $0x1  }
0x91: {  	s17 =	sld [smem:$0x3FFB];
	_ =	sdelay $0x3  }
0x92: {  	_ =	strace s17  }
0x93: {  	s2 =	sld [smem:$0x3FFC];
	_ =	sdelay $0x3  }
0x94: {  	_ =	strace s2  }
0x95: {  	s2 =	sld [smem:$0x3FFD];
	_ =	sdelay $0x3  }
0x96: {  	_ =	strace s2  }
0x97: {  	_ =	strace $0x8FFFFFFF  }
0x98: {  	s18 =	sld [smem:$0x3FDB];
	_ =	sdelay $0x1  }
0x99: {  	s19 =	simm.s32 $_scs_section_size  }
0x9a: {  	s4 =	simm.s32 $_size__tile_overlayer_lowered;
	s5 =	simm.s32 $_tile_overlayer_lowered  }
0x9b: {  	s22 =	simm.s32 $0x1BFF;
	s21 =	sshll.u32 s5, $0x1;
	s2 =	sadd.s32 s19, s18  }
0x9c: {  	s6 =	simm.s32 $0x0;
	s20 =	sshll.u32 s4, $0x1;
	s4 =	sadd.s32 s21, s2  }
0x9d: {  	[timem:s6], [sflag:s22] =	dma.local [hbm:s4], s20  }
0x9e: {  	_ =	swait.ge [sflag:s22], s20  }
0x9f: {  	s3 =	ssub.s32 $0x0, s20;
	[sflag:s22] =	ssyncset.done $0x0  }
0xa0: {  	[sflag:s22] =	ssyncadd.s32 s3;
	_ =	sdelay $0x1  }
0xa1: {  	s23 =	simm.s32 $0x1B8B  }
0xa2: {  	_ =	swait.ge [sflag:s23], $0x1  }
0xa3: {  	[sflag:s23] =	ssyncset.done $0x0  }
0xa4: {  	s25 =	simm.s32 $0x1B8E;
	s24 =	sld [smem:$0x3FFE];
	[sflag:s23] =	ssyncadd.s32 $0xFFFFFFFF  }
0xa5: {  	s26 =	simm.s32 $execute0_lowered;
	[smem:$0x3FD2] =	sst s25  }
0xa6: {  	s4 =	sshll.u32 s26, $0x1;
	_ =	strace $0x80000046;
	[dreg:$0x1] =	wrdreg $0xFFFFFFFF  }
0xa7: {  	s28 =	simm.s32 $_size_execute0_lowered;
	s2 =	sadd.s32 s2, s4;
	[dreg:$0x0] =	wrdreg $0x0  }
0xa8: {  	s4 =	sshll.u32 s28, $0x1;
	[dreg:$0x2] =	wrdreg s2  }
0xa9: {  	[dreg:$0x3] =	wrdreg s4  }
0xaa: {  	[dreg:$0x4] =	wrdreg $0xC0  }
0xab: {  	_ =	task [dreg:s6], $0x5FFFF  }
0xac: {  	[dreg:$0x1] =	wrdreg $0xFFFFFFFF  }
0xad: {  	[dreg:$0x0] =	wrdreg $0x60  }
0xae: {  	[dreg:$0x2] =	wrdreg s24  }
0xaf: {  	[dreg:$0x3] =	wrdreg $0x41000  }
0xb0: {  	[dreg:$0x4] =	wrdreg $0x9  }
0xb1: {  	_ =	task.clear_ibuf [dreg:s6], $0x5FFFF;
	_ =	strace $0x90000046  }
0xb2: {  	s29 =	simm.s32 $0x9;
	_ =	strace $0x80000048  }
0xb3: {  	_ =	swait.ge [sflag:s29], $0x1  }
0xb4: {  	[sflag:s29] =	ssyncadd.s32 $0xFFFFFFFF  }
0xb5: {  	_ =	strace $0x90000048  }
0xb6: {  	_ =	sfence  }
0xb7: {  	s30 =	sld [smem:$0x0];
	_ =	sdelay $0x2  }
0xb8: {  	s31 =	sshll.u32 s1, $0xD;
	s1 =	sshrl.u32 s1, $0x2  }
0xb9: {  	s3 =	sand.u32 $0x4000, s31;
	s1 =	sadd.s32 s1, s30  }
0xba: {  	s0 =	sor.u32 s3, s0;
	s1 =	sshll.u32 s1, $0x11  }
0xbb: {  	s0 =	sor.u32 s1, s0  }
0xbc: {  	s0 =	sadd.s32 $0x8F2B, s0  }
0xbd: {  	[sflag:s0] =	ssyncadd.remote.s32 $0x1  }
0xbe: {  	_ =	sfence.sel $0xFFFF  }
0xbf: {  	[dreg:$0x0] =	wrdreg $0xFFFFFFFF;
	(pc) =	sbr.abs _section_cstart, $3  }
0xc0: {  	[dreg:$0x1] =	wrdreg $0xFFFFFFFF  }
0xc1: {  	_ =	task.clear_ibuf [dreg:s6], $0x2FFFF;
	_ =	strace $0x9FFFFFFF  }
0xc2: {  	(tm) =	ssettm $0x7FFFFFFF  }
0xc3: {  	_ =	shalt  }
tec
execute0_lowered:
.L_overlay_start_1:
0x0: {  	(tag) =	ssettag $0x1  }
0x1: {  	s7 =	rddreg [dreg:$0x0]  }
0x2: {  	s1 =	rddreg [dreg:$0x1];
	s2 =	srdreg.scid  }
0x3: {  	s0 =	rddreg [dreg:$0x2];
	s3 =	simm.s32 $0x0;
	s18 =	simm.s32 $0x80  }
0x4: {  	s19 =	simm.s32 $0x1;
	s20 =	simm.s32 $0x2;
	s8 =	sand.u32 $0x1, s2  }
0x5: {  	s21 =	simm.s32 $0x0;
	s2 =	stileid.u32;
	s6 =	smul.u32 $0x140000, s8  }
0x6: {  	[smem:$0x7FF] =	sst s3;
	s4 =	sadd.s32 $0x8A00, s7;
	s9 =	smul.u32 $0x14000, s2  }
0x7: {  	s5 =	sadd.s32 $0x13200, s7;
	_ =	strace $0x80000047;
	s10 =	smul.u32 $0x50000, s2  }
0x8: {  	s11 =	ssub.s32 $0x2, s8;
	s31 =	sshll.u32 s2, $0x1;
	s12 =	sshll.u32 s2, $0x6  }
0x9: {  	s30 =	sshrl.u32 s11, $0x1;
	s12 =	sor.u32 $0x1C03, s12;
	s9 =	sadd.s32 s9, s6  }
0xa: {  	s6 =	sadd.s32 $0x12A00, s7;
	s10 =	sshrl.u32 s10, $0x2;
	s11 =	ssub.s32 s11, s30  }
0xb: {  	s9 =	sshrl.u32 s9, $0x3;
	s13 =	sadd.s32 s10, s1;
	s10 =	simm.s32 $0x100  }
0xc: {  	s9 =	sadd.s32 s9, s7;
	s7 =	sor.u32 s8, s31;
	s14 =	sadd.s32 $0x4000, s13  }
0xd: {  	s15 =	sadd.s32 $0x8000, s13;
	s16 =	sadd.s32 $0xC000, s13;
	s17 =	sadd.s32 $0x10000, s13  }
0xe: {  	s13 =	sshrl.u32 s13, $0x3;
	s7 =	smul.u32 $0x2800, s7;
	s8 =	sadd.s32 $0x13A00, s9  }
0xf: {  	s9 =	smax.u32 s11, $0x1;
	s11 =	simm.s32 $0x3;
	s14 =	sshrl.u32 s14, $0x3  }
0x10: {  	s15 =	sshrl.u32 s15, $0x3;
	s16 =	sshrl.u32 s16, $0x3;
	s17 =	sshrl.u32 s17, $0x3  }
.LBB2_1:
0x11: {  	[tilespmem:s10], [sflag:$0x3] =	stream.linear.gather [hbm4b:s5+s3], $0x4000, $0x38;
	[tilespmem:$0x18100] =	vst v63  }
0x12: {  	_ =	swait.ge [sflag:s11], $0x4000  }
0x13: {  	[sflag:s11] =	ssyncset.done $0x0  }
0x14: {  	[sflag:s11] =	ssyncadd.s32 $0xFFFFC000  }
0x15: {  	[spmem:s13], [sflag:s12] =	dma.local [hbm:s6], $0x800  }
0x16: {  	_ =	swait.ge [sflag:s11], $0x800  }
0x17: {  	[sflag:s11] =	ssyncset.done $0x0  }
0x18: {  	[sflag:s11] =	ssyncadd.s32 $0xFFFFF800  }
0x19: {  	[spmem:s14], [sflag:s12] =	dma.local [hbm:s6], $0x800  }
0x1a: {  	_ =	swait.ge [sflag:s11], $0x800  }
0x1b: {  	[sflag:s11] =	ssyncset.done $0x0  }
0x1c: {  	[sflag:s11] =	ssyncadd.s32 $0xFFFFF800  }
0x1d: {  	[spmem:s15], [sflag:s12] =	dma.local [hbm:s6], $0x800  }
0x1e: {  	_ =	swait.ge [sflag:s11], $0x800  }
0x1f: {  	[sflag:s11] =	ssyncset.done $0x0  }
0x20: {  	[sflag:s11] =	ssyncadd.s32 $0xFFFFF800  }
0x21: {  	[spmem:s16], [sflag:s12] =	dma.local [hbm:s6], $0x800  }
0x22: {  	_ =	swait.ge [sflag:s11], $0x800  }
0x23: {  	[sflag:s11] =	ssyncset.done $0x0  }
0x24: {  	s22 =	sand.u32 $0x3C00, s3;
	[sflag:s11] =	ssyncadd.s32 $0xFFFFF800  }
0x25: {  	[spmem:s17], [sflag:s12] =	dma.local [hbm:s6], $0x800  }
0x26: {  	s23 =	sand.u32 $0x300, s3;
	s22 =	sadd.s32 s7, s22;
	_ =	swait.ge [sflag:s11], $0x800  }
0x27: {  	s22 =	sor.u32 s23, s22;
	[sflag:s11] =	ssyncset.done $0x0  }
0x28: {  	s22 =	sshrl.u32 s22, $0x3;
	[sflag:s11] =	ssyncadd.s32 $0xFFFFF800  }
0x29: {  	s22 =	sadd.s32 s4, s22;
	[bflag:$0x0] =	sbarrier.arrive $0xFFFF  }
0x2a: {  	[tilespmem:s3], [sflag:$0x3] =	stream.linear.gather [hbm4b:s22+s3], $0x80, $0x38;
	[tilespmem:$0x18100] =	vst v63  }
0x2b: {  	_ =	swait.ge [sflag:s11], $0x80  }
0x2c: {  	[sflag:s11] =	ssyncset.done $0x0  }
0x2d: {  	[sflag:s11] =	ssyncadd.s32 $0xFFFFFF80  }
0x2e: {  	[spmem:s1] =	stream.indirect.scatter.add.f32 [tilespmem:s10], [sflag:$0x1], $0x80, s3, s18, $0xb8;
	[tilespmem:$0x18100] =	vst v63  }
0x2f: {  	s22 =	sadd.s32 $0x10, s22  }
0x30: {  	[tilespmem:s18], [sflag:$0x3] =	stream.linear.gather [hbm4b:s22+s3], $0x80, $0x38;
	[tilespmem:$0x18100] =	vst v63  }
0x31: {  	_ =	swait.ge [sflag:s11], $0x80  }
0x32: {  	[sflag:s11] =	ssyncset.done $0x0  }
0x33: {  	[sflag:s11] =	ssyncadd.s32 $0xFFFFFF80  }
0x34: {  	[spmem:s1] =	stream.indirect.scatter.add.f32 [tilespmem:s10], [sflag:$0x2], $0x80, s18, s18, $0xb8;
	[tilespmem:$0x18100] =	vst v63  }
0x35: {  	s30 =	simm.s32 $0x100;
	_ =	swait.ge [sflag:s19], $0x4000  }
0x36: {  	s31 =	sand.u32 $0x3C00, s30;
	[sflag:s19] =	ssyncset.done $0x0  }
0x37: {  	s23 =	sadd.s32 s7, s31;
	s22 =	sand.u32 $0x300, s30;
	[sflag:s19] =	ssyncadd.s32 $0xFFFFC000  }
0x38: {  	s23 =	sor.u32 s22, s23;
	_ =	swait.ge [sflag:s20], $0x4000  }
0x39: {  	s22 =	simm.s32 $0x200;
	s23 =	sshrl.u32 s23, $0x3;
	[sflag:s20] =	ssyncset.done $0x0  }
.LBB2_2:
0x3a: {  	s23 =	sadd.s32 s4, s23  }
0x3b: {  	[sflag:s20] =	ssyncadd.s32 $0xFFFFC000;
	s24 =	smov.u32 s22;
	s25 =	sadd.s32 $0x100, s22  }
0x3c: {  	[tilespmem:s3], [sflag:$0x3] =	stream.linear.gather [hbm4b:s23+s3], $0x80, $0x38;
	[tilespmem:$0x18100] =	vst v63  }
0x3d: {  	p0 =	sne.s32 s22, $0x2700;
	_ =	swait.ge [sflag:s11], $0x80  }
0x3e: {  	[sflag:s11] =	ssyncset.done $0x0  }
0x3f: {  	[sflag:s11] =	ssyncadd.s32 $0xFFFFFF80  }
0x40: {  	[spmem:s1] =	stream.indirect.scatter.add.f32 [tilespmem:s10], [sflag:$0x1], $0x80, s3, s18, $0xb8;
	[tilespmem:$0x18100] =	vst v63  }
0x41: {  	s22 =	sadd.s32 $0x10, s23  }
0x42: {  	[tilespmem:s18], [sflag:$0x3] =	stream.linear.gather [hbm4b:s22+s3], $0x80, $0x38;
	[tilespmem:$0x18100] =	vst v63  }
0x43: {  	_ =	swait.ge [sflag:s11], $0x80  }
0x44: {  	[sflag:s11] =	ssyncset.done $0x0  }
0x45: {  	[sflag:s11] =	ssyncadd.s32 $0xFFFFFF80  }
0x46: {  	[spmem:s1] =	stream.indirect.scatter.add.f32 [tilespmem:s10], [sflag:$0x2], $0x80, s18, s18, $0xb8;
	[tilespmem:$0x18100] =	vst v63  }
.Ltmp0:
0x47: {  	_ =	swait.ge [sflag:s19], $0x4000;
	(pc) =	sbr.rel @p0 .LBB2_2-.Ltmp0, $4  }
0x48: {  	s22 =	sand.u32 $0x3C00, s24;
	[sflag:s19] =	ssyncset.done $0x0  }
0x49: {  	s23 =	sand.u32 $0x300, s24;
	s22 =	sadd.s32 s7, s22;
	[sflag:s19] =	ssyncadd.s32 $0xFFFFC000  }
0x4a: {  	s22 =	sor.u32 s23, s22;
	_ =	swait.ge [sflag:s20], $0x4000  }
0x4b: {  	s23 =	sshrl.u32 s22, $0x3;
	s22 =	smov.u32 s25;
	[sflag:s20] =	ssyncset.done $0x0  }
0x4c: {  	s22 =	sadd.s32 s4, s23;
	[sflag:s20] =	ssyncadd.s32 $0xFFFFC000  }
0x4d: {  	[tilespmem:s3], [sflag:$0x3] =	stream.linear.gather [hbm4b:s22+s3], $0x80, $0x38;
	[tilespmem:$0x18100] =	vst v63  }
0x4e: {  	_ =	swait.ge [sflag:s11], $0x80  }
0x4f: {  	[sflag:s11] =	ssyncset.done $0x0  }
0x50: {  	[sflag:s11] =	ssyncadd.s32 $0xFFFFFF80  }
0x51: {  	[spmem:s1] =	stream.indirect.scatter.add.f32 [tilespmem:s10], [sflag:$0x1], $0x80, s3, s18, $0xb8;
	[tilespmem:$0x18100] =	vst v63  }
0x52: {  	s22 =	sadd.s32 $0x10, s22  }
0x53: {  	[tilespmem:s18], [sflag:$0x3] =	stream.linear.gather [hbm4b:s22+s3], $0x80, $0x38;
	[tilespmem:$0x18100] =	vst v63  }
0x54: {  	_ =	swait.ge [sflag:s11], $0x80  }
0x55: {  	[sflag:s11] =	ssyncset.done $0x0  }
0x56: {  	[sflag:s11] =	ssyncadd.s32 $0xFFFFFF80  }
0x57: {  	[spmem:s1] =	stream.indirect.scatter.add.f32 [tilespmem:s10], [sflag:$0x2], $0x80, s18, s18, $0xb8;
	[tilespmem:$0x18100] =	vst v63  }
0x58: {  	_ =	swait.ge [sflag:s19], $0x4000  }
0x59: {  	[sflag:s19] =	ssyncset.done $0x0  }
0x5a: {  	[sflag:s19] =	ssyncadd.s32 $0xFFFFC000  }
0x5b: {  	_ =	swait.ge [sflag:s20], $0x4000  }
0x5c: {  	s21 =	sadd.s32 $0x1, s21;
	[sflag:s20] =	ssyncset.done $0x0  }
0x5d: {  	p0 =	sne.s32 s21, s9;
	[sflag:s20] =	ssyncadd.s32 $0xFFFFC000  }
.Ltmp1:
0x5e: {  	[bflag:$0x0] =	sbarrier.arrive $0xFFFF;
	(pc) =	sbr.rel @p0 .LBB2_1-.Ltmp1, $4  }
0x5f: {  	[hbm:s8], [sflag:s12] =	dma.local [spmem:s13], $0x2800  }
0x60: {  	_ =	swait.ge [sflag:s11], $0x2800  }
0x61: {  	[sflag:s11] =	ssyncset.done $0x0  }
0x62: {  	[sflag:s11] =	ssyncadd.s32 $0xFFFFD800  }
0x63: {  	_ =	sfence.sel $0x180000  }
0x64: {  	[bflag:$0x0] =	sbarrier.arrive $0xFFFF  }
0x65: {  	p0 =	sne.s32 s2, $0x0;
	_ =	strace $0x90000047  }
0x66: {  	s0 =	sadd.s32 @!p0 $0x100000, s0;
	[bflag:$0x2] =	sbarrier.arrive $0xFFFF  }
0x67: {  	[sflag:s0] =	ssyncadd.tile.s32 @!p0 $0x1;
	_ =	shalt  }
.Lfunc_end2:
_tile_overlayer_lowered:
.L_overlay_start_2:
0x68: {  	(tag) =	ssettag $0x2  }
0x69: {  	s0 =	rddreg [dreg:$0x0];
	s2 =	stileid.u32  }
0x6a: {  	s1 =	rddreg [dreg:$0x1];
	p0 =	sne.s32 s2, $0x0  }
0x6b: {  	s3 =	rddreg [dreg:$0x2];
	[bflag:$0x3] =	sbarrier.arrive $0xFFFF;
	s2 =	simm.s32 @!p0 $0x1C03  }
0x6c: {  	[timem:s3], [sflag:s2] =	dma.local @!p0 [hbm:s0], s1  }
0x6d: {  	s0 =	simm.s32 @!p0 $0x3  }
0x6e: {  	_ =	swait.ge @!p0 [sflag:s0], s1  }
0x6f: {  	s1 =	ssub.s32 @!p0 $0x0, s1;
	[sflag:s0] =	ssyncset.done @!p0 $0x0  }
0x70: {  	[sflag:s0] =	ssyncadd.s32 @!p0 s1  }
0x71: {  	[bflag:$0x3] =	sbarrier.arrive $0xFFFF  }
0x72: {  	_ =	shalt  }

// kernel: kernel.22.cloned.1.call-start
scs
__scs_entry_jumppad:
0x0: {  	(pc) =	sbr.rel $0x88, $3  }
0x1: {  	(tag) =	ssettag $0x0;
	lr =	simm.s32 $0x1  }
0x2: {  	[smem:$0x3F7D] =	sst lr;
	_ =	strace $0xD0000000  }
0x3: {  	_ = 	snop  }
0x4: {  	_ = 	snop  }
0x5: {  	_ = 	snop  }
0x6: {  	_ = 	snop  }
0x7: {  	_ = 	snop  }
__scs_overlays_trampoline_lowered:
0x8: {  	[smem:$0x3F8C] =	sst s0  }
0x9: {  	[smem:$0x3F8D] =	sst s1  }
0xa: {  	[smem:$0x3F8E] =	sst s2  }
0xb: {  	[smem:$0x3F8F] =	sst s3  }
0xc: {  	[smem:$0x3F90] =	sst s4  }
0xd: {  	[smem:$0x3F91] =	sst s5  }
0xe: {  	[smem:$0x3F92] =	sst s6  }
0xf: {  	[smem:$0x3F93] =	sst s7  }
0x10: {  	[smem:$0x3F94] =	sst s8  }
0x11: {  	[smem:$0x3F95] =	sst s9;
	s0 =	simm.s32 @!p0 $0x0  }
0x12: {  	s1 =	sld [smem:$0x3F7B];
	s0 =	simm.s32 @p0 $0x1  }
0x13: {  	[smem:$0x3F96] =	sst s0;
	s0 =	simm.s32 @!p1 $0x0  }
0x14: {  	s2 =	sld [smem:$0x3F7A];
	s0 =	simm.s32 @p1 $0x1  }
0x15: {  	[smem:$0x3F97] =	sst s0;
	s0 =	simm.s32 @!p2 $0x0  }
0x16: {  	s3 =	sld [smem:$0x3FDB];
	s0 =	simm.s32 @p2 $0x1  }
0x17: {  	s4 =	simm.s32 $0x1BF5;
	[smem:$0x3F99] =	sst s0  }
0x18: {  	s0 =	sld [smem:$0x3F7C];
	_ =	swait.ge [sflag:s4], $0x0  }
0x19: {  	s7 =	sld [smem:$0x3F7D]  }
0x1a: {  	s8 =	sadd.s32 $0xFFFFE003, lr  }
0x1b: {  	s9 =	sadd.s32 $0xFFFFFEF7, lr;
	s5 =	simm.s32 $0xFFFFFFFF;
	p2 =	slt.u32 s8, $0xFFFFF086  }
0x1c: {  	p1 =	slt.u32 s9, $0xF7A;
	s5 =	simm.s32 @!p2 $0x0  }
0x1d: {  	s5 =	simm.s32 @p1 $0x1;
	p0 =	seq.s32 s7, s2  }
0x1e: {  	s7 =	smul.u32 @!p0 $0xF7A, s2;
	p2 =	seq.s32 @!p0 s5, $0x0  }
0x1f: {  	s9 =	smul.u32 $0xF7A, s1;
	s8 =	simm.s32 @!p0 $0x1BF5;
	p2 =	por !p2, p0  }
0x20: {  	[sflag:s8] =	ssyncset.s32 @!p0 $0xFFFFF086;
	s6 =	sadd.s32 @!p0 s3, s7;
	s7 =	simm.s32 @!p0 $0x108  }
0x21: {  	s3 =	sadd.s32 s3, s9;
	s6 =	sadd.s32 @!p0 $0x88, s6;
	s7 =	simm.s32 @p2 $0x1082  }
0x22: {  	[simem:s7], [sflag:s8] =	dma.local @!p0 [hbm:s6], $0xF7A  }
0x23: {  	s9 =	sor.u32 $0xD0000000, s2;
	s6 =	simm.s32 $0x108;
	_ =	swait.ge @!p0 [sflag:s8], $0x0  }
0x24: {  	s3 =	sadd.s32 $0x88, s3;
	s6 =	simm.s32 @!p1 $0x1082;
	[sflag:s4] =	ssyncset.s32 $0xFFFFF086  }
0x25: {  	[simem:s6], [sflag:s4] =	dma.local [hbm:s3], $0xF7A  }
0x26: {  	[smem:$0x3F7D] =	sst s1;
	(tag) =	ssettag s2;
	_ =	strace s9  }
0x27: {  	s1 =	sld [smem:$0x3F8D]  }
0x28: {  	s2 =	sld [smem:$0x3F8E]  }
0x29: {  	s4 =	sld [smem:$0x3F90]  }
0x2a: {  	p0 =	seq.s32 s5, $0x0;
	s5 =	sld [smem:$0x3F91]  }
0x2b: {  	s6 =	sld [smem:$0x3F92]  }
0x2c: {  	s7 =	sld [smem:$0x3F93]  }
0x2d: {  	s3 =	simm.s32 $0x108;
	s8 =	sld [smem:$0x3F94]  }
0x2e: {  	s3 =	simm.s32 @!p0 $0x1082;
	s9 =	sld [smem:$0x3F95]  }
0x2f: {  	lr =	sadd.s32 s0, s3;
	s0 =	sld [smem:$0x3F8C]  }
0x30: {  	s3 =	sld [smem:$0x3F8F]  }
0x31: {  	[smem:$0x3F98] =	sst s10  }
0x32: {  	s10 =	sld [smem:$0x3F96];
	_ =	sdelay $0x3  }
0x33: {  	p0 =	seq.s32 s10, $0x1;
	s10 =	sld [smem:$0x3F98];
	_ =	sdelay $0x3  }
0x34: {  	[smem:$0x3F98] =	sst s10  }
0x35: {  	s10 =	sld [smem:$0x3F97];
	_ =	sdelay $0x3  }
0x36: {  	p1 =	seq.s32 s10, $0x1;
	s10 =	sld [smem:$0x3F98];
	_ =	sdelay $0x3  }
0x37: {  	[smem:$0x3F98] =	sst s10  }
0x38: {  	s10 =	sld [smem:$0x3F99]  }
0x39: {  	_ = 	snop;
	(pc) =	sbr.ind lr, $3  }
0x3a: {  	_ = 	snop  }
0x3b: {  	_ = 	snop  }
0x3c: {  	p2 =	seq.s32 s10, $0x1;
	s10 =	sld [smem:$0x3F98]  }
0x3d: {  	_ =	shalt  }
0x3e: {  	_ =	shalt  }
0x3f: {  	_ =	shalt  }
0x40: {  	_ =	shalt  }
0x41: {  	_ =	shalt  }
0x42: {  	_ =	shalt  }
0x43: {  	_ =	shalt  }
0x44: {  	_ =	shalt  }
0x45: {  	_ =	shalt  }
0x46: {  	_ =	shalt  }
0x47: {  	_ =	shalt  }
0x48: {  	_ =	shalt  }
0x49: {  	_ =	shalt  }
0x4a: {  	_ =	shalt  }
0x4b: {  	_ =	shalt  }
0x4c: {  	_ =	shalt  }
0x4d: {  	_ =	shalt  }
0x4e: {  	_ =	shalt  }
0x4f: {  	_ =	shalt  }
0x50: {  	_ =	shalt  }
0x51: {  	_ =	shalt  }
0x52: {  	_ =	shalt  }
0x53: {  	_ =	shalt  }
0x54: {  	_ =	shalt  }
0x55: {  	_ =	shalt  }
0x56: {  	_ =	shalt  }
0x57: {  	_ =	shalt  }
0x58: {  	_ =	shalt  }
0x59: {  	_ =	shalt  }
0x5a: {  	_ =	shalt  }
0x5b: {  	_ =	shalt  }
0x5c: {  	_ =	shalt  }
0x5d: {  	_ =	shalt  }
0x5e: {  	_ =	shalt  }
0x5f: {  	_ =	shalt  }
0x60: {  	_ =	shalt  }
0x61: {  	_ =	shalt  }
0x62: {  	_ =	shalt  }
0x63: {  	_ =	shalt  }
0x64: {  	_ =	shalt  }
0x65: {  	_ =	shalt  }
0x66: {  	_ =	shalt  }
0x67: {  	_ =	shalt  }
0x68: {  	_ =	shalt  }
0x69: {  	_ =	shalt  }
0x6a: {  	_ =	shalt  }
0x6b: {  	_ =	shalt  }
0x6c: {  	_ =	shalt  }
0x6d: {  	_ =	shalt  }
0x6e: {  	_ =	shalt  }
0x6f: {  	_ =	shalt  }
0x70: {  	_ =	shalt  }
0x71: {  	_ =	shalt  }
0x72: {  	_ =	shalt  }
0x73: {  	_ =	shalt  }
0x74: {  	_ =	shalt  }
0x75: {  	_ =	shalt  }
0x76: {  	_ =	shalt  }
0x77: {  	_ =	shalt  }
0x78: {  	_ =	shalt  }
0x79: {  	_ =	shalt  }
0x7a: {  	_ =	shalt  }
0x7b: {  	_ =	shalt  }
0x7c: {  	_ =	shalt  }
0x7d: {  	_ =	shalt  }
0x7e: {  	_ =	shalt  }
0x7f: {  	_ =	shalt  }
0x80: {  	_ =	shalt  }
0x81: {  	_ =	shalt  }
0x82: {  	_ =	shalt  }
0x83: {  	_ =	shalt  }
0x84: {  	_ =	shalt  }
0x85: {  	_ =	shalt  }
0x86: {  	_ =	shalt  }
0x87: {  	_ =	shalt  }
.Lfunc_end0:
.L_simem_size_0:
called_computation.1_lowered:
.L_overlay_start_0:
0x88: {  	s2 =	sld [smem:$0x3FD9]  }
0x89: {  	s3 =	sld [smem:$0x3FFE];
	_ =	sdelay $0x1  }
0x8a: {  	s1 =	srdreg.scid  }
0x8b: {  	s0 =	sand.u32 $0x1, s1  }
0x8c: {  	s17 =	sshll.u32 s0, $0xA;
	s2 =	sadd.s32 s3, s2  }
0x8d: {  	s2 =	sadd.s32 s2, s17  }
0x8e: {  	[smem:$0x3FA4] =	sst s2  }
0x8f: {  	_ = 	snop  }
0x90: {  	s2 =	sld [smem:$0x3FD0];
	(tm) =	ssettm $0x1  }
0x91: {  	s18 =	sld [smem:$0x3FFB];
	_ =	sdelay $0x3  }
0x92: {  	_ =	strace s18  }
0x93: {  	s3 =	sld [smem:$0x3FFC];
	_ =	sdelay $0x3  }
0x94: {  	_ =	strace s3  }
0x95: {  	s3 =	sld [smem:$0x3FFD];
	_ =	sdelay $0x3  }
0x96: {  	_ =	strace s3  }
0x97: {  	_ =	strace $0x8FFFFFFF  }
0x98: {  	s19 =	sld [smem:$0x3FDB];
	_ =	sdelay $0x1  }
0x99: {  	s4 =	simm.s32 $_scs_section_size  }
0x9a: {  	s5 =	simm.s32 $_size__tile_overlayer_lowered;
	s6 =	simm.s32 $_tile_overlayer_lowered  }
0x9b: {  	s22 =	simm.s32 $0x1BFF;
	s21 =	sshll.u32 s6, $0x1;
	s3 =	sadd.s32 s4, s19  }
0x9c: {  	s7 =	simm.s32 $0x0;
	s20 =	sshll.u32 s5, $0x1;
	s5 =	sadd.s32 s21, s3  }
0x9d: {  	[timem:s7], [sflag:s22] =	dma.local [hbm:s5], s20  }
0x9e: {  	_ =	swait.ge [sflag:s22], s20  }
0x9f: {  	s4 =	ssub.s32 $0x0, s20;
	[sflag:s22] =	ssyncset.done $0x0  }
0xa0: {  	[sflag:s22] =	ssyncadd.s32 s4;
	_ =	sdelay $0x1  }
0xa1: {  	s23 =	simm.s32 $0x1B8B  }
0xa2: {  	_ =	swait.ge [sflag:s23], $0x1  }
0xa3: {  	[sflag:s23] =	ssyncset.done $0x0  }
0xa4: {  	s25 =	simm.s32 $0x1B8E;
	s24 =	sld [smem:$0x3FFE];
	[sflag:s23] =	ssyncadd.s32 $0xFFFFFFFF  }
0xa5: {  	s26 =	simm.s32 $execute0_lowered;
	[smem:$0x3FD2] =	sst s25  }
0xa6: {  	s5 =	sshll.u32 s26, $0x1;
	_ =	strace $0x80000049;
	[dreg:$0x1] =	wrdreg $0xFFFFFFFF  }
0xa7: {  	s28 =	simm.s32 $_size_execute0_lowered;
	s3 =	sadd.s32 s3, s5;
	[dreg:$0x0] =	wrdreg $0x0  }
0xa8: {  	s5 =	sshll.u32 s28, $0x1;
	[dreg:$0x2] =	wrdreg s3  }
0xa9: {  	[dreg:$0x3] =	wrdreg s5  }
0xaa: {  	[dreg:$0x4] =	wrdreg $0xC0  }
0xab: {  	_ =	task [dreg:s7], $0x5FFFF  }
0xac: {  	[dreg:$0x1] =	wrdreg $0xFFFFFFFF  }
0xad: {  	[dreg:$0x0] =	wrdreg $0x60  }
0xae: {  	[dreg:$0x2] =	wrdreg s24  }
0xaf: {  	[dreg:$0x3] =	wrdreg s2  }
0xb0: {  	[dreg:$0x4] =	wrdreg $0x82000  }
0xb1: {  	[dreg:$0x5] =	wrdreg $0x9  }
0xb2: {  	_ =	task.clear_ibuf [dreg:s7], $0x6FFFF;
	_ =	strace $0x90000049  }
0xb3: {  	s29 =	simm.s32 $0x9;
	_ =	strace $0x8000004B  }
0xb4: {  	_ =	swait.ge [sflag:s29], $0x1  }
0xb5: {  	[sflag:s29] =	ssyncadd.s32 $0xFFFFFFFF  }
0xb6: {  	_ =	strace $0x9000004B  }
0xb7: {  	_ =	sfence  }
0xb8: {  	s30 =	sld [smem:$0x0];
	_ =	sdelay $0x2  }
0xb9: {  	s31 =	sshll.u32 s1, $0xD;
	s1 =	sshrl.u32 s1, $0x2  }
0xba: {  	s3 =	sand.u32 $0x4000, s31;
	s1 =	sadd.s32 s1, s30  }
0xbb: {  	s0 =	sor.u32 s3, s0;
	s1 =	sshll.u32 s1, $0x11  }
0xbc: {  	s0 =	sor.u32 s1, s0  }
0xbd: {  	s0 =	sadd.s32 $0x8F2B, s0  }
0xbe: {  	[sflag:s0] =	ssyncadd.remote.s32 $0x1  }
0xbf: {  	_ =	sfence.sel $0xFFFF  }
0xc0: {  	[dreg:$0x0] =	wrdreg $0xFFFFFFFF;
	(pc) =	sbr.abs _section_cstart, $3  }
0xc1: {  	[dreg:$0x1] =	wrdreg $0xFFFFFFFF  }
0xc2: {  	_ =	task.clear_ibuf [dreg:s7], $0x2FFFF;
	_ =	strace $0x9FFFFFFF  }
0xc3: {  	(tm) =	ssettm $0x7FFFFFFF  }
tec
execute0_lowered:
.L_overlay_start_1:
0x0: {  	(tag) =	ssettag $0x1  }
0x1: {  	s8 =	rddreg [dreg:$0x0]  }
0x2: {  	s1 =	rddreg [dreg:$0x1]  }
0x3: {  	s2 =	rddreg [dreg:$0x2]  }
0x4: {  	s3 =	srdreg.scid;
	s0 =	rddreg [dreg:$0x3];
	s4 =	simm.s32 $0x0  }
0x5: {  	s16 =	simm.s32 $0x200;
	s17 =	simm.s32 $0x3;
	s18 =	simm.s32 $0x80  }
0x6: {  	s19 =	simm.s32 $0x100;
	s20 =	simm.s32 $0x180;
	s21 =	simm.s32 $0x1  }
0x7: {  	s22 =	simm.s32 $0x4200;
	s23 =	simm.s32 $0x2;
	s9 =	sand.u32 $0x1, s3  }
0x8: {  	s26 =	simm.s32 $0x0;
	s3 =	stileid.u32;
	s6 =	smul.u32 $0x140000, s9  }
0x9: {  	[smem:$0x7FF] =	sst s4;
	s5 =	sadd.s32 $0x13200, s8;
	s7 =	smul.u32 $0x14000, s3  }
0xa: {  	_ =	strace $0x8000004A;
	s11 =	smul.u32 $0x50000, s3;
	s29 =	ssub.s32 $0x2, s9  }
0xb: {  	s12 =	sshll.u32 s3, $0x1;
	s24 =	sshll.u32 s3, $0x6;
	s31 =	sshrl.u32 s29, $0x1  }
0xc: {  	s13 =	sor.u32 s9, s12;
	s24 =	sor.u32 $0x1C03, s24;
	s10 =	sadd.s32 s7, s6  }
0xd: {  	s6 =	sadd.s32 $0x8A00, s8;
	s7 =	sadd.s32 $0x12A00, s8;
	s30 =	sshrl.u32 s11, $0x2  }
0xe: {  	s15 =	ssub.s32 s29, s31;
	s13 =	smul.u32 $0x2800, s13;
	s10 =	sshrl.u32 s10, $0x3  }
0xf: {  	s15 =	smax.u32 s15, $0x1;
	s14 =	sadd.s32 s10, s8;
	s8 =	sadd.s32 s30, s2  }
0x10: {  	s9 =	sadd.s32 $0x4000, s8;
	s10 =	sadd.s32 $0x8000, s8;
	s11 =	sadd.s32 $0xC000, s8  }
0x11: {  	s12 =	sadd.s32 $0x10000, s8;
	s14 =	sadd.s32 $0x3B200, s14;
	s25 =	sshrl.u32 s8, $0x3  }
.LBB2_1:
0x12: {  	[tilespmem:s16], [sflag:$0x3] =	stream.linear.gather [hbm4b:s7+s4], $0x4000, $0x38;
	[tilespmem:$0x1C200] =	vst v63  }
0x13: {  	_ =	swait.ge [sflag:s17], $0x4000  }
0x14: {  	[sflag:s17] =	ssyncset.done $0x0  }
0x15: {  	[sflag:s17] =	ssyncadd.s32 $0xFFFFC000  }
0x16: {  	[spmem:s8] =	stream.linear.scatter [tilespmem:s16], [sflag:$0x3], $0x4000, $0x38;
	[tilespmem:$0x1C200] =	vst v63  }
0x17: {  	_ =	swait.ge [sflag:s17], $0x4000  }
0x18: {  	[sflag:s17] =	ssyncset.done $0x0  }
0x19: {  	[sflag:s17] =	ssyncadd.s32 $0xFFFFC000  }
0x1a: {  	[spmem:s9] =	stream.linear.scatter [tilespmem:s16], [sflag:$0x3], $0x4000, $0x38;
	[tilespmem:$0x1C200] =	vst v63  }
0x1b: {  	_ =	swait.ge [sflag:s17], $0x4000  }
0x1c: {  	[sflag:s17] =	ssyncset.done $0x0  }
0x1d: {  	[sflag:s17] =	ssyncadd.s32 $0xFFFFC000  }
0x1e: {  	[spmem:s10] =	stream.linear.scatter [tilespmem:s16], [sflag:$0x3], $0x4000, $0x38;
	[tilespmem:$0x1C200] =	vst v63  }
0x1f: {  	_ =	swait.ge [sflag:s17], $0x4000  }
0x20: {  	[sflag:s17] =	ssyncset.done $0x0  }
0x21: {  	[sflag:s17] =	ssyncadd.s32 $0xFFFFC000  }
0x22: {  	[spmem:s11] =	stream.linear.scatter [tilespmem:s16], [sflag:$0x3], $0x4000, $0x38;
	[tilespmem:$0x1C200] =	vst v63  }
0x23: {  	_ =	swait.ge [sflag:s17], $0x4000  }
0x24: {  	[sflag:s17] =	ssyncset.done $0x0  }
0x25: {  	s28 =	sand.u32 $0x3C00, s4;
	[sflag:s17] =	ssyncadd.s32 $0xFFFFC000  }
0x26: {  	[spmem:s12] =	stream.linear.scatter [tilespmem:s16], [sflag:$0x3], $0x4000, $0x38;
	[tilespmem:$0x1C200] =	vst v63  }
0x27: {  	s29 =	sand.u32 $0x300, s4;
	s28 =	sadd.s32 s13, s28;
	_ =	swait.ge [sflag:s17], $0x4000  }
0x28: {  	s28 =	sor.u32 s29, s28;
	[sflag:s17] =	ssyncset.done $0x0  }
0x29: {  	s28 =	sshrl.u32 s28, $0x3;
	[sflag:s17] =	ssyncadd.s32 $0xFFFFC000  }
0x2a: {  	s31 =	sadd.s32 s6, s28;
	[bflag:$0x0] =	sbarrier.arrive $0xFFFF  }
0x2b: {  	[tilespmem:s4], [sflag:$0x3] =	stream.linear.gather [hbm4b:s31+s4], $0x80, $0x38;
	[tilespmem:$0x1C200] =	vst v63  }
0x2c: {  	_ =	swait.ge [sflag:s17], $0x80  }
0x2d: {  	[sflag:s17] =	ssyncset.done $0x0  }
0x2e: {  	s31 =	sadd.s32 s1, s28;
	[sflag:s17] =	ssyncadd.s32 $0xFFFFFF80  }
0x2f: {  	[tilespmem:s18], [sflag:$0x3] =	stream.linear.gather [hbm4b:s31+s4], $0x80, $0x38;
	[tilespmem:$0x1C200] =	vst v63  }
0x30: {  	_ =	swait.ge [sflag:s17], $0x80  }
0x31: {  	[sflag:s17] =	ssyncset.done $0x0  }
0x32: {  	s28 =	sor.u32 $0x10, s28;
	[sflag:s17] =	ssyncadd.s32 $0xFFFFFF80  }
0x33: {  	[tilespmem:s16], [sflag:$0x1] =	stream.indirect.gather [hbm4b:s5+s18], $0x80, s4, s18, $0xb8;
	[tilespmem:$0x1C200] =	vst v63  }
0x34: {  	s31 =	sadd.s32 s6, s28  }
0x35: {  	[tilespmem:s19], [sflag:$0x3] =	stream.linear.gather [hbm4b:s31+s4], $0x80, $0x38;
	[tilespmem:$0x1C200] =	vst v63  }
0x36: {  	_ =	swait.ge [sflag:s17], $0x80  }
0x37: {  	[sflag:s17] =	ssyncset.done $0x0  }
0x38: {  	s28 =	sadd.s32 s1, s28;
	[sflag:s17] =	ssyncadd.s32 $0xFFFFFF80  }
0x39: {  	[tilespmem:s20], [sflag:$0x3] =	stream.linear.gather [hbm4b:s28+s4], $0x80, $0x38;
	[tilespmem:$0x1C200] =	vst v63  }
0x3a: {  	_ =	swait.ge [sflag:s17], $0x80  }
0x3b: {  	[sflag:s17] =	ssyncset.done $0x0  }
0x3c: {  	[sflag:s17] =	ssyncadd.s32 $0xFFFFFF80  }
0x3d: {  	_ =	swait.ge [sflag:s21], $0x4000  }
0x3e: {  	[sflag:s21] =	ssyncset.done $0x0  }
0x3f: {  	[sflag:s21] =	ssyncadd.s32 $0xFFFFC000  }
0x40: {  	[tilespmem:s22], [sflag:$0x2] =	stream.indirect.gather [hbm4b:s5+s18], $0x80, s19, s18, $0xb8;
	[tilespmem:$0x1C200] =	vst v63  }
0x41: {  	_ = 	snop  }
0x42: {  	[spmem:s2] =	stream.indirect.scatter.add.f32 [tilespmem:s16], [sflag:$0x3], $0x80, s18, s18, $0xb8;
	[tilespmem:$0x1C200] =	vst v63  }
0x43: {  	_ =	swait.ge [sflag:s17], $0x4000  }
0x44: {  	s28 =	simm.s32 $0x100;
	[sflag:s17] =	ssyncset.done $0x0  }
0x45: {  	s31 =	sand.u32 $0x3C00, s28;
	[sflag:s17] =	ssyncadd.s32 $0xFFFFC000  }
0x46: {  	s28 =	sand.u32 $0x300, s28;
	s29 =	sadd.s32 s13, s31;
	_ =	swait.ge [sflag:s23], $0x4000  }
0x47: {  	s29 =	sor.u32 s28, s29;
	[sflag:s23] =	ssyncset.done $0x0  }
0x48: {  	s28 =	simm.s32 $0x200;
	s30 =	sshrl.u32 s29, $0x3;
	[sflag:s23] =	ssyncadd.s32 $0xFFFFC000  }
.LBB2_2:
0x49: {  	[spmem:s2] =	stream.indirect.scatter.add.f32 [tilespmem:s22], [sflag:$0x3], $0x80, s20, s18, $0xb8;
	[tilespmem:$0x1C200] =	vst v63  }
0x4a: {  	s29 =	smov.u32 s28  }
0x4b: {  	p0 =	sne.s32 s28, $0x2700;
	s28 =	sadd.s32 $0x100, s28;
	_ =	swait.ge [sflag:s17], $0x4000  }
0x4c: {  	[sflag:s17] =	ssyncset.done $0x0  }
0x4d: {  	s31 =	sadd.s32 s6, s30;
	[sflag:s17] =	ssyncadd.s32 $0xFFFFC000  }
0x4e: {  	[tilespmem:s4], [sflag:$0x3] =	stream.linear.gather [hbm4b:s31+s4], $0x80, $0x38;
	[tilespmem:$0x1C200] =	vst v63  }
0x4f: {  	_ =	swait.ge [sflag:s17], $0x80  }
0x50: {  	[sflag:s17] =	ssyncset.done $0x0  }
0x51: {  	s31 =	sadd.s32 s1, s30;
	[sflag:s17] =	ssyncadd.s32 $0xFFFFFF80  }
0x52: {  	[tilespmem:s18], [sflag:$0x3] =	stream.linear.gather [hbm4b:s31+s4], $0x80, $0x38;
	[tilespmem:$0x1C200] =	vst v63  }
0x53: {  	_ =	swait.ge [sflag:s17], $0x80  }
0x54: {  	[sflag:s17] =	ssyncset.done $0x0  }
0x55: {  	s30 =	sor.u32 $0x10, s30;
	[sflag:s17] =	ssyncadd.s32 $0xFFFFFF80  }
0x56: {  	[tilespmem:s16], [sflag:$0x1] =	stream.indirect.gather [hbm4b:s5+s18], $0x80, s4, s18, $0xb8;
	[tilespmem:$0x1C200] =	vst v63  }
0x57: {  	s31 =	sadd.s32 s6, s30  }
0x58: {  	[tilespmem:s19], [sflag:$0x3] =	stream.linear.gather [hbm4b:s31+s4], $0x80, $0x38;
	[tilespmem:$0x1C200] =	vst v63  }
0x59: {  	_ =	swait.ge [sflag:s17], $0x80  }
0x5a: {  	[sflag:s17] =	ssyncset.done $0x0  }
0x5b: {  	s30 =	sadd.s32 s1, s30;
	[sflag:s17] =	ssyncadd.s32 $0xFFFFFF80  }
0x5c: {  	[tilespmem:s20], [sflag:$0x3] =	stream.linear.gather [hbm4b:s30+s4], $0x80, $0x38;
	[tilespmem:$0x1C200] =	vst v63  }
0x5d: {  	_ =	swait.ge [sflag:s17], $0x80  }
0x5e: {  	[sflag:s17] =	ssyncset.done $0x0  }
0x5f: {  	[sflag:s17] =	ssyncadd.s32 $0xFFFFFF80  }
0x60: {  	_ =	swait.ge [sflag:s21], $0x4000  }
0x61: {  	[sflag:s21] =	ssyncset.done $0x0  }
0x62: {  	[sflag:s21] =	ssyncadd.s32 $0xFFFFC000  }
0x63: {  	[tilespmem:s22], [sflag:$0x2] =	stream.indirect.gather [hbm4b:s5+s18], $0x80, s19, s18, $0xb8;
	[tilespmem:$0x1C200] =	vst v63  }
0x64: {  	_ = 	snop  }
0x65: {  	[spmem:s2] =	stream.indirect.scatter.add.f32 [tilespmem:s16], [sflag:$0x3], $0x80, s18, s18, $0xb8;
	[tilespmem:$0x1C200] =	vst v63  }
0x66: {  	_ =	swait.ge [sflag:s17], $0x4000  }
.Ltmp0:
0x67: {  	[sflag:s17] =	ssyncset.done $0x0;
	(pc) =	sbr.rel @p0 .LBB2_2-.Ltmp0, $4  }
0x68: {  	s30 =	sand.u32 $0x3C00, s29;
	[sflag:s17] =	ssyncadd.s32 $0xFFFFC000  }
0x69: {  	s29 =	sand.u32 $0x300, s29;
	s30 =	sadd.s32 s13, s30;
	_ =	swait.ge [sflag:s23], $0x4000  }
0x6a: {  	s29 =	sor.u32 s29, s30;
	[sflag:s23] =	ssyncset.done $0x0  }
0x6b: {  	s30 =	sshrl.u32 s29, $0x3;
	[sflag:s23] =	ssyncadd.s32 $0xFFFFC000  }
0x6c: {  	[spmem:s2] =	stream.indirect.scatter.add.f32 [tilespmem:s22], [sflag:$0x3], $0x80, s20, s18, $0xb8;
	[tilespmem:$0x1C200] =	vst v63  }
0x6d: {  	_ =	swait.ge [sflag:s17], $0x4000  }
0x6e: {  	[sflag:s17] =	ssyncset.done $0x0  }
0x6f: {  	s28 =	sadd.s32 s6, s30;
	[sflag:s17] =	ssyncadd.s32 $0xFFFFC000  }
0x70: {  	[tilespmem:s4], [sflag:$0x3] =	stream.linear.gather [hbm4b:s28+s4], $0x80, $0x38;
	[tilespmem:$0x1C200] =	vst v63  }
0x71: {  	_ =	swait.ge [sflag:s17], $0x80  }
0x72: {  	[sflag:s17] =	ssyncset.done $0x0  }
0x73: {  	s29 =	sadd.s32 s1, s30;
	[sflag:s17] =	ssyncadd.s32 $0xFFFFFF80  }
0x74: {  	[tilespmem:s18], [sflag:$0x3] =	stream.linear.gather [hbm4b:s29+s4], $0x80, $0x38;
	[tilespmem:$0x1C200] =	vst v63  }
0x75: {  	_ =	swait.ge [sflag:s17], $0x80  }
0x76: {  	[sflag:s17] =	ssyncset.done $0x0  }
0x77: {  	s31 =	sor.u32 $0x10, s30;
	[sflag:s17] =	ssyncadd.s32 $0xFFFFFF80  }
0x78: {  	[tilespmem:s16], [sflag:$0x1] =	stream.indirect.gather [hbm4b:s5+s18], $0x80, s4, s18, $0xb8;
	[tilespmem:$0x1C200] =	vst v63  }
0x79: {  	s29 =	sadd.s32 s6, s31  }
0x7a: {  	[tilespmem:s19], [sflag:$0x3] =	stream.linear.gather [hbm4b:s29+s4], $0x80, $0x38;
	[tilespmem:$0x1C200] =	vst v63  }
0x7b: {  	_ =	swait.ge [sflag:s17], $0x80  }
0x7c: {  	[sflag:s17] =	ssyncset.done $0x0  }
0x7d: {  	s28 =	sadd.s32 s1, s31;
	[sflag:s17] =	ssyncadd.s32 $0xFFFFFF80  }
0x7e: {  	[tilespmem:s20], [sflag:$0x3] =	stream.linear.gather [hbm4b:s28+s4], $0x80, $0x38;
	[tilespmem:$0x1C200] =	vst v63  }
0x7f: {  	_ =	swait.ge [sflag:s17], $0x80  }
0x80: {  	[sflag:s17] =	ssyncset.done $0x0  }
0x81: {  	[sflag:s17] =	ssyncadd.s32 $0xFFFFFF80  }
0x82: {  	_ =	swait.ge [sflag:s21], $0x4000  }
0x83: {  	[sflag:s21] =	ssyncset.done $0x0  }
0x84: {  	[sflag:s21] =	ssyncadd.s32 $0xFFFFC000  }
0x85: {  	[tilespmem:s22], [sflag:$0x2] =	stream.indirect.gather [hbm4b:s5+s18], $0x80, s19, s18, $0xb8;
	[tilespmem:$0x1C200] =	vst v63  }
0x86: {  	_ = 	snop  }
0x87: {  	[spmem:s2] =	stream.indirect.scatter.add.f32 [tilespmem:s16], [sflag:$0x3], $0x80, s18, s18, $0xb8;
	[tilespmem:$0x1C200] =	vst v63  }
0x88: {  	_ =	swait.ge [sflag:s17], $0x4000  }
0x89: {  	[sflag:s17] =	ssyncset.done $0x0  }
0x8a: {  	[sflag:s17] =	ssyncadd.s32 $0xFFFFC000  }
0x8b: {  	_ =	swait.ge [sflag:s23], $0x4000  }
0x8c: {  	[sflag:s23] =	ssyncset.done $0x0  }
0x8d: {  	[sflag:s23] =	ssyncadd.s32 $0xFFFFC000  }
0x8e: {  	[spmem:s2] =	stream.indirect.scatter.add.f32 [tilespmem:s22], [sflag:$0x3], $0x80, s20, s18, $0xb8;
	[tilespmem:$0x1C200] =	vst v63  }
0x8f: {  	_ =	swait.ge [sflag:s17], $0x4000  }
0x90: {  	s26 =	sadd.s32 $0x1, s26;
	[sflag:s17] =	ssyncset.done $0x0  }
0x91: {  	p0 =	sne.s32 s26, s15;
	[sflag:s17] =	ssyncadd.s32 $0xFFFFC000  }
.Ltmp1:
0x92: {  	[bflag:$0x0] =	sbarrier.arrive $0xFFFF;
	(pc) =	sbr.rel @p0 .LBB2_1-.Ltmp1, $4  }
0x93: {  	[hbm:s14], [sflag:s24] =	dma.local [spmem:s25], $0x2800  }
0x94: {  	_ =	swait.ge [sflag:s17], $0x2800  }
0x95: {  	[sflag:s17] =	ssyncset.done $0x0  }
0x96: {  	[sflag:s17] =	ssyncadd.s32 $0xFFFFD800  }
0x97: {  	_ =	sfence.sel $0x180000  }
0x98: {  	[bflag:$0x0] =	sbarrier.arrive $0xFFFF  }
0x99: {  	p0 =	sne.s32 s3, $0x0;
	_ =	strace $0x9000004A  }
0x9a: {  	s0 =	sadd.s32 @!p0 $0x100000, s0;
	[bflag:$0x2] =	sbarrier.arrive $0xFFFF  }
0x9b: {  	[sflag:s0] =	ssyncadd.tile.s32 @!p0 $0x1;
	_ =	shalt  }
.Lfunc_end2:
_tile_overlayer_lowered:
.L_overlay_start_2:
0x9c: {  	(tag) =	ssettag $0x2  }
0x9d: {  	s0 =	rddreg [dreg:$0x0];
	s2 =	stileid.u32  }
0x9e: {  	s1 =	rddreg [dreg:$0x1];
	p0 =	sne.s32 s2, $0x0  }
0x9f: {  	s3 =	rddreg [dreg:$0x2];
	[bflag:$0x3] =	sbarrier.arrive $0xFFFF;
	s2 =	simm.s32 @!p0 $0x1C03  }
0xa0: {  	[timem:s3], [sflag:s2] =	dma.local @!p0 [hbm:s0], s1  }
0xa1: {  	s0 =	simm.s32 @!p0 $0x3  }
0xa2: {  	_ =	swait.ge @!p0 [sflag:s0], s1  }
0xa3: {  	s1 =	ssub.s32 @!p0 $0x0, s1;
	[sflag:s0] =	ssyncset.done @!p0 $0x0  }
0xa4: {  	[sflag:s0] =	ssyncadd.s32 @!p0 s1  }
0xa5: {  	[bflag:$0x3] =	sbarrier.arrive $0xFFFF  }
0xa6: {  	_ =	shalt  }

// kernel: kernel.25.cloned.1.call-start
scs
__scs_entry_jumppad:
0x0: {  	(pc) =	sbr.rel $0x88, $3  }
0x1: {  	(tag) =	ssettag $0x0;
	lr =	simm.s32 $0x1  }
0x2: {  	[smem:$0x3F7D] =	sst lr;
	_ =	strace $0xD0000000  }
0x3: {  	_ = 	snop  }
0x4: {  	_ = 	snop  }
0x5: {  	_ = 	snop  }
0x6: {  	_ = 	snop  }
0x7: {  	_ = 	snop  }
__scs_overlays_trampoline_lowered:
0x8: {  	[smem:$0x3F8C] =	sst s0  }
0x9: {  	[smem:$0x3F8D] =	sst s1  }
0xa: {  	[smem:$0x3F8E] =	sst s2  }
0xb: {  	[smem:$0x3F8F] =	sst s3  }
0xc: {  	[smem:$0x3F90] =	sst s4  }
0xd: {  	[smem:$0x3F91] =	sst s5  }
0xe: {  	[smem:$0x3F92] =	sst s6  }
0xf: {  	[smem:$0x3F93] =	sst s7  }
0x10: {  	[smem:$0x3F94] =	sst s8  }
0x11: {  	[smem:$0x3F95] =	sst s9;
	s0 =	simm.s32 @!p0 $0x0  }
0x12: {  	s1 =	sld [smem:$0x3F7B];
	s0 =	simm.s32 @p0 $0x1  }
0x13: {  	[smem:$0x3F96] =	sst s0;
	s0 =	simm.s32 @!p1 $0x0  }
0x14: {  	s2 =	sld [smem:$0x3F7A];
	s0 =	simm.s32 @p1 $0x1  }
0x15: {  	[smem:$0x3F97] =	sst s0;
	s0 =	simm.s32 @!p2 $0x0  }
0x16: {  	s3 =	sld [smem:$0x3FDB];
	s0 =	simm.s32 @p2 $0x1  }
0x17: {  	s4 =	simm.s32 $0x1BF5;
	[smem:$0x3F99] =	sst s0  }
0x18: {  	s0 =	sld [smem:$0x3F7C];
	_ =	swait.ge [sflag:s4], $0x0  }
0x19: {  	s7 =	sld [smem:$0x3F7D]  }
0x1a: {  	s8 =	sadd.s32 $0xFFFFE003, lr  }
0x1b: {  	s9 =	sadd.s32 $0xFFFFFEF7, lr;
	s5 =	simm.s32 $0xFFFFFFFF;
	p2 =	slt.u32 s8, $0xFFFFF086  }
0x1c: {  	p1 =	slt.u32 s9, $0xF7A;
	s5 =	simm.s32 @!p2 $0x0  }
0x1d: {  	s5 =	simm.s32 @p1 $0x1;
	p0 =	seq.s32 s7, s2  }
0x1e: {  	s7 =	smul.u32 @!p0 $0xF7A, s2;
	p2 =	seq.s32 @!p0 s5, $0x0  }
0x1f: {  	s9 =	smul.u32 $0xF7A, s1;
	s8 =	simm.s32 @!p0 $0x1BF5;
	p2 =	por !p2, p0  }
0x20: {  	[sflag:s8] =	ssyncset.s32 @!p0 $0xFFFFF086;
	s6 =	sadd.s32 @!p0 s3, s7;
	s7 =	simm.s32 @!p0 $0x108  }
0x21: {  	s3 =	sadd.s32 s3, s9;
	s6 =	sadd.s32 @!p0 $0x88, s6;
	s7 =	simm.s32 @p2 $0x1082  }
0x22: {  	[simem:s7], [sflag:s8] =	dma.local @!p0 [hbm:s6], $0xF7A  }
0x23: {  	s9 =	sor.u32 $0xD0000000, s2;
	s6 =	simm.s32 $0x108;
	_ =	swait.ge @!p0 [sflag:s8], $0x0  }
0x24: {  	s3 =	sadd.s32 $0x88, s3;
	s6 =	simm.s32 @!p1 $0x1082;
	[sflag:s4] =	ssyncset.s32 $0xFFFFF086  }
0x25: {  	[simem:s6], [sflag:s4] =	dma.local [hbm:s3], $0xF7A  }
0x26: {  	[smem:$0x3F7D] =	sst s1;
	(tag) =	ssettag s2;
	_ =	strace s9  }
0x27: {  	s1 =	sld [smem:$0x3F8D]  }
0x28: {  	s2 =	sld [smem:$0x3F8E]  }
0x29: {  	s4 =	sld [smem:$0x3F90]  }
0x2a: {  	p0 =	seq.s32 s5, $0x0;
	s5 =	sld [smem:$0x3F91]  }
0x2b: {  	s6 =	sld [smem:$0x3F92]  }
0x2c: {  	s7 =	sld [smem:$0x3F93]  }
0x2d: {  	s3 =	simm.s32 $0x108;
	s8 =	sld [smem:$0x3F94]  }
0x2e: {  	s3 =	simm.s32 @!p0 $0x1082;
	s9 =	sld [smem:$0x3F95]  }
0x2f: {  	lr =	sadd.s32 s0, s3;
	s0 =	sld [smem:$0x3F8C]  }
0x30: {  	s3 =	sld [smem:$0x3F8F]  }
0x31: {  	[smem:$0x3F98] =	sst s10  }
0x32: {  	s10 =	sld [smem:$0x3F96];
	_ =	sdelay $0x3  }
0x33: {  	p0 =	seq.s32 s10, $0x1;
	s10 =	sld [smem:$0x3F98];
	_ =	sdelay $0x3  }
0x34: {  	[smem:$0x3F98] =	sst s10  }
0x35: {  	s10 =	sld [smem:$0x3F97];
	_ =	sdelay $0x3  }
0x36: {  	p1 =	seq.s32 s10, $0x1;
	s10 =	sld [smem:$0x3F98];
	_ =	sdelay $0x3  }
0x37: {  	[smem:$0x3F98] =	sst s10  }
0x38: {  	s10 =	sld [smem:$0x3F99]  }
0x39: {  	_ = 	snop;
	(pc) =	sbr.ind lr, $3  }
0x3a: {  	_ = 	snop  }
0x3b: {  	_ = 	snop  }
0x3c: {  	p2 =	seq.s32 s10, $0x1;
	s10 =	sld [smem:$0x3F98]  }
0x3d: {  	_ =	shalt  }
0x3e: {  	_ =	shalt  }
0x3f: {  	_ =	shalt  }
0x40: {  	_ =	shalt  }
0x41: {  	_ =	shalt  }
0x42: {  	_ =	shalt  }
0x43: {  	_ =	shalt  }
0x44: {  	_ =	shalt  }
0x45: {  	_ =	shalt  }
0x46: {  	_ =	shalt  }
0x47: {  	_ =	shalt  }
0x48: {  	_ =	shalt  }
0x49: {  	_ =	shalt  }
0x4a: {  	_ =	shalt  }
0x4b: {  	_ =	shalt  }
0x4c: {  	_ =	shalt  }
0x4d: {  	_ =	shalt  }
0x4e: {  	_ =	shalt  }
0x4f: {  	_ =	shalt  }
0x50: {  	_ =	shalt  }
0x51: {  	_ =	shalt  }
0x52: {  	_ =	shalt  }
0x53: {  	_ =	shalt  }
0x54: {  	_ =	shalt  }
0x55: {  	_ =	shalt  }
0x56: {  	_ =	shalt  }
0x57: {  	_ =	shalt  }
0x58: {  	_ =	shalt  }
0x59: {  	_ =	shalt  }
0x5a: {  	_ =	shalt  }
0x5b: {  	_ =	shalt  }
0x5c: {  	_ =	shalt  }
0x5d: {  	_ =	shalt  }
0x5e: {  	_ =	shalt  }
0x5f: {  	_ =	shalt  }
0x60: {  	_ =	shalt  }
0x61: {  	_ =	shalt  }
0x62: {  	_ =	shalt  }
0x63: {  	_ =	shalt  }
0x64: {  	_ =	shalt  }
0x65: {  	_ =	shalt  }
0x66: {  	_ =	shalt  }
0x67: {  	_ =	shalt  }
0x68: {  	_ =	shalt  }
0x69: {  	_ =	shalt  }
0x6a: {  	_ =	shalt  }
0x6b: {  	_ =	shalt  }
0x6c: {  	_ =	shalt  }
0x6d: {  	_ =	shalt  }
0x6e: {  	_ =	shalt  }
0x6f: {  	_ =	shalt  }
0x70: {  	_ =	shalt  }
0x71: {  	_ =	shalt  }
0x72: {  	_ =	shalt  }
0x73: {  	_ =	shalt  }
0x74: {  	_ =	shalt  }
0x75: {  	_ =	shalt  }
0x76: {  	_ =	shalt  }
0x77: {  	_ =	shalt  }
0x78: {  	_ =	shalt  }
0x79: {  	_ =	shalt  }
0x7a: {  	_ =	shalt  }
0x7b: {  	_ =	shalt  }
0x7c: {  	_ =	shalt  }
0x7d: {  	_ =	shalt  }
0x7e: {  	_ =	shalt  }
0x7f: {  	_ =	shalt  }
0x80: {  	_ =	shalt  }
0x81: {  	_ =	shalt  }
0x82: {  	_ =	shalt  }
0x83: {  	_ =	shalt  }
0x84: {  	_ =	shalt  }
0x85: {  	_ =	shalt  }
0x86: {  	_ =	shalt  }
0x87: {  	_ =	shalt  }
.Lfunc_end0:
.L_simem_size_0:
called_computation.2_lowered:
.L_overlay_start_0:
0x88: {  	s2 =	sld [smem:$0x3FD9]  }
0x89: {  	s3 =	sld [smem:$0x3FFE];
	_ =	sdelay $0x1  }
0x8a: {  	s1 =	srdreg.scid  }
0x8b: {  	s0 =	sand.u32 $0x1, s1  }
0x8c: {  	s17 =	sshll.u32 s0, $0xA;
	s2 =	sadd.s32 s3, s2  }
0x8d: {  	s2 =	sadd.s32 s2, s17  }
0x8e: {  	[smem:$0x3FA4] =	sst s2  }
0x8f: {  	_ = 	snop  }
0x90: {  	s18 =	sld [smem:$0x3FD0];
	(tm) =	ssettm $0x1  }
0x91: {  	s19 =	sld [smem:$0x3FFB];
	_ =	sdelay $0x3  }
0x92: {  	_ =	strace s19  }
0x93: {  	s2 =	sld [smem:$0x3FFC];
	_ =	sdelay $0x3  }
0x94: {  	_ =	strace s2  }
0x95: {  	s2 =	sld [smem:$0x3FFD];
	_ =	sdelay $0x3  }
0x96: {  	_ =	strace s2  }
0x97: {  	_ =	strace $0x8FFFFFFF  }
0x98: {  	s20 =	sld [smem:$0x3FDB];
	_ =	sdelay $0x1  }
0x99: {  	s4 =	simm.s32 $_scs_section_size  }
0x9a: {  	s5 =	simm.s32 $_size__tile_overlayer_lowered;
	s6 =	simm.s32 $_tile_overlayer_lowered  }
0x9b: {  	s7 =	simm.s32 $0x1BFF;
	s21 =	sshll.u32 s6, $0x1;
	s4 =	sadd.s32 s4, s20  }
0x9c: {  	s22 =	simm.s32 $0x0;
	s5 =	sshll.u32 s5, $0x1;
	s6 =	sadd.s32 s21, s4  }
0x9d: {  	[timem:s22], [sflag:s7] =	dma.local [hbm:s6], s5  }
0x9e: {  	_ =	swait.ge [sflag:s7], s5  }
0x9f: {  	s5 =	ssub.s32 $0x0, s5;
	[sflag:s7] =	ssyncset.done $0x0  }
0xa0: {  	[sflag:s7] =	ssyncadd.s32 s5;
	_ =	sdelay $0x1  }
0xa1: {  	s23 =	simm.s32 $0x1B8B  }
0xa2: {  	_ =	swait.ge [sflag:s23], $0x1  }
0xa3: {  	[sflag:s23] =	ssyncset.done $0x0  }
0xa4: {  	[sflag:s23] =	ssyncadd.s32 $0xFFFFFFFF  }
0xa5: {  	s5 =	sld [smem:$0x0]  }
0xa6: {  	s6 =	sand.u32 $0xFFFFFFFE, s1  }
0xa7: {  	p0 =	sne.s32 s1, s6  }
0xa8: {  	s6 =	sshll.u32 @p0 s6, $0xE  }
0xa9: {  	s6 =	sadd.s32 @p0 $0x11B8D, s6;
	s7 =	sshll.u32 @p0 s5, $0x11  }
0xaa: {  	s6 =	sor.u32 @p0 s7, s6  }
0xab: {  	[sflag:s6] =	ssyncadd.remote.s32 @p0 $0x1;
	_ =	sdelay $0x1  }
0xac: {  	s6 =	simm.s32 @p0 $0x1B8D  }
0xad: {  	_ =	swait.eq @p0 [sflag:s6], $0x1  }
0xae: {  	[sflag:s6] =	ssyncadd.s32 @p0 $0xFFFFFFFF  }
0xaf: {  	s7 =	sshll.u32 @!p0 s1, $0xE  }
0xb0: {  	s7 =	sor.u32 @!p0 $0x4000, s7;
	s6 =	simm.s32 @!p0 $0x1B8D  }
0xb1: {  	s5 =	sshll.u32 @!p0 s5, $0x11;
	s7 =	sadd.s32 @!p0 $0x11B8D, s7;
	_ =	swait.eq @!p0 [sflag:s6], $0x1  }
0xb2: {  	s5 =	sor.u32 @!p0 s5, s7;
	[sflag:s6] =	ssyncadd.s32 @!p0 $0xFFFFFFFF  }
0xb3: {  	s25 =	simm.s32 $0x1B8E;
	s24 =	sld [smem:$0x3FFE];
	[sflag:s5] =	ssyncadd.remote.s32 @!p0 $0x1  }
0xb4: {  	s26 =	simm.s32 $execute0_lowered;
	[smem:$0x3FD2] =	sst s25  }
0xb5: {  	s6 =	sshll.u32 s26, $0x1;
	_ =	strace $0x8000004F;
	[dreg:$0x1] =	wrdreg $0xFFFFFFFF  }
0xb6: {  	s28 =	simm.s32 $_size_execute0_lowered;
	s4 =	sadd.s32 s4, s6;
	[dreg:$0x0] =	wrdreg $0x0  }
0xb7: {  	s6 =	sshll.u32 s28, $0x1;
	[dreg:$0x2] =	wrdreg s4  }
0xb8: {  	[dreg:$0x3] =	wrdreg s6  }
0xb9: {  	[dreg:$0x4] =	wrdreg $0xC0  }
0xba: {  	_ =	task [dreg:s22], $0x5FFFF  }
0xbb: {  	[dreg:$0x1] =	wrdreg $0xFFFFFFFF  }
0xbc: {  	[dreg:$0x0] =	wrdreg $0x60  }
0xbd: {  	[dreg:$0x2] =	wrdreg s24  }
0xbe: {  	[dreg:$0x3] =	wrdreg s18  }
0xbf: {  	[dreg:$0x4] =	wrdreg $0x82000  }
0xc0: {  	[dreg:$0x5] =	wrdreg $0x9  }
0xc1: {  	_ =	task.clear_ibuf [dreg:s22], $0x6FFFF;
	_ =	strace $0x9000004F  }
0xc2: {  	s29 =	simm.s32 $0x9;
	_ =	strace $0x80000051  }
0xc3: {  	_ =	swait.ge [sflag:s29], $0x1  }
0xc4: {  	[sflag:s29] =	ssyncadd.s32 $0xFFFFFFFF  }
0xc5: {  	_ =	strace $0x90000051  }
0xc6: {  	_ =	sfence  }
0xc7: {  	s30 =	sld [smem:$0x0];
	_ =	sdelay $0x2  }
0xc8: {  	s31 =	sshll.u32 s1, $0xD;
	s1 =	sshrl.u32 s1, $0x2  }
0xc9: {  	s4 =	sand.u32 $0x4000, s31;
	s1 =	sadd.s32 s1, s30  }
0xca: {  	s0 =	sor.u32 s4, s0;
	s1 =	sshll.u32 s1, $0x11  }
0xcb: {  	s0 =	sor.u32 s1, s0  }
0xcc: {  	s0 =	sadd.s32 $0x8F2B, s0  }
0xcd: {  	[sflag:s0] =	ssyncadd.remote.s32 $0x1  }
0xce: {  	_ =	sfence.sel $0xFFFF  }
0xcf: {  	[dreg:$0x0] =	wrdreg $0xFFFFFFFF;
	(pc) =	sbr.abs _section_cstart, $3  }
0xd0: {  	[dreg:$0x1] =	wrdreg $0xFFFFFFFF  }
0xd1: {  	_ =	task.clear_ibuf [dreg:s22], $0x2FFFF;
	_ =	strace $0x9FFFFFFF  }
0xd2: {  	(tm) =	ssettm $0x7FFFFFFF  }
0xd3: {  	_ =	shalt  }
tec
execute0_lowered:
.L_overlay_start_1:
0x0: {  	(tag) =	ssettag $0x1  }
0x1: {  	s8 =	rddreg [dreg:$0x0]  }
0x2: {  	s1 =	rddreg [dreg:$0x1]  }
0x3: {  	s2 =	rddreg [dreg:$0x2]  }
0x4: {  	s3 =	srdreg.scid;
	s0 =	rddreg [dreg:$0x3];
	s4 =	simm.s32 $0x0  }
0x5: {  	s16 =	simm.s32 $0x200;
	s17 =	simm.s32 $0x3;
	s18 =	simm.s32 $0x80  }
0x6: {  	s19 =	simm.s32 $0x100;
	s20 =	simm.s32 $0x180;
	s21 =	simm.s32 $0x1  }
0x7: {  	s22 =	simm.s32 $0x4200;
	s23 =	simm.s32 $0x2;
	s9 =	sand.u32 $0x1, s3  }
0x8: {  	s26 =	simm.s32 $0x0;
	s3 =	stileid.u32;
	s6 =	smul.u32 $0x140000, s9  }
0x9: {  	[smem:$0x7FF] =	sst s4;
	s5 =	sadd.s32 $0x3B200, s8;
	s7 =	smul.u32 $0x14000, s3  }
0xa: {  	_ =	strace $0x80000050;
	s11 =	smul.u32 $0x50000, s3;
	s29 =	ssub.s32 $0x2, s9  }
0xb: {  	s12 =	sshll.u32 s3, $0x1;
	s24 =	sshll.u32 s3, $0x6;
	s31 =	sshrl.u32 s29, $0x1  }
0xc: {  	s13 =	sor.u32 s9, s12;
	s24 =	sor.u32 $0x1C03, s24;
	s10 =	sadd.s32 s7, s6  }
0xd: {  	s6 =	sadd.s32 $0x8A00, s8;
	s7 =	sadd.s32 $0x12A00, s8;
	s30 =	sshrl.u32 s11, $0x2  }
0xe: {  	s15 =	ssub.s32 s29, s31;
	s13 =	smul.u32 $0x2800, s13;
	s10 =	sshrl.u32 s10, $0x3  }
0xf: {  	s15 =	smax.u32 s15, $0x1;
	s14 =	sadd.s32 s10, s8;
	s8 =	sadd.s32 s30, s2  }
0x10: {  	s9 =	sadd.s32 $0x4000, s8;
	s10 =	sadd.s32 $0x8000, s8;
	s11 =	sadd.s32 $0xC000, s8  }
0x11: {  	s12 =	sadd.s32 $0x10000, s8;
	s14 =	sadd.s32 $0x12B200, s14;
	s25 =	sshrl.u32 s8, $0x3  }
.LBB2_1:
0x12: {  	[tilespmem:s16], [sflag:$0x3] =	stream.linear.gather [hbm4b:s7+s4], $0x4000, $0x38;
	[tilespmem:$0x1C200] =	vst v63  }
0x13: {  	_ =	swait.ge [sflag:s17], $0x4000  }
0x14: {  	[sflag:s17] =	ssyncset.done $0x0  }
0x15: {  	[sflag:s17] =	ssyncadd.s32 $0xFFFFC000  }
0x16: {  	[spmem:s8] =	stream.linear.scatter [tilespmem:s16], [sflag:$0x3], $0x4000, $0x38;
	[tilespmem:$0x1C200] =	vst v63  }
0x17: {  	_ =	swait.ge [sflag:s17], $0x4000  }
0x18: {  	[sflag:s17] =	ssyncset.done $0x0  }
0x19: {  	[sflag:s17] =	ssyncadd.s32 $0xFFFFC000  }
0x1a: {  	[spmem:s9] =	stream.linear.scatter [tilespmem:s16], [sflag:$0x3], $0x4000, $0x38;
	[tilespmem:$0x1C200] =	vst v63  }
0x1b: {  	_ =	swait.ge [sflag:s17], $0x4000  }
0x1c: {  	[sflag:s17] =	ssyncset.done $0x0  }
0x1d: {  	[sflag:s17] =	ssyncadd.s32 $0xFFFFC000  }
0x1e: {  	[spmem:s10] =	stream.linear.scatter [tilespmem:s16], [sflag:$0x3], $0x4000, $0x38;
	[tilespmem:$0x1C200] =	vst v63  }
0x1f: {  	_ =	swait.ge [sflag:s17], $0x4000  }
0x20: {  	[sflag:s17] =	ssyncset.done $0x0  }
0x21: {  	[sflag:s17] =	ssyncadd.s32 $0xFFFFC000  }
0x22: {  	[spmem:s11] =	stream.linear.scatter [tilespmem:s16], [sflag:$0x3], $0x4000, $0x38;
	[tilespmem:$0x1C200] =	vst v63  }
0x23: {  	_ =	swait.ge [sflag:s17], $0x4000  }
0x24: {  	[sflag:s17] =	ssyncset.done $0x0  }
0x25: {  	s28 =	sand.u32 $0x3C00, s4;
	[sflag:s17] =	ssyncadd.s32 $0xFFFFC000  }
0x26: {  	[spmem:s12] =	stream.linear.scatter [tilespmem:s16], [sflag:$0x3], $0x4000, $0x38;
	[tilespmem:$0x1C200] =	vst v63  }
0x27: {  	s29 =	sand.u32 $0x300, s4;
	s28 =	sadd.s32 s13, s28;
	_ =	swait.ge [sflag:s17], $0x4000  }
0x28: {  	s28 =	sor.u32 s29, s28;
	[sflag:s17] =	ssyncset.done $0x0  }
0x29: {  	s28 =	sshrl.u32 s28, $0x3;
	[sflag:s17] =	ssyncadd.s32 $0xFFFFC000  }
0x2a: {  	s31 =	sadd.s32 s6, s28;
	[bflag:$0x0] =	sbarrier.arrive $0xFFFF  }
0x2b: {  	[tilespmem:s4], [sflag:$0x3] =	stream.linear.gather [hbm4b:s31+s4], $0x80, $0x38;
	[tilespmem:$0x1C200] =	vst v63  }
0x2c: {  	_ =	swait.ge [sflag:s17], $0x80  }
0x2d: {  	[sflag:s17] =	ssyncset.done $0x0  }
0x2e: {  	s31 =	sadd.s32 s1, s28;
	[sflag:s17] =	ssyncadd.s32 $0xFFFFFF80  }
0x2f: {  	[tilespmem:s18], [sflag:$0x3] =	stream.linear.gather [hbm4b:s31+s4], $0x80, $0x38;
	[tilespmem:$0x1C200] =	vst v63  }
0x30: {  	_ =	swait.ge [sflag:s17], $0x80  }
0x31: {  	[sflag:s17] =	ssyncset.done $0x0  }
0x32: {  	s28 =	sor.u32 $0x10, s28;
	[sflag:s17] =	ssyncadd.s32 $0xFFFFFF80  }
0x33: {  	[tilespmem:s16], [sflag:$0x1] =	stream.indirect.gather [hbm4b:s5+s18], $0x80, s4, s18, $0xb8;
	[tilespmem:$0x1C200] =	vst v63  }
0x34: {  	s31 =	sadd.s32 s6, s28  }
0x35: {  	[tilespmem:s19], [sflag:$0x3] =	stream.linear.gather [hbm4b:s31+s4], $0x80, $0x38;
	[tilespmem:$0x1C200] =	vst v63  }
0x36: {  	_ =	swait.ge [sflag:s17], $0x80  }
0x37: {  	[sflag:s17] =	ssyncset.done $0x0  }
0x38: {  	s28 =	sadd.s32 s1, s28;
	[sflag:s17] =	ssyncadd.s32 $0xFFFFFF80  }
0x39: {  	[tilespmem:s20], [sflag:$0x3] =	stream.linear.gather [hbm4b:s28+s4], $0x80, $0x38;
	[tilespmem:$0x1C200] =	vst v63  }
0x3a: {  	_ =	swait.ge [sflag:s17], $0x80  }
0x3b: {  	[sflag:s17] =	ssyncset.done $0x0  }
0x3c: {  	[sflag:s17] =	ssyncadd.s32 $0xFFFFFF80  }
0x3d: {  	_ =	swait.ge [sflag:s21], $0x4000  }
0x3e: {  	[sflag:s21] =	ssyncset.done $0x0  }
0x3f: {  	[sflag:s21] =	ssyncadd.s32 $0xFFFFC000  }
0x40: {  	[tilespmem:s22], [sflag:$0x2] =	stream.indirect.gather [hbm4b:s5+s18], $0x80, s19, s18, $0xb8;
	[tilespmem:$0x1C200] =	vst v63  }
0x41: {  	_ = 	snop  }
0x42: {  	[spmem:s2] =	stream.indirect.scatter.add.f32 [tilespmem:s16], [sflag:$0x3], $0x80, s18, s18, $0xb8;
	[tilespmem:$0x1C200] =	vst v63  }
0x43: {  	_ =	swait.ge [sflag:s17], $0x4000  }
0x44: {  	s28 =	simm.s32 $0x100;
	[sflag:s17] =	ssyncset.done $0x0  }
0x45: {  	s31 =	sand.u32 $0x3C00, s28;
	[sflag:s17] =	ssyncadd.s32 $0xFFFFC000  }
0x46: {  	s28 =	sand.u32 $0x300, s28;
	s29 =	sadd.s32 s13, s31;
	_ =	swait.ge [sflag:s23], $0x4000  }
0x47: {  	s29 =	sor.u32 s28, s29;
	[sflag:s23] =	ssyncset.done $0x0  }
0x48: {  	s28 =	simm.s32 $0x200;
	s30 =	sshrl.u32 s29, $0x3;
	[sflag:s23] =	ssyncadd.s32 $0xFFFFC000  }
.LBB2_2:
0x49: {  	[spmem:s2] =	stream.indirect.scatter.add.f32 [tilespmem:s22], [sflag:$0x3], $0x80, s20, s18, $0xb8;
	[tilespmem:$0x1C200] =	vst v63  }
0x4a: {  	s29 =	smov.u32 s28  }
0x4b: {  	p0 =	sne.s32 s28, $0x2700;
	s28 =	sadd.s32 $0x100, s28;
	_ =	swait.ge [sflag:s17], $0x4000  }
0x4c: {  	[sflag:s17] =	ssyncset.done $0x0  }
0x4d: {  	s31 =	sadd.s32 s6, s30;
	[sflag:s17] =	ssyncadd.s32 $0xFFFFC000  }
0x4e: {  	[tilespmem:s4], [sflag:$0x3] =	stream.linear.gather [hbm4b:s31+s4], $0x80, $0x38;
	[tilespmem:$0x1C200] =	vst v63  }
0x4f: {  	_ =	swait.ge [sflag:s17], $0x80  }
0x50: {  	[sflag:s17] =	ssyncset.done $0x0  }
0x51: {  	s31 =	sadd.s32 s1, s30;
	[sflag:s17] =	ssyncadd.s32 $0xFFFFFF80  }
0x52: {  	[tilespmem:s18], [sflag:$0x3] =	stream.linear.gather [hbm4b:s31+s4], $0x80, $0x38;
	[tilespmem:$0x1C200] =	vst v63  }
0x53: {  	_ =	swait.ge [sflag:s17], $0x80  }
0x54: {  	[sflag:s17] =	ssyncset.done $0x0  }
0x55: {  	s30 =	sor.u32 $0x10, s30;
	[sflag:s17] =	ssyncadd.s32 $0xFFFFFF80  }
0x56: {  	[tilespmem:s16], [sflag:$0x1] =	stream.indirect.gather [hbm4b:s5+s18], $0x80, s4, s18, $0xb8;
	[tilespmem:$0x1C200] =	vst v63  }
0x57: {  	s31 =	sadd.s32 s6, s30  }
0x58: {  	[tilespmem:s19], [sflag:$0x3] =	stream.linear.gather [hbm4b:s31+s4], $0x80, $0x38;
	[tilespmem:$0x1C200] =	vst v63  }
0x59: {  	_ =	swait.ge [sflag:s17], $0x80  }
0x5a: {  	[sflag:s17] =	ssyncset.done $0x0  }
0x5b: {  	s30 =	sadd.s32 s1, s30;
	[sflag:s17] =	ssyncadd.s32 $0xFFFFFF80  }
0x5c: {  	[tilespmem:s20], [sflag:$0x3] =	stream.linear.gather [hbm4b:s30+s4], $0x80, $0x38;
	[tilespmem:$0x1C200] =	vst v63  }
0x5d: {  	_ =	swait.ge [sflag:s17], $0x80  }
0x5e: {  	[sflag:s17] =	ssyncset.done $0x0  }
0x5f: {  	[sflag:s17] =	ssyncadd.s32 $0xFFFFFF80  }
0x60: {  	_ =	swait.ge [sflag:s21], $0x4000  }
0x61: {  	[sflag:s21] =	ssyncset.done $0x0  }
0x62: {  	[sflag:s21] =	ssyncadd.s32 $0xFFFFC000  }
0x63: {  	[tilespmem:s22], [sflag:$0x2] =	stream.indirect.gather [hbm4b:s5+s18], $0x80, s19, s18, $0xb8;
	[tilespmem:$0x1C200] =	vst v63  }
0x64: {  	_ = 	snop  }
0x65: {  	[spmem:s2] =	stream.indirect.scatter.add.f32 [tilespmem:s16], [sflag:$0x3], $0x80, s18, s18, $0xb8;
	[tilespmem:$0x1C200] =	vst v63  }
0x66: {  	_ =	swait.ge [sflag:s17], $0x4000  }
.Ltmp0:
0x67: {  	[sflag:s17] =	ssyncset.done $0x0;
	(pc) =	sbr.rel @p0 .LBB2_2-.Ltmp0, $4  }
0x68: {  	s30 =	sand.u32 $0x3C00, s29;
	[sflag:s17] =	ssyncadd.s32 $0xFFFFC000  }
0x69: {  	s29 =	sand.u32 $0x300, s29;
	s30 =	sadd.s32 s13, s30;
	_ =	swait.ge [sflag:s23], $0x4000  }
0x6a: {  	s29 =	sor.u32 s29, s30;
	[sflag:s23] =	ssyncset.done $0x0  }
0x6b: {  	s30 =	sshrl.u32 s29, $0x3;
	[sflag:s23] =	ssyncadd.s32 $0xFFFFC000  }
0x6c: {  	[spmem:s2] =	stream.indirect.scatter.add.f32 [tilespmem:s22], [sflag:$0x3], $0x80, s20, s18, $0xb8;
	[tilespmem:$0x1C200] =	vst v63  }
0x6d: {  	_ =	swait.ge [sflag:s17], $0x4000  }
0x6e: {  	[sflag:s17] =	ssyncset.done $0x0  }
0x6f: {  	s28 =	sadd.s32 s6, s30;
	[sflag:s17] =	ssyncadd.s32 $0xFFFFC000  }
0x70: {  	[tilespmem:s4], [sflag:$0x3] =	stream.linear.gather [hbm4b:s28+s4], $0x80, $0x38;
	[tilespmem:$0x1C200] =	vst v63  }
0x71: {  	_ =	swait.ge [sflag:s17], $0x80  }
0x72: {  	[sflag:s17] =	ssyncset.done $0x0  }
0x73: {  	s29 =	sadd.s32 s1, s30;
	[sflag:s17] =	ssyncadd.s32 $0xFFFFFF80  }
0x74: {  	[tilespmem:s18], [sflag:$0x3] =	stream.linear.gather [hbm4b:s29+s4], $0x80, $0x38;
	[tilespmem:$0x1C200] =	vst v63  }
0x75: {  	_ =	swait.ge [sflag:s17], $0x80  }
0x76: {  	[sflag:s17] =	ssyncset.done $0x0  }
0x77: {  	s31 =	sor.u32 $0x10, s30;
	[sflag:s17] =	ssyncadd.s32 $0xFFFFFF80  }
0x78: {  	[tilespmem:s16], [sflag:$0x1] =	stream.indirect.gather [hbm4b:s5+s18], $0x80, s4, s18, $0xb8;
	[tilespmem:$0x1C200] =	vst v63  }
0x79: {  	s29 =	sadd.s32 s6, s31  }
0x7a: {  	[tilespmem:s19], [sflag:$0x3] =	stream.linear.gather [hbm4b:s29+s4], $0x80, $0x38;
	[tilespmem:$0x1C200] =	vst v63  }
0x7b: {  	_ =	swait.ge [sflag:s17], $0x80  }
0x7c: {  	[sflag:s17] =	ssyncset.done $0x0  }
0x7d: {  	s28 =	sadd.s32 s1, s31;
	[sflag:s17] =	ssyncadd.s32 $0xFFFFFF80  }
0x7e: {  	[tilespmem:s20], [sflag:$0x3] =	stream.linear.gather [hbm4b:s28+s4], $0x80, $0x38;
	[tilespmem:$0x1C200] =	vst v63  }
0x7f: {  	_ =	swait.ge [sflag:s17], $0x80  }
0x80: {  	[sflag:s17] =	ssyncset.done $0x0  }
0x81: {  	[sflag:s17] =	ssyncadd.s32 $0xFFFFFF80  }
0x82: {  	_ =	swait.ge [sflag:s21], $0x4000  }
0x83: {  	[sflag:s21] =	ssyncset.done $0x0  }
0x84: {  	[sflag:s21] =	ssyncadd.s32 $0xFFFFC000  }
0x85: {  	[tilespmem:s22], [sflag:$0x2] =	stream.indirect.gather [hbm4b:s5+s18], $0x80, s19, s18, $0xb8;
	[tilespmem:$0x1C200] =	vst v63  }
0x86: {  	_ = 	snop  }
0x87: {  	[spmem:s2] =	stream.indirect.scatter.add.f32 [tilespmem:s16], [sflag:$0x3], $0x80, s18, s18, $0xb8;
	[tilespmem:$0x1C200] =	vst v63  }
0x88: {  	_ =	swait.ge [sflag:s17], $0x4000  }
0x89: {  	[sflag:s17] =	ssyncset.done $0x0  }
0x8a: {  	[sflag:s17] =	ssyncadd.s32 $0xFFFFC000  }
0x8b: {  	_ =	swait.ge [sflag:s23], $0x4000  }
0x8c: {  	[sflag:s23] =	ssyncset.done $0x0  }
0x8d: {  	[sflag:s23] =	ssyncadd.s32 $0xFFFFC000  }
0x8e: {  	[spmem:s2] =	stream.indirect.scatter.add.f32 [tilespmem:s22], [sflag:$0x3], $0x80, s20, s18, $0xb8;
	[tilespmem:$0x1C200] =	vst v63  }
0x8f: {  	_ =	swait.ge [sflag:s17], $0x4000  }
0x90: {  	s26 =	sadd.s32 $0x1, s26;
	[sflag:s17] =	ssyncset.done $0x0  }
0x91: {  	p0 =	sne.s32 s26, s15;
	[sflag:s17] =	ssyncadd.s32 $0xFFFFC000  }
.Ltmp1:
0x92: {  	[bflag:$0x0] =	sbarrier.arrive $0xFFFF;
	(pc) =	sbr.rel @p0 .LBB2_1-.Ltmp1, $4  }
0x93: {  	[hbm:s14], [sflag:s24] =	dma.local [spmem:s25], $0x2800  }
0x94: {  	_ =	swait.ge [sflag:s17], $0x2800  }
0x95: {  	[sflag:s17] =	ssyncset.done $0x0  }
0x96: {  	[sflag:s17] =	ssyncadd.s32 $0xFFFFD800  }
0x97: {  	_ =	sfence.sel $0x180000  }
0x98: {  	[bflag:$0x0] =	sbarrier.arrive $0xFFFF  }
0x99: {  	p0 =	sne.s32 s3, $0x0;
	_ =	strace $0x90000050  }
0x9a: {  	s0 =	sadd.s32 @!p0 $0x100000, s0;
	[bflag:$0x2] =	sbarrier.arrive $0xFFFF  }
0x9b: {  	[sflag:s0] =	ssyncadd.tile.s32 @!p0 $0x1;
	_ =	shalt  }
.Lfunc_end2:
_tile_overlayer_lowered:
.L_overlay_start_2:
0x9c: {  	(tag) =	ssettag $0x2  }
0x9d: {  	s0 =	rddreg [dreg:$0x0];
	s2 =	stileid.u32  }
0x9e: {  	s1 =	rddreg [dreg:$0x1];
	p0 =	sne.s32 s2, $0x0  }
0x9f: {  	s3 =	rddreg [dreg:$0x2];
	[bflag:$0x3] =	sbarrier.arrive $0xFFFF;
	s2 =	simm.s32 @!p0 $0x1C03  }
0xa0: {  	[timem:s3], [sflag:s2] =	dma.local @!p0 [hbm:s0], s1  }
0xa1: {  	s0 =	simm.s32 @!p0 $0x3  }
0xa2: {  	_ =	swait.ge @!p0 [sflag:s0], s1  }
0xa3: {  	s1 =	ssub.s32 @!p0 $0x0, s1;
	[sflag:s0] =	ssyncset.done @!p0 $0x0  }
0xa4: {  	[sflag:s0] =	ssyncadd.s32 @!p0 s1  }
0xa5: {  	[bflag:$0x3] =	sbarrier.arrive $0xFFFF  }
0xa6: {  	_ =	shalt  }

// kernel: kernel.28.cloned.1.call-start
scs
__scs_entry_jumppad:
0x0: {  	(pc) =	sbr.rel $0x88, $3  }
0x1: {  	(tag) =	ssettag $0x0;
	lr =	simm.s32 $0x1  }
0x2: {  	[smem:$0x3F7D] =	sst lr;
	_ =	strace $0xD0000000  }
0x3: {  	_ = 	snop  }
0x4: {  	_ = 	snop  }
0x5: {  	_ = 	snop  }
0x6: {  	_ = 	snop  }
0x7: {  	_ = 	snop  }
__scs_overlays_trampoline_lowered:
0x8: {  	[smem:$0x3F8C] =	sst s0  }
0x9: {  	[smem:$0x3F8D] =	sst s1  }
0xa: {  	[smem:$0x3F8E] =	sst s2  }
0xb: {  	[smem:$0x3F8F] =	sst s3  }
0xc: {  	[smem:$0x3F90] =	sst s4  }
0xd: {  	[smem:$0x3F91] =	sst s5  }
0xe: {  	[smem:$0x3F92] =	sst s6  }
0xf: {  	[smem:$0x3F93] =	sst s7  }
0x10: {  	[smem:$0x3F94] =	sst s8  }
0x11: {  	[smem:$0x3F95] =	sst s9;
	s0 =	simm.s32 @!p0 $0x0  }
0x12: {  	s1 =	sld [smem:$0x3F7B];
	s0 =	simm.s32 @p0 $0x1  }
0x13: {  	[smem:$0x3F96] =	sst s0;
	s0 =	simm.s32 @!p1 $0x0  }
0x14: {  	s2 =	sld [smem:$0x3F7A];
	s0 =	simm.s32 @p1 $0x1  }
0x15: {  	[smem:$0x3F97] =	sst s0;
	s0 =	simm.s32 @!p2 $0x0  }
0x16: {  	s3 =	sld [smem:$0x3FDB];
	s0 =	simm.s32 @p2 $0x1  }
0x17: {  	s4 =	simm.s32 $0x1BF5;
	[smem:$0x3F99] =	sst s0  }
0x18: {  	s0 =	sld [smem:$0x3F7C];
	_ =	swait.ge [sflag:s4], $0x0  }
0x19: {  	s7 =	sld [smem:$0x3F7D]  }
0x1a: {  	s8 =	sadd.s32 $0xFFFFE003, lr  }
0x1b: {  	s9 =	sadd.s32 $0xFFFFFEF7, lr;
	s5 =	simm.s32 $0xFFFFFFFF;
	p2 =	slt.u32 s8, $0xFFFFF086  }
0x1c: {  	p1 =	slt.u32 s9, $0xF7A;
	s5 =	simm.s32 @!p2 $0x0  }
0x1d: {  	s5 =	simm.s32 @p1 $0x1;
	p0 =	seq.s32 s7, s2  }
0x1e: {  	s7 =	smul.u32 @!p0 $0xF7A, s2;
	p2 =	seq.s32 @!p0 s5, $0x0  }
0x1f: {  	s9 =	smul.u32 $0xF7A, s1;
	s8 =	simm.s32 @!p0 $0x1BF5;
	p2 =	por !p2, p0  }
0x20: {  	[sflag:s8] =	ssyncset.s32 @!p0 $0xFFFFF086;
	s6 =	sadd.s32 @!p0 s3, s7;
	s7 =	simm.s32 @!p0 $0x108  }
0x21: {  	s3 =	sadd.s32 s3, s9;
	s6 =	sadd.s32 @!p0 $0x88, s6;
	s7 =	simm.s32 @p2 $0x1082  }
0x22: {  	[simem:s7], [sflag:s8] =	dma.local @!p0 [hbm:s6], $0xF7A  }
0x23: {  	s9 =	sor.u32 $0xD0000000, s2;
	s6 =	simm.s32 $0x108;
	_ =	swait.ge @!p0 [sflag:s8], $0x0  }
0x24: {  	s3 =	sadd.s32 $0x88, s3;
	s6 =	simm.s32 @!p1 $0x1082;
	[sflag:s4] =	ssyncset.s32 $0xFFFFF086  }
0x25: {  	[simem:s6], [sflag:s4] =	dma.local [hbm:s3], $0xF7A  }
0x26: {  	[smem:$0x3F7D] =	sst s1;
	(tag) =	ssettag s2;
	_ =	strace s9  }
0x27: {  	s1 =	sld [smem:$0x3F8D]  }
0x28: {  	s2 =	sld [smem:$0x3F8E]  }
0x29: {  	s4 =	sld [smem:$0x3F90]  }
0x2a: {  	p0 =	seq.s32 s5, $0x0;
	s5 =	sld [smem:$0x3F91]  }
0x2b: {  	s6 =	sld [smem:$0x3F92]  }
0x2c: {  	s7 =	sld [smem:$0x3F93]  }
0x2d: {  	s3 =	simm.s32 $0x108;
	s8 =	sld [smem:$0x3F94]  }
0x2e: {  	s3 =	simm.s32 @!p0 $0x1082;
	s9 =	sld [smem:$0x3F95]  }
0x2f: {  	lr =	sadd.s32 s0, s3;
	s0 =	sld [smem:$0x3F8C]  }
0x30: {  	s3 =	sld [smem:$0x3F8F]  }
0x31: {  	[smem:$0x3F98] =	sst s10  }
0x32: {  	s10 =	sld [smem:$0x3F96];
	_ =	sdelay $0x3  }
0x33: {  	p0 =	seq.s32 s10, $0x1;
	s10 =	sld [smem:$0x3F98];
	_ =	sdelay $0x3  }
0x34: {  	[smem:$0x3F98] =	sst s10  }
0x35: {  	s10 =	sld [smem:$0x3F97];
	_ =	sdelay $0x3  }
0x36: {  	p1 =	seq.s32 s10, $0x1;
	s10 =	sld [smem:$0x3F98];
	_ =	sdelay $0x3  }
0x37: {  	[smem:$0x3F98] =	sst s10  }
0x38: {  	s10 =	sld [smem:$0x3F99]  }
0x39: {  	_ = 	snop;
	(pc) =	sbr.ind lr, $3  }
0x3a: {  	_ = 	snop  }
0x3b: {  	_ = 	snop  }
0x3c: {  	p2 =	seq.s32 s10, $0x1;
	s10 =	sld [smem:$0x3F98]  }
0x3d: {  	_ =	shalt  }
0x3e: {  	_ =	shalt  }
0x3f: {  	_ =	shalt  }
0x40: {  	_ =	shalt  }
0x41: {  	_ =	shalt  }
0x42: {  	_ =	shalt  }
0x43: {  	_ =	shalt  }
0x44: {  	_ =	shalt  }
0x45: {  	_ =	shalt  }
0x46: {  	_ =	shalt  }
0x47: {  	_ =	shalt  }
0x48: {  	_ =	shalt  }
0x49: {  	_ =	shalt  }
0x4a: {  	_ =	shalt  }
0x4b: {  	_ =	shalt  }
0x4c: {  	_ =	shalt  }
0x4d: {  	_ =	shalt  }
0x4e: {  	_ =	shalt  }
0x4f: {  	_ =	shalt  }
0x50: {  	_ =	shalt  }
0x51: {  	_ =	shalt  }
0x52: {  	_ =	shalt  }
0x53: {  	_ =	shalt  }
0x54: {  	_ =	shalt  }
0x55: {  	_ =	shalt  }
0x56: {  	_ =	shalt  }
0x57: {  	_ =	shalt  }
0x58: {  	_ =	shalt  }
0x59: {  	_ =	shalt  }
0x5a: {  	_ =	shalt  }
0x5b: {  	_ =	shalt  }
0x5c: {  	_ =	shalt  }
0x5d: {  	_ =	shalt  }
0x5e: {  	_ =	shalt  }
0x5f: {  	_ =	shalt  }
0x60: {  	_ =	shalt  }
0x61: {  	_ =	shalt  }
0x62: {  	_ =	shalt  }
0x63: {  	_ =	shalt  }
0x64: {  	_ =	shalt  }
0x65: {  	_ =	shalt  }
0x66: {  	_ =	shalt  }
0x67: {  	_ =	shalt  }
0x68: {  	_ =	shalt  }
0x69: {  	_ =	shalt  }
0x6a: {  	_ =	shalt  }
0x6b: {  	_ =	shalt  }
0x6c: {  	_ =	shalt  }
0x6d: {  	_ =	shalt  }
0x6e: {  	_ =	shalt  }
0x6f: {  	_ =	shalt  }
0x70: {  	_ =	shalt  }
0x71: {  	_ =	shalt  }
0x72: {  	_ =	shalt  }
0x73: {  	_ =	shalt  }
0x74: {  	_ =	shalt  }
0x75: {  	_ =	shalt  }
0x76: {  	_ =	shalt  }
0x77: {  	_ =	shalt  }
0x78: {  	_ =	shalt  }
0x79: {  	_ =	shalt  }
0x7a: {  	_ =	shalt  }
0x7b: {  	_ =	shalt  }
0x7c: {  	_ =	shalt  }
0x7d: {  	_ =	shalt  }
0x7e: {  	_ =	shalt  }
0x7f: {  	_ =	shalt  }
0x80: {  	_ =	shalt  }
0x81: {  	_ =	shalt  }
0x82: {  	_ =	shalt  }
0x83: {  	_ =	shalt  }
0x84: {  	_ =	shalt  }
0x85: {  	_ =	shalt  }
0x86: {  	_ =	shalt  }
0x87: {  	_ =	shalt  }
.Lfunc_end0:
.L_simem_size_0:
called_computation.3_lowered:
.L_overlay_start_0:
0x88: {  	s2 =	sld [smem:$0x3FD9]  }
0x89: {  	s3 =	sld [smem:$0x3FFE];
	_ =	sdelay $0x1  }
0x8a: {  	s1 =	srdreg.scid  }
0x8b: {  	s0 =	sand.u32 $0x1, s1  }
0x8c: {  	s17 =	sshll.u32 s0, $0xA;
	s2 =	sadd.s32 s3, s2  }
0x8d: {  	s2 =	sadd.s32 s2, s17  }
0x8e: {  	[smem:$0x3FA4] =	sst s2  }
0x8f: {  	_ = 	snop  }
0x90: {  	s2 =	sld [smem:$0x3FD0];
	(tm) =	ssettm $0x1  }
0x91: {  	s18 =	sld [smem:$0x3FFB];
	_ =	sdelay $0x3  }
0x92: {  	_ =	strace s18  }
0x93: {  	s3 =	sld [smem:$0x3FFC];
	_ =	sdelay $0x3  }
0x94: {  	_ =	strace s3  }
0x95: {  	s3 =	sld [smem:$0x3FFD];
	_ =	sdelay $0x3  }
0x96: {  	_ =	strace s3  }
0x97: {  	_ =	strace $0x8FFFFFFF  }
0x98: {  	s19 =	sld [smem:$0x3FDB];
	_ =	sdelay $0x1  }
0x99: {  	s4 =	simm.s32 $_scs_section_size  }
0x9a: {  	s5 =	simm.s32 $_size__tile_overlayer_lowered;
	s6 =	simm.s32 $_tile_overlayer_lowered  }
0x9b: {  	s22 =	simm.s32 $0x1BFF;
	s21 =	sshll.u32 s6, $0x1;
	s3 =	sadd.s32 s4, s19  }
0x9c: {  	s7 =	simm.s32 $0x0;
	s20 =	sshll.u32 s5, $0x1;
	s5 =	sadd.s32 s21, s3  }
0x9d: {  	[timem:s7], [sflag:s22] =	dma.local [hbm:s5], s20  }
0x9e: {  	_ =	swait.ge [sflag:s22], s20  }
0x9f: {  	s4 =	ssub.s32 $0x0, s20;
	[sflag:s22] =	ssyncset.done $0x0  }
0xa0: {  	[sflag:s22] =	ssyncadd.s32 s4;
	_ =	sdelay $0x1  }
0xa1: {  	s23 =	simm.s32 $0x1B8B  }
0xa2: {  	_ =	swait.ge [sflag:s23], $0x1  }
0xa3: {  	[sflag:s23] =	ssyncset.done $0x0  }
0xa4: {  	s25 =	simm.s32 $0x1B8E;
	s24 =	sld [smem:$0x3FFE];
	[sflag:s23] =	ssyncadd.s32 $0xFFFFFFFF  }
0xa5: {  	s26 =	simm.s32 $execute0_lowered;
	[smem:$0x3FD2] =	sst s25  }
0xa6: {  	s5 =	sshll.u32 s26, $0x1;
	_ =	strace $0x8000004C;
	[dreg:$0x1] =	wrdreg $0xFFFFFFFF  }
0xa7: {  	s28 =	simm.s32 $_size_execute0_lowered;
	s3 =	sadd.s32 s3, s5;
	[dreg:$0x0] =	wrdreg $0x0  }
0xa8: {  	s5 =	sshll.u32 s28, $0x1;
	[dreg:$0x2] =	wrdreg s3  }
0xa9: {  	[dreg:$0x3] =	wrdreg s5  }
0xaa: {  	[dreg:$0x4] =	wrdreg $0xC0  }
0xab: {  	_ =	task [dreg:s7], $0x5FFFF  }
0xac: {  	[dreg:$0x1] =	wrdreg $0xFFFFFFFF  }
0xad: {  	[dreg:$0x0] =	wrdreg $0x60  }
0xae: {  	[dreg:$0x2] =	wrdreg s24  }
0xaf: {  	[dreg:$0x3] =	wrdreg s2  }
0xb0: {  	[dreg:$0x4] =	wrdreg $0x82000  }
0xb1: {  	[dreg:$0x5] =	wrdreg $0xA  }
0xb2: {  	_ =	task.clear_ibuf [dreg:s7], $0x6FFFF;
	_ =	strace $0x9000004C  }
0xb3: {  	s29 =	simm.s32 $0xA;
	_ =	strace $0x8000004E  }
0xb4: {  	_ =	swait.ge [sflag:s29], $0x1  }
0xb5: {  	[sflag:s29] =	ssyncadd.s32 $0xFFFFFFFF  }
0xb6: {  	_ =	strace $0x9000004E  }
0xb7: {  	_ =	sfence  }
0xb8: {  	s30 =	sld [smem:$0x0];
	_ =	sdelay $0x2  }
0xb9: {  	s31 =	sshll.u32 s1, $0xD;
	s1 =	sshrl.u32 s1, $0x2  }
0xba: {  	s3 =	sand.u32 $0x4000, s31;
	s1 =	sadd.s32 s1, s30  }
0xbb: {  	s0 =	sor.u32 s3, s0;
	s1 =	sshll.u32 s1, $0x11  }
0xbc: {  	s0 =	sor.u32 s1, s0  }
0xbd: {  	s0 =	sadd.s32 $0x8F2B, s0  }
0xbe: {  	[sflag:s0] =	ssyncadd.remote.s32 $0x1  }
0xbf: {  	_ =	sfence.sel $0xFFFF  }
0xc0: {  	[dreg:$0x0] =	wrdreg $0xFFFFFFFF;
	(pc) =	sbr.abs _section_cstart, $3  }
0xc1: {  	[dreg:$0x1] =	wrdreg $0xFFFFFFFF  }
0xc2: {  	_ =	task.clear_ibuf [dreg:s7], $0x2FFFF;
	_ =	strace $0x9FFFFFFF  }
0xc3: {  	(tm) =	ssettm $0x7FFFFFFF  }
tec
execute0_lowered:
.L_overlay_start_1:
0x0: {  	(tag) =	ssettag $0x1  }
0x1: {  	s8 =	rddreg [dreg:$0x0]  }
0x2: {  	s1 =	rddreg [dreg:$0x1]  }
0x3: {  	s2 =	rddreg [dreg:$0x2]  }
0x4: {  	s3 =	srdreg.scid;
	s0 =	rddreg [dreg:$0x3];
	s4 =	simm.s32 $0x0  }
0x5: {  	s16 =	simm.s32 $0x200;
	s17 =	simm.s32 $0x3;
	s18 =	simm.s32 $0x80  }
0x6: {  	s19 =	simm.s32 $0x100;
	s20 =	simm.s32 $0x180;
	s21 =	simm.s32 $0x1  }
0x7: {  	s22 =	simm.s32 $0x4200;
	s23 =	simm.s32 $0x2;
	s9 =	sand.u32 $0x1, s3  }
0x8: {  	s26 =	simm.s32 $0x0;
	s3 =	stileid.u32;
	s6 =	smul.u32 $0x140000, s9  }
0x9: {  	[smem:$0x7FF] =	sst s4;
	s5 =	sadd.s32 $0x13200, s8;
	s7 =	smul.u32 $0x14000, s3  }
0xa: {  	_ =	strace $0x8000004D;
	s11 =	smul.u32 $0x50000, s3;
	s29 =	ssub.s32 $0x2, s9  }
0xb: {  	s12 =	sshll.u32 s3, $0x1;
	s24 =	sshll.u32 s3, $0x6;
	s31 =	sshrl.u32 s29, $0x1  }
0xc: {  	s13 =	sor.u32 s9, s12;
	s24 =	sor.u32 $0x1C03, s24;
	s10 =	sadd.s32 s7, s6  }
0xd: {  	s6 =	sadd.s32 $0x8A00, s8;
	s7 =	sadd.s32 $0x12A00, s8;
	s30 =	sshrl.u32 s11, $0x2  }
0xe: {  	s15 =	ssub.s32 s29, s31;
	s13 =	smul.u32 $0x2800, s13;
	s10 =	sshrl.u32 s10, $0x3  }
0xf: {  	s15 =	smax.u32 s15, $0x1;
	s14 =	sadd.s32 s10, s8;
	s8 =	sadd.s32 s30, s2  }
0x10: {  	s9 =	sadd.s32 $0x4000, s8;
	s10 =	sadd.s32 $0x8000, s8;
	s11 =	sadd.s32 $0xC000, s8  }
0x11: {  	s12 =	sadd.s32 $0x10000, s8;
	s14 =	sadd.s32 $0x63200, s14;
	s25 =	sshrl.u32 s8, $0x3  }
.LBB2_1:
0x12: {  	[tilespmem:s16], [sflag:$0x3] =	stream.linear.gather [hbm4b:s7+s4], $0x4000, $0x38;
	[tilespmem:$0x1C200] =	vst v63  }
0x13: {  	_ =	swait.ge [sflag:s17], $0x4000  }
0x14: {  	[sflag:s17] =	ssyncset.done $0x0  }
0x15: {  	[sflag:s17] =	ssyncadd.s32 $0xFFFFC000  }
0x16: {  	[spmem:s8] =	stream.linear.scatter [tilespmem:s16], [sflag:$0x3], $0x4000, $0x38;
	[tilespmem:$0x1C200] =	vst v63  }
0x17: {  	_ =	swait.ge [sflag:s17], $0x4000  }
0x18: {  	[sflag:s17] =	ssyncset.done $0x0  }
0x19: {  	[sflag:s17] =	ssyncadd.s32 $0xFFFFC000  }
0x1a: {  	[spmem:s9] =	stream.linear.scatter [tilespmem:s16], [sflag:$0x3], $0x4000, $0x38;
	[tilespmem:$0x1C200] =	vst v63  }
0x1b: {  	_ =	swait.ge [sflag:s17], $0x4000  }
0x1c: {  	[sflag:s17] =	ssyncset.done $0x0  }
0x1d: {  	[sflag:s17] =	ssyncadd.s32 $0xFFFFC000  }
0x1e: {  	[spmem:s10] =	stream.linear.scatter [tilespmem:s16], [sflag:$0x3], $0x4000, $0x38;
	[tilespmem:$0x1C200] =	vst v63  }
0x1f: {  	_ =	swait.ge [sflag:s17], $0x4000  }
0x20: {  	[sflag:s17] =	ssyncset.done $0x0  }
0x21: {  	[sflag:s17] =	ssyncadd.s32 $0xFFFFC000  }
0x22: {  	[spmem:s11] =	stream.linear.scatter [tilespmem:s16], [sflag:$0x3], $0x4000, $0x38;
	[tilespmem:$0x1C200] =	vst v63  }
0x23: {  	_ =	swait.ge [sflag:s17], $0x4000  }
0x24: {  	[sflag:s17] =	ssyncset.done $0x0  }
0x25: {  	s28 =	sand.u32 $0x3C00, s4;
	[sflag:s17] =	ssyncadd.s32 $0xFFFFC000  }
0x26: {  	[spmem:s12] =	stream.linear.scatter [tilespmem:s16], [sflag:$0x3], $0x4000, $0x38;
	[tilespmem:$0x1C200] =	vst v63  }
0x27: {  	s29 =	sand.u32 $0x300, s4;
	s28 =	sadd.s32 s13, s28;
	_ =	swait.ge [sflag:s17], $0x4000  }
0x28: {  	s28 =	sor.u32 s29, s28;
	[sflag:s17] =	ssyncset.done $0x0  }
0x29: {  	s28 =	sshrl.u32 s28, $0x3;
	[sflag:s17] =	ssyncadd.s32 $0xFFFFC000  }
0x2a: {  	s31 =	sadd.s32 s6, s28;
	[bflag:$0x0] =	sbarrier.arrive $0xFFFF  }
0x2b: {  	[tilespmem:s4], [sflag:$0x3] =	stream.linear.gather [hbm4b:s31+s4], $0x80, $0x38;
	[tilespmem:$0x1C200] =	vst v63  }
0x2c: {  	_ =	swait.ge [sflag:s17], $0x80  }
0x2d: {  	[sflag:s17] =	ssyncset.done $0x0  }
0x2e: {  	s31 =	sadd.s32 s1, s28;
	[sflag:s17] =	ssyncadd.s32 $0xFFFFFF80  }
0x2f: {  	[tilespmem:s18], [sflag:$0x3] =	stream.linear.gather [hbm4b:s31+s4], $0x80, $0x38;
	[tilespmem:$0x1C200] =	vst v63  }
0x30: {  	_ =	swait.ge [sflag:s17], $0x80  }
0x31: {  	[sflag:s17] =	ssyncset.done $0x0  }
0x32: {  	s28 =	sor.u32 $0x10, s28;
	[sflag:s17] =	ssyncadd.s32 $0xFFFFFF80  }
0x33: {  	[tilespmem:s16], [sflag:$0x1] =	stream.indirect.gather [hbm4b:s5+s18], $0x80, s4, s18, $0xb8;
	[tilespmem:$0x1C200] =	vst v63  }
0x34: {  	s31 =	sadd.s32 s6, s28  }
0x35: {  	[tilespmem:s19], [sflag:$0x3] =	stream.linear.gather [hbm4b:s31+s4], $0x80, $0x38;
	[tilespmem:$0x1C200] =	vst v63  }
0x36: {  	_ =	swait.ge [sflag:s17], $0x80  }
0x37: {  	[sflag:s17] =	ssyncset.done $0x0  }
0x38: {  	s28 =	sadd.s32 s1, s28;
	[sflag:s17] =	ssyncadd.s32 $0xFFFFFF80  }
0x39: {  	[tilespmem:s20], [sflag:$0x3] =	stream.linear.gather [hbm4b:s28+s4], $0x80, $0x38;
	[tilespmem:$0x1C200] =	vst v63  }
0x3a: {  	_ =	swait.ge [sflag:s17], $0x80  }
0x3b: {  	[sflag:s17] =	ssyncset.done $0x0  }
0x3c: {  	[sflag:s17] =	ssyncadd.s32 $0xFFFFFF80  }
0x3d: {  	_ =	swait.ge [sflag:s21], $0x4000  }
0x3e: {  	[sflag:s21] =	ssyncset.done $0x0  }
0x3f: {  	[sflag:s21] =	ssyncadd.s32 $0xFFFFC000  }
0x40: {  	[tilespmem:s22], [sflag:$0x2] =	stream.indirect.gather [hbm4b:s5+s18], $0x80, s19, s18, $0xb8;
	[tilespmem:$0x1C200] =	vst v63  }
0x41: {  	_ = 	snop  }
0x42: {  	[spmem:s2] =	stream.indirect.scatter.add.f32 [tilespmem:s16], [sflag:$0x3], $0x80, s18, s18, $0xb8;
	[tilespmem:$0x1C200] =	vst v63  }
0x43: {  	_ =	swait.ge [sflag:s17], $0x4000  }
0x44: {  	s28 =	simm.s32 $0x100;
	[sflag:s17] =	ssyncset.done $0x0  }
0x45: {  	s31 =	sand.u32 $0x3C00, s28;
	[sflag:s17] =	ssyncadd.s32 $0xFFFFC000  }
0x46: {  	s28 =	sand.u32 $0x300, s28;
	s29 =	sadd.s32 s13, s31;
	_ =	swait.ge [sflag:s23], $0x4000  }
0x47: {  	s29 =	sor.u32 s28, s29;
	[sflag:s23] =	ssyncset.done $0x0  }
0x48: {  	s28 =	simm.s32 $0x200;
	s30 =	sshrl.u32 s29, $0x3;
	[sflag:s23] =	ssyncadd.s32 $0xFFFFC000  }
.LBB2_2:
0x49: {  	[spmem:s2] =	stream.indirect.scatter.add.f32 [tilespmem:s22], [sflag:$0x3], $0x80, s20, s18, $0xb8;
	[tilespmem:$0x1C200] =	vst v63  }
0x4a: {  	s29 =	smov.u32 s28  }
0x4b: {  	p0 =	sne.s32 s28, $0x2700;
	s28 =	sadd.s32 $0x100, s28;
	_ =	swait.ge [sflag:s17], $0x4000  }
0x4c: {  	[sflag:s17] =	ssyncset.done $0x0  }
0x4d: {  	s31 =	sadd.s32 s6, s30;
	[sflag:s17] =	ssyncadd.s32 $0xFFFFC000  }
0x4e: {  	[tilespmem:s4], [sflag:$0x3] =	stream.linear.gather [hbm4b:s31+s4], $0x80, $0x38;
	[tilespmem:$0x1C200] =	vst v63  }
0x4f: {  	_ =	swait.ge [sflag:s17], $0x80  }
0x50: {  	[sflag:s17] =	ssyncset.done $0x0  }
0x51: {  	s31 =	sadd.s32 s1, s30;
	[sflag:s17] =	ssyncadd.s32 $0xFFFFFF80  }
0x52: {  	[tilespmem:s18], [sflag:$0x3] =	stream.linear.gather [hbm4b:s31+s4], $0x80, $0x38;
	[tilespmem:$0x1C200] =	vst v63  }
0x53: {  	_ =	swait.ge [sflag:s17], $0x80  }
0x54: {  	[sflag:s17] =	ssyncset.done $0x0  }
0x55: {  	s30 =	sor.u32 $0x10, s30;
	[sflag:s17] =	ssyncadd.s32 $0xFFFFFF80  }
0x56: {  	[tilespmem:s16], [sflag:$0x1] =	stream.indirect.gather [hbm4b:s5+s18], $0x80, s4, s18, $0xb8;
	[tilespmem:$0x1C200] =	vst v63  }
0x57: {  	s31 =	sadd.s32 s6, s30  }
0x58: {  	[tilespmem:s19], [sflag:$0x3] =	stream.linear.gather [hbm4b:s31+s4], $0x80, $0x38;
	[tilespmem:$0x1C200] =	vst v63  }
0x59: {  	_ =	swait.ge [sflag:s17], $0x80  }
0x5a: {  	[sflag:s17] =	ssyncset.done $0x0  }
0x5b: {  	s30 =	sadd.s32 s1, s30;
	[sflag:s17] =	ssyncadd.s32 $0xFFFFFF80  }
0x5c: {  	[tilespmem:s20], [sflag:$0x3] =	stream.linear.gather [hbm4b:s30+s4], $0x80, $0x38;
	[tilespmem:$0x1C200] =	vst v63  }
0x5d: {  	_ =	swait.ge [sflag:s17], $0x80  }
0x5e: {  	[sflag:s17] =	ssyncset.done $0x0  }
0x5f: {  	[sflag:s17] =	ssyncadd.s32 $0xFFFFFF80  }
0x60: {  	_ =	swait.ge [sflag:s21], $0x4000  }
0x61: {  	[sflag:s21] =	ssyncset.done $0x0  }
0x62: {  	[sflag:s21] =	ssyncadd.s32 $0xFFFFC000  }
0x63: {  	[tilespmem:s22], [sflag:$0x2] =	stream.indirect.gather [hbm4b:s5+s18], $0x80, s19, s18, $0xb8;
	[tilespmem:$0x1C200] =	vst v63  }
0x64: {  	_ = 	snop  }
0x65: {  	[spmem:s2] =	stream.indirect.scatter.add.f32 [tilespmem:s16], [sflag:$0x3], $0x80, s18, s18, $0xb8;
	[tilespmem:$0x1C200] =	vst v63  }
0x66: {  	_ =	swait.ge [sflag:s17], $0x4000  }
.Ltmp0:
0x67: {  	[sflag:s17] =	ssyncset.done $0x0;
	(pc) =	sbr.rel @p0 .LBB2_2-.Ltmp0, $4  }
0x68: {  	s30 =	sand.u32 $0x3C00, s29;
	[sflag:s17] =	ssyncadd.s32 $0xFFFFC000  }
0x69: {  	s29 =	sand.u32 $0x300, s29;
	s30 =	sadd.s32 s13, s30;
	_ =	swait.ge [sflag:s23], $0x4000  }
0x6a: {  	s29 =	sor.u32 s29, s30;
	[sflag:s23] =	ssyncset.done $0x0  }
0x6b: {  	s30 =	sshrl.u32 s29, $0x3;
	[sflag:s23] =	ssyncadd.s32 $0xFFFFC000  }
0x6c: {  	[spmem:s2] =	stream.indirect.scatter.add.f32 [tilespmem:s22], [sflag:$0x3], $0x80, s20, s18, $0xb8;
	[tilespmem:$0x1C200] =	vst v63  }
0x6d: {  	_ =	swait.ge [sflag:s17], $0x4000  }
0x6e: {  	[sflag:s17] =	ssyncset.done $0x0  }
0x6f: {  	s28 =	sadd.s32 s6, s30;
	[sflag:s17] =	ssyncadd.s32 $0xFFFFC000  }
0x70: {  	[tilespmem:s4], [sflag:$0x3] =	stream.linear.gather [hbm4b:s28+s4], $0x80, $0x38;
	[tilespmem:$0x1C200] =	vst v63  }
0x71: {  	_ =	swait.ge [sflag:s17], $0x80  }
0x72: {  	[sflag:s17] =	ssyncset.done $0x0  }
0x73: {  	s29 =	sadd.s32 s1, s30;
	[sflag:s17] =	ssyncadd.s32 $0xFFFFFF80  }
0x74: {  	[tilespmem:s18], [sflag:$0x3] =	stream.linear.gather [hbm4b:s29+s4], $0x80, $0x38;
	[tilespmem:$0x1C200] =	vst v63  }
0x75: {  	_ =	swait.ge [sflag:s17], $0x80  }
0x76: {  	[sflag:s17] =	ssyncset.done $0x0  }
0x77: {  	s31 =	sor.u32 $0x10, s30;
	[sflag:s17] =	ssyncadd.s32 $0xFFFFFF80  }
0x78: {  	[tilespmem:s16], [sflag:$0x1] =	stream.indirect.gather [hbm4b:s5+s18], $0x80, s4, s18, $0xb8;
	[tilespmem:$0x1C200] =	vst v63  }
0x79: {  	s29 =	sadd.s32 s6, s31  }
0x7a: {  	[tilespmem:s19], [sflag:$0x3] =	stream.linear.gather [hbm4b:s29+s4], $0x80, $0x38;
	[tilespmem:$0x1C200] =	vst v63  }
0x7b: {  	_ =	swait.ge [sflag:s17], $0x80  }
0x7c: {  	[sflag:s17] =	ssyncset.done $0x0  }
0x7d: {  	s28 =	sadd.s32 s1, s31;
	[sflag:s17] =	ssyncadd.s32 $0xFFFFFF80  }
0x7e: {  	[tilespmem:s20], [sflag:$0x3] =	stream.linear.gather [hbm4b:s28+s4], $0x80, $0x38;
	[tilespmem:$0x1C200] =	vst v63  }
0x7f: {  	_ =	swait.ge [sflag:s17], $0x80  }
0x80: {  	[sflag:s17] =	ssyncset.done $0x0  }
0x81: {  	[sflag:s17] =	ssyncadd.s32 $0xFFFFFF80  }
0x82: {  	_ =	swait.ge [sflag:s21], $0x4000  }
0x83: {  	[sflag:s21] =	ssyncset.done $0x0  }
0x84: {  	[sflag:s21] =	ssyncadd.s32 $0xFFFFC000  }
0x85: {  	[tilespmem:s22], [sflag:$0x2] =	stream.indirect.gather [hbm4b:s5+s18], $0x80, s19, s18, $0xb8;
	[tilespmem:$0x1C200] =	vst v63  }
0x86: {  	_ = 	snop  }
0x87: {  	[spmem:s2] =	stream.indirect.scatter.add.f32 [tilespmem:s16], [sflag:$0x3], $0x80, s18, s18, $0xb8;
	[tilespmem:$0x1C200] =	vst v63  }
0x88: {  	_ =	swait.ge [sflag:s17], $0x4000  }
0x89: {  	[sflag:s17] =	ssyncset.done $0x0  }
0x8a: {  	[sflag:s17] =	ssyncadd.s32 $0xFFFFC000  }
0x8b: {  	_ =	swait.ge [sflag:s23], $0x4000  }
0x8c: {  	[sflag:s23] =	ssyncset.done $0x0  }
0x8d: {  	[sflag:s23] =	ssyncadd.s32 $0xFFFFC000  }
0x8e: {  	[spmem:s2] =	stream.indirect.scatter.add.f32 [tilespmem:s22], [sflag:$0x3], $0x80, s20, s18, $0xb8;
	[tilespmem:$0x1C200] =	vst v63  }
0x8f: {  	_ =	swait.ge [sflag:s17], $0x4000  }
0x90: {  	s26 =	sadd.s32 $0x1, s26;
	[sflag:s17] =	ssyncset.done $0x0  }
0x91: {  	p0 =	sne.s32 s26, s15;
	[sflag:s17] =	ssyncadd.s32 $0xFFFFC000  }
.Ltmp1:
0x92: {  	[bflag:$0x0] =	sbarrier.arrive $0xFFFF;
	(pc) =	sbr.rel @p0 .LBB2_1-.Ltmp1, $4  }
0x93: {  	[hbm:s14], [sflag:s24] =	dma.local [spmem:s25], $0x2800  }
0x94: {  	_ =	swait.ge [sflag:s17], $0x2800  }
0x95: {  	[sflag:s17] =	ssyncset.done $0x0  }
0x96: {  	[sflag:s17] =	ssyncadd.s32 $0xFFFFD800  }
0x97: {  	_ =	sfence.sel $0x180000  }
0x98: {  	[bflag:$0x0] =	sbarrier.arrive $0xFFFF  }
0x99: {  	p0 =	sne.s32 s3, $0x0;
	_ =	strace $0x9000004D  }
0x9a: {  	s0 =	sadd.s32 @!p0 $0x100000, s0;
	[bflag:$0x2] =	sbarrier.arrive $0xFFFF  }
0x9b: {  	[sflag:s0] =	ssyncadd.tile.s32 @!p0 $0x1;
	_ =	shalt  }
.Lfunc_end2:
_tile_overlayer_lowered:
.L_overlay_start_2:
0x9c: {  	(tag) =	ssettag $0x2  }
0x9d: {  	s0 =	rddreg [dreg:$0x0];
	s2 =	stileid.u32  }
0x9e: {  	s1 =	rddreg [dreg:$0x1];
	p0 =	sne.s32 s2, $0x0  }
0x9f: {  	s3 =	rddreg [dreg:$0x2];
	[bflag:$0x3] =	sbarrier.arrive $0xFFFF;
	s2 =	simm.s32 @!p0 $0x1C03  }
0xa0: {  	[timem:s3], [sflag:s2] =	dma.local @!p0 [hbm:s0], s1  }
0xa1: {  	s0 =	simm.s32 @!p0 $0x3  }
0xa2: {  	_ =	swait.ge @!p0 [sflag:s0], s1  }
0xa3: {  	s1 =	ssub.s32 @!p0 $0x0, s1;
	[sflag:s0] =	ssyncset.done @!p0 $0x0  }
0xa4: {  	[sflag:s0] =	ssyncadd.s32 @!p0 s1  }
0xa5: {  	[bflag:$0x3] =	sbarrier.arrive $0xFFFF  }
0xa6: {  	_ =	shalt  }

// kernel: kernel.31.cloned.1.call-start
scs
__scs_entry_jumppad:
0x0: {  	(pc) =	sbr.rel $0x88, $3  }
0x1: {  	(tag) =	ssettag $0x0;
	lr =	simm.s32 $0x1  }
0x2: {  	[smem:$0x3F7D] =	sst lr;
	_ =	strace $0xD0000000  }
0x3: {  	_ = 	snop  }
0x4: {  	_ = 	snop  }
0x5: {  	_ = 	snop  }
0x6: {  	_ = 	snop  }
0x7: {  	_ = 	snop  }
__scs_overlays_trampoline_lowered:
0x8: {  	[smem:$0x3F8C] =	sst s0  }
0x9: {  	[smem:$0x3F8D] =	sst s1  }
0xa: {  	[smem:$0x3F8E] =	sst s2  }
0xb: {  	[smem:$0x3F8F] =	sst s3  }
0xc: {  	[smem:$0x3F90] =	sst s4  }
0xd: {  	[smem:$0x3F91] =	sst s5  }
0xe: {  	[smem:$0x3F92] =	sst s6  }
0xf: {  	[smem:$0x3F93] =	sst s7  }
0x10: {  	[smem:$0x3F94] =	sst s8  }
0x11: {  	[smem:$0x3F95] =	sst s9;
	s0 =	simm.s32 @!p0 $0x0  }
0x12: {  	s1 =	sld [smem:$0x3F7B];
	s0 =	simm.s32 @p0 $0x1  }
0x13: {  	[smem:$0x3F96] =	sst s0;
	s0 =	simm.s32 @!p1 $0x0  }
0x14: {  	s2 =	sld [smem:$0x3F7A];
	s0 =	simm.s32 @p1 $0x1  }
0x15: {  	[smem:$0x3F97] =	sst s0;
	s0 =	simm.s32 @!p2 $0x0  }
0x16: {  	s3 =	sld [smem:$0x3FDB];
	s0 =	simm.s32 @p2 $0x1  }
0x17: {  	s4 =	simm.s32 $0x1BF5;
	[smem:$0x3F99] =	sst s0  }
0x18: {  	s0 =	sld [smem:$0x3F7C];
	_ =	swait.ge [sflag:s4], $0x0  }
0x19: {  	s7 =	sld [smem:$0x3F7D]  }
0x1a: {  	s8 =	sadd.s32 $0xFFFFE003, lr  }
0x1b: {  	s9 =	sadd.s32 $0xFFFFFEF7, lr;
	s5 =	simm.s32 $0xFFFFFFFF;
	p2 =	slt.u32 s8, $0xFFFFF086  }
0x1c: {  	p1 =	slt.u32 s9, $0xF7A;
	s5 =	simm.s32 @!p2 $0x0  }
0x1d: {  	s5 =	simm.s32 @p1 $0x1;
	p0 =	seq.s32 s7, s2  }
0x1e: {  	s7 =	smul.u32 @!p0 $0xF7A, s2;
	p2 =	seq.s32 @!p0 s5, $0x0  }
0x1f: {  	s9 =	smul.u32 $0xF7A, s1;
	s8 =	simm.s32 @!p0 $0x1BF5;
	p2 =	por !p2, p0  }
0x20: {  	[sflag:s8] =	ssyncset.s32 @!p0 $0xFFFFF086;
	s6 =	sadd.s32 @!p0 s3, s7;
	s7 =	simm.s32 @!p0 $0x108  }
0x21: {  	s3 =	sadd.s32 s3, s9;
	s6 =	sadd.s32 @!p0 $0x88, s6;
	s7 =	simm.s32 @p2 $0x1082  }
0x22: {  	[simem:s7], [sflag:s8] =	dma.local @!p0 [hbm:s6], $0xF7A  }
0x23: {  	s9 =	sor.u32 $0xD0000000, s2;
	s6 =	simm.s32 $0x108;
	_ =	swait.ge @!p0 [sflag:s8], $0x0  }
0x24: {  	s3 =	sadd.s32 $0x88, s3;
	s6 =	simm.s32 @!p1 $0x1082;
	[sflag:s4] =	ssyncset.s32 $0xFFFFF086  }
0x25: {  	[simem:s6], [sflag:s4] =	dma.local [hbm:s3], $0xF7A  }
0x26: {  	[smem:$0x3F7D] =	sst s1;
	(tag) =	ssettag s2;
	_ =	strace s9  }
0x27: {  	s1 =	sld [smem:$0x3F8D]  }
0x28: {  	s2 =	sld [smem:$0x3F8E]  }
0x29: {  	s4 =	sld [smem:$0x3F90]  }
0x2a: {  	p0 =	seq.s32 s5, $0x0;
	s5 =	sld [smem:$0x3F91]  }
0x2b: {  	s6 =	sld [smem:$0x3F92]  }
0x2c: {  	s7 =	sld [smem:$0x3F93]  }
0x2d: {  	s3 =	simm.s32 $0x108;
	s8 =	sld [smem:$0x3F94]  }
0x2e: {  	s3 =	simm.s32 @!p0 $0x1082;
	s9 =	sld [smem:$0x3F95]  }
0x2f: {  	lr =	sadd.s32 s0, s3;
	s0 =	sld [smem:$0x3F8C]  }
0x30: {  	s3 =	sld [smem:$0x3F8F]  }
0x31: {  	[smem:$0x3F98] =	sst s10  }
0x32: {  	s10 =	sld [smem:$0x3F96];
	_ =	sdelay $0x3  }
0x33: {  	p0 =	seq.s32 s10, $0x1;
	s10 =	sld [smem:$0x3F98];
	_ =	sdelay $0x3  }
0x34: {  	[smem:$0x3F98] =	sst s10  }
0x35: {  	s10 =	sld [smem:$0x3F97];
	_ =	sdelay $0x3  }
0x36: {  	p1 =	seq.s32 s10, $0x1;
	s10 =	sld [smem:$0x3F98];
	_ =	sdelay $0x3  }
0x37: {  	[smem:$0x3F98] =	sst s10  }
0x38: {  	s10 =	sld [smem:$0x3F99]  }
0x39: {  	_ = 	snop;
	(pc) =	sbr.ind lr, $3  }
0x3a: {  	_ = 	snop  }
0x3b: {  	_ = 	snop  }
0x3c: {  	p2 =	seq.s32 s10, $0x1;
	s10 =	sld [smem:$0x3F98]  }
0x3d: {  	_ =	shalt  }
0x3e: {  	_ =	shalt  }
0x3f: {  	_ =	shalt  }
0x40: {  	_ =	shalt  }
0x41: {  	_ =	shalt  }
0x42: {  	_ =	shalt  }
0x43: {  	_ =	shalt  }
0x44: {  	_ =	shalt  }
0x45: {  	_ =	shalt  }
0x46: {  	_ =	shalt  }
0x47: {  	_ =	shalt  }
0x48: {  	_ =	shalt  }
0x49: {  	_ =	shalt  }
0x4a: {  	_ =	shalt  }
0x4b: {  	_ =	shalt  }
0x4c: {  	_ =	shalt  }
0x4d: {  	_ =	shalt  }
0x4e: {  	_ =	shalt  }
0x4f: {  	_ =	shalt  }
0x50: {  	_ =	shalt  }
0x51: {  	_ =	shalt  }
0x52: {  	_ =	shalt  }
0x53: {  	_ =	shalt  }
0x54: {  	_ =	shalt  }
0x55: {  	_ =	shalt  }
0x56: {  	_ =	shalt  }
0x57: {  	_ =	shalt  }
0x58: {  	_ =	shalt  }
0x59: {  	_ =	shalt  }
0x5a: {  	_ =	shalt  }
0x5b: {  	_ =	shalt  }
0x5c: {  	_ =	shalt  }
0x5d: {  	_ =	shalt  }
0x5e: {  	_ =	shalt  }
0x5f: {  	_ =	shalt  }
0x60: {  	_ =	shalt  }
0x61: {  	_ =	shalt  }
0x62: {  	_ =	shalt  }
0x63: {  	_ =	shalt  }
0x64: {  	_ =	shalt  }
0x65: {  	_ =	shalt  }
0x66: {  	_ =	shalt  }
0x67: {  	_ =	shalt  }
0x68: {  	_ =	shalt  }
0x69: {  	_ =	shalt  }
0x6a: {  	_ =	shalt  }
0x6b: {  	_ =	shalt  }
0x6c: {  	_ =	shalt  }
0x6d: {  	_ =	shalt  }
0x6e: {  	_ =	shalt  }
0x6f: {  	_ =	shalt  }
0x70: {  	_ =	shalt  }
0x71: {  	_ =	shalt  }
0x72: {  	_ =	shalt  }
0x73: {  	_ =	shalt  }
0x74: {  	_ =	shalt  }
0x75: {  	_ =	shalt  }
0x76: {  	_ =	shalt  }
0x77: {  	_ =	shalt  }
0x78: {  	_ =	shalt  }
0x79: {  	_ =	shalt  }
0x7a: {  	_ =	shalt  }
0x7b: {  	_ =	shalt  }
0x7c: {  	_ =	shalt  }
0x7d: {  	_ =	shalt  }
0x7e: {  	_ =	shalt  }
0x7f: {  	_ =	shalt  }
0x80: {  	_ =	shalt  }
0x81: {  	_ =	shalt  }
0x82: {  	_ =	shalt  }
0x83: {  	_ =	shalt  }
0x84: {  	_ =	shalt  }
0x85: {  	_ =	shalt  }
0x86: {  	_ =	shalt  }
0x87: {  	_ =	shalt  }
.Lfunc_end0:
.L_simem_size_0:
called_computation.4_lowered:
.L_overlay_start_0:
0x88: {  	s2 =	sld [smem:$0x3FD9]  }
0x89: {  	s3 =	sld [smem:$0x3FFE];
	_ =	sdelay $0x1  }
0x8a: {  	s1 =	srdreg.scid  }
0x8b: {  	s0 =	sand.u32 $0x1, s1  }
0x8c: {  	s17 =	sshll.u32 s0, $0xA;
	s2 =	sadd.s32 s3, s2  }
0x8d: {  	s2 =	sadd.s32 s2, s17  }
0x8e: {  	[smem:$0x3FA4] =	sst s2  }
0x8f: {  	_ = 	snop  }
0x90: {  	s18 =	sld [smem:$0x3FD0];
	(tm) =	ssettm $0x1  }
0x91: {  	s19 =	sld [smem:$0x3FFB];
	_ =	sdelay $0x3  }
0x92: {  	_ =	strace s19  }
0x93: {  	s2 =	sld [smem:$0x3FFC];
	_ =	sdelay $0x3  }
0x94: {  	_ =	strace s2  }
0x95: {  	s2 =	sld [smem:$0x3FFD];
	_ =	sdelay $0x3  }
0x96: {  	_ =	strace s2  }
0x97: {  	_ =	strace $0x8FFFFFFF  }
0x98: {  	s20 =	sld [smem:$0x3FDB];
	_ =	sdelay $0x1  }
0x99: {  	s4 =	simm.s32 $_scs_section_size  }
0x9a: {  	s5 =	simm.s32 $_size__tile_overlayer_lowered;
	s6 =	simm.s32 $_tile_overlayer_lowered  }
0x9b: {  	s7 =	simm.s32 $0x1BFF;
	s21 =	sshll.u32 s6, $0x1;
	s4 =	sadd.s32 s4, s20  }
0x9c: {  	s22 =	simm.s32 $0x0;
	s5 =	sshll.u32 s5, $0x1;
	s6 =	sadd.s32 s21, s4  }
0x9d: {  	[timem:s22], [sflag:s7] =	dma.local [hbm:s6], s5  }
0x9e: {  	_ =	swait.ge [sflag:s7], s5  }
0x9f: {  	s5 =	ssub.s32 $0x0, s5;
	[sflag:s7] =	ssyncset.done $0x0  }
0xa0: {  	[sflag:s7] =	ssyncadd.s32 s5;
	_ =	sdelay $0x1  }
0xa1: {  	s23 =	simm.s32 $0x1B8B  }
0xa2: {  	_ =	swait.ge [sflag:s23], $0x1  }
0xa3: {  	[sflag:s23] =	ssyncset.done $0x0  }
0xa4: {  	[sflag:s23] =	ssyncadd.s32 $0xFFFFFFFF  }
0xa5: {  	s5 =	sld [smem:$0x0]  }
0xa6: {  	s6 =	sand.u32 $0xFFFFFFFE, s1  }
0xa7: {  	p0 =	sne.s32 s1, s6  }
0xa8: {  	s6 =	sshll.u32 @p0 s6, $0xE  }
0xa9: {  	s6 =	sadd.s32 @p0 $0x11B8D, s6;
	s7 =	sshll.u32 @p0 s5, $0x11  }
0xaa: {  	s6 =	sor.u32 @p0 s7, s6  }
0xab: {  	[sflag:s6] =	ssyncadd.remote.s32 @p0 $0x1;
	_ =	sdelay $0x1  }
0xac: {  	s6 =	simm.s32 @p0 $0x1B8D  }
0xad: {  	_ =	swait.eq @p0 [sflag:s6], $0x1  }
0xae: {  	[sflag:s6] =	ssyncadd.s32 @p0 $0xFFFFFFFF  }
0xaf: {  	s7 =	sshll.u32 @!p0 s1, $0xE  }
0xb0: {  	s7 =	sor.u32 @!p0 $0x4000, s7;
	s6 =	simm.s32 @!p0 $0x1B8D  }
0xb1: {  	s5 =	sshll.u32 @!p0 s5, $0x11;
	s7 =	sadd.s32 @!p0 $0x11B8D, s7;
	_ =	swait.eq @!p0 [sflag:s6], $0x1  }
0xb2: {  	s5 =	sor.u32 @!p0 s5, s7;
	[sflag:s6] =	ssyncadd.s32 @!p0 $0xFFFFFFFF  }
0xb3: {  	s25 =	simm.s32 $0x1B8E;
	s24 =	sld [smem:$0x3FFE];
	[sflag:s5] =	ssyncadd.remote.s32 @!p0 $0x1  }
0xb4: {  	s26 =	simm.s32 $execute0_lowered;
	[smem:$0x3FD2] =	sst s25  }
0xb5: {  	s6 =	sshll.u32 s26, $0x1;
	_ =	strace $0x80000055;
	[dreg:$0x1] =	wrdreg $0xFFFFFFFF  }
0xb6: {  	s28 =	simm.s32 $_size_execute0_lowered;
	s4 =	sadd.s32 s4, s6;
	[dreg:$0x0] =	wrdreg $0x0  }
0xb7: {  	s6 =	sshll.u32 s28, $0x1;
	[dreg:$0x2] =	wrdreg s4  }
0xb8: {  	[dreg:$0x3] =	wrdreg s6  }
0xb9: {  	[dreg:$0x4] =	wrdreg $0xC0  }
0xba: {  	_ =	task [dreg:s22], $0x5FFFF  }
0xbb: {  	[dreg:$0x1] =	wrdreg $0xFFFFFFFF  }
0xbc: {  	[dreg:$0x0] =	wrdreg $0x60  }
0xbd: {  	[dreg:$0x2] =	wrdreg s24  }
0xbe: {  	[dreg:$0x3] =	wrdreg s18  }
0xbf: {  	[dreg:$0x4] =	wrdreg $0x82000  }
0xc0: {  	[dreg:$0x5] =	wrdreg $0x9  }
0xc1: {  	_ =	task.clear_ibuf [dreg:s22], $0x6FFFF;
	_ =	strace $0x90000055  }
0xc2: {  	s29 =	simm.s32 $0x9;
	_ =	strace $0x80000057  }
0xc3: {  	_ =	swait.ge [sflag:s29], $0x1  }
0xc4: {  	[sflag:s29] =	ssyncadd.s32 $0xFFFFFFFF  }
0xc5: {  	_ =	strace $0x90000057  }
0xc6: {  	_ =	sfence  }
0xc7: {  	s30 =	sld [smem:$0x0];
	_ =	sdelay $0x2  }
0xc8: {  	s31 =	sshll.u32 s1, $0xD;
	s1 =	sshrl.u32 s1, $0x2  }
0xc9: {  	s4 =	sand.u32 $0x4000, s31;
	s1 =	sadd.s32 s1, s30  }
0xca: {  	s0 =	sor.u32 s4, s0;
	s1 =	sshll.u32 s1, $0x11  }
0xcb: {  	s0 =	sor.u32 s1, s0  }
0xcc: {  	s0 =	sadd.s32 $0x8F2B, s0  }
0xcd: {  	[sflag:s0] =	ssyncadd.remote.s32 $0x1  }
0xce: {  	_ =	sfence.sel $0xFFFF  }
0xcf: {  	[dreg:$0x0] =	wrdreg $0xFFFFFFFF;
	(pc) =	sbr.abs _section_cstart, $3  }
0xd0: {  	[dreg:$0x1] =	wrdreg $0xFFFFFFFF  }
0xd1: {  	_ =	task.clear_ibuf [dreg:s22], $0x2FFFF;
	_ =	strace $0x9FFFFFFF  }
0xd2: {  	(tm) =	ssettm $0x7FFFFFFF  }
0xd3: {  	_ =	shalt  }
tec
execute0_lowered:
.L_overlay_start_1:
0x0: {  	(tag) =	ssettag $0x1  }
0x1: {  	s8 =	rddreg [dreg:$0x0]  }
0x2: {  	s1 =	rddreg [dreg:$0x1]  }
0x3: {  	s2 =	rddreg [dreg:$0x2]  }
0x4: {  	s3 =	srdreg.scid;
	s0 =	rddreg [dreg:$0x3];
	s4 =	simm.s32 $0x0  }
0x5: {  	s16 =	simm.s32 $0x200;
	s17 =	simm.s32 $0x3;
	s18 =	simm.s32 $0x80  }
0x6: {  	s19 =	simm.s32 $0x100;
	s20 =	simm.s32 $0x180;
	s21 =	simm.s32 $0x1  }
0x7: {  	s22 =	simm.s32 $0x4200;
	s23 =	simm.s32 $0x2;
	s9 =	sand.u32 $0x1, s3  }
0x8: {  	s26 =	simm.s32 $0x0;
	s3 =	stileid.u32;
	s6 =	smul.u32 $0x140000, s9  }
0x9: {  	[smem:$0x7FF] =	sst s4;
	s5 =	sadd.s32 $0x8B200, s8;
	s7 =	smul.u32 $0x14000, s3  }
0xa: {  	_ =	strace $0x80000056;
	s11 =	smul.u32 $0x50000, s3;
	s29 =	ssub.s32 $0x2, s9  }
0xb: {  	s12 =	sshll.u32 s3, $0x1;
	s24 =	sshll.u32 s3, $0x6;
	s31 =	sshrl.u32 s29, $0x1  }
0xc: {  	s13 =	sor.u32 s9, s12;
	s24 =	sor.u32 $0x1C03, s24;
	s10 =	sadd.s32 s7, s6  }
0xd: {  	s6 =	sadd.s32 $0x8A00, s8;
	s7 =	sadd.s32 $0x12A00, s8;
	s30 =	sshrl.u32 s11, $0x2  }
0xe: {  	s15 =	ssub.s32 s29, s31;
	s13 =	smul.u32 $0x2800, s13;
	s10 =	sshrl.u32 s10, $0x3  }
0xf: {  	s15 =	smax.u32 s15, $0x1;
	s14 =	sadd.s32 s10, s8;
	s8 =	sadd.s32 s30, s2  }
0x10: {  	s9 =	sadd.s32 $0x4000, s8;
	s10 =	sadd.s32 $0x8000, s8;
	s11 =	sadd.s32 $0xC000, s8  }
0x11: {  	s12 =	sadd.s32 $0x10000, s8;
	s14 =	sadd.s32 $0x103200, s14;
	s25 =	sshrl.u32 s8, $0x3  }
.LBB2_1:
0x12: {  	[tilespmem:s16], [sflag:$0x3] =	stream.linear.gather [hbm4b:s7+s4], $0x4000, $0x38;
	[tilespmem:$0x1C200] =	vst v63  }
0x13: {  	_ =	swait.ge [sflag:s17], $0x4000  }
0x14: {  	[sflag:s17] =	ssyncset.done $0x0  }
0x15: {  	[sflag:s17] =	ssyncadd.s32 $0xFFFFC000  }
0x16: {  	[spmem:s8] =	stream.linear.scatter [tilespmem:s16], [sflag:$0x3], $0x4000, $0x38;
	[tilespmem:$0x1C200] =	vst v63  }
0x17: {  	_ =	swait.ge [sflag:s17], $0x4000  }
0x18: {  	[sflag:s17] =	ssyncset.done $0x0  }
0x19: {  	[sflag:s17] =	ssyncadd.s32 $0xFFFFC000  }
0x1a: {  	[spmem:s9] =	stream.linear.scatter [tilespmem:s16], [sflag:$0x3], $0x4000, $0x38;
	[tilespmem:$0x1C200] =	vst v63  }
0x1b: {  	_ =	swait.ge [sflag:s17], $0x4000  }
0x1c: {  	[sflag:s17] =	ssyncset.done $0x0  }
0x1d: {  	[sflag:s17] =	ssyncadd.s32 $0xFFFFC000  }
0x1e: {  	[spmem:s10] =	stream.linear.scatter [tilespmem:s16], [sflag:$0x3], $0x4000, $0x38;
	[tilespmem:$0x1C200] =	vst v63  }
0x1f: {  	_ =	swait.ge [sflag:s17], $0x4000  }
0x20: {  	[sflag:s17] =	ssyncset.done $0x0  }
0x21: {  	[sflag:s17] =	ssyncadd.s32 $0xFFFFC000  }
0x22: {  	[spmem:s11] =	stream.linear.scatter [tilespmem:s16], [sflag:$0x3], $0x4000, $0x38;
	[tilespmem:$0x1C200] =	vst v63  }
0x23: {  	_ =	swait.ge [sflag:s17], $0x4000  }
0x24: {  	[sflag:s17] =	ssyncset.done $0x0  }
0x25: {  	s28 =	sand.u32 $0x3C00, s4;
	[sflag:s17] =	ssyncadd.s32 $0xFFFFC000  }
0x26: {  	[spmem:s12] =	stream.linear.scatter [tilespmem:s16], [sflag:$0x3], $0x4000, $0x38;
	[tilespmem:$0x1C200] =	vst v63  }
0x27: {  	s29 =	sand.u32 $0x300, s4;
	s28 =	sadd.s32 s13, s28;
	_ =	swait.ge [sflag:s17], $0x4000  }
0x28: {  	s28 =	sor.u32 s29, s28;
	[sflag:s17] =	ssyncset.done $0x0  }
0x29: {  	s28 =	sshrl.u32 s28, $0x3;
	[sflag:s17] =	ssyncadd.s32 $0xFFFFC000  }
0x2a: {  	s31 =	sadd.s32 s6, s28;
	[bflag:$0x0] =	sbarrier.arrive $0xFFFF  }
0x2b: {  	[tilespmem:s4], [sflag:$0x3] =	stream.linear.gather [hbm4b:s31+s4], $0x80, $0x38;
	[tilespmem:$0x1C200] =	vst v63  }
0x2c: {  	_ =	swait.ge [sflag:s17], $0x80  }
0x2d: {  	[sflag:s17] =	ssyncset.done $0x0  }
0x2e: {  	s31 =	sadd.s32 s1, s28;
	[sflag:s17] =	ssyncadd.s32 $0xFFFFFF80  }
0x2f: {  	[tilespmem:s18], [sflag:$0x3] =	stream.linear.gather [hbm4b:s31+s4], $0x80, $0x38;
	[tilespmem:$0x1C200] =	vst v63  }
0x30: {  	_ =	swait.ge [sflag:s17], $0x80  }
0x31: {  	[sflag:s17] =	ssyncset.done $0x0  }
0x32: {  	s28 =	sor.u32 $0x10, s28;
	[sflag:s17] =	ssyncadd.s32 $0xFFFFFF80  }
0x33: {  	[tilespmem:s16], [sflag:$0x1] =	stream.indirect.gather [hbm4b:s5+s18], $0x80, s4, s18, $0xb8;
	[tilespmem:$0x1C200] =	vst v63  }
0x34: {  	s31 =	sadd.s32 s6, s28  }
0x35: {  	[tilespmem:s19], [sflag:$0x3] =	stream.linear.gather [hbm4b:s31+s4], $0x80, $0x38;
	[tilespmem:$0x1C200] =	vst v63  }
0x36: {  	_ =	swait.ge [sflag:s17], $0x80  }
0x37: {  	[sflag:s17] =	ssyncset.done $0x0  }
0x38: {  	s28 =	sadd.s32 s1, s28;
	[sflag:s17] =	ssyncadd.s32 $0xFFFFFF80  }
0x39: {  	[tilespmem:s20], [sflag:$0x3] =	stream.linear.gather [hbm4b:s28+s4], $0x80, $0x38;
	[tilespmem:$0x1C200] =	vst v63  }
0x3a: {  	_ =	swait.ge [sflag:s17], $0x80  }
0x3b: {  	[sflag:s17] =	ssyncset.done $0x0  }
0x3c: {  	[sflag:s17] =	ssyncadd.s32 $0xFFFFFF80  }
0x3d: {  	_ =	swait.ge [sflag:s21], $0x4000  }
0x3e: {  	[sflag:s21] =	ssyncset.done $0x0  }
0x3f: {  	[sflag:s21] =	ssyncadd.s32 $0xFFFFC000  }
0x40: {  	[tilespmem:s22], [sflag:$0x2] =	stream.indirect.gather [hbm4b:s5+s18], $0x80, s19, s18, $0xb8;
	[tilespmem:$0x1C200] =	vst v63  }
0x41: {  	_ = 	snop  }
0x42: {  	[spmem:s2] =	stream.indirect.scatter.add.f32 [tilespmem:s16], [sflag:$0x3], $0x80, s18, s18, $0xb8;
	[tilespmem:$0x1C200] =	vst v63  }
0x43: {  	_ =	swait.ge [sflag:s17], $0x4000  }
0x44: {  	s28 =	simm.s32 $0x100;
	[sflag:s17] =	ssyncset.done $0x0  }
0x45: {  	s31 =	sand.u32 $0x3C00, s28;
	[sflag:s17] =	ssyncadd.s32 $0xFFFFC000  }
0x46: {  	s28 =	sand.u32 $0x300, s28;
	s29 =	sadd.s32 s13, s31;
	_ =	swait.ge [sflag:s23], $0x4000  }
0x47: {  	s29 =	sor.u32 s28, s29;
	[sflag:s23] =	ssyncset.done $0x0  }
0x48: {  	s28 =	simm.s32 $0x200;
	s30 =	sshrl.u32 s29, $0x3;
	[sflag:s23] =	ssyncadd.s32 $0xFFFFC000  }
.LBB2_2:
0x49: {  	[spmem:s2] =	stream.indirect.scatter.add.f32 [tilespmem:s22], [sflag:$0x3], $0x80, s20, s18, $0xb8;
	[tilespmem:$0x1C200] =	vst v63  }
0x4a: {  	s29 =	smov.u32 s28  }
0x4b: {  	p0 =	sne.s32 s28, $0x2700;
	s28 =	sadd.s32 $0x100, s28;
	_ =	swait.ge [sflag:s17], $0x4000  }
0x4c: {  	[sflag:s17] =	ssyncset.done $0x0  }
0x4d: {  	s31 =	sadd.s32 s6, s30;
	[sflag:s17] =	ssyncadd.s32 $0xFFFFC000  }
0x4e: {  	[tilespmem:s4], [sflag:$0x3] =	stream.linear.gather [hbm4b:s31+s4], $0x80, $0x38;
	[tilespmem:$0x1C200] =	vst v63  }
0x4f: {  	_ =	swait.ge [sflag:s17], $0x80  }
0x50: {  	[sflag:s17] =	ssyncset.done $0x0  }
0x51: {  	s31 =	sadd.s32 s1, s30;
	[sflag:s17] =	ssyncadd.s32 $0xFFFFFF80  }
0x52: {  	[tilespmem:s18], [sflag:$0x3] =	stream.linear.gather [hbm4b:s31+s4], $0x80, $0x38;
	[tilespmem:$0x1C200] =	vst v63  }
0x53: {  	_ =	swait.ge [sflag:s17], $0x80  }
0x54: {  	[sflag:s17] =	ssyncset.done $0x0  }
0x55: {  	s30 =	sor.u32 $0x10, s30;
	[sflag:s17] =	ssyncadd.s32 $0xFFFFFF80  }
0x56: {  	[tilespmem:s16], [sflag:$0x1] =	stream.indirect.gather [hbm4b:s5+s18], $0x80, s4, s18, $0xb8;
	[tilespmem:$0x1C200] =	vst v63  }
0x57: {  	s31 =	sadd.s32 s6, s30  }
0x58: {  	[tilespmem:s19], [sflag:$0x3] =	stream.linear.gather [hbm4b:s31+s4], $0x80, $0x38;
	[tilespmem:$0x1C200] =	vst v63  }
0x59: {  	_ =	swait.ge [sflag:s17], $0x80  }
0x5a: {  	[sflag:s17] =	ssyncset.done $0x0  }
0x5b: {  	s30 =	sadd.s32 s1, s30;
	[sflag:s17] =	ssyncadd.s32 $0xFFFFFF80  }
0x5c: {  	[tilespmem:s20], [sflag:$0x3] =	stream.linear.gather [hbm4b:s30+s4], $0x80, $0x38;
	[tilespmem:$0x1C200] =	vst v63  }
0x5d: {  	_ =	swait.ge [sflag:s17], $0x80  }
0x5e: {  	[sflag:s17] =	ssyncset.done $0x0  }
0x5f: {  	[sflag:s17] =	ssyncadd.s32 $0xFFFFFF80  }
0x60: {  	_ =	swait.ge [sflag:s21], $0x4000  }
0x61: {  	[sflag:s21] =	ssyncset.done $0x0  }
0x62: {  	[sflag:s21] =	ssyncadd.s32 $0xFFFFC000  }
0x63: {  	[tilespmem:s22], [sflag:$0x2] =	stream.indirect.gather [hbm4b:s5+s18], $0x80, s19, s18, $0xb8;
	[tilespmem:$0x1C200] =	vst v63  }
0x64: {  	_ = 	snop  }
0x65: {  	[spmem:s2] =	stream.indirect.scatter.add.f32 [tilespmem:s16], [sflag:$0x3], $0x80, s18, s18, $0xb8;
	[tilespmem:$0x1C200] =	vst v63  }
0x66: {  	_ =	swait.ge [sflag:s17], $0x4000  }
.Ltmp0:
0x67: {  	[sflag:s17] =	ssyncset.done $0x0;
	(pc) =	sbr.rel @p0 .LBB2_2-.Ltmp0, $4  }
0x68: {  	s30 =	sand.u32 $0x3C00, s29;
	[sflag:s17] =	ssyncadd.s32 $0xFFFFC000  }
0x69: {  	s29 =	sand.u32 $0x300, s29;
	s30 =	sadd.s32 s13, s30;
	_ =	swait.ge [sflag:s23], $0x4000  }
0x6a: {  	s29 =	sor.u32 s29, s30;
	[sflag:s23] =	ssyncset.done $0x0  }
0x6b: {  	s30 =	sshrl.u32 s29, $0x3;
	[sflag:s23] =	ssyncadd.s32 $0xFFFFC000  }
0x6c: {  	[spmem:s2] =	stream.indirect.scatter.add.f32 [tilespmem:s22], [sflag:$0x3], $0x80, s20, s18, $0xb8;
	[tilespmem:$0x1C200] =	vst v63  }
0x6d: {  	_ =	swait.ge [sflag:s17], $0x4000  }
0x6e: {  	[sflag:s17] =	ssyncset.done $0x0  }
0x6f: {  	s28 =	sadd.s32 s6, s30;
	[sflag:s17] =	ssyncadd.s32 $0xFFFFC000  }
0x70: {  	[tilespmem:s4], [sflag:$0x3] =	stream.linear.gather [hbm4b:s28+s4], $0x80, $0x38;
	[tilespmem:$0x1C200] =	vst v63  }
0x71: {  	_ =	swait.ge [sflag:s17], $0x80  }
0x72: {  	[sflag:s17] =	ssyncset.done $0x0  }
0x73: {  	s29 =	sadd.s32 s1, s30;
	[sflag:s17] =	ssyncadd.s32 $0xFFFFFF80  }
0x74: {  	[tilespmem:s18], [sflag:$0x3] =	stream.linear.gather [hbm4b:s29+s4], $0x80, $0x38;
	[tilespmem:$0x1C200] =	vst v63  }
0x75: {  	_ =	swait.ge [sflag:s17], $0x80  }
0x76: {  	[sflag:s17] =	ssyncset.done $0x0  }
0x77: {  	s31 =	sor.u32 $0x10, s30;
	[sflag:s17] =	ssyncadd.s32 $0xFFFFFF80  }
0x78: {  	[tilespmem:s16], [sflag:$0x1] =	stream.indirect.gather [hbm4b:s5+s18], $0x80, s4, s18, $0xb8;
	[tilespmem:$0x1C200] =	vst v63  }
0x79: {  	s29 =	sadd.s32 s6, s31  }
0x7a: {  	[tilespmem:s19], [sflag:$0x3] =	stream.linear.gather [hbm4b:s29+s4], $0x80, $0x38;
	[tilespmem:$0x1C200] =	vst v63  }
0x7b: {  	_ =	swait.ge [sflag:s17], $0x80  }
0x7c: {  	[sflag:s17] =	ssyncset.done $0x0  }
0x7d: {  	s28 =	sadd.s32 s1, s31;
	[sflag:s17] =	ssyncadd.s32 $0xFFFFFF80  }
0x7e: {  	[tilespmem:s20], [sflag:$0x3] =	stream.linear.gather [hbm4b:s28+s4], $0x80, $0x38;
	[tilespmem:$0x1C200] =	vst v63  }
0x7f: {  	_ =	swait.ge [sflag:s17], $0x80  }
0x80: {  	[sflag:s17] =	ssyncset.done $0x0  }
0x81: {  	[sflag:s17] =	ssyncadd.s32 $0xFFFFFF80  }
0x82: {  	_ =	swait.ge [sflag:s21], $0x4000  }
0x83: {  	[sflag:s21] =	ssyncset.done $0x0  }
0x84: {  	[sflag:s21] =	ssyncadd.s32 $0xFFFFC000  }
0x85: {  	[tilespmem:s22], [sflag:$0x2] =	stream.indirect.gather [hbm4b:s5+s18], $0x80, s19, s18, $0xb8;
	[tilespmem:$0x1C200] =	vst v63  }
0x86: {  	_ = 	snop  }
0x87: {  	[spmem:s2] =	stream.indirect.scatter.add.f32 [tilespmem:s16], [sflag:$0x3], $0x80, s18, s18, $0xb8;
	[tilespmem:$0x1C200] =	vst v63  }
0x88: {  	_ =	swait.ge [sflag:s17], $0x4000  }
0x89: {  	[sflag:s17] =	ssyncset.done $0x0  }
0x8a: {  	[sflag:s17] =	ssyncadd.s32 $0xFFFFC000  }
0x8b: {  	_ =	swait.ge [sflag:s23], $0x4000  }
0x8c: {  	[sflag:s23] =	ssyncset.done $0x0  }
0x8d: {  	[sflag:s23] =	ssyncadd.s32 $0xFFFFC000  }
0x8e: {  	[spmem:s2] =	stream.indirect.scatter.add.f32 [tilespmem:s22], [sflag:$0x3], $0x80, s20, s18, $0xb8;
	[tilespmem:$0x1C200] =	vst v63  }
0x8f: {  	_ =	swait.ge [sflag:s17], $0x4000  }
0x90: {  	s26 =	sadd.s32 $0x1, s26;
	[sflag:s17] =	ssyncset.done $0x0  }
0x91: {  	p0 =	sne.s32 s26, s15;
	[sflag:s17] =	ssyncadd.s32 $0xFFFFC000  }
.Ltmp1:
0x92: {  	[bflag:$0x0] =	sbarrier.arrive $0xFFFF;
	(pc) =	sbr.rel @p0 .LBB2_1-.Ltmp1, $4  }
0x93: {  	[hbm:s14], [sflag:s24] =	dma.local [spmem:s25], $0x2800  }
0x94: {  	_ =	swait.ge [sflag:s17], $0x2800  }
0x95: {  	[sflag:s17] =	ssyncset.done $0x0  }
0x96: {  	[sflag:s17] =	ssyncadd.s32 $0xFFFFD800  }
0x97: {  	_ =	sfence.sel $0x180000  }
0x98: {  	[bflag:$0x0] =	sbarrier.arrive $0xFFFF  }
0x99: {  	p0 =	sne.s32 s3, $0x0;
	_ =	strace $0x90000056  }
0x9a: {  	s0 =	sadd.s32 @!p0 $0x100000, s0;
	[bflag:$0x2] =	sbarrier.arrive $0xFFFF  }
0x9b: {  	[sflag:s0] =	ssyncadd.tile.s32 @!p0 $0x1;
	_ =	shalt  }
.Lfunc_end2:
_tile_overlayer_lowered:
.L_overlay_start_2:
0x9c: {  	(tag) =	ssettag $0x2  }
0x9d: {  	s0 =	rddreg [dreg:$0x0];
	s2 =	stileid.u32  }
0x9e: {  	s1 =	rddreg [dreg:$0x1];
	p0 =	sne.s32 s2, $0x0  }
0x9f: {  	s3 =	rddreg [dreg:$0x2];
	[bflag:$0x3] =	sbarrier.arrive $0xFFFF;
	s2 =	simm.s32 @!p0 $0x1C03  }
0xa0: {  	[timem:s3], [sflag:s2] =	dma.local @!p0 [hbm:s0], s1  }
0xa1: {  	s0 =	simm.s32 @!p0 $0x3  }
0xa2: {  	_ =	swait.ge @!p0 [sflag:s0], s1  }
0xa3: {  	s1 =	ssub.s32 @!p0 $0x0, s1;
	[sflag:s0] =	ssyncset.done @!p0 $0x0  }
0xa4: {  	[sflag:s0] =	ssyncadd.s32 @!p0 s1  }
0xa5: {  	[bflag:$0x3] =	sbarrier.arrive $0xFFFF  }
0xa6: {  	_ =	shalt  }

// kernel: kernel.34.cloned.1.call-start
scs
__scs_entry_jumppad:
0x0: {  	(pc) =	sbr.rel $0x88, $3  }
0x1: {  	(tag) =	ssettag $0x0;
	lr =	simm.s32 $0x1  }
0x2: {  	[smem:$0x3F7D] =	sst lr;
	_ =	strace $0xD0000000  }
0x3: {  	_ = 	snop  }
0x4: {  	_ = 	snop  }
0x5: {  	_ = 	snop  }
0x6: {  	_ = 	snop  }
0x7: {  	_ = 	snop  }
__scs_overlays_trampoline_lowered:
0x8: {  	[smem:$0x3F8C] =	sst s0  }
0x9: {  	[smem:$0x3F8D] =	sst s1  }
0xa: {  	[smem:$0x3F8E] =	sst s2  }
0xb: {  	[smem:$0x3F8F] =	sst s3  }
0xc: {  	[smem:$0x3F90] =	sst s4  }
0xd: {  	[smem:$0x3F91] =	sst s5  }
0xe: {  	[smem:$0x3F92] =	sst s6  }
0xf: {  	[smem:$0x3F93] =	sst s7  }
0x10: {  	[smem:$0x3F94] =	sst s8  }
0x11: {  	[smem:$0x3F95] =	sst s9;
	s0 =	simm.s32 @!p0 $0x0  }
0x12: {  	s1 =	sld [smem:$0x3F7B];
	s0 =	simm.s32 @p0 $0x1  }
0x13: {  	[smem:$0x3F96] =	sst s0;
	s0 =	simm.s32 @!p1 $0x0  }
0x14: {  	s2 =	sld [smem:$0x3F7A];
	s0 =	simm.s32 @p1 $0x1  }
0x15: {  	[smem:$0x3F97] =	sst s0;
	s0 =	simm.s32 @!p2 $0x0  }
0x16: {  	s3 =	sld [smem:$0x3FDB];
	s0 =	simm.s32 @p2 $0x1  }
0x17: {  	s4 =	simm.s32 $0x1BF5;
	[smem:$0x3F99] =	sst s0  }
0x18: {  	s0 =	sld [smem:$0x3F7C];
	_ =	swait.ge [sflag:s4], $0x0  }
0x19: {  	s7 =	sld [smem:$0x3F7D]  }
0x1a: {  	s8 =	sadd.s32 $0xFFFFE003, lr  }
0x1b: {  	s9 =	sadd.s32 $0xFFFFFEF7, lr;
	s5 =	simm.s32 $0xFFFFFFFF;
	p2 =	slt.u32 s8, $0xFFFFF086  }
0x1c: {  	p1 =	slt.u32 s9, $0xF7A;
	s5 =	simm.s32 @!p2 $0x0  }
0x1d: {  	s5 =	simm.s32 @p1 $0x1;
	p0 =	seq.s32 s7, s2  }
0x1e: {  	s7 =	smul.u32 @!p0 $0xF7A, s2;
	p2 =	seq.s32 @!p0 s5, $0x0  }
0x1f: {  	s9 =	smul.u32 $0xF7A, s1;
	s8 =	simm.s32 @!p0 $0x1BF5;
	p2 =	por !p2, p0  }
0x20: {  	[sflag:s8] =	ssyncset.s32 @!p0 $0xFFFFF086;
	s6 =	sadd.s32 @!p0 s3, s7;
	s7 =	simm.s32 @!p0 $0x108  }
0x21: {  	s3 =	sadd.s32 s3, s9;
	s6 =	sadd.s32 @!p0 $0x88, s6;
	s7 =	simm.s32 @p2 $0x1082  }
0x22: {  	[simem:s7], [sflag:s8] =	dma.local @!p0 [hbm:s6], $0xF7A  }
0x23: {  	s9 =	sor.u32 $0xD0000000, s2;
	s6 =	simm.s32 $0x108;
	_ =	swait.ge @!p0 [sflag:s8], $0x0  }
0x24: {  	s3 =	sadd.s32 $0x88, s3;
	s6 =	simm.s32 @!p1 $0x1082;
	[sflag:s4] =	ssyncset.s32 $0xFFFFF086  }
0x25: {  	[simem:s6], [sflag:s4] =	dma.local [hbm:s3], $0xF7A  }
0x26: {  	[smem:$0x3F7D] =	sst s1;
	(tag) =	ssettag s2;
	_ =	strace s9  }
0x27: {  	s1 =	sld [smem:$0x3F8D]  }
0x28: {  	s2 =	sld [smem:$0x3F8E]  }
0x29: {  	s4 =	sld [smem:$0x3F90]  }
0x2a: {  	p0 =	seq.s32 s5, $0x0;
	s5 =	sld [smem:$0x3F91]  }
0x2b: {  	s6 =	sld [smem:$0x3F92]  }
0x2c: {  	s7 =	sld [smem:$0x3F93]  }
0x2d: {  	s3 =	simm.s32 $0x108;
	s8 =	sld [smem:$0x3F94]  }
0x2e: {  	s3 =	simm.s32 @!p0 $0x1082;
	s9 =	sld [smem:$0x3F95]  }
0x2f: {  	lr =	sadd.s32 s0, s3;
	s0 =	sld [smem:$0x3F8C]  }
0x30: {  	s3 =	sld [smem:$0x3F8F]  }
0x31: {  	[smem:$0x3F98] =	sst s10  }
0x32: {  	s10 =	sld [smem:$0x3F96];
	_ =	sdelay $0x3  }
0x33: {  	p0 =	seq.s32 s10, $0x1;
	s10 =	sld [smem:$0x3F98];
	_ =	sdelay $0x3  }
0x34: {  	[smem:$0x3F98] =	sst s10  }
0x35: {  	s10 =	sld [smem:$0x3F97];
	_ =	sdelay $0x3  }
0x36: {  	p1 =	seq.s32 s10, $0x1;
	s10 =	sld [smem:$0x3F98];
	_ =	sdelay $0x3  }
0x37: {  	[smem:$0x3F98] =	sst s10  }
0x38: {  	s10 =	sld [smem:$0x3F99]  }
0x39: {  	_ = 	snop;
	(pc) =	sbr.ind lr, $3  }
0x3a: {  	_ = 	snop  }
0x3b: {  	_ = 	snop  }
0x3c: {  	p2 =	seq.s32 s10, $0x1;
	s10 =	sld [smem:$0x3F98]  }
0x3d: {  	_ =	shalt  }
0x3e: {  	_ =	shalt  }
0x3f: {  	_ =	shalt  }
0x40: {  	_ =	shalt  }
0x41: {  	_ =	shalt  }
0x42: {  	_ =	shalt  }
0x43: {  	_ =	shalt  }
0x44: {  	_ =	shalt  }
0x45: {  	_ =	shalt  }
0x46: {  	_ =	shalt  }
0x47: {  	_ =	shalt  }
0x48: {  	_ =	shalt  }
0x49: {  	_ =	shalt  }
0x4a: {  	_ =	shalt  }
0x4b: {  	_ =	shalt  }
0x4c: {  	_ =	shalt  }
0x4d: {  	_ =	shalt  }
0x4e: {  	_ =	shalt  }
0x4f: {  	_ =	shalt  }
0x50: {  	_ =	shalt  }
0x51: {  	_ =	shalt  }
0x52: {  	_ =	shalt  }
0x53: {  	_ =	shalt  }
0x54: {  	_ =	shalt  }
0x55: {  	_ =	shalt  }
0x56: {  	_ =	shalt  }
0x57: {  	_ =	shalt  }
0x58: {  	_ =	shalt  }
0x59: {  	_ =	shalt  }
0x5a: {  	_ =	shalt  }
0x5b: {  	_ =	shalt  }
0x5c: {  	_ =	shalt  }
0x5d: {  	_ =	shalt  }
0x5e: {  	_ =	shalt  }
0x5f: {  	_ =	shalt  }
0x60: {  	_ =	shalt  }
0x61: {  	_ =	shalt  }
0x62: {  	_ =	shalt  }
0x63: {  	_ =	shalt  }
0x64: {  	_ =	shalt  }
0x65: {  	_ =	shalt  }
0x66: {  	_ =	shalt  }
0x67: {  	_ =	shalt  }
0x68: {  	_ =	shalt  }
0x69: {  	_ =	shalt  }
0x6a: {  	_ =	shalt  }
0x6b: {  	_ =	shalt  }
0x6c: {  	_ =	shalt  }
0x6d: {  	_ =	shalt  }
0x6e: {  	_ =	shalt  }
0x6f: {  	_ =	shalt  }
0x70: {  	_ =	shalt  }
0x71: {  	_ =	shalt  }
0x72: {  	_ =	shalt  }
0x73: {  	_ =	shalt  }
0x74: {  	_ =	shalt  }
0x75: {  	_ =	shalt  }
0x76: {  	_ =	shalt  }
0x77: {  	_ =	shalt  }
0x78: {  	_ =	shalt  }
0x79: {  	_ =	shalt  }
0x7a: {  	_ =	shalt  }
0x7b: {  	_ =	shalt  }
0x7c: {  	_ =	shalt  }
0x7d: {  	_ =	shalt  }
0x7e: {  	_ =	shalt  }
0x7f: {  	_ =	shalt  }
0x80: {  	_ =	shalt  }
0x81: {  	_ =	shalt  }
0x82: {  	_ =	shalt  }
0x83: {  	_ =	shalt  }
0x84: {  	_ =	shalt  }
0x85: {  	_ =	shalt  }
0x86: {  	_ =	shalt  }
0x87: {  	_ =	shalt  }
.Lfunc_end0:
.L_simem_size_0:
called_computation.5_lowered:
.L_overlay_start_0:
0x88: {  	s2 =	sld [smem:$0x3FD9]  }
0x89: {  	s3 =	sld [smem:$0x3FFE];
	_ =	sdelay $0x1  }
0x8a: {  	s1 =	srdreg.scid  }
0x8b: {  	s0 =	sand.u32 $0x1, s1  }
0x8c: {  	s17 =	sshll.u32 s0, $0xA;
	s2 =	sadd.s32 s3, s2  }
0x8d: {  	s2 =	sadd.s32 s2, s17  }
0x8e: {  	[smem:$0x3FA4] =	sst s2  }
0x8f: {  	_ = 	snop  }
0x90: {  	s2 =	sld [smem:$0x3FD0];
	(tm) =	ssettm $0x1  }
0x91: {  	s18 =	sld [smem:$0x3FFB];
	_ =	sdelay $0x3  }
0x92: {  	_ =	strace s18  }
0x93: {  	s3 =	sld [smem:$0x3FFC];
	_ =	sdelay $0x3  }
0x94: {  	_ =	strace s3  }
0x95: {  	s3 =	sld [smem:$0x3FFD];
	_ =	sdelay $0x3  }
0x96: {  	_ =	strace s3  }
0x97: {  	_ =	strace $0x8FFFFFFF  }
0x98: {  	s19 =	sld [smem:$0x3FDB];
	_ =	sdelay $0x1  }
0x99: {  	s4 =	simm.s32 $_scs_section_size  }
0x9a: {  	s5 =	simm.s32 $_size__tile_overlayer_lowered;
	s6 =	simm.s32 $_tile_overlayer_lowered  }
0x9b: {  	s22 =	simm.s32 $0x1BFF;
	s21 =	sshll.u32 s6, $0x1;
	s3 =	sadd.s32 s4, s19  }
0x9c: {  	s7 =	simm.s32 $0x0;
	s20 =	sshll.u32 s5, $0x1;
	s5 =	sadd.s32 s21, s3  }
0x9d: {  	[timem:s7], [sflag:s22] =	dma.local [hbm:s5], s20  }
0x9e: {  	_ =	swait.ge [sflag:s22], s20  }
0x9f: {  	s4 =	ssub.s32 $0x0, s20;
	[sflag:s22] =	ssyncset.done $0x0  }
0xa0: {  	[sflag:s22] =	ssyncadd.s32 s4;
	_ =	sdelay $0x1  }
0xa1: {  	s23 =	simm.s32 $0x1B8B  }
0xa2: {  	_ =	swait.ge [sflag:s23], $0x1  }
0xa3: {  	[sflag:s23] =	ssyncset.done $0x0  }
0xa4: {  	s25 =	simm.s32 $0x1B8E;
	s24 =	sld [smem:$0x3FFE];
	[sflag:s23] =	ssyncadd.s32 $0xFFFFFFFF  }
0xa5: {  	s26 =	simm.s32 $execute0_lowered;
	[smem:$0x3FD2] =	sst s25  }
0xa6: {  	s5 =	sshll.u32 s26, $0x1;
	_ =	strace $0x80000052;
	[dreg:$0x1] =	wrdreg $0xFFFFFFFF  }
0xa7: {  	s28 =	simm.s32 $_size_execute0_lowered;
	s3 =	sadd.s32 s3, s5;
	[dreg:$0x0] =	wrdreg $0x0  }
0xa8: {  	s5 =	sshll.u32 s28, $0x1;
	[dreg:$0x2] =	wrdreg s3  }
0xa9: {  	[dreg:$0x3] =	wrdreg s5  }
0xaa: {  	[dreg:$0x4] =	wrdreg $0xC0  }
0xab: {  	_ =	task [dreg:s7], $0x5FFFF  }
0xac: {  	[dreg:$0x1] =	wrdreg $0xFFFFFFFF  }
0xad: {  	[dreg:$0x0] =	wrdreg $0x60  }
0xae: {  	[dreg:$0x2] =	wrdreg s24  }
0xaf: {  	[dreg:$0x3] =	wrdreg s2  }
0xb0: {  	[dreg:$0x4] =	wrdreg $0x82000  }
0xb1: {  	[dreg:$0x5] =	wrdreg $0xA  }
0xb2: {  	_ =	task.clear_ibuf [dreg:s7], $0x6FFFF;
	_ =	strace $0x90000052  }
0xb3: {  	s29 =	simm.s32 $0xA;
	_ =	strace $0x80000054  }
0xb4: {  	_ =	swait.ge [sflag:s29], $0x1  }
0xb5: {  	[sflag:s29] =	ssyncadd.s32 $0xFFFFFFFF  }
0xb6: {  	_ =	strace $0x90000054  }
0xb7: {  	_ =	sfence  }
0xb8: {  	s30 =	sld [smem:$0x0];
	_ =	sdelay $0x2  }
0xb9: {  	s31 =	sshll.u32 s1, $0xD;
	s1 =	sshrl.u32 s1, $0x2  }
0xba: {  	s3 =	sand.u32 $0x4000, s31;
	s1 =	sadd.s32 s1, s30  }
0xbb: {  	s0 =	sor.u32 s3, s0;
	s1 =	sshll.u32 s1, $0x11  }
0xbc: {  	s0 =	sor.u32 s1, s0  }
0xbd: {  	s0 =	sadd.s32 $0x8F2B, s0  }
0xbe: {  	[sflag:s0] =	ssyncadd.remote.s32 $0x1  }
0xbf: {  	_ =	sfence.sel $0xFFFF  }
0xc0: {  	[dreg:$0x0] =	wrdreg $0xFFFFFFFF;
	(pc) =	sbr.abs _section_cstart, $3  }
0xc1: {  	[dreg:$0x1] =	wrdreg $0xFFFFFFFF  }
0xc2: {  	_ =	task.clear_ibuf [dreg:s7], $0x2FFFF;
	_ =	strace $0x9FFFFFFF  }
0xc3: {  	(tm) =	ssettm $0x7FFFFFFF  }
tec
execute0_lowered:
.L_overlay_start_1:
0x0: {  	(tag) =	ssettag $0x1  }
0x1: {  	s8 =	rddreg [dreg:$0x0]  }
0x2: {  	s1 =	rddreg [dreg:$0x1]  }
0x3: {  	s2 =	rddreg [dreg:$0x2]  }
0x4: {  	s3 =	srdreg.scid;
	s0 =	rddreg [dreg:$0x3];
	s4 =	simm.s32 $0x0  }
0x5: {  	s16 =	simm.s32 $0x200;
	s17 =	simm.s32 $0x3;
	s18 =	simm.s32 $0x80  }
0x6: {  	s19 =	simm.s32 $0x100;
	s20 =	simm.s32 $0x180;
	s21 =	simm.s32 $0x1  }
0x7: {  	s22 =	simm.s32 $0x4200;
	s23 =	simm.s32 $0x2;
	s9 =	sand.u32 $0x1, s3  }
0x8: {  	s26 =	simm.s32 $0x0;
	s3 =	stileid.u32;
	s6 =	smul.u32 $0x140000, s9  }
0x9: {  	[smem:$0x7FF] =	sst s4;
	s5 =	sadd.s32 $0x63200, s8;
	s7 =	smul.u32 $0x14000, s3  }
0xa: {  	_ =	strace $0x80000053;
	s11 =	smul.u32 $0x50000, s3;
	s29 =	ssub.s32 $0x2, s9  }
0xb: {  	s12 =	sshll.u32 s3, $0x1;
	s24 =	sshll.u32 s3, $0x6;
	s31 =	sshrl.u32 s29, $0x1  }
0xc: {  	s13 =	sor.u32 s9, s12;
	s24 =	sor.u32 $0x1C03, s24;
	s10 =	sadd.s32 s7, s6  }
0xd: {  	s6 =	sadd.s32 $0x8A00, s8;
	s7 =	sadd.s32 $0x12A00, s8;
	s30 =	sshrl.u32 s11, $0x2  }
0xe: {  	s15 =	ssub.s32 s29, s31;
	s13 =	smul.u32 $0x2800, s13;
	s10 =	sshrl.u32 s10, $0x3  }
0xf: {  	s15 =	smax.u32 s15, $0x1;
	s14 =	sadd.s32 s10, s8;
	s8 =	sadd.s32 s30, s2  }
0x10: {  	s9 =	sadd.s32 $0x4000, s8;
	s10 =	sadd.s32 $0x8000, s8;
	s11 =	sadd.s32 $0xC000, s8  }
0x11: {  	s12 =	sadd.s32 $0x10000, s8;
	s14 =	sadd.s32 $0xB3200, s14;
	s25 =	sshrl.u32 s8, $0x3  }
.LBB2_1:
0x12: {  	[tilespmem:s16], [sflag:$0x3] =	stream.linear.gather [hbm4b:s7+s4], $0x4000, $0x38;
	[tilespmem:$0x1C200] =	vst v63  }
0x13: {  	_ =	swait.ge [sflag:s17], $0x4000  }
0x14: {  	[sflag:s17] =	ssyncset.done $0x0  }
0x15: {  	[sflag:s17] =	ssyncadd.s32 $0xFFFFC000  }
0x16: {  	[spmem:s8] =	stream.linear.scatter [tilespmem:s16], [sflag:$0x3], $0x4000, $0x38;
	[tilespmem:$0x1C200] =	vst v63  }
0x17: {  	_ =	swait.ge [sflag:s17], $0x4000  }
0x18: {  	[sflag:s17] =	ssyncset.done $0x0  }
0x19: {  	[sflag:s17] =	ssyncadd.s32 $0xFFFFC000  }
0x1a: {  	[spmem:s9] =	stream.linear.scatter [tilespmem:s16], [sflag:$0x3], $0x4000, $0x38;
	[tilespmem:$0x1C200] =	vst v63  }
0x1b: {  	_ =	swait.ge [sflag:s17], $0x4000  }
0x1c: {  	[sflag:s17] =	ssyncset.done $0x0  }
0x1d: {  	[sflag:s17] =	ssyncadd.s32 $0xFFFFC000  }
0x1e: {  	[spmem:s10] =	stream.linear.scatter [tilespmem:s16], [sflag:$0x3], $0x4000, $0x38;
	[tilespmem:$0x1C200] =	vst v63  }
0x1f: {  	_ =	swait.ge [sflag:s17], $0x4000  }
0x20: {  	[sflag:s17] =	ssyncset.done $0x0  }
0x21: {  	[sflag:s17] =	ssyncadd.s32 $0xFFFFC000  }
0x22: {  	[spmem:s11] =	stream.linear.scatter [tilespmem:s16], [sflag:$0x3], $0x4000, $0x38;
	[tilespmem:$0x1C200] =	vst v63  }
0x23: {  	_ =	swait.ge [sflag:s17], $0x4000  }
0x24: {  	[sflag:s17] =	ssyncset.done $0x0  }
0x25: {  	s28 =	sand.u32 $0x3C00, s4;
	[sflag:s17] =	ssyncadd.s32 $0xFFFFC000  }
0x26: {  	[spmem:s12] =	stream.linear.scatter [tilespmem:s16], [sflag:$0x3], $0x4000, $0x38;
	[tilespmem:$0x1C200] =	vst v63  }
0x27: {  	s29 =	sand.u32 $0x300, s4;
	s28 =	sadd.s32 s13, s28;
	_ =	swait.ge [sflag:s17], $0x4000  }
0x28: {  	s28 =	sor.u32 s29, s28;
	[sflag:s17] =	ssyncset.done $0x0  }
0x29: {  	s28 =	sshrl.u32 s28, $0x3;
	[sflag:s17] =	ssyncadd.s32 $0xFFFFC000  }
0x2a: {  	s31 =	sadd.s32 s6, s28;
	[bflag:$0x0] =	sbarrier.arrive $0xFFFF  }
0x2b: {  	[tilespmem:s4], [sflag:$0x3] =	stream.linear.gather [hbm4b:s31+s4], $0x80, $0x38;
	[tilespmem:$0x1C200] =	vst v63  }
0x2c: {  	_ =	swait.ge [sflag:s17], $0x80  }
0x2d: {  	[sflag:s17] =	ssyncset.done $0x0  }
0x2e: {  	s31 =	sadd.s32 s1, s28;
	[sflag:s17] =	ssyncadd.s32 $0xFFFFFF80  }
0x2f: {  	[tilespmem:s18], [sflag:$0x3] =	stream.linear.gather [hbm4b:s31+s4], $0x80, $0x38;
	[tilespmem:$0x1C200] =	vst v63  }
0x30: {  	_ =	swait.ge [sflag:s17], $0x80  }
0x31: {  	[sflag:s17] =	ssyncset.done $0x0  }
0x32: {  	s28 =	sor.u32 $0x10, s28;
	[sflag:s17] =	ssyncadd.s32 $0xFFFFFF80  }
0x33: {  	[tilespmem:s16], [sflag:$0x1] =	stream.indirect.gather [hbm4b:s5+s18], $0x80, s4, s18, $0xb8;
	[tilespmem:$0x1C200] =	vst v63  }
0x34: {  	s31 =	sadd.s32 s6, s28  }
0x35: {  	[tilespmem:s19], [sflag:$0x3] =	stream.linear.gather [hbm4b:s31+s4], $0x80, $0x38;
	[tilespmem:$0x1C200] =	vst v63  }
0x36: {  	_ =	swait.ge [sflag:s17], $0x80  }
0x37: {  	[sflag:s17] =	ssyncset.done $0x0  }
0x38: {  	s28 =	sadd.s32 s1, s28;
	[sflag:s17] =	ssyncadd.s32 $0xFFFFFF80  }
0x39: {  	[tilespmem:s20], [sflag:$0x3] =	stream.linear.gather [hbm4b:s28+s4], $0x80, $0x38;
	[tilespmem:$0x1C200] =	vst v63  }
0x3a: {  	_ =	swait.ge [sflag:s17], $0x80  }
0x3b: {  	[sflag:s17] =	ssyncset.done $0x0  }
0x3c: {  	[sflag:s17] =	ssyncadd.s32 $0xFFFFFF80  }
0x3d: {  	_ =	swait.ge [sflag:s21], $0x4000  }
0x3e: {  	[sflag:s21] =	ssyncset.done $0x0  }
0x3f: {  	[sflag:s21] =	ssyncadd.s32 $0xFFFFC000  }
0x40: {  	[tilespmem:s22], [sflag:$0x2] =	stream.indirect.gather [hbm4b:s5+s18], $0x80, s19, s18, $0xb8;
	[tilespmem:$0x1C200] =	vst v63  }
0x41: {  	_ = 	snop  }
0x42: {  	[spmem:s2] =	stream.indirect.scatter.add.f32 [tilespmem:s16], [sflag:$0x3], $0x80, s18, s18, $0xb8;
	[tilespmem:$0x1C200] =	vst v63  }
0x43: {  	_ =	swait.ge [sflag:s17], $0x4000  }
0x44: {  	s28 =	simm.s32 $0x100;
	[sflag:s17] =	ssyncset.done $0x0  }
0x45: {  	s31 =	sand.u32 $0x3C00, s28;
	[sflag:s17] =	ssyncadd.s32 $0xFFFFC000  }
0x46: {  	s28 =	sand.u32 $0x300, s28;
	s29 =	sadd.s32 s13, s31;
	_ =	swait.ge [sflag:s23], $0x4000  }
0x47: {  	s29 =	sor.u32 s28, s29;
	[sflag:s23] =	ssyncset.done $0x0  }
0x48: {  	s28 =	simm.s32 $0x200;
	s30 =	sshrl.u32 s29, $0x3;
	[sflag:s23] =	ssyncadd.s32 $0xFFFFC000  }
.LBB2_2:
0x49: {  	[spmem:s2] =	stream.indirect.scatter.add.f32 [tilespmem:s22], [sflag:$0x3], $0x80, s20, s18, $0xb8;
	[tilespmem:$0x1C200] =	vst v63  }
0x4a: {  	s29 =	smov.u32 s28  }
0x4b: {  	p0 =	sne.s32 s28, $0x2700;
	s28 =	sadd.s32 $0x100, s28;
	_ =	swait.ge [sflag:s17], $0x4000  }
0x4c: {  	[sflag:s17] =	ssyncset.done $0x0  }
0x4d: {  	s31 =	sadd.s32 s6, s30;
	[sflag:s17] =	ssyncadd.s32 $0xFFFFC000  }
0x4e: {  	[tilespmem:s4], [sflag:$0x3] =	stream.linear.gather [hbm4b:s31+s4], $0x80, $0x38;
	[tilespmem:$0x1C200] =	vst v63  }
0x4f: {  	_ =	swait.ge [sflag:s17], $0x80  }
0x50: {  	[sflag:s17] =	ssyncset.done $0x0  }
0x51: {  	s31 =	sadd.s32 s1, s30;
	[sflag:s17] =	ssyncadd.s32 $0xFFFFFF80  }
0x52: {  	[tilespmem:s18], [sflag:$0x3] =	stream.linear.gather [hbm4b:s31+s4], $0x80, $0x38;
	[tilespmem:$0x1C200] =	vst v63  }
0x53: {  	_ =	swait.ge [sflag:s17], $0x80  }
0x54: {  	[sflag:s17] =	ssyncset.done $0x0  }
0x55: {  	s30 =	sor.u32 $0x10, s30;
	[sflag:s17] =	ssyncadd.s32 $0xFFFFFF80  }
0x56: {  	[tilespmem:s16], [sflag:$0x1] =	stream.indirect.gather [hbm4b:s5+s18], $0x80, s4, s18, $0xb8;
	[tilespmem:$0x1C200] =	vst v63  }
0x57: {  	s31 =	sadd.s32 s6, s30  }
0x58: {  	[tilespmem:s19], [sflag:$0x3] =	stream.linear.gather [hbm4b:s31+s4], $0x80, $0x38;
	[tilespmem:$0x1C200] =	vst v63  }
0x59: {  	_ =	swait.ge [sflag:s17], $0x80  }
0x5a: {  	[sflag:s17] =	ssyncset.done $0x0  }
0x5b: {  	s30 =	sadd.s32 s1, s30;
	[sflag:s17] =	ssyncadd.s32 $0xFFFFFF80  }
0x5c: {  	[tilespmem:s20], [sflag:$0x3] =	stream.linear.gather [hbm4b:s30+s4], $0x80, $0x38;
	[tilespmem:$0x1C200] =	vst v63  }
0x5d: {  	_ =	swait.ge [sflag:s17], $0x80  }
0x5e: {  	[sflag:s17] =	ssyncset.done $0x0  }
0x5f: {  	[sflag:s17] =	ssyncadd.s32 $0xFFFFFF80  }
0x60: {  	_ =	swait.ge [sflag:s21], $0x4000  }
0x61: {  	[sflag:s21] =	ssyncset.done $0x0  }
0x62: {  	[sflag:s21] =	ssyncadd.s32 $0xFFFFC000  }
0x63: {  	[tilespmem:s22], [sflag:$0x2] =	stream.indirect.gather [hbm4b:s5+s18], $0x80, s19, s18, $0xb8;
	[tilespmem:$0x1C200] =	vst v63  }
0x64: {  	_ = 	snop  }
0x65: {  	[spmem:s2] =	stream.indirect.scatter.add.f32 [tilespmem:s16], [sflag:$0x3], $0x80, s18, s18, $0xb8;
	[tilespmem:$0x1C200] =	vst v63  }
0x66: {  	_ =	swait.ge [sflag:s17], $0x4000  }
.Ltmp0:
0x67: {  	[sflag:s17] =	ssyncset.done $0x0;
	(pc) =	sbr.rel @p0 .LBB2_2-.Ltmp0, $4  }
0x68: {  	s30 =	sand.u32 $0x3C00, s29;
	[sflag:s17] =	ssyncadd.s32 $0xFFFFC000  }
0x69: {  	s29 =	sand.u32 $0x300, s29;
	s30 =	sadd.s32 s13, s30;
	_ =	swait.ge [sflag:s23], $0x4000  }
0x6a: {  	s29 =	sor.u32 s29, s30;
	[sflag:s23] =	ssyncset.done $0x0  }
0x6b: {  	s30 =	sshrl.u32 s29, $0x3;
	[sflag:s23] =	ssyncadd.s32 $0xFFFFC000  }
0x6c: {  	[spmem:s2] =	stream.indirect.scatter.add.f32 [tilespmem:s22], [sflag:$0x3], $0x80, s20, s18, $0xb8;
	[tilespmem:$0x1C200] =	vst v63  }
0x6d: {  	_ =	swait.ge [sflag:s17], $0x4000  }
0x6e: {  	[sflag:s17] =	ssyncset.done $0x0  }
0x6f: {  	s28 =	sadd.s32 s6, s30;
	[sflag:s17] =	ssyncadd.s32 $0xFFFFC000  }
0x70: {  	[tilespmem:s4], [sflag:$0x3] =	stream.linear.gather [hbm4b:s28+s4], $0x80, $0x38;
	[tilespmem:$0x1C200] =	vst v63  }
0x71: {  	_ =	swait.ge [sflag:s17], $0x80  }
0x72: {  	[sflag:s17] =	ssyncset.done $0x0  }
0x73: {  	s29 =	sadd.s32 s1, s30;
	[sflag:s17] =	ssyncadd.s32 $0xFFFFFF80  }
0x74: {  	[tilespmem:s18], [sflag:$0x3] =	stream.linear.gather [hbm4b:s29+s4], $0x80, $0x38;
	[tilespmem:$0x1C200] =	vst v63  }
0x75: {  	_ =	swait.ge [sflag:s17], $0x80  }
0x76: {  	[sflag:s17] =	ssyncset.done $0x0  }
0x77: {  	s31 =	sor.u32 $0x10, s30;
	[sflag:s17] =	ssyncadd.s32 $0xFFFFFF80  }
0x78: {  	[tilespmem:s16], [sflag:$0x1] =	stream.indirect.gather [hbm4b:s5+s18], $0x80, s4, s18, $0xb8;
	[tilespmem:$0x1C200] =	vst v63  }
0x79: {  	s29 =	sadd.s32 s6, s31  }
0x7a: {  	[tilespmem:s19], [sflag:$0x3] =	stream.linear.gather [hbm4b:s29+s4], $0x80, $0x38;
	[tilespmem:$0x1C200] =	vst v63  }
0x7b: {  	_ =	swait.ge [sflag:s17], $0x80  }
0x7c: {  	[sflag:s17] =	ssyncset.done $0x0  }
0x7d: {  	s28 =	sadd.s32 s1, s31;
	[sflag:s17] =	ssyncadd.s32 $0xFFFFFF80  }
0x7e: {  	[tilespmem:s20], [sflag:$0x3] =	stream.linear.gather [hbm4b:s28+s4], $0x80, $0x38;
	[tilespmem:$0x1C200] =	vst v63  }
0x7f: {  	_ =	swait.ge [sflag:s17], $0x80  }
0x80: {  	[sflag:s17] =	ssyncset.done $0x0  }
0x81: {  	[sflag:s17] =	ssyncadd.s32 $0xFFFFFF80  }
0x82: {  	_ =	swait.ge [sflag:s21], $0x4000  }
0x83: {  	[sflag:s21] =	ssyncset.done $0x0  }
0x84: {  	[sflag:s21] =	ssyncadd.s32 $0xFFFFC000  }
0x85: {  	[tilespmem:s22], [sflag:$0x2] =	stream.indirect.gather [hbm4b:s5+s18], $0x80, s19, s18, $0xb8;
	[tilespmem:$0x1C200] =	vst v63  }
0x86: {  	_ = 	snop  }
0x87: {  	[spmem:s2] =	stream.indirect.scatter.add.f32 [tilespmem:s16], [sflag:$0x3], $0x80, s18, s18, $0xb8;
	[tilespmem:$0x1C200] =	vst v63  }
0x88: {  	_ =	swait.ge [sflag:s17], $0x4000  }
0x89: {  	[sflag:s17] =	ssyncset.done $0x0  }
0x8a: {  	[sflag:s17] =	ssyncadd.s32 $0xFFFFC000  }
0x8b: {  	_ =	swait.ge [sflag:s23], $0x4000  }
0x8c: {  	[sflag:s23] =	ssyncset.done $0x0  }
0x8d: {  	[sflag:s23] =	ssyncadd.s32 $0xFFFFC000  }
0x8e: {  	[spmem:s2] =	stream.indirect.scatter.add.f32 [tilespmem:s22], [sflag:$0x3], $0x80, s20, s18, $0xb8;
	[tilespmem:$0x1C200] =	vst v63  }
0x8f: {  	_ =	swait.ge [sflag:s17], $0x4000  }
0x90: {  	s26 =	sadd.s32 $0x1, s26;
	[sflag:s17] =	ssyncset.done $0x0  }
0x91: {  	p0 =	sne.s32 s26, s15;
	[sflag:s17] =	ssyncadd.s32 $0xFFFFC000  }
.Ltmp1:
0x92: {  	[bflag:$0x0] =	sbarrier.arrive $0xFFFF;
	(pc) =	sbr.rel @p0 .LBB2_1-.Ltmp1, $4  }
0x93: {  	[hbm:s14], [sflag:s24] =	dma.local [spmem:s25], $0x2800  }
0x94: {  	_ =	swait.ge [sflag:s17], $0x2800  }
0x95: {  	[sflag:s17] =	ssyncset.done $0x0  }
0x96: {  	[sflag:s17] =	ssyncadd.s32 $0xFFFFD800  }
0x97: {  	_ =	sfence.sel $0x180000  }
0x98: {  	[bflag:$0x0] =	sbarrier.arrive $0xFFFF  }
0x99: {  	p0 =	sne.s32 s3, $0x0;
	_ =	strace $0x90000053  }
0x9a: {  	s0 =	sadd.s32 @!p0 $0x100000, s0;
	[bflag:$0x2] =	sbarrier.arrive $0xFFFF  }
0x9b: {  	[sflag:s0] =	ssyncadd.tile.s32 @!p0 $0x1;
	_ =	shalt  }
.Lfunc_end2:
_tile_overlayer_lowered:
.L_overlay_start_2:
0x9c: {  	(tag) =	ssettag $0x2  }
0x9d: {  	s0 =	rddreg [dreg:$0x0];
	s2 =	stileid.u32  }
0x9e: {  	s1 =	rddreg [dreg:$0x1];
	p0 =	sne.s32 s2, $0x0  }
0x9f: {  	s3 =	rddreg [dreg:$0x2];
	[bflag:$0x3] =	sbarrier.arrive $0xFFFF;
	s2 =	simm.s32 @!p0 $0x1C03  }
0xa0: {  	[timem:s3], [sflag:s2] =	dma.local @!p0 [hbm:s0], s1  }
0xa1: {  	s0 =	simm.s32 @!p0 $0x3  }
0xa2: {  	_ =	swait.ge @!p0 [sflag:s0], s1  }
0xa3: {  	s1 =	ssub.s32 @!p0 $0x0, s1;
	[sflag:s0] =	ssyncset.done @!p0 $0x0  }
0xa4: {  	[sflag:s0] =	ssyncadd.s32 @!p0 s1  }
0xa5: {  	[bflag:$0x3] =	sbarrier.arrive $0xFFFF  }
0xa6: {  	_ =	shalt  }

// kernel: kernel.37.cloned.1.call-start
scs
__scs_entry_jumppad:
0x0: {  	(pc) =	sbr.rel $0x88, $3  }
0x1: {  	(tag) =	ssettag $0x0;
	lr =	simm.s32 $0x1  }
0x2: {  	[smem:$0x3F7D] =	sst lr;
	_ =	strace $0xD0000000  }
0x3: {  	_ = 	snop  }
0x4: {  	_ = 	snop  }
0x5: {  	_ = 	snop  }
0x6: {  	_ = 	snop  }
0x7: {  	_ = 	snop  }
__scs_overlays_trampoline_lowered:
0x8: {  	[smem:$0x3F8C] =	sst s0  }
0x9: {  	[smem:$0x3F8D] =	sst s1  }
0xa: {  	[smem:$0x3F8E] =	sst s2  }
0xb: {  	[smem:$0x3F8F] =	sst s3  }
0xc: {  	[smem:$0x3F90] =	sst s4  }
0xd: {  	[smem:$0x3F91] =	sst s5  }
0xe: {  	[smem:$0x3F92] =	sst s6  }
0xf: {  	[smem:$0x3F93] =	sst s7  }
0x10: {  	[smem:$0x3F94] =	sst s8  }
0x11: {  	[smem:$0x3F95] =	sst s9;
	s0 =	simm.s32 @!p0 $0x0  }
0x12: {  	s1 =	sld [smem:$0x3F7B];
	s0 =	simm.s32 @p0 $0x1  }
0x13: {  	[smem:$0x3F96] =	sst s0;
	s0 =	simm.s32 @!p1 $0x0  }
0x14: {  	s2 =	sld [smem:$0x3F7A];
	s0 =	simm.s32 @p1 $0x1  }
0x15: {  	[smem:$0x3F97] =	sst s0;
	s0 =	simm.s32 @!p2 $0x0  }
0x16: {  	s3 =	sld [smem:$0x3FDB];
	s0 =	simm.s32 @p2 $0x1  }
0x17: {  	s4 =	simm.s32 $0x1BF5;
	[smem:$0x3F99] =	sst s0  }
0x18: {  	s0 =	sld [smem:$0x3F7C];
	_ =	swait.ge [sflag:s4], $0x0  }
0x19: {  	s7 =	sld [smem:$0x3F7D]  }
0x1a: {  	s8 =	sadd.s32 $0xFFFFE003, lr  }
0x1b: {  	s9 =	sadd.s32 $0xFFFFFEF7, lr;
	s5 =	simm.s32 $0xFFFFFFFF;
	p2 =	slt.u32 s8, $0xFFFFF086  }
0x1c: {  	p1 =	slt.u32 s9, $0xF7A;
	s5 =	simm.s32 @!p2 $0x0  }
0x1d: {  	s5 =	simm.s32 @p1 $0x1;
	p0 =	seq.s32 s7, s2  }
0x1e: {  	s7 =	smul.u32 @!p0 $0xF7A, s2;
	p2 =	seq.s32 @!p0 s5, $0x0  }
0x1f: {  	s9 =	smul.u32 $0xF7A, s1;
	s8 =	simm.s32 @!p0 $0x1BF5;
	p2 =	por !p2, p0  }
0x20: {  	[sflag:s8] =	ssyncset.s32 @!p0 $0xFFFFF086;
	s6 =	sadd.s32 @!p0 s3, s7;
	s7 =	simm.s32 @!p0 $0x108  }
0x21: {  	s3 =	sadd.s32 s3, s9;
	s6 =	sadd.s32 @!p0 $0x88, s6;
	s7 =	simm.s32 @p2 $0x1082  }
0x22: {  	[simem:s7], [sflag:s8] =	dma.local @!p0 [hbm:s6], $0xF7A  }
0x23: {  	s9 =	sor.u32 $0xD0000000, s2;
	s6 =	simm.s32 $0x108;
	_ =	swait.ge @!p0 [sflag:s8], $0x0  }
0x24: {  	s3 =	sadd.s32 $0x88, s3;
	s6 =	simm.s32 @!p1 $0x1082;
	[sflag:s4] =	ssyncset.s32 $0xFFFFF086  }
0x25: {  	[simem:s6], [sflag:s4] =	dma.local [hbm:s3], $0xF7A  }
0x26: {  	[smem:$0x3F7D] =	sst s1;
	(tag) =	ssettag s2;
	_ =	strace s9  }
0x27: {  	s1 =	sld [smem:$0x3F8D]  }
0x28: {  	s2 =	sld [smem:$0x3F8E]  }
0x29: {  	s4 =	sld [smem:$0x3F90]  }
0x2a: {  	p0 =	seq.s32 s5, $0x0;
	s5 =	sld [smem:$0x3F91]  }
0x2b: {  	s6 =	sld [smem:$0x3F92]  }
0x2c: {  	s7 =	sld [smem:$0x3F93]  }
0x2d: {  	s3 =	simm.s32 $0x108;
	s8 =	sld [smem:$0x3F94]  }
0x2e: {  	s3 =	simm.s32 @!p0 $0x1082;
	s9 =	sld [smem:$0x3F95]  }
0x2f: {  	lr =	sadd.s32 s0, s3;
	s0 =	sld [smem:$0x3F8C]  }
0x30: {  	s3 =	sld [smem:$0x3F8F]  }
0x31: {  	[smem:$0x3F98] =	sst s10  }
0x32: {  	s10 =	sld [smem:$0x3F96];
	_ =	sdelay $0x3  }
0x33: {  	p0 =	seq.s32 s10, $0x1;
	s10 =	sld [smem:$0x3F98];
	_ =	sdelay $0x3  }
0x34: {  	[smem:$0x3F98] =	sst s10  }
0x35: {  	s10 =	sld [smem:$0x3F97];
	_ =	sdelay $0x3  }
0x36: {  	p1 =	seq.s32 s10, $0x1;
	s10 =	sld [smem:$0x3F98];
	_ =	sdelay $0x3  }
0x37: {  	[smem:$0x3F98] =	sst s10  }
0x38: {  	s10 =	sld [smem:$0x3F99]  }
0x39: {  	_ = 	snop;
	(pc) =	sbr.ind lr, $3  }
0x3a: {  	_ = 	snop  }
0x3b: {  	_ = 	snop  }
0x3c: {  	p2 =	seq.s32 s10, $0x1;
	s10 =	sld [smem:$0x3F98]  }
0x3d: {  	_ =	shalt  }
0x3e: {  	_ =	shalt  }
0x3f: {  	_ =	shalt  }
0x40: {  	_ =	shalt  }
0x41: {  	_ =	shalt  }
0x42: {  	_ =	shalt  }
0x43: {  	_ =	shalt  }
0x44: {  	_ =	shalt  }
0x45: {  	_ =	shalt  }
0x46: {  	_ =	shalt  }
0x47: {  	_ =	shalt  }
0x48: {  	_ =	shalt  }
0x49: {  	_ =	shalt  }
0x4a: {  	_ =	shalt  }
0x4b: {  	_ =	shalt  }
0x4c: {  	_ =	shalt  }
0x4d: {  	_ =	shalt  }
0x4e: {  	_ =	shalt  }
0x4f: {  	_ =	shalt  }
0x50: {  	_ =	shalt  }
0x51: {  	_ =	shalt  }
0x52: {  	_ =	shalt  }
0x53: {  	_ =	shalt  }
0x54: {  	_ =	shalt  }
0x55: {  	_ =	shalt  }
0x56: {  	_ =	shalt  }
0x57: {  	_ =	shalt  }
0x58: {  	_ =	shalt  }
0x59: {  	_ =	shalt  }
0x5a: {  	_ =	shalt  }
0x5b: {  	_ =	shalt  }
0x5c: {  	_ =	shalt  }
0x5d: {  	_ =	shalt  }
0x5e: {  	_ =	shalt  }
0x5f: {  	_ =	shalt  }
0x60: {  	_ =	shalt  }
0x61: {  	_ =	shalt  }
0x62: {  	_ =	shalt  }
0x63: {  	_ =	shalt  }
0x64: {  	_ =	shalt  }
0x65: {  	_ =	shalt  }
0x66: {  	_ =	shalt  }
0x67: {  	_ =	shalt  }
0x68: {  	_ =	shalt  }
0x69: {  	_ =	shalt  }
0x6a: {  	_ =	shalt  }
0x6b: {  	_ =	shalt  }
0x6c: {  	_ =	shalt  }
0x6d: {  	_ =	shalt  }
0x6e: {  	_ =	shalt  }
0x6f: {  	_ =	shalt  }
0x70: {  	_ =	shalt  }
0x71: {  	_ =	shalt  }
0x72: {  	_ =	shalt  }
0x73: {  	_ =	shalt  }
0x74: {  	_ =	shalt  }
0x75: {  	_ =	shalt  }
0x76: {  	_ =	shalt  }
0x77: {  	_ =	shalt  }
0x78: {  	_ =	shalt  }
0x79: {  	_ =	shalt  }
0x7a: {  	_ =	shalt  }
0x7b: {  	_ =	shalt  }
0x7c: {  	_ =	shalt  }
0x7d: {  	_ =	shalt  }
0x7e: {  	_ =	shalt  }
0x7f: {  	_ =	shalt  }
0x80: {  	_ =	shalt  }
0x81: {  	_ =	shalt  }
0x82: {  	_ =	shalt  }
0x83: {  	_ =	shalt  }
0x84: {  	_ =	shalt  }
0x85: {  	_ =	shalt  }
0x86: {  	_ =	shalt  }
0x87: {  	_ =	shalt  }
.Lfunc_end0:
.L_simem_size_0:
called_computation.6_lowered:
.L_overlay_start_0:
0x88: {  	s2 =	sld [smem:$0x3FD9]  }
0x89: {  	s3 =	sld [smem:$0x3FFE];
	_ =	sdelay $0x1  }
0x8a: {  	s1 =	srdreg.scid  }
0x8b: {  	s0 =	sand.u32 $0x1, s1  }
0x8c: {  	s17 =	sshll.u32 s0, $0xA;
	s2 =	sadd.s32 s3, s2  }
0x8d: {  	s2 =	sadd.s32 s2, s17  }
0x8e: {  	[smem:$0x3FA4] =	sst s2  }
0x8f: {  	_ = 	snop  }
0x90: {  	s2 =	sld [smem:$0x3FD0];
	(tm) =	ssettm $0x1  }
0x91: {  	s18 =	sld [smem:$0x3FFB];
	_ =	sdelay $0x3  }
0x92: {  	_ =	strace s18  }
0x93: {  	s3 =	sld [smem:$0x3FFC];
	_ =	sdelay $0x3  }
0x94: {  	_ =	strace s3  }
0x95: {  	s3 =	sld [smem:$0x3FFD];
	_ =	sdelay $0x3  }
0x96: {  	_ =	strace s3  }
0x97: {  	_ =	strace $0x8FFFFFFF  }
0x98: {  	s19 =	sld [smem:$0x3FDB];
	_ =	sdelay $0x1  }
0x99: {  	s4 =	simm.s32 $_scs_section_size  }
0x9a: {  	s5 =	simm.s32 $_size__tile_overlayer_lowered;
	s6 =	simm.s32 $_tile_overlayer_lowered  }
0x9b: {  	s22 =	simm.s32 $0x1BFF;
	s21 =	sshll.u32 s6, $0x1;
	s3 =	sadd.s32 s4, s19  }
0x9c: {  	s7 =	simm.s32 $0x0;
	s20 =	sshll.u32 s5, $0x1;
	s5 =	sadd.s32 s21, s3  }
0x9d: {  	[timem:s7], [sflag:s22] =	dma.local [hbm:s5], s20  }
0x9e: {  	_ =	swait.ge [sflag:s22], s20  }
0x9f: {  	s4 =	ssub.s32 $0x0, s20;
	[sflag:s22] =	ssyncset.done $0x0  }
0xa0: {  	[sflag:s22] =	ssyncadd.s32 s4;
	_ =	sdelay $0x1  }
0xa1: {  	s23 =	simm.s32 $0x1B8B  }
0xa2: {  	_ =	swait.ge [sflag:s23], $0x1  }
0xa3: {  	[sflag:s23] =	ssyncset.done $0x0  }
0xa4: {  	s25 =	simm.s32 $0x1B8E;
	s24 =	sld [smem:$0x3FFE];
	[sflag:s23] =	ssyncadd.s32 $0xFFFFFFFF  }
0xa5: {  	s26 =	simm.s32 $execute0_lowered;
	[smem:$0x3FD2] =	sst s25  }
0xa6: {  	s5 =	sshll.u32 s26, $0x1;
	_ =	strace $0x80000058;
	[dreg:$0x1] =	wrdreg $0xFFFFFFFF  }
0xa7: {  	s28 =	simm.s32 $_size_execute0_lowered;
	s3 =	sadd.s32 s3, s5;
	[dreg:$0x0] =	wrdreg $0x0  }
0xa8: {  	s5 =	sshll.u32 s28, $0x1;
	[dreg:$0x2] =	wrdreg s3  }
0xa9: {  	[dreg:$0x3] =	wrdreg s5  }
0xaa: {  	[dreg:$0x4] =	wrdreg $0xC0  }
0xab: {  	_ =	task [dreg:s7], $0x5FFFF  }
0xac: {  	[dreg:$0x1] =	wrdreg $0xFFFFFFFF  }
0xad: {  	[dreg:$0x0] =	wrdreg $0x60  }
0xae: {  	[dreg:$0x2] =	wrdreg s24  }
0xaf: {  	[dreg:$0x3] =	wrdreg s2  }
0xb0: {  	[dreg:$0x4] =	wrdreg $0x82000  }
0xb1: {  	[dreg:$0x5] =	wrdreg $0x9  }
0xb2: {  	_ =	task.clear_ibuf [dreg:s7], $0x6FFFF;
	_ =	strace $0x90000058  }
0xb3: {  	s29 =	simm.s32 $0x9;
	_ =	strace $0x8000005A  }
0xb4: {  	_ =	swait.ge [sflag:s29], $0x1  }
0xb5: {  	[sflag:s29] =	ssyncadd.s32 $0xFFFFFFFF  }
0xb6: {  	_ =	strace $0x9000005A  }
0xb7: {  	_ =	sfence  }
0xb8: {  	s30 =	sld [smem:$0x0];
	_ =	sdelay $0x2  }
0xb9: {  	s31 =	sshll.u32 s1, $0xD;
	s1 =	sshrl.u32 s1, $0x2  }
0xba: {  	s3 =	sand.u32 $0x4000, s31;
	s1 =	sadd.s32 s1, s30  }
0xbb: {  	s0 =	sor.u32 s3, s0;
	s1 =	sshll.u32 s1, $0x11  }
0xbc: {  	s0 =	sor.u32 s1, s0  }
0xbd: {  	s0 =	sadd.s32 $0x8F2B, s0  }
0xbe: {  	[sflag:s0] =	ssyncadd.remote.s32 $0x1  }
0xbf: {  	_ =	sfence.sel $0xFFFF  }
0xc0: {  	[dreg:$0x0] =	wrdreg $0xFFFFFFFF;
	(pc) =	sbr.abs _section_cstart, $3  }
0xc1: {  	[dreg:$0x1] =	wrdreg $0xFFFFFFFF  }
0xc2: {  	_ =	task.clear_ibuf [dreg:s7], $0x2FFFF;
	_ =	strace $0x9FFFFFFF  }
0xc3: {  	(tm) =	ssettm $0x7FFFFFFF  }
tec
execute0_lowered:
.L_overlay_start_1:
0x0: {  	(tag) =	ssettag $0x1  }
0x1: {  	s8 =	rddreg [dreg:$0x0]  }
0x2: {  	s1 =	rddreg [dreg:$0x1]  }
0x3: {  	s2 =	rddreg [dreg:$0x2]  }
0x4: {  	s3 =	srdreg.scid;
	s0 =	rddreg [dreg:$0x3];
	s4 =	simm.s32 $0x0  }
0x5: {  	s16 =	simm.s32 $0x200;
	s17 =	simm.s32 $0x3;
	s18 =	simm.s32 $0x80  }
0x6: {  	s19 =	simm.s32 $0x100;
	s20 =	simm.s32 $0x180;
	s21 =	simm.s32 $0x1  }
0x7: {  	s22 =	simm.s32 $0x4200;
	s23 =	simm.s32 $0x2;
	s9 =	sand.u32 $0x1, s3  }
0x8: {  	s26 =	simm.s32 $0x0;
	s3 =	stileid.u32;
	s6 =	smul.u32 $0x140000, s9  }
0x9: {  	[smem:$0x7FF] =	sst s4;
	s5 =	sadd.s32 $0x63200, s8;
	s7 =	smul.u32 $0x14000, s3  }
0xa: {  	_ =	strace $0x80000059;
	s11 =	smul.u32 $0x50000, s3;
	s29 =	ssub.s32 $0x2, s9  }
0xb: {  	s12 =	sshll.u32 s3, $0x1;
	s24 =	sshll.u32 s3, $0x6;
	s31 =	sshrl.u32 s29, $0x1  }
0xc: {  	s13 =	sor.u32 s9, s12;
	s24 =	sor.u32 $0x1C03, s24;
	s10 =	sadd.s32 s7, s6  }
0xd: {  	s6 =	sadd.s32 $0x8A00, s8;
	s7 =	sadd.s32 $0x12A00, s8;
	s30 =	sshrl.u32 s11, $0x2  }
0xe: {  	s15 =	ssub.s32 s29, s31;
	s13 =	smul.u32 $0x2800, s13;
	s10 =	sshrl.u32 s10, $0x3  }
0xf: {  	s15 =	smax.u32 s15, $0x1;
	s14 =	sadd.s32 s10, s8;
	s8 =	sadd.s32 s30, s2  }
0x10: {  	s9 =	sadd.s32 $0x4000, s8;
	s10 =	sadd.s32 $0x8000, s8;
	s11 =	sadd.s32 $0xC000, s8  }
0x11: {  	s12 =	sadd.s32 $0x10000, s8;
	s14 =	sadd.s32 $0x8B200, s14;
	s25 =	sshrl.u32 s8, $0x3  }
.LBB2_1:
0x12: {  	[tilespmem:s16], [sflag:$0x3] =	stream.linear.gather [hbm4b:s7+s4], $0x4000, $0x38;
	[tilespmem:$0x1C200] =	vst v63  }
0x13: {  	_ =	swait.ge [sflag:s17], $0x4000  }
0x14: {  	[sflag:s17] =	ssyncset.done $0x0  }
0x15: {  	[sflag:s17] =	ssyncadd.s32 $0xFFFFC000  }
0x16: {  	[spmem:s8] =	stream.linear.scatter [tilespmem:s16], [sflag:$0x3], $0x4000, $0x38;
	[tilespmem:$0x1C200] =	vst v63  }
0x17: {  	_ =	swait.ge [sflag:s17], $0x4000  }
0x18: {  	[sflag:s17] =	ssyncset.done $0x0  }
0x19: {  	[sflag:s17] =	ssyncadd.s32 $0xFFFFC000  }
0x1a: {  	[spmem:s9] =	stream.linear.scatter [tilespmem:s16], [sflag:$0x3], $0x4000, $0x38;
	[tilespmem:$0x1C200] =	vst v63  }
0x1b: {  	_ =	swait.ge [sflag:s17], $0x4000  }
0x1c: {  	[sflag:s17] =	ssyncset.done $0x0  }
0x1d: {  	[sflag:s17] =	ssyncadd.s32 $0xFFFFC000  }
0x1e: {  	[spmem:s10] =	stream.linear.scatter [tilespmem:s16], [sflag:$0x3], $0x4000, $0x38;
	[tilespmem:$0x1C200] =	vst v63  }
0x1f: {  	_ =	swait.ge [sflag:s17], $0x4000  }
0x20: {  	[sflag:s17] =	ssyncset.done $0x0  }
0x21: {  	[sflag:s17] =	ssyncadd.s32 $0xFFFFC000  }
0x22: {  	[spmem:s11] =	stream.linear.scatter [tilespmem:s16], [sflag:$0x3], $0x4000, $0x38;
	[tilespmem:$0x1C200] =	vst v63  }
0x23: {  	_ =	swait.ge [sflag:s17], $0x4000  }
0x24: {  	[sflag:s17] =	ssyncset.done $0x0  }
0x25: {  	s28 =	sand.u32 $0x3C00, s4;
	[sflag:s17] =	ssyncadd.s32 $0xFFFFC000  }
0x26: {  	[spmem:s12] =	stream.linear.scatter [tilespmem:s16], [sflag:$0x3], $0x4000, $0x38;
	[tilespmem:$0x1C200] =	vst v63  }
0x27: {  	s29 =	sand.u32 $0x300, s4;
	s28 =	sadd.s32 s13, s28;
	_ =	swait.ge [sflag:s17], $0x4000  }
0x28: {  	s28 =	sor.u32 s29, s28;
	[sflag:s17] =	ssyncset.done $0x0  }
0x29: {  	s28 =	sshrl.u32 s28, $0x3;
	[sflag:s17] =	ssyncadd.s32 $0xFFFFC000  }
0x2a: {  	s31 =	sadd.s32 s6, s28;
	[bflag:$0x0] =	sbarrier.arrive $0xFFFF  }
0x2b: {  	[tilespmem:s4], [sflag:$0x3] =	stream.linear.gather [hbm4b:s31+s4], $0x80, $0x38;
	[tilespmem:$0x1C200] =	vst v63  }
0x2c: {  	_ =	swait.ge [sflag:s17], $0x80  }
0x2d: {  	[sflag:s17] =	ssyncset.done $0x0  }
0x2e: {  	s31 =	sadd.s32 s1, s28;
	[sflag:s17] =	ssyncadd.s32 $0xFFFFFF80  }
0x2f: {  	[tilespmem:s18], [sflag:$0x3] =	stream.linear.gather [hbm4b:s31+s4], $0x80, $0x38;
	[tilespmem:$0x1C200] =	vst v63  }
0x30: {  	_ =	swait.ge [sflag:s17], $0x80  }
0x31: {  	[sflag:s17] =	ssyncset.done $0x0  }
0x32: {  	s28 =	sor.u32 $0x10, s28;
	[sflag:s17] =	ssyncadd.s32 $0xFFFFFF80  }
0x33: {  	[tilespmem:s16], [sflag:$0x1] =	stream.indirect.gather [hbm4b:s5+s18], $0x80, s4, s18, $0xb8;
	[tilespmem:$0x1C200] =	vst v63  }
0x34: {  	s31 =	sadd.s32 s6, s28  }
0x35: {  	[tilespmem:s19], [sflag:$0x3] =	stream.linear.gather [hbm4b:s31+s4], $0x80, $0x38;
	[tilespmem:$0x1C200] =	vst v63  }
0x36: {  	_ =	swait.ge [sflag:s17], $0x80  }
0x37: {  	[sflag:s17] =	ssyncset.done $0x0  }
0x38: {  	s28 =	sadd.s32 s1, s28;
	[sflag:s17] =	ssyncadd.s32 $0xFFFFFF80  }
0x39: {  	[tilespmem:s20], [sflag:$0x3] =	stream.linear.gather [hbm4b:s28+s4], $0x80, $0x38;
	[tilespmem:$0x1C200] =	vst v63  }
0x3a: {  	_ =	swait.ge [sflag:s17], $0x80  }
0x3b: {  	[sflag:s17] =	ssyncset.done $0x0  }
0x3c: {  	[sflag:s17] =	ssyncadd.s32 $0xFFFFFF80  }
0x3d: {  	_ =	swait.ge [sflag:s21], $0x4000  }
0x3e: {  	[sflag:s21] =	ssyncset.done $0x0  }
0x3f: {  	[sflag:s21] =	ssyncadd.s32 $0xFFFFC000  }
0x40: {  	[tilespmem:s22], [sflag:$0x2] =	stream.indirect.gather [hbm4b:s5+s18], $0x80, s19, s18, $0xb8;
	[tilespmem:$0x1C200] =	vst v63  }
0x41: {  	_ = 	snop  }
0x42: {  	[spmem:s2] =	stream.indirect.scatter.add.f32 [tilespmem:s16], [sflag:$0x3], $0x80, s18, s18, $0xb8;
	[tilespmem:$0x1C200] =	vst v63  }
0x43: {  	_ =	swait.ge [sflag:s17], $0x4000  }
0x44: {  	s28 =	simm.s32 $0x100;
	[sflag:s17] =	ssyncset.done $0x0  }
0x45: {  	s31 =	sand.u32 $0x3C00, s28;
	[sflag:s17] =	ssyncadd.s32 $0xFFFFC000  }
0x46: {  	s28 =	sand.u32 $0x300, s28;
	s29 =	sadd.s32 s13, s31;
	_ =	swait.ge [sflag:s23], $0x4000  }
0x47: {  	s29 =	sor.u32 s28, s29;
	[sflag:s23] =	ssyncset.done $0x0  }
0x48: {  	s28 =	simm.s32 $0x200;
	s30 =	sshrl.u32 s29, $0x3;
	[sflag:s23] =	ssyncadd.s32 $0xFFFFC000  }
.LBB2_2:
0x49: {  	[spmem:s2] =	stream.indirect.scatter.add.f32 [tilespmem:s22], [sflag:$0x3], $0x80, s20, s18, $0xb8;
	[tilespmem:$0x1C200] =	vst v63  }
0x4a: {  	s29 =	smov.u32 s28  }
0x4b: {  	p0 =	sne.s32 s28, $0x2700;
	s28 =	sadd.s32 $0x100, s28;
	_ =	swait.ge [sflag:s17], $0x4000  }
0x4c: {  	[sflag:s17] =	ssyncset.done $0x0  }
0x4d: {  	s31 =	sadd.s32 s6, s30;
	[sflag:s17] =	ssyncadd.s32 $0xFFFFC000  }
0x4e: {  	[tilespmem:s4], [sflag:$0x3] =	stream.linear.gather [hbm4b:s31+s4], $0x80, $0x38;
	[tilespmem:$0x1C200] =	vst v63  }
0x4f: {  	_ =	swait.ge [sflag:s17], $0x80  }
0x50: {  	[sflag:s17] =	ssyncset.done $0x0  }
0x51: {  	s31 =	sadd.s32 s1, s30;
	[sflag:s17] =	ssyncadd.s32 $0xFFFFFF80  }
0x52: {  	[tilespmem:s18], [sflag:$0x3] =	stream.linear.gather [hbm4b:s31+s4], $0x80, $0x38;
	[tilespmem:$0x1C200] =	vst v63  }
0x53: {  	_ =	swait.ge [sflag:s17], $0x80  }
0x54: {  	[sflag:s17] =	ssyncset.done $0x0  }
0x55: {  	s30 =	sor.u32 $0x10, s30;
	[sflag:s17] =	ssyncadd.s32 $0xFFFFFF80  }
0x56: {  	[tilespmem:s16], [sflag:$0x1] =	stream.indirect.gather [hbm4b:s5+s18], $0x80, s4, s18, $0xb8;
	[tilespmem:$0x1C200] =	vst v63  }
0x57: {  	s31 =	sadd.s32 s6, s30  }
0x58: {  	[tilespmem:s19], [sflag:$0x3] =	stream.linear.gather [hbm4b:s31+s4], $0x80, $0x38;
	[tilespmem:$0x1C200] =	vst v63  }
0x59: {  	_ =	swait.ge [sflag:s17], $0x80  }
0x5a: {  	[sflag:s17] =	ssyncset.done $0x0  }
0x5b: {  	s30 =	sadd.s32 s1, s30;
	[sflag:s17] =	ssyncadd.s32 $0xFFFFFF80  }
0x5c: {  	[tilespmem:s20], [sflag:$0x3] =	stream.linear.gather [hbm4b:s30+s4], $0x80, $0x38;
	[tilespmem:$0x1C200] =	vst v63  }
0x5d: {  	_ =	swait.ge [sflag:s17], $0x80  }
0x5e: {  	[sflag:s17] =	ssyncset.done $0x0  }
0x5f: {  	[sflag:s17] =	ssyncadd.s32 $0xFFFFFF80  }
0x60: {  	_ =	swait.ge [sflag:s21], $0x4000  }
0x61: {  	[sflag:s21] =	ssyncset.done $0x0  }
0x62: {  	[sflag:s21] =	ssyncadd.s32 $0xFFFFC000  }
0x63: {  	[tilespmem:s22], [sflag:$0x2] =	stream.indirect.gather [hbm4b:s5+s18], $0x80, s19, s18, $0xb8;
	[tilespmem:$0x1C200] =	vst v63  }
0x64: {  	_ = 	snop  }
0x65: {  	[spmem:s2] =	stream.indirect.scatter.add.f32 [tilespmem:s16], [sflag:$0x3], $0x80, s18, s18, $0xb8;
	[tilespmem:$0x1C200] =	vst v63  }
0x66: {  	_ =	swait.ge [sflag:s17], $0x4000  }
.Ltmp0:
0x67: {  	[sflag:s17] =	ssyncset.done $0x0;
	(pc) =	sbr.rel @p0 .LBB2_2-.Ltmp0, $4  }
0x68: {  	s30 =	sand.u32 $0x3C00, s29;
	[sflag:s17] =	ssyncadd.s32 $0xFFFFC000  }
0x69: {  	s29 =	sand.u32 $0x300, s29;
	s30 =	sadd.s32 s13, s30;
	_ =	swait.ge [sflag:s23], $0x4000  }
0x6a: {  	s29 =	sor.u32 s29, s30;
	[sflag:s23] =	ssyncset.done $0x0  }
0x6b: {  	s30 =	sshrl.u32 s29, $0x3;
	[sflag:s23] =	ssyncadd.s32 $0xFFFFC000  }
0x6c: {  	[spmem:s2] =	stream.indirect.scatter.add.f32 [tilespmem:s22], [sflag:$0x3], $0x80, s20, s18, $0xb8;
	[tilespmem:$0x1C200] =	vst v63  }
0x6d: {  	_ =	swait.ge [sflag:s17], $0x4000  }
0x6e: {  	[sflag:s17] =	ssyncset.done $0x0  }
0x6f: {  	s28 =	sadd.s32 s6, s30;
	[sflag:s17] =	ssyncadd.s32 $0xFFFFC000  }
0x70: {  	[tilespmem:s4], [sflag:$0x3] =	stream.linear.gather [hbm4b:s28+s4], $0x80, $0x38;
	[tilespmem:$0x1C200] =	vst v63  }
0x71: {  	_ =	swait.ge [sflag:s17], $0x80  }
0x72: {  	[sflag:s17] =	ssyncset.done $0x0  }
0x73: {  	s29 =	sadd.s32 s1, s30;
	[sflag:s17] =	ssyncadd.s32 $0xFFFFFF80  }
0x74: {  	[tilespmem:s18], [sflag:$0x3] =	stream.linear.gather [hbm4b:s29+s4], $0x80, $0x38;
	[tilespmem:$0x1C200] =	vst v63  }
0x75: {  	_ =	swait.ge [sflag:s17], $0x80  }
0x76: {  	[sflag:s17] =	ssyncset.done $0x0  }
0x77: {  	s31 =	sor.u32 $0x10, s30;
	[sflag:s17] =	ssyncadd.s32 $0xFFFFFF80  }
0x78: {  	[tilespmem:s16], [sflag:$0x1] =	stream.indirect.gather [hbm4b:s5+s18], $0x80, s4, s18, $0xb8;
	[tilespmem:$0x1C200] =	vst v63  }
0x79: {  	s29 =	sadd.s32 s6, s31  }
0x7a: {  	[tilespmem:s19], [sflag:$0x3] =	stream.linear.gather [hbm4b:s29+s4], $0x80, $0x38;
	[tilespmem:$0x1C200] =	vst v63  }
0x7b: {  	_ =	swait.ge [sflag:s17], $0x80  }
0x7c: {  	[sflag:s17] =	ssyncset.done $0x0  }
0x7d: {  	s28 =	sadd.s32 s1, s31;
	[sflag:s17] =	ssyncadd.s32 $0xFFFFFF80  }
0x7e: {  	[tilespmem:s20], [sflag:$0x3] =	stream.linear.gather [hbm4b:s28+s4], $0x80, $0x38;
	[tilespmem:$0x1C200] =	vst v63  }
0x7f: {  	_ =	swait.ge [sflag:s17], $0x80  }
0x80: {  	[sflag:s17] =	ssyncset.done $0x0  }
0x81: {  	[sflag:s17] =	ssyncadd.s32 $0xFFFFFF80  }
0x82: {  	_ =	swait.ge [sflag:s21], $0x4000  }
0x83: {  	[sflag:s21] =	ssyncset.done $0x0  }
0x84: {  	[sflag:s21] =	ssyncadd.s32 $0xFFFFC000  }
0x85: {  	[tilespmem:s22], [sflag:$0x2] =	stream.indirect.gather [hbm4b:s5+s18], $0x80, s19, s18, $0xb8;
	[tilespmem:$0x1C200] =	vst v63  }
0x86: {  	_ = 	snop  }
0x87: {  	[spmem:s2] =	stream.indirect.scatter.add.f32 [tilespmem:s16], [sflag:$0x3], $0x80, s18, s18, $0xb8;
	[tilespmem:$0x1C200] =	vst v63  }
0x88: {  	_ =	swait.ge [sflag:s17], $0x4000  }
0x89: {  	[sflag:s17] =	ssyncset.done $0x0  }
0x8a: {  	[sflag:s17] =	ssyncadd.s32 $0xFFFFC000  }
0x8b: {  	_ =	swait.ge [sflag:s23], $0x4000  }
0x8c: {  	[sflag:s23] =	ssyncset.done $0x0  }
0x8d: {  	[sflag:s23] =	ssyncadd.s32 $0xFFFFC000  }
0x8e: {  	[spmem:s2] =	stream.indirect.scatter.add.f32 [tilespmem:s22], [sflag:$0x3], $0x80, s20, s18, $0xb8;
	[tilespmem:$0x1C200] =	vst v63  }
0x8f: {  	_ =	swait.ge [sflag:s17], $0x4000  }
0x90: {  	s26 =	sadd.s32 $0x1, s26;
	[sflag:s17] =	ssyncset.done $0x0  }
0x91: {  	p0 =	sne.s32 s26, s15;
	[sflag:s17] =	ssyncadd.s32 $0xFFFFC000  }
.Ltmp1:
0x92: {  	[bflag:$0x0] =	sbarrier.arrive $0xFFFF;
	(pc) =	sbr.rel @p0 .LBB2_1-.Ltmp1, $4  }
0x93: {  	[hbm:s14], [sflag:s24] =	dma.local [spmem:s25], $0x2800  }
0x94: {  	_ =	swait.ge [sflag:s17], $0x2800  }
0x95: {  	[sflag:s17] =	ssyncset.done $0x0  }
0x96: {  	[sflag:s17] =	ssyncadd.s32 $0xFFFFD800  }
0x97: {  	_ =	sfence.sel $0x180000  }
0x98: {  	[bflag:$0x0] =	sbarrier.arrive $0xFFFF  }
0x99: {  	p0 =	sne.s32 s3, $0x0;
	_ =	strace $0x90000059  }
0x9a: {  	s0 =	sadd.s32 @!p0 $0x100000, s0;
	[bflag:$0x2] =	sbarrier.arrive $0xFFFF  }
0x9b: {  	[sflag:s0] =	ssyncadd.tile.s32 @!p0 $0x1;
	_ =	shalt  }
.Lfunc_end2:
_tile_overlayer_lowered:
.L_overlay_start_2:
0x9c: {  	(tag) =	ssettag $0x2  }
0x9d: {  	s0 =	rddreg [dreg:$0x0];
	s2 =	stileid.u32  }
0x9e: {  	s1 =	rddreg [dreg:$0x1];
	p0 =	sne.s32 s2, $0x0  }
0x9f: {  	s3 =	rddreg [dreg:$0x2];
	[bflag:$0x3] =	sbarrier.arrive $0xFFFF;
	s2 =	simm.s32 @!p0 $0x1C03  }
0xa0: {  	[timem:s3], [sflag:s2] =	dma.local @!p0 [hbm:s0], s1  }
0xa1: {  	s0 =	simm.s32 @!p0 $0x3  }
0xa2: {  	_ =	swait.ge @!p0 [sflag:s0], s1  }
0xa3: {  	s1 =	ssub.s32 @!p0 $0x0, s1;
	[sflag:s0] =	ssyncset.done @!p0 $0x0  }
0xa4: {  	[sflag:s0] =	ssyncadd.s32 @!p0 s1  }
0xa5: {  	[bflag:$0x3] =	sbarrier.arrive $0xFFFF  }
0xa6: {  	_ =	shalt  }

</sc_bundles>
